<compile_context>
chip_gen: v7x
topology: tpu7x:2x2x1
jax: 0.10.2.dev20260603
libtpu: 0.0.44.dev20260713+nightly
codegen_flags: <defaults>
</compile_context>

<pallas_src>
import jax
import jax.numpy as jnp
from jax import lax
from jax.experimental import pallas as pl
from jax.experimental.pallas import tpu as pltpu
from jax.experimental.pallas import tpu_sc as plsc

F32 = jnp.float32
HID = 128
NB = 64
NC, NS = 2, 16
NW = NC * NS
R = 2000



def _sc_agg(h, src3, dst3, zeros_hbm, N, K, CH, D=0):
    assert CH % 2 == 1, "double-buffered loop needs an odd chunk count"
    r0 = (N // NS) // 8 * 8
    r_last = N - r0 * (NS - 1)
    mesh = plsc.VectorSubcoreMesh(core_axis_name="c", subcore_axis_name="s")

    def body(h_hbm, src_hbm, dst_hbm, z_hbm, out_hbm,
             s_idx, d_idx, r_a, r_b, agg_sh, sg_a, sg_b):
        c = lax.axis_index("c")
        s = lax.axis_index("s")
        wid = c * NS + s

        @pl.when(s < NS - 1)
        def _():
            pltpu.sync_copy(z_hbm.at[pl.ds(s * r0, r0)],
                            agg_sh.at[pl.ds(s * r0, r0)])

        @pl.when(s == NS - 1)
        def _():
            pltpu.sync_copy(z_hbm.at[pl.ds((NS - 1) * r0, r_last)],
                            agg_sh.at[pl.ds((NS - 1) * r0, r_last)])

        pltpu.sync_copy(src_hbm.at[pl.ds(wid * CH * K, CH * K)], s_idx)
        pltpu.sync_copy(dst_hbm.at[wid], d_idx)
        plsc.subcore_barrier()

        pltpu.async_copy(h_hbm.at[s_idx.at[pl.ds(0, K)]], r_a, sg_a)

        def pair(q, carry):
            p1 = 2 * q + 1
            pltpu.async_copy(h_hbm.at[s_idx.at[pl.ds(p1 * K, K)]], r_b, sg_b)
            pltpu.make_async_copy(h_hbm.at[s_idx.at[pl.ds(0, K)]],
                                  r_a, sg_a).wait()
            pltpu.sync_copy(r_a, agg_sh.at[d_idx.at[p1 - 1]], add=True)
            pltpu.async_copy(h_hbm.at[s_idx.at[pl.ds((p1 + 1) * K, K)]],
                             r_a, sg_a)
            pltpu.make_async_copy(h_hbm.at[s_idx.at[pl.ds(0, K)]],
                                  r_b, sg_b).wait()
            pltpu.sync_copy(r_b, agg_sh.at[d_idx.at[p1]], add=True)
            return carry
        lax.fori_loop(0, (CH - 1) // 2, pair, 0)
        pltpu.make_async_copy(h_hbm.at[s_idx.at[pl.ds(0, K)]],
                              r_a, sg_a).wait()
        pltpu.sync_copy(r_a, agg_sh.at[d_idx.at[CH - 1]], add=True)
        plsc.subcore_barrier()

        @pl.when(s < NS - 1)
        def _():
            pltpu.sync_copy(agg_sh.at[pl.ds(s * r0, r0)],
                            out_hbm.at[pl.ds(c * N + s * r0, r0)])

        @pl.when(s == NS - 1)
        def _():
            pltpu.sync_copy(agg_sh.at[pl.ds((NS - 1) * r0, r_last)],
                            out_hbm.at[pl.ds(c * N + (NS - 1) * r0, r_last)])

    fn = pl.kernel(
        body,
        out_type=jax.ShapeDtypeStruct((2 * N, HID), F32),
        mesh=mesh,
        scratch_types=[
            pltpu.VMEM((CH * K,), jnp.int32),
            pltpu.VMEM((CH, K), jnp.int32),
            pltpu.VMEM((K, HID), F32),
            pltpu.VMEM((K, HID), F32),
            pltpu.VMEM_SHARED((N + D, HID), F32),
            pltpu.SemaphoreType.DMA,
            pltpu.SemaphoreType.DMA,
        ],
    )
    return fn(h, src3, dst3, zeros_hbm)


def _sc_gather(mt, st, mi, si, P):
    per = P // NW
    ch = per // 64
    mesh = plsc.VectorSubcoreMesh(core_axis_name="c", subcore_axis_name="s")

    chunks = []
    o = 0
    while o < per:
        chunks.append((o, min(128, per - o)))
        o += 128

    def body(mt_hbm, st_hbm, mi_hbm, si_hbm, out_hbm,
             idx_m, idx_s, rows_m, rows_s, sem):
        c = lax.axis_index("c")
        s = lax.axis_index("s")
        base = (c * NS + s) * per
        pltpu.sync_copy(mi_hbm.at[pl.ds(base, per)], idx_m)
        pltpu.sync_copy(si_hbm.at[pl.ds(base, per)], idx_s)
        for o, l in chunks:
            pltpu.async_copy(mt_hbm.at[idx_m.at[pl.ds(o, l)]],
                             rows_m.at[pl.ds(o, l)], sem)
            pltpu.async_copy(st_hbm.at[idx_s.at[pl.ds(o, l)]],
                             rows_s.at[pl.ds(o, l)], sem)
        for o, l in chunks:
            pltpu.make_async_copy(mt_hbm.at[idx_m.at[pl.ds(o, l)]],
                                  rows_m.at[pl.ds(o, l)], sem).wait()
            pltpu.make_async_copy(st_hbm.at[idx_s.at[pl.ds(o, l)]],
                                  rows_s.at[pl.ds(o, l)], sem).wait()
        pltpu.sync_copy(rows_m, out_hbm.at[pl.ds(base, per)])
        pltpu.sync_copy(rows_s, out_hbm.at[pl.ds(P + base, per)])

    fn = pl.kernel(
        body,
        out_type=jax.ShapeDtypeStruct((2 * P, HID), F32),
        mesh=mesh,
        scratch_types=[
            pltpu.VMEM((per,), jnp.int32),
            pltpu.VMEM((per,), jnp.int32),
            pltpu.VMEM((per, HID), F32),
            pltpu.VMEM((per, HID), F32),
            pltpu.SemaphoreType.DMA,
        ],
    )
    return fn(mt, st, mi, si)



def _tc_inproj(x, w, b, N, F):
    def body(x_ref, w_ref, b_ref, o_ref):
        o_ref[...] = jnp.maximum(
            jnp.dot(x_ref[...], w_ref[...], preferred_element_type=F32)
            + b_ref[...], 0.0)
    return pl.pallas_call(
        body, grid=(N // R,),
        in_specs=[pl.BlockSpec((R, F), lambda i: (i, 0)),
                  pl.BlockSpec((F, HID), lambda i: (0, 0)),
                  pl.BlockSpec((1, HID), lambda i: (0, 0))],
        out_specs=pl.BlockSpec((R, HID), lambda i: (i, 0)),
        out_shape=jax.ShapeDtypeStruct((N, HID), F32),
    )(x, w, b)


def _acc_stats(st_ref, y, i):
    @pl.when(i == 0)
    def _():
        st_ref[...] = jnp.zeros_like(st_ref)
    st_ref[0:1, :] += jnp.sum(y, axis=0, keepdims=True)
    st_ref[1:2, :] += jnp.sum(y * y, axis=0, keepdims=True)


def _tc_layer_a(h, agg2, epsb, w, b, N):
    g = N // R

    def body(h_ref, a0_ref, a1_ref, e_ref, w_ref, b_ref, y_ref, st_ref):
        i = pl.program_id(0)
        z = h_ref[...] * e_ref[...] + a0_ref[...] + a1_ref[...]
        y = jnp.dot(z, w_ref[...], preferred_element_type=F32) + b_ref[...]
        y_ref[...] = y
        _acc_stats(st_ref, y, i)

    return pl.pallas_call(
        body, grid=(g,),
        in_specs=[pl.BlockSpec((R, HID), lambda i: (i, 0)),
                  pl.BlockSpec((R, HID), lambda i: (i, 0)),
                  pl.BlockSpec((R, HID), lambda i, g=g: (i + g, 0)),
                  pl.BlockSpec((1, HID), lambda i: (0, 0)),
                  pl.BlockSpec((HID, HID), lambda i: (0, 0)),
                  pl.BlockSpec((1, HID), lambda i: (0, 0))],
        out_specs=[pl.BlockSpec((R, HID), lambda i: (i, 0)),
                   pl.BlockSpec((2, HID), lambda i: (0, 0))],
        out_shape=[jax.ShapeDtypeStruct((N, HID), F32),
                   jax.ShapeDtypeStruct((2, HID), F32)],
    )(h, agg2, agg2, epsb, w, b)


def _bn_scale_shift(s_ref, g_ref, bb_ref, inv_n):
    mean = s_ref[0:1, :] * inv_n
    var = s_ref[1:2, :] * inv_n - mean * mean
    sc = g_ref[...] * lax.rsqrt(var + 1e-5)
    sh = bb_ref[...] - mean * sc
    return sc, sh


def _tc_layer_b(y1, st1, g1, bb1, w, b, N):
    inv_n = 1.0 / N

    def body(y1_ref, s_ref, g_ref, bb_ref, w_ref, b_ref, y_ref, st_ref):
        i = pl.program_id(0)
        sc, sh = _bn_scale_shift(s_ref, g_ref, bb_ref, inv_n)
        t = jnp.maximum(y1_ref[...] * sc + sh, 0.0)
        y = jnp.dot(t, w_ref[...], preferred_element_type=F32) + b_ref[...]
        y_ref[...] = y
        _acc_stats(st_ref, y, i)

    return pl.pallas_call(
        body, grid=(N // R,),
        in_specs=[pl.BlockSpec((R, HID), lambda i: (i, 0)),
                  pl.BlockSpec((2, HID), lambda i: (0, 0)),
                  pl.BlockSpec((1, HID), lambda i: (0, 0)),
                  pl.BlockSpec((1, HID), lambda i: (0, 0)),
                  pl.BlockSpec((HID, HID), lambda i: (0, 0)),
                  pl.BlockSpec((1, HID), lambda i: (0, 0))],
        out_specs=[pl.BlockSpec((R, HID), lambda i: (i, 0)),
                   pl.BlockSpec((2, HID), lambda i: (0, 0))],
        out_shape=[jax.ShapeDtypeStruct((N, HID), F32),
                   jax.ShapeDtypeStruct((2, HID), F32)],
    )(y1, st1, g1, bb1, w, b)


def _tc_bnrelu(y2, st2, g2, bb2, N):
    inv_n = 1.0 / N

    def body(y_ref, s_ref, g_ref, bb_ref, h_ref):
        sc, sh = _bn_scale_shift(s_ref, g_ref, bb_ref, inv_n)
        h_ref[...] = jnp.maximum(y_ref[...] * sc + sh, 0.0)

    return pl.pallas_call(
        body, grid=(N // R,),
        in_specs=[pl.BlockSpec((R, HID), lambda i: (i, 0)),
                  pl.BlockSpec((2, HID), lambda i: (0, 0)),
                  pl.BlockSpec((1, HID), lambda i: (0, 0)),
                  pl.BlockSpec((1, HID), lambda i: (0, 0))],
        out_specs=pl.BlockSpec((R, HID), lambda i: (i, 0)),
        out_shape=jax.ShapeDtypeStruct((N, HID), F32),
    )(y2, st2, g2, bb2)


def _tc_bnrelu_fragpool(y2, st2, g2, bb2, wf, bf, batch_col, N):
    inv_n = 1.0 / N
    dn = (((0,), (0,)), ((), ()))

    def body(y_ref, s_ref, g_ref, bb_ref, wf_ref, bf_ref, bc_ref,
             h_ref, f_ref, ph_ref, pf_ref, cnt_ref):
        i = pl.program_id(0)
        sc, sh = _bn_scale_shift(s_ref, g_ref, bb_ref, inv_n)
        h = jnp.maximum(y_ref[...] * sc + sh, 0.0)
        h_ref[...] = h
        yf = jnp.dot(h, wf_ref[...], preferred_element_type=F32) + bf_ref[...]
        nrm = jnp.sqrt(jnp.sum(yf * yf, axis=1, keepdims=True))
        f = yf / jnp.maximum(nrm, 1e-12)
        f_ref[...] = f
        oh = (bc_ref[...] ==
              lax.broadcasted_iota(jnp.int32, (R, NB), 1).astype(F32)
              ).astype(F32)

        @pl.when(i == 0)
        def _():
            ph_ref[...] = jnp.zeros_like(ph_ref)
            pf_ref[...] = jnp.zeros_like(pf_ref)
            cnt_ref[...] = jnp.zeros_like(cnt_ref)
        ph_ref[...] += lax.dot_general(oh, h, dn, preferred_element_type=F32)
        pf_ref[...] += lax.dot_general(oh, f, dn, preferred_element_type=F32)
        cnt_ref[...] += lax.dot_general(oh, jnp.ones((R, HID), F32), dn,
                                        preferred_element_type=F32)

    return pl.pallas_call(
        body, grid=(N // R,),
        in_specs=[pl.BlockSpec((R, HID), lambda i: (i, 0)),
                  pl.BlockSpec((2, HID), lambda i: (0, 0)),
                  pl.BlockSpec((1, HID), lambda i: (0, 0)),
                  pl.BlockSpec((1, HID), lambda i: (0, 0)),
                  pl.BlockSpec((HID, HID), lambda i: (0, 0)),
                  pl.BlockSpec((1, HID), lambda i: (0, 0)),
                  pl.BlockSpec((R, 1), lambda i: (i, 0))],
        out_specs=[pl.BlockSpec((R, HID), lambda i: (i, 0)),
                   pl.BlockSpec((R, HID), lambda i: (i, 0)),
                   pl.BlockSpec((NB, HID), lambda i: (0, 0)),
                   pl.BlockSpec((NB, HID), lambda i: (0, 0)),
                   pl.BlockSpec((NB, HID), lambda i: (0, 0))],
        out_shape=[jax.ShapeDtypeStruct((N, HID), F32),
                   jax.ShapeDtypeStruct((N, HID), F32),
                   jax.ShapeDtypeStruct((NB, HID), F32),
                   jax.ShapeDtypeStruct((NB, HID), F32),
                   jax.ShapeDtypeStruct((NB, HID), F32)],
    )(y2, st2, g2, bb2, wf, bf, batch_col)


def _tc_l2(x, M, RB):
    def body(x_ref, o_ref):
        v = x_ref[...]
        nrm = jnp.sqrt(jnp.sum(v * v, axis=1, keepdims=True))
        o_ref[...] = v / jnp.maximum(nrm, 1e-12)
    return pl.pallas_call(
        body, grid=(M // RB,),
        in_specs=[pl.BlockSpec((RB, HID), lambda i: (i, 0))],
        out_specs=pl.BlockSpec((RB, HID), lambda i: (i, 0)),
        out_shape=jax.ShapeDtypeStruct((M, HID), F32),
    )(x)


def _tc_tail(ph_g, pf_g, cnt_g, ph_s, pf_s, cnt_s,
             wmg, bmg, wms, bms, h0w, h0b, h1w, h1b, h2w, h2b):
    def l2(v):
        nrm = jnp.sqrt(jnp.sum(v * v, axis=1, keepdims=True))
        return v / jnp.maximum(nrm, 1e-12)

    def body(phg_ref, pfg_ref, cg_ref, phs_ref, pfs_ref, cs_ref,
             wmg_ref, bmg_ref, wms_ref, bms_ref,
             h0w_ref, h0b_ref, h1w_ref, h1b_ref, h2w_ref, h2b_ref,
             gm_ref, sm_ref, pp_ref):
        cg = jnp.maximum(cg_ref[...], 1.0)
        cs = jnp.maximum(cs_ref[...], 1.0)
        hg = phg_ref[...] / cg
        gm = l2(jnp.dot(hg, wmg_ref[...], preferred_element_type=F32)
                + bmg_ref[...])
        gm_ref[...] = gm
        gfm = pfg_ref[...] / cg
        hs = phs_ref[...] / cs
        sm = l2(jnp.dot(hs, wms_ref[...], preferred_element_type=F32)
                + bms_ref[...])
        sm_ref[...] = sm
        ssm = pfs_ref[...] / cs
        h1 = jnp.maximum(
            jnp.dot(gm, h0w_ref[0:128, :], preferred_element_type=F32)
            + jnp.dot(gfm, h0w_ref[128:256, :], preferred_element_type=F32)
            + jnp.dot(sm, h0w_ref[256:384, :], preferred_element_type=F32)
            + jnp.dot(ssm, h0w_ref[384:512, :], preferred_element_type=F32)
            + h0b_ref[...], 0.0)
        h2 = jnp.maximum(
            jnp.dot(h1, h1w_ref[...], preferred_element_type=F32)
            + h1b_ref[...], 0.0)
        pp_ref[...] = (jnp.dot(h2, h2w_ref[...], preferred_element_type=F32)
                       + h2b_ref[...])

    return pl.pallas_call(
        body,
        out_shape=[jax.ShapeDtypeStruct((NB, HID), F32),
                   jax.ShapeDtypeStruct((NB, HID), F32),
                   jax.ShapeDtypeStruct((NB, HID), F32)],
    )(ph_g, pf_g, cnt_g, ph_s, pf_s, cnt_s,
      wmg, bmg, wms, bms, h0w, h0b, h1w, h1b, h2w, h2b)



def _row(v):
    return v.reshape(1, -1)


def _dense_layer(h, agg2, lp, p, batch_col, N, last):
    epsb = jnp.broadcast_to(1.0 + lp['eps'], (1, HID)).astype(F32)
    y1, st1 = _tc_layer_a(h, agg2, epsb, lp['l1']['w'],
                          _row(lp['l1']['b']), N)
    y2, st2 = _tc_layer_b(y1, st1, _row(lp['bn1_g']), _row(lp['bn1_b']),
                          lp['l2']['w'], _row(lp['l2']['b']), N)
    if not last:
        return _tc_bnrelu(y2, st2, _row(lp['bn2_g']), _row(lp['bn2_b']), N)
    return _tc_bnrelu_fragpool(
        y2, st2, _row(lp['bn2_g']), _row(lp['bn2_b']),
        p['frag']['w'], _row(p['frag']['b']), batch_col, N)


def kernel(x_g, edge_index_g, edge_attr_g, x_sc, edge_index_sc, edge_attr_sc,
           motif_indices, shape_indices, batch_g, batch_sc, params):
    ng, nsc = x_g.shape[0], x_sc.shape[0]
    eg, esc = edge_index_g.shape[1], edge_index_sc.shape[1]
    kg, ksc = 96, 128

    def edge3(ei, n, k, d):
        per = ei.shape[1] // NW
        ch = -(-per // k)
        if ch % 2 == 0:
            ch += 1
        pad = ch * k - per
        assert pad == 0 or 0 < pad <= d
        src = ei[0].reshape(NW, per)
        dst = ei[1].reshape(NW, per)
        if pad:
            sv = jnp.arange(pad, dtype=ei.dtype)
            src = jnp.concatenate(
                [src, jnp.broadcast_to(sv, (NW, pad))], axis=1)
            dv = n + jnp.arange(pad, dtype=ei.dtype)
            dst = jnp.concatenate(
                [dst, jnp.broadcast_to(dv, (NW, pad))], axis=1)
        return src.reshape(NW * ch * k), dst.reshape(NW, ch, k), ch

    dg, dsc = 128, 256
    zeros_nodes = jnp.zeros((ng, HID), F32)
    src3_g, dst3_g, chg = edge3(edge_index_g, ng, kg, dg)
    src3_s, dst3_s, chsc = edge3(edge_index_sc, nsc, ksc, dsc)
    bcol_g = batch_g.astype(F32).reshape(ng, 1)
    bcol_s = batch_sc.astype(F32).reshape(nsc, 1)

    fsc = x_sc.shape[1]
    fsc_pad = ((fsc + 7) // 8) * 8
    x_sc_p = jnp.pad(x_sc, ((0, 0), (0, fsc_pad - fsc)))

    pg, ps = params['enc_g'], params['enc_sc']
    w_in_s = jnp.pad(ps['in']['w'], ((0, fsc_pad - fsc), (0, 0)))
    h_g = _tc_inproj(x_g, pg['in']['w'], _row(pg['in']['b']),
                     ng, x_g.shape[1])
    h_s = _tc_inproj(x_sc_p, w_in_s, _row(ps['in']['b']), nsc, fsc_pad)

    pad_to = ((nsc + 64 * NW - 1) // (64 * NW)) * (64 * NW)
    mi = jnp.pad(motif_indices, (0, pad_to - nsc)).astype(jnp.int32)
    si = jnp.pad(shape_indices, (0, pad_to - nsc)).astype(jnp.int32)
    gathered = _sc_gather(params['motif_tab'], params['shape_tab'],
                          mi, si, pad_to)

    out_g = out_s = None
    for li in range(len(pg['layers'])):
        last = li == len(pg['layers']) - 1
        agg_g = _sc_agg(h_g, src3_g, dst3_g, zeros_nodes, ng, kg, chg, dg)
        agg_s = _sc_agg(h_s, src3_s, dst3_s, zeros_nodes, nsc, ksc, chsc,
                        dsc)
        rg = _dense_layer(h_g, agg_g, pg['layers'][li], pg, bcol_g, ng, last)
        rs = _dense_layer(h_s, agg_s, ps['layers'][li], ps, bcol_s, nsc,
                          last)
        if last:
            out_g, out_s = rg, rs
        else:
            h_g, h_s = rg, rs
    _, emb_g_frag, ph_g, pf_g, cnt_g = out_g
    _, emb_sc_shape, ph_s, pf_s, cnt_s = out_s

    emb_all = _tc_l2(gathered, 2 * pad_to, 2048)
    emb_motif = emb_all[:nsc]
    emb_shape = emb_all[pad_to:pad_to + nsc]

    h2w = jnp.pad(params['head'][2]['w'],
                  ((0, 0), (0, HID - params['head'][2]['w'].shape[1])))
    h2b = jnp.pad(params['head'][2]['b'],
                  (0, HID - params['head'][2]['b'].shape[0]))
    emb_g_mole, emb_sc_mole, prop_pad = _tc_tail(
        ph_g, pf_g, cnt_g, ph_s, pf_s, cnt_s,
        params['enc_g']['mole']['w'], _row(params['enc_g']['mole']['b']),
        params['enc_sc']['mole']['w'], _row(params['enc_sc']['mole']['b']),
        params['head'][0]['w'], _row(params['head'][0]['b']),
        params['head'][1]['w'], _row(params['head'][1]['b']),
        h2w, _row(h2b))
    prop = prop_pad[:, :params['head'][2]['w'].shape[1]]

    return (emb_g_mole, emb_g_frag, emb_sc_mole, emb_sc_shape,
            emb_motif, emb_shape, prop)

# --- scband reference (transcript-rebuilt; emitter-appended) ---
"""Pipeline reference for scband-hesmodel-86225763435428 (READ-ONLY COPY).

The authoritative reference and input builder live on the scoring server;
editing this copy changes nothing except your own understanding.
"""

import jax, jax.numpy as jnp
import numpy as np

HID = 128; EMB = 128; L = 3; B = 64
NG = 10000; EG = 320000; NSC = 10000; ESC = 160000
AF = 128; SF = 129
NMOTIF = 7370; NSHAPE = 346; NPROP = 8


def _lin(key, i, o):
    return {'w': jax.random.normal(key, (i, o), jnp.float32) * 0.02,
            'b': jnp.zeros((o,), jnp.float32)}


def _enc_params(key, in_dim):
    keys = jax.random.split(key, 3 + 2 * L)
    p = {'in': _lin(keys[0], in_dim, HID),
         'frag': _lin(keys[1], HID, EMB),
         'mole': _lin(keys[2], HID, EMB),
         'layers': []}
    for i in range(L):
        p['layers'].append({
            'l1': _lin(keys[3 + 2 * i], HID, HID),
            'l2': _lin(keys[4 + 2 * i], HID, HID),
            'bn1_g': jnp.ones((HID,), jnp.float32), 'bn1_b': jnp.zeros((HID,), jnp.float32),
            'bn2_g': jnp.ones((HID,), jnp.float32), 'bn2_b': jnp.zeros((HID,), jnp.float32),
            'eps': jnp.zeros((), jnp.float32)})
    return p


def _bn(x, g, b):
    m = jnp.mean(x, axis=0)
    v = jnp.var(x, axis=0)
    return (x - m) / jnp.sqrt(v + 1e-5) * g + b


def _l2norm(x):
    n = jnp.sqrt(jnp.sum(x * x, axis=1, keepdims=True))
    return x / jnp.maximum(n, 1e-12)


def _mean_pool(h, batch):
    s = jax.ops.segment_sum(h, batch, num_segments=B)
    c = jax.ops.segment_sum(jnp.ones((h.shape[0], 1), h.dtype), batch, num_segments=B)
    return s / jnp.maximum(c, 1.0)


def _encoder(x, edge_index, batch, p):
    src = edge_index[0]
    dst = edge_index[1]
    h = jax.nn.relu(x @ p['in']['w'] + p['in']['b'])
    for lp in p['layers']:
        agg = jnp.zeros_like(h).at[dst].add(h[src])
        z = (1.0 + lp['eps']) * h + agg
        z = z @ lp['l1']['w'] + lp['l1']['b']
        z = _bn(z, lp['bn1_g'], lp['bn1_b'])
        z = jax.nn.relu(z)
        z = z @ lp['l2']['w'] + lp['l2']['b']
        z = _bn(z, lp['bn2_g'], lp['bn2_b'])
        h = jax.nn.relu(z)
    emb_frag = _l2norm(h @ p['frag']['w'] + p['frag']['b'])
    hg = _mean_pool(h, batch)
    emb_mole = _l2norm(hg @ p['mole']['w'] + p['mole']['b'])
    return emb_mole, emb_frag


def _model(x_g, edge_index_g, edge_attr_g, x_sc, edge_index_sc, edge_attr_sc, motif_indices, shape_indices, batch_g, batch_sc, params):
    emb_g_mole, emb_g_frag = _encoder(x_g, edge_index_g, batch_g, params['enc_g'])
    emb_sc_mole, emb_sc_shape = _encoder(x_sc, edge_index_sc, batch_sc, params['enc_sc'])
    emb_motif = _l2norm(jnp.take(params['motif_tab'], motif_indices, axis=0))
    emb_shape = _l2norm(jnp.take(params['shape_tab'], shape_indices, axis=0))
    gfm = _mean_pool(emb_g_frag, batch_g)
    ssm = _mean_pool(emb_sc_shape, batch_sc)
    cat = jnp.concatenate([emb_g_mole, gfm, emb_sc_mole, ssm], axis=1)
    h = jax.nn.relu(cat @ params['head'][0]['w'] + params['head'][0]['b'])
    h = jax.nn.relu(h @ params['head'][1]['w'] + params['head'][1]['b'])
    prop = h @ params['head'][2]['w'] + params['head'][2]['b']
    return emb_g_mole, emb_g_frag, emb_sc_mole, emb_sc_shape, emb_motif, emb_shape, prop


def setup_inputs(seed: int = 0):
    key = jax.random.key(seed)
    ks = jax.random.split(key, 16)
    motif_tab = jax.random.normal(ks[10], (NMOTIF, EMB), jnp.float32) * 0.02
    motif_tab = motif_tab.at[0].set(0.0)
    shape_tab = jax.random.normal(ks[11], (NSHAPE, EMB), jnp.float32) * 0.02
    shape_tab = shape_tab.at[0].set(0.0)
    params = {'enc_g': _enc_params(ks[12], AF),
              'enc_sc': _enc_params(ks[13], SF),
              'motif_tab': motif_tab,
              'shape_tab': shape_tab,
              'head': [_lin(jax.random.fold_in(ks[14], 0), EMB * 4, 512),
                       _lin(jax.random.fold_in(ks[14], 1), 512, 256),
                       _lin(jax.random.fold_in(ks[14], 2), 256, NPROP)]}
    return {'x_g': jax.random.normal(ks[0], (NG, AF), jnp.float32),
            'edge_index_g': jax.random.randint(ks[1], (2, EG), 0, NG),
            'edge_attr_g': jax.random.normal(ks[2], (EG, 4), jnp.float32),
            'x_sc': jax.random.normal(ks[3], (NSC, SF), jnp.float32),
            'edge_index_sc': jax.random.randint(ks[4], (2, ESC), 0, NSC),
            'edge_attr_sc': jax.random.normal(ks[5], (ESC, 4), jnp.float32),
            'motif_indices': jax.random.randint(ks[6], (NSC,), 0, NMOTIF),
            'shape_indices': jax.random.randint(ks[7], (NSC,), 0, NSHAPE),
            'batch_g': jnp.sort(jax.random.randint(ks[8], (NG,), 0, B)),
            'batch_sc': jnp.sort(jax.random.randint(ks[9], (NSC,), 0, B)),
            'params': params}


def reference(x_g, edge_index_g, edge_attr_g, x_sc, edge_index_sc, edge_attr_sc, motif_indices, shape_indices, batch_g, batch_sc, params):
    return _model(x_g, edge_index_g, edge_attr_g, x_sc, edge_index_sc, edge_attr_sc, motif_indices, shape_indices, batch_g, batch_sc, params)

if __name__ == "__main__":
    import jax
    _d = setup_inputs()
    print(jax.jit(kernel)(*tuple(_d.values())))

</pallas_src>

<mosaic_0001>
#map = affine_map<(d0, d1) -> (0, 0)>
#map1 = affine_map<(d0, d1) -> (0)>
#map2 = affine_map<(d0, d1) -> (0, 0, 0)>
module attributes {stable_mosaic.version = 14 : i64} {
  func.func @body(%arg0: i32, %arg1: i32, %arg2: memref<10000x128xf32, #tpu.memory_space<hbm>>, %arg3: memref<167936xi32, #tpu.memory_space<hbm>>, %arg4: memref<32x41x128xi32, #tpu.memory_space<hbm>>, %arg5: memref<10000x128xf32, #tpu.memory_space<hbm>>, %arg6: memref<20000x128xf32, #tpu.memory_space<hbm>>, %arg7: memref<5248xi32, #tpu.memory_space<vmem>>, %arg8: memref<41x128xi32, #tpu.memory_space<vmem>>, %arg9: memref<128x128xf32, #tpu.memory_space<vmem>>, %arg10: memref<128x128xf32, #tpu.memory_space<vmem>>, %arg11: memref<10256x128xf32, #tpu.memory_space<vmem_shared>>, %arg12: memref<!tpu.dma_semaphore, #tpu.memory_space<semaphore_mem>>, %arg13: memref<!tpu.dma_semaphore, #tpu.memory_space<semaphore_mem>>) attributes {dimension_semantics = [#tpu.dimension_semantics<core_parallel>, #tpu.dimension_semantics<subcore_parallel>], iteration_bounds = array<i64: 2, 16>, scalar_prefetch = 0 : i64, scratch_operands = 7 : i64, tpu.core_type = #tpu.core_type<sc_vector_subcore>, window_params = [{transform_indices = #map}, {transform_indices = #map1}, {transform_indices = #map2}, {transform_indices = #map}, {transform_indices = #map}]} {
    %mul3A = arith.constant 16 : i32
    %mul3A_0 = arith.muli %arg0, %mul3A : i32
    %add3A = arith.addi %mul3A_0, %arg1 : i32
    %lt3A = arith.constant 15 : i32
    %lt3A_1 = arith.cmpi slt, %arg1, %lt3A : i32
    %convert_element_type3A = arith.extui %lt3A_1 : i1 to i32
    %cond3A = arith.constant 0 : i32
    %cond3A_2 = arith.cmpi ne, %convert_element_type3A, %cond3A : i32
    scf.if %cond3A_2 {
      %mul3A_35 = arith.constant 624 : i32
      %mul3A_36 = arith.muli %arg1, %mul3A_35 : i32
      %mul3A_37 = arith.constant 624 : i32
      %mul3A_38 = arith.muli %arg1, %mul3A_37 : i32
      "tpu.region"() ({
        %run_scoped3A_39 = tpu.sem_alloc : memref<!tpu.dma_semaphore, #tpu.memory_space<semaphore_mem>>
        %dma_start3A_40 = arith.constant 0 : i32
        %dma_start3A_41 = tpu.memref_slice %arg11[%mul3A_38, %dma_start3A_40] : memref<10256x128xf32, #tpu.memory_space<vmem_shared>> -> memref<624x128xf32, #tpu.memory_space<vmem_shared>>
        %dma_start3A_42 = arith.constant 0 : i32
        %dma_start3A_43 = tpu.memref_slice %arg5[%mul3A_36, %dma_start3A_42] : memref<10000x128xf32, #tpu.memory_space<hbm>> -> memref<624x128xf32, #tpu.memory_space<hbm>>
        tpu.enqueue_dma source(%dma_start3A_43 : memref<624x128xf32, #tpu.memory_space<hbm>>) target(%dma_start3A_41 : memref<624x128xf32, #tpu.memory_space<vmem_shared>>) target_semaphore(%run_scoped3A_39 : memref<!tpu.dma_semaphore, #tpu.memory_space<semaphore_mem>>)
        %dma_wait3A_44 = arith.constant 0 : i32
        %dma_wait3A_45 = tpu.memref_slice %arg11[%mul3A_38, %dma_wait3A_44] : memref<10256x128xf32, #tpu.memory_space<vmem_shared>> -> memref<624x128xf32, #tpu.memory_space<vmem_shared>>
        %dma_wait3A_46 = arith.constant 0 : i32
        %dma_wait3A_47 = tpu.memref_slice %arg5[%mul3A_36, %dma_wait3A_46] : memref<10000x128xf32, #tpu.memory_space<hbm>> -> memref<624x128xf32, #tpu.memory_space<hbm>>
        tpu.wait_dma2 semaphore(%run_scoped3A_39 : memref<!tpu.dma_semaphore, #tpu.memory_space<semaphore_mem>>) src(%dma_wait3A_47 : memref<624x128xf32, #tpu.memory_space<hbm>>) dst(%dma_wait3A_45 : memref<624x128xf32, #tpu.memory_space<vmem_shared>>)
        tpu.yield
      }) : () -> ()
    } else {
    }
    %eq3A = arith.constant 15 : i32
    %eq3A_3 = arith.cmpi eq, %arg1, %eq3A : i32
    %convert_element_type3A_4 = arith.extui %eq3A_3 : i1 to i32
    %cond3A_5 = arith.constant 0 : i32
    %cond3A_6 = arith.cmpi ne, %convert_element_type3A_4, %cond3A_5 : i32
    scf.if %cond3A_6 {
      "tpu.region"() ({
        %run_scoped3A_35 = tpu.sem_alloc : memref<!tpu.dma_semaphore, #tpu.memory_space<semaphore_mem>>
        %dma_start3A_36 = arith.constant 9360 : i32
        %dma_start3A_37 = arith.constant 0 : i32
        %dma_start3A_38 = tpu.memref_slice %arg11[%dma_start3A_36, %dma_start3A_37] : memref<10256x128xf32, #tpu.memory_space<vmem_shared>> -> memref<640x128xf32, #tpu.memory_space<vmem_shared>>
        %dma_start3A_39 = arith.constant 9360 : i32
        %dma_start3A_40 = arith.constant 0 : i32
        %dma_start3A_41 = tpu.memref_slice %arg5[%dma_start3A_39, %dma_start3A_40] : memref<10000x128xf32, #tpu.memory_space<hbm>> -> memref<640x128xf32, #tpu.memory_space<hbm>>
        tpu.enqueue_dma source(%dma_start3A_41 : memref<640x128xf32, #tpu.memory_space<hbm>>) target(%dma_start3A_38 : memref<640x128xf32, #tpu.memory_space<vmem_shared>>) target_semaphore(%run_scoped3A_35 : memref<!tpu.dma_semaphore, #tpu.memory_space<semaphore_mem>>)
        %dma_wait3A_42 = arith.constant 9360 : i32
        %dma_wait3A_43 = arith.constant 0 : i32
        %dma_wait3A_44 = tpu.memref_slice %arg11[%dma_wait3A_42, %dma_wait3A_43] : memref<10256x128xf32, #tpu.memory_space<vmem_shared>> -> memref<640x128xf32, #tpu.memory_space<vmem_shared>>
        %dma_wait3A_45 = arith.constant 9360 : i32
        %dma_wait3A_46 = arith.constant 0 : i32
        %dma_wait3A_47 = tpu.memref_slice %arg5[%dma_wait3A_45, %dma_wait3A_46] : memref<10000x128xf32, #tpu.memory_space<hbm>> -> memref<640x128xf32, #tpu.memory_space<hbm>>
        tpu.wait_dma2 semaphore(%run_scoped3A_35 : memref<!tpu.dma_semaphore, #tpu.memory_space<semaphore_mem>>) src(%dma_wait3A_47 : memref<640x128xf32, #tpu.memory_space<hbm>>) dst(%dma_wait3A_44 : memref<640x128xf32, #tpu.memory_space<vmem_shared>>)
        tpu.yield
      }) : () -> ()
    } else {
    }
    %mul3A_7 = arith.constant 41 : i32
    %mul3A_8 = arith.muli %add3A, %mul3A_7 : i32
    %mul3A_9 = arith.constant 128 : i32
    %mul3A_10 = arith.muli %mul3A_8, %mul3A_9 : i32
    "tpu.region"() ({
      %run_scoped3A_35 = tpu.sem_alloc : memref<!tpu.dma_semaphore, #tpu.memory_space<semaphore_mem>>
      %dma_start3A_36 = tpu.memref_slice %arg3[%mul3A_10] : memref<167936xi32, #tpu.memory_space<hbm>> -> memref<5248xi32, #tpu.memory_space<hbm>>
      %dma_start3A_37 = tpu.memref_slice %arg3[%mul3A_10] : memref<167936xi32, #tpu.memory_space<hbm>> -> memref<5248xi32, #tpu.memory_space<hbm>>
      tpu.enqueue_dma source(%dma_start3A_37 : memref<5248xi32, #tpu.memory_space<hbm>>) target(%arg7 : memref<5248xi32, #tpu.memory_space<vmem>>) target_semaphore(%run_scoped3A_35 : memref<!tpu.dma_semaphore, #tpu.memory_space<semaphore_mem>>)
      %dma_wait3A_38 = tpu.memref_slice %arg3[%mul3A_10] : memref<167936xi32, #tpu.memory_space<hbm>> -> memref<5248xi32, #tpu.memory_space<hbm>>
      %dma_wait3A_39 = tpu.memref_slice %arg3[%mul3A_10] : memref<167936xi32, #tpu.memory_space<hbm>> -> memref<5248xi32, #tpu.memory_space<hbm>>
      tpu.wait_dma2 semaphore(%run_scoped3A_35 : memref<!tpu.dma_semaphore, #tpu.memory_space<semaphore_mem>>) src(%dma_wait3A_39 : memref<5248xi32, #tpu.memory_space<hbm>>) dst(%arg7 : memref<5248xi32, #tpu.memory_space<vmem>>)
      tpu.yield
    }) : () -> ()
    "tpu.region"() ({
      %run_scoped3A_35 = tpu.sem_alloc : memref<!tpu.dma_semaphore, #tpu.memory_space<semaphore_mem>>
      %dma_start3A_36 = arith.constant 0 : i32
      %dma_start3A_37 = arith.constant 0 : i32
      %dma_start3A_38 = tpu.memref_slice %arg4[%add3A, %dma_start3A_36, %dma_start3A_37] : memref<32x41x128xi32, #tpu.memory_space<hbm>> -> memref<1x41x128xi32, #tpu.memory_space<hbm>>
      %dma_start3A_39 = tpu.memref_squeeze %dma_start3A_38 : memref<1x41x128xi32, #tpu.memory_space<hbm>> -> memref<41x128xi32, #tpu.memory_space<hbm>>
      %dma_start3A_40 = arith.constant 0 : i32
      %dma_start3A_41 = arith.constant 0 : i32
      %dma_start3A_42 = tpu.memref_slice %arg4[%add3A, %dma_start3A_40, %dma_start3A_41] : memref<32x41x128xi32, #tpu.memory_space<hbm>> -> memref<1x41x128xi32, #tpu.memory_space<hbm>>
      %dma_start3A_43 = tpu.memref_squeeze %dma_start3A_42 : memref<1x41x128xi32, #tpu.memory_space<hbm>> -> memref<41x128xi32, #tpu.memory_space<hbm>>
      tpu.enqueue_dma source(%dma_start3A_43 : memref<41x128xi32, #tpu.memory_space<hbm>>) target(%arg8 : memref<41x128xi32, #tpu.memory_space<vmem>>) target_semaphore(%run_scoped3A_35 : memref<!tpu.dma_semaphore, #tpu.memory_space<semaphore_mem>>)
      %dma_wait3A_44 = arith.constant 0 : i32
      %dma_wait3A_45 = arith.constant 0 : i32
      %dma_wait3A_46 = tpu.memref_slice %arg4[%add3A, %dma_wait3A_44, %dma_wait3A_45] : memref<32x41x128xi32, #tpu.memory_space<hbm>> -> memref<1x41x128xi32, #tpu.memory_space<hbm>>
      %dma_wait3A_47 = tpu.memref_squeeze %dma_wait3A_46 : memref<1x41x128xi32, #tpu.memory_space<hbm>> -> memref<41x128xi32, #tpu.memory_space<hbm>>
      %dma_wait3A_48 = arith.constant 0 : i32
      %dma_wait3A_49 = arith.constant 0 : i32
      %dma_wait3A_50 = tpu.memref_slice %arg4[%add3A, %dma_wait3A_48, %dma_wait3A_49] : memref<32x41x128xi32, #tpu.memory_space<hbm>> -> memref<1x41x128xi32, #tpu.memory_space<hbm>>
      %dma_wait3A_51 = tpu.memref_squeeze %dma_wait3A_50 : memref<1x41x128xi32, #tpu.memory_space<hbm>> -> memref<41x128xi32, #tpu.memory_space<hbm>>
      tpu.wait_dma2 semaphore(%run_scoped3A_35 : memref<!tpu.dma_semaphore, #tpu.memory_space<semaphore_mem>>) src(%dma_wait3A_51 : memref<41x128xi32, #tpu.memory_space<hbm>>) dst(%arg8 : memref<41x128xi32, #tpu.memory_space<vmem>>)
      tpu.yield
    }) : () -> ()
    %barrier3A = arith.constant 0 : index
    tpu.barrier barrier_id(%barrier3A)
    %dma_start3A = arith.constant 0 : i32
    %dma_start3A_11 = tpu.memref_slice %arg7[%dma_start3A] : memref<5248xi32, #tpu.memory_space<vmem>> -> memref<128xi32, #tpu.memory_space<vmem>>
    %dma_start3A_12 = arith.constant 0 : i32
    %dma_start3A_13 = arith.constant 0 : i32
    %dma_start3A_14 = tpu.memref_slice %arg2[%dma_start3A_12, %dma_start3A_13] : memref<10000x128xf32, #tpu.memory_space<hbm>> -> memref<10000x128xf32, #tpu.memory_space<hbm>>
    tpu.enqueue_indirect_dma source(%dma_start3A_14 : memref<10000x128xf32, #tpu.memory_space<hbm>>) target(%arg9 : memref<128x128xf32, #tpu.memory_space<vmem>>) offsets(%dma_start3A_11 : memref<128xi32, #tpu.memory_space<vmem>>) semaphore(%arg12 : memref<!tpu.dma_semaphore, #tpu.memory_space<semaphore_mem>>)
    %scan3A = arith.constant 0 : i32
    %scan3A_15 = arith.constant 0 : i32
    %scan3A_16 = arith.constant 20 : i32
    %scan3A_17 = arith.addi %scan3A_15, %scan3A_16 : i32
    %scan3A_18 = arith.constant 1 : i32
    scf.for %scan3A_35 = %scan3A_15 to %scan3A_17 step %scan3A_18  : i32 {
      %mul3A_36 = arith.constant 2 : i32
      %mul3A_37 = arith.muli %mul3A_36, %scan3A_35 : i32
      %add3A_38 = arith.constant 1 : i32
      %add3A_39 = arith.addi %mul3A_37, %add3A_38 : i32
      %mul3A_40 = arith.constant 128 : i32
      %mul3A_41 = arith.muli %add3A_39, %mul3A_40 : i32
      %dma_start3A_42 = tpu.memref_slice %arg7[%mul3A_41] : memref<5248xi32, #tpu.memory_space<vmem>> -> memref<128xi32, #tpu.memory_space<vmem>>
      %dma_start3A_43 = arith.constant 0 : i32
      %dma_start3A_44 = arith.constant 0 : i32
      %dma_start3A_45 = tpu.memref_slice %arg2[%dma_start3A_43, %dma_start3A_44] : memref<10000x128xf32, #tpu.memory_space<hbm>> -> memref<10000x128xf32, #tpu.memory_space<hbm>>
      tpu.enqueue_indirect_dma source(%dma_start3A_45 : memref<10000x128xf32, #tpu.memory_space<hbm>>) target(%arg10 : memref<128x128xf32, #tpu.memory_space<vmem>>) offsets(%dma_start3A_42 : memref<128xi32, #tpu.memory_space<vmem>>) semaphore(%arg13 : memref<!tpu.dma_semaphore, #tpu.memory_space<semaphore_mem>>)
      %dma_wait3A_46 = arith.constant 0 : i32
      %dma_wait3A_47 = tpu.memref_slice %arg7[%dma_wait3A_46] : memref<5248xi32, #tpu.memory_space<vmem>> -> memref<128xi32, #tpu.memory_space<vmem>>
      %dma_wait3A_48 = arith.constant 0 : i32
      %dma_wait3A_49 = arith.constant 0 : i32
      %dma_wait3A_50 = tpu.memref_slice %arg2[%dma_wait3A_48, %dma_wait3A_49] : memref<10000x128xf32, #tpu.memory_space<hbm>> -> memref<10000x128xf32, #tpu.memory_space<hbm>>
      tpu.wait_indirect_dma semaphore(%arg12 : memref<!tpu.dma_semaphore, #tpu.memory_space<semaphore_mem>>) src(%dma_wait3A_50 : memref<10000x128xf32, #tpu.memory_space<hbm>>) dst(%arg9 : memref<128x128xf32, #tpu.memory_space<vmem>>)
      %sub3A = arith.constant 1 : i32
      %sub3A_51 = arith.subi %add3A_39, %sub3A : i32
      "tpu.region"() ({
        %run_scoped3A_65 = tpu.sem_alloc : memref<!tpu.dma_semaphore, #tpu.memory_space<semaphore_mem>>
        %dma_start3A_66 = arith.constant 0 : i32
        %dma_start3A_67 = tpu.memref_slice %arg8[%sub3A_51, %dma_start3A_66] : memref<41x128xi32, #tpu.memory_space<vmem>> -> memref<1x128xi32, #tpu.memory_space<vmem>>
        %dma_start3A_68 = tpu.memref_squeeze %dma_start3A_67 : memref<1x128xi32, #tpu.memory_space<vmem>> -> memref<128xi32, #tpu.memory_space<vmem>>
        %dma_start3A_69 = arith.constant 0 : i32
        %dma_start3A_70 = arith.constant 0 : i32
        %dma_start3A_71 = tpu.memref_slice %arg11[%dma_start3A_69, %dma_start3A_70] : memref<10256x128xf32, #tpu.memory_space<vmem_shared>> -> memref<10256x128xf32, #tpu.memory_space<vmem_shared>>
        tpu.enqueue_indirect_dma source(%arg9 : memref<128x128xf32, #tpu.memory_space<vmem>>) target(%dma_start3A_71 : memref<10256x128xf32, #tpu.memory_space<vmem_shared>>) offsets(%dma_start3A_68 : memref<128xi32, #tpu.memory_space<vmem>>) semaphore(%run_scoped3A_65 : memref<!tpu.dma_semaphore, #tpu.memory_space<semaphore_mem>>) {add = true}
        %dma_wait3A_72 = arith.constant 0 : i32
        %dma_wait3A_73 = tpu.memref_slice %arg8[%sub3A_51, %dma_wait3A_72] : memref<41x128xi32, #tpu.memory_space<vmem>> -> memref<1x128xi32, #tpu.memory_space<vmem>>
        %dma_wait3A_74 = tpu.memref_squeeze %dma_wait3A_73 : memref<1x128xi32, #tpu.memory_space<vmem>> -> memref<128xi32, #tpu.memory_space<vmem>>
        %dma_wait3A_75 = arith.constant 0 : i32
        %dma_wait3A_76 = arith.constant 0 : i32
        %dma_wait3A_77 = tpu.memref_slice %arg11[%dma_wait3A_75, %dma_wait3A_76] : memref<10256x128xf32, #tpu.memory_space<vmem_shared>> -> memref<10256x128xf32, #tpu.memory_space<vmem_shared>>
        tpu.wait_indirect_dma semaphore(%run_scoped3A_65 : memref<!tpu.dma_semaphore, #tpu.memory_space<semaphore_mem>>) src(%arg9 : memref<128x128xf32, #tpu.memory_space<vmem>>) dst(%dma_wait3A_77 : memref<10256x128xf32, #tpu.memory_space<vmem_shared>>)
        tpu.yield
      }) : () -> ()
      %add3A_52 = arith.constant 1 : i32
      %add3A_53 = arith.addi %add3A_39, %add3A_52 : i32
      %mul3A_54 = arith.constant 128 : i32
      %mul3A_55 = arith.muli %add3A_53, %mul3A_54 : i32
      %dma_start3A_56 = tpu.memref_slice %arg7[%mul3A_55] : memref<5248xi32, #tpu.memory_space<vmem>> -> memref<128xi32, #tpu.memory_space<vmem>>
      %dma_start3A_57 = arith.constant 0 : i32
      %dma_start3A_58 = arith.constant 0 : i32
      %dma_start3A_59 = tpu.memref_slice %arg2[%dma_start3A_57, %dma_start3A_58] : memref<10000x128xf32, #tpu.memory_space<hbm>> -> memref<10000x128xf32, #tpu.memory_space<hbm>>
      tpu.enqueue_indirect_dma source(%dma_start3A_59 : memref<10000x128xf32, #tpu.memory_space<hbm>>) target(%arg9 : memref<128x128xf32, #tpu.memory_space<vmem>>) offsets(%dma_start3A_56 : memref<128xi32, #tpu.memory_space<vmem>>) semaphore(%arg12 : memref<!tpu.dma_semaphore, #tpu.memory_space<semaphore_mem>>)
      %dma_wait3A_60 = arith.constant 0 : i32
      %dma_wait3A_61 = tpu.memref_slice %arg7[%dma_wait3A_60] : memref<5248xi32, #tpu.memory_space<vmem>> -> memref<128xi32, #tpu.memory_space<vmem>>
      %dma_wait3A_62 = arith.constant 0 : i32
      %dma_wait3A_63 = arith.constant 0 : i32
      %dma_wait3A_64 = tpu.memref_slice %arg2[%dma_wait3A_62, %dma_wait3A_63] : memref<10000x128xf32, #tpu.memory_space<hbm>> -> memref<10000x128xf32, #tpu.memory_space<hbm>>
      tpu.wait_indirect_dma semaphore(%arg13 : memref<!tpu.dma_semaphore, #tpu.memory_space<semaphore_mem>>) src(%dma_wait3A_64 : memref<10000x128xf32, #tpu.memory_space<hbm>>) dst(%arg10 : memref<128x128xf32, #tpu.memory_space<vmem>>)
      "tpu.region"() ({
        %run_scoped3A_65 = tpu.sem_alloc : memref<!tpu.dma_semaphore, #tpu.memory_space<semaphore_mem>>
        %dma_start3A_66 = arith.constant 0 : i32
        %dma_start3A_67 = tpu.memref_slice %arg8[%add3A_39, %dma_start3A_66] : memref<41x128xi32, #tpu.memory_space<vmem>> -> memref<1x128xi32, #tpu.memory_space<vmem>>
        %dma_start3A_68 = tpu.memref_squeeze %dma_start3A_67 : memref<1x128xi32, #tpu.memory_space<vmem>> -> memref<128xi32, #tpu.memory_space<vmem>>
        %dma_start3A_69 = arith.constant 0 : i32
        %dma_start3A_70 = arith.constant 0 : i32
        %dma_start3A_71 = tpu.memref_slice %arg11[%dma_start3A_69, %dma_start3A_70] : memref<10256x128xf32, #tpu.memory_space<vmem_shared>> -> memref<10256x128xf32, #tpu.memory_space<vmem_shared>>
        tpu.enqueue_indirect_dma source(%arg10 : memref<128x128xf32, #tpu.memory_space<vmem>>) target(%dma_start3A_71 : memref<10256x128xf32, #tpu.memory_space<vmem_shared>>) offsets(%dma_start3A_68 : memref<128xi32, #tpu.memory_space<vmem>>) semaphore(%run_scoped3A_65 : memref<!tpu.dma_semaphore, #tpu.memory_space<semaphore_mem>>) {add = true}
        %dma_wait3A_72 = arith.constant 0 : i32
        %dma_wait3A_73 = tpu.memref_slice %arg8[%add3A_39, %dma_wait3A_72] : memref<41x128xi32, #tpu.memory_space<vmem>> -> memref<1x128xi32, #tpu.memory_space<vmem>>
        %dma_wait3A_74 = tpu.memref_squeeze %dma_wait3A_73 : memref<1x128xi32, #tpu.memory_space<vmem>> -> memref<128xi32, #tpu.memory_space<vmem>>
        %dma_wait3A_75 = arith.constant 0 : i32
        %dma_wait3A_76 = arith.constant 0 : i32
        %dma_wait3A_77 = tpu.memref_slice %arg11[%dma_wait3A_75, %dma_wait3A_76] : memref<10256x128xf32, #tpu.memory_space<vmem_shared>> -> memref<10256x128xf32, #tpu.memory_space<vmem_shared>>
        tpu.wait_indirect_dma semaphore(%run_scoped3A_65 : memref<!tpu.dma_semaphore, #tpu.memory_space<semaphore_mem>>) src(%arg10 : memref<128x128xf32, #tpu.memory_space<vmem>>) dst(%dma_wait3A_77 : memref<10256x128xf32, #tpu.memory_space<vmem_shared>>)
        tpu.yield
      }) : () -> ()
    }
    %scan3A_19 = arith.constant 20 : i32
    %dma_wait3A = arith.constant 0 : i32
    %dma_wait3A_20 = tpu.memref_slice %arg7[%dma_wait3A] : memref<5248xi32, #tpu.memory_space<vmem>> -> memref<128xi32, #tpu.memory_space<vmem>>
    %dma_wait3A_21 = arith.constant 0 : i32
    %dma_wait3A_22 = arith.constant 0 : i32
    %dma_wait3A_23 = tpu.memref_slice %arg2[%dma_wait3A_21, %dma_wait3A_22] : memref<10000x128xf32, #tpu.memory_space<hbm>> -> memref<10000x128xf32, #tpu.memory_space<hbm>>
    tpu.wait_indirect_dma semaphore(%arg12 : memref<!tpu.dma_semaphore, #tpu.memory_space<semaphore_mem>>) src(%dma_wait3A_23 : memref<10000x128xf32, #tpu.memory_space<hbm>>) dst(%arg9 : memref<128x128xf32, #tpu.memory_space<vmem>>)
    %run_scoped3A = arith.constant 40 : i32
    "tpu.region"() ({
      %run_scoped3A_35 = tpu.sem_alloc : memref<!tpu.dma_semaphore, #tpu.memory_space<semaphore_mem>>
      %dma_start3A_36 = arith.constant 0 : i32
      %dma_start3A_37 = tpu.memref_slice %arg8[%run_scoped3A, %dma_start3A_36] : memref<41x128xi32, #tpu.memory_space<vmem>> -> memref<1x128xi32, #tpu.memory_space<vmem>>
      %dma_start3A_38 = tpu.memref_squeeze %dma_start3A_37 : memref<1x128xi32, #tpu.memory_space<vmem>> -> memref<128xi32, #tpu.memory_space<vmem>>
      %dma_start3A_39 = arith.constant 0 : i32
      %dma_start3A_40 = arith.constant 0 : i32
      %dma_start3A_41 = tpu.memref_slice %arg11[%dma_start3A_39, %dma_start3A_40] : memref<10256x128xf32, #tpu.memory_space<vmem_shared>> -> memref<10256x128xf32, #tpu.memory_space<vmem_shared>>
      tpu.enqueue_indirect_dma source(%arg9 : memref<128x128xf32, #tpu.memory_space<vmem>>) target(%dma_start3A_41 : memref<10256x128xf32, #tpu.memory_space<vmem_shared>>) offsets(%dma_start3A_38 : memref<128xi32, #tpu.memory_space<vmem>>) semaphore(%run_scoped3A_35 : memref<!tpu.dma_semaphore, #tpu.memory_space<semaphore_mem>>) {add = true}
      %dma_wait3A_42 = arith.constant 0 : i32
      %dma_wait3A_43 = tpu.memref_slice %arg8[%run_scoped3A, %dma_wait3A_42] : memref<41x128xi32, #tpu.memory_space<vmem>> -> memref<1x128xi32, #tpu.memory_space<vmem>>
      %dma_wait3A_44 = tpu.memref_squeeze %dma_wait3A_43 : memref<1x128xi32, #tpu.memory_space<vmem>> -> memref<128xi32, #tpu.memory_space<vmem>>
      %dma_wait3A_45 = arith.constant 0 : i32
      %dma_wait3A_46 = arith.constant 0 : i32
      %dma_wait3A_47 = tpu.memref_slice %arg11[%dma_wait3A_45, %dma_wait3A_46] : memref<10256x128xf32, #tpu.memory_space<vmem_shared>> -> memref<10256x128xf32, #tpu.memory_space<vmem_shared>>
      tpu.wait_indirect_dma semaphore(%run_scoped3A_35 : memref<!tpu.dma_semaphore, #tpu.memory_space<semaphore_mem>>) src(%arg9 : memref<128x128xf32, #tpu.memory_space<vmem>>) dst(%dma_wait3A_47 : memref<10256x128xf32, #tpu.memory_space<vmem_shared>>)
      tpu.yield
    }) : () -> ()
    %barrier3A_24 = arith.constant 0 : index
    tpu.barrier barrier_id(%barrier3A_24)
    %lt3A_25 = arith.constant 15 : i32
    %lt3A_26 = arith.cmpi slt, %arg1, %lt3A_25 : i32
    %convert_element_type3A_27 = arith.extui %lt3A_26 : i1 to i32
    %cond3A_28 = arith.constant 0 : i32
    %cond3A_29 = arith.cmpi ne, %convert_element_type3A_27, %cond3A_28 : i32
    scf.if %cond3A_29 {
      %mul3A_35 = arith.constant 624 : i32
      %mul3A_36 = arith.muli %arg1, %mul3A_35 : i32
      %mul3A_37 = arith.constant 10000 : i32
      %mul3A_38 = arith.muli %arg0, %mul3A_37 : i32
      %mul3A_39 = arith.constant 624 : i32
      %mul3A_40 = arith.muli %arg1, %mul3A_39 : i32
      %add3A_41 = arith.addi %mul3A_38, %mul3A_40 : i32
      "tpu.region"() ({
        %run_scoped3A_42 = tpu.sem_alloc : memref<!tpu.dma_semaphore, #tpu.memory_space<semaphore_mem>>
        %dma_start3A_43 = arith.constant 0 : i32
        %dma_start3A_44 = tpu.memref_slice %arg6[%add3A_41, %dma_start3A_43] : memref<20000x128xf32, #tpu.memory_space<hbm>> -> memref<624x128xf32, #tpu.memory_space<hbm>>
        %dma_start3A_45 = arith.constant 0 : i32
        %dma_start3A_46 = tpu.memref_slice %arg11[%mul3A_36, %dma_start3A_45] : memref<10256x128xf32, #tpu.memory_space<vmem_shared>> -> memref<624x128xf32, #tpu.memory_space<vmem_shared>>
        tpu.enqueue_dma source(%dma_start3A_46 : memref<624x128xf32, #tpu.memory_space<vmem_shared>>) target(%dma_start3A_44 : memref<624x128xf32, #tpu.memory_space<hbm>>) target_semaphore(%run_scoped3A_42 : memref<!tpu.dma_semaphore, #tpu.memory_space<semaphore_mem>>)
        %dma_wait3A_47 = arith.constant 0 : i32
        %dma_wait3A_48 = tpu.memref_slice %arg6[%add3A_41, %dma_wait3A_47] : memref<20000x128xf32, #tpu.memory_space<hbm>> -> memref<624x128xf32, #tpu.memory_space<hbm>>
        %dma_wait3A_49 = arith.constant 0 : i32
        %dma_wait3A_50 = tpu.memref_slice %arg11[%mul3A_36, %dma_wait3A_49] : memref<10256x128xf32, #tpu.memory_space<vmem_shared>> -> memref<624x128xf32, #tpu.memory_space<vmem_shared>>
        tpu.wait_dma2 semaphore(%run_scoped3A_42 : memref<!tpu.dma_semaphore, #tpu.memory_space<semaphore_mem>>) src(%dma_wait3A_50 : memref<624x128xf32, #tpu.memory_space<vmem_shared>>) dst(%dma_wait3A_48 : memref<624x128xf32, #tpu.memory_space<hbm>>)
        tpu.yield
      }) : () -> ()
    } else {
    }
    %eq3A_30 = arith.constant 15 : i32
    %eq3A_31 = arith.cmpi eq, %arg1, %eq3A_30 : i32
    %convert_element_type3A_32 = arith.extui %eq3A_31 : i1 to i32
    %cond3A_33 = arith.constant 0 : i32
    %cond3A_34 = arith.cmpi ne, %convert_element_type3A_32, %cond3A_33 : i32
    scf.if %cond3A_34 {
      %mul3A_35 = arith.constant 10000 : i32
      %mul3A_36 = arith.muli %arg0, %mul3A_35 : i32
      %add3A_37 = arith.constant 9360 : i32
      %add3A_38 = arith.addi %mul3A_36, %add3A_37 : i32
      "tpu.region"() ({
        %run_scoped3A_39 = tpu.sem_alloc : memref<!tpu.dma_semaphore, #tpu.memory_space<semaphore_mem>>
        %dma_start3A_40 = arith.constant 0 : i32
        %dma_start3A_41 = tpu.memref_slice %arg6[%add3A_38, %dma_start3A_40] : memref<20000x128xf32, #tpu.memory_space<hbm>> -> memref<640x128xf32, #tpu.memory_space<hbm>>
        %dma_start3A_42 = arith.constant 9360 : i32
        %dma_start3A_43 = arith.constant 0 : i32
        %dma_start3A_44 = tpu.memref_slice %arg11[%dma_start3A_42, %dma_start3A_43] : memref<10256x128xf32, #tpu.memory_space<vmem_shared>> -> memref<640x128xf32, #tpu.memory_space<vmem_shared>>
        tpu.enqueue_dma source(%dma_start3A_44 : memref<640x128xf32, #tpu.memory_space<vmem_shared>>) target(%dma_start3A_41 : memref<640x128xf32, #tpu.memory_space<hbm>>) target_semaphore(%run_scoped3A_39 : memref<!tpu.dma_semaphore, #tpu.memory_space<semaphore_mem>>)
        %dma_wait3A_45 = arith.constant 0 : i32
        %dma_wait3A_46 = tpu.memref_slice %arg6[%add3A_38, %dma_wait3A_45] : memref<20000x128xf32, #tpu.memory_space<hbm>> -> memref<640x128xf32, #tpu.memory_space<hbm>>
        %dma_wait3A_47 = arith.constant 9360 : i32
        %dma_wait3A_48 = arith.constant 0 : i32
        %dma_wait3A_49 = tpu.memref_slice %arg11[%dma_wait3A_47, %dma_wait3A_48] : memref<10256x128xf32, #tpu.memory_space<vmem_shared>> -> memref<640x128xf32, #tpu.memory_space<vmem_shared>>
        tpu.wait_dma2 semaphore(%run_scoped3A_39 : memref<!tpu.dma_semaphore, #tpu.memory_space<semaphore_mem>>) src(%dma_wait3A_49 : memref<640x128xf32, #tpu.memory_space<vmem_shared>>) dst(%dma_wait3A_46 : memref<640x128xf32, #tpu.memory_space<hbm>>)
        tpu.yield
      }) : () -> ()
    } else {
    }
    return
  }
}

#map = affine_map<(d0, d1) -> (0, 0)>
#map1 = affine_map<(d0, d1) -> (0)>
#map2 = affine_map<(d0, d1) -> (0, 0, 0)>
module attributes {stable_mosaic.version = 14 : i64} {
  func.func @body(%arg0: i32, %arg1: i32, %arg2: memref<10000x128xf32, #tpu.memory_space<hbm>>, %arg3: memref<322560xi32, #tpu.memory_space<hbm>>, %arg4: memref<32x105x96xi32, #tpu.memory_space<hbm>>, %arg5: memref<10000x128xf32, #tpu.memory_space<hbm>>, %arg6: memref<20000x128xf32, #tpu.memory_space<hbm>>, %arg7: memref<10080xi32, #tpu.memory_space<vmem>>, %arg8: memref<105x96xi32, #tpu.memory_space<vmem>>, %arg9: memref<96x128xf32, #tpu.memory_space<vmem>>, %arg10: memref<96x128xf32, #tpu.memory_space<vmem>>, %arg11: memref<10128x128xf32, #tpu.memory_space<vmem_shared>>, %arg12: memref<!tpu.dma_semaphore, #tpu.memory_space<semaphore_mem>>, %arg13: memref<!tpu.dma_semaphore, #tpu.memory_space<semaphore_mem>>) attributes {dimension_semantics = [#tpu.dimension_semantics<core_parallel>, #tpu.dimension_semantics<subcore_parallel>], iteration_bounds = array<i64: 2, 16>, scalar_prefetch = 0 : i64, scratch_operands = 7 : i64, tpu.core_type = #tpu.core_type<sc_vector_subcore>, window_params = [{transform_indices = #map}, {transform_indices = #map1}, {transform_indices = #map2}, {transform_indices = #map}, {transform_indices = #map}]} {
    %mul3A = arith.constant 16 : i32
    %mul3A_0 = arith.muli %arg0, %mul3A : i32
    %add3A = arith.addi %mul3A_0, %arg1 : i32
    %lt3A = arith.constant 15 : i32
    %lt3A_1 = arith.cmpi slt, %arg1, %lt3A : i32
    %convert_element_type3A = arith.extui %lt3A_1 : i1 to i32
    %cond3A = arith.constant 0 : i32
    %cond3A_2 = arith.cmpi ne, %convert_element_type3A, %cond3A : i32
    scf.if %cond3A_2 {
      %mul3A_35 = arith.constant 624 : i32
      %mul3A_36 = arith.muli %arg1, %mul3A_35 : i32
      %mul3A_37 = arith.constant 624 : i32
      %mul3A_38 = arith.muli %arg1, %mul3A_37 : i32
      "tpu.region"() ({
        %run_scoped3A_39 = tpu.sem_alloc : memref<!tpu.dma_semaphore, #tpu.memory_space<semaphore_mem>>
        %dma_start3A_40 = arith.constant 0 : i32
        %dma_start3A_41 = tpu.memref_slice %arg11[%mul3A_38, %dma_start3A_40] : memref<10128x128xf32, #tpu.memory_space<vmem_shared>> -> memref<624x128xf32, #tpu.memory_space<vmem_shared>>
        %dma_start3A_42 = arith.constant 0 : i32
        %dma_start3A_43 = tpu.memref_slice %arg5[%mul3A_36, %dma_start3A_42] : memref<10000x128xf32, #tpu.memory_space<hbm>> -> memref<624x128xf32, #tpu.memory_space<hbm>>
        tpu.enqueue_dma source(%dma_start3A_43 : memref<624x128xf32, #tpu.memory_space<hbm>>) target(%dma_start3A_41 : memref<624x128xf32, #tpu.memory_space<vmem_shared>>) target_semaphore(%run_scoped3A_39 : memref<!tpu.dma_semaphore, #tpu.memory_space<semaphore_mem>>)
        %dma_wait3A_44 = arith.constant 0 : i32
        %dma_wait3A_45 = tpu.memref_slice %arg11[%mul3A_38, %dma_wait3A_44] : memref<10128x128xf32, #tpu.memory_space<vmem_shared>> -> memref<624x128xf32, #tpu.memory_space<vmem_shared>>
        %dma_wait3A_46 = arith.constant 0 : i32
        %dma_wait3A_47 = tpu.memref_slice %arg5[%mul3A_36, %dma_wait3A_46] : memref<10000x128xf32, #tpu.memory_space<hbm>> -> memref<624x128xf32, #tpu.memory_space<hbm>>
        tpu.wait_dma2 semaphore(%run_scoped3A_39 : memref<!tpu.dma_semaphore, #tpu.memory_space<semaphore_mem>>) src(%dma_wait3A_47 : memref<624x128xf32, #tpu.memory_space<hbm>>) dst(%dma_wait3A_45 : memref<624x128xf32, #tpu.memory_space<vmem_shared>>)
        tpu.yield
      }) : () -> ()
    } else {
    }
    %eq3A = arith.constant 15 : i32
    %eq3A_3 = arith.cmpi eq, %arg1, %eq3A : i32
    %convert_element_type3A_4 = arith.extui %eq3A_3 : i1 to i32
    %cond3A_5 = arith.constant 0 : i32
    %cond3A_6 = arith.cmpi ne, %convert_element_type3A_4, %cond3A_5 : i32
    scf.if %cond3A_6 {
      "tpu.region"() ({
        %run_scoped3A_35 = tpu.sem_alloc : memref<!tpu.dma_semaphore, #tpu.memory_space<semaphore_mem>>
        %dma_start3A_36 = arith.constant 9360 : i32
        %dma_start3A_37 = arith.constant 0 : i32
        %dma_start3A_38 = tpu.memref_slice %arg11[%dma_start3A_36, %dma_start3A_37] : memref<10128x128xf32, #tpu.memory_space<vmem_shared>> -> memref<640x128xf32, #tpu.memory_space<vmem_shared>>
        %dma_start3A_39 = arith.constant 9360 : i32
        %dma_start3A_40 = arith.constant 0 : i32
        %dma_start3A_41 = tpu.memref_slice %arg5[%dma_start3A_39, %dma_start3A_40] : memref<10000x128xf32, #tpu.memory_space<hbm>> -> memref<640x128xf32, #tpu.memory_space<hbm>>
        tpu.enqueue_dma source(%dma_start3A_41 : memref<640x128xf32, #tpu.memory_space<hbm>>) target(%dma_start3A_38 : memref<640x128xf32, #tpu.memory_space<vmem_shared>>) target_semaphore(%run_scoped3A_35 : memref<!tpu.dma_semaphore, #tpu.memory_space<semaphore_mem>>)
        %dma_wait3A_42 = arith.constant 9360 : i32
        %dma_wait3A_43 = arith.constant 0 : i32
        %dma_wait3A_44 = tpu.memref_slice %arg11[%dma_wait3A_42, %dma_wait3A_43] : memref<10128x128xf32, #tpu.memory_space<vmem_shared>> -> memref<640x128xf32, #tpu.memory_space<vmem_shared>>
        %dma_wait3A_45 = arith.constant 9360 : i32
        %dma_wait3A_46 = arith.constant 0 : i32
        %dma_wait3A_47 = tpu.memref_slice %arg5[%dma_wait3A_45, %dma_wait3A_46] : memref<10000x128xf32, #tpu.memory_space<hbm>> -> memref<640x128xf32, #tpu.memory_space<hbm>>
        tpu.wait_dma2 semaphore(%run_scoped3A_35 : memref<!tpu.dma_semaphore, #tpu.memory_space<semaphore_mem>>) src(%dma_wait3A_47 : memref<640x128xf32, #tpu.memory_space<hbm>>) dst(%dma_wait3A_44 : memref<640x128xf32, #tpu.memory_space<vmem_shared>>)
        tpu.yield
      }) : () -> ()
    } else {
    }
    %mul3A_7 = arith.constant 105 : i32
    %mul3A_8 = arith.muli %add3A, %mul3A_7 : i32
    %mul3A_9 = arith.constant 96 : i32
    %mul3A_10 = arith.muli %mul3A_8, %mul3A_9 : i32
    "tpu.region"() ({
      %run_scoped3A_35 = tpu.sem_alloc : memref<!tpu.dma_semaphore, #tpu.memory_space<semaphore_mem>>
      %dma_start3A_36 = tpu.memref_slice %arg3[%mul3A_10] : memref<322560xi32, #tpu.memory_space<hbm>> -> memref<10080xi32, #tpu.memory_space<hbm>>
      %dma_start3A_37 = tpu.memref_slice %arg3[%mul3A_10] : memref<322560xi32, #tpu.memory_space<hbm>> -> memref<10080xi32, #tpu.memory_space<hbm>>
      tpu.enqueue_dma source(%dma_start3A_37 : memref<10080xi32, #tpu.memory_space<hbm>>) target(%arg7 : memref<10080xi32, #tpu.memory_space<vmem>>) target_semaphore(%run_scoped3A_35 : memref<!tpu.dma_semaphore, #tpu.memory_space<semaphore_mem>>)
      %dma_wait3A_38 = tpu.memref_slice %arg3[%mul3A_10] : memref<322560xi32, #tpu.memory_space<hbm>> -> memref<10080xi32, #tpu.memory_space<hbm>>
      %dma_wait3A_39 = tpu.memref_slice %arg3[%mul3A_10] : memref<322560xi32, #tpu.memory_space<hbm>> -> memref<10080xi32, #tpu.memory_space<hbm>>
      tpu.wait_dma2 semaphore(%run_scoped3A_35 : memref<!tpu.dma_semaphore, #tpu.memory_space<semaphore_mem>>) src(%dma_wait3A_39 : memref<10080xi32, #tpu.memory_space<hbm>>) dst(%arg7 : memref<10080xi32, #tpu.memory_space<vmem>>)
      tpu.yield
    }) : () -> ()
    "tpu.region"() ({
      %run_scoped3A_35 = tpu.sem_alloc : memref<!tpu.dma_semaphore, #tpu.memory_space<semaphore_mem>>
      %dma_start3A_36 = arith.constant 0 : i32
      %dma_start3A_37 = arith.constant 0 : i32
      %dma_start3A_38 = tpu.memref_slice %arg4[%add3A, %dma_start3A_36, %dma_start3A_37] : memref<32x105x96xi32, #tpu.memory_space<hbm>> -> memref<1x105x96xi32, #tpu.memory_space<hbm>>
      %dma_start3A_39 = tpu.memref_squeeze %dma_start3A_38 : memref<1x105x96xi32, #tpu.memory_space<hbm>> -> memref<105x96xi32, #tpu.memory_space<hbm>>
      %dma_start3A_40 = arith.constant 0 : i32
      %dma_start3A_41 = arith.constant 0 : i32
      %dma_start3A_42 = tpu.memref_slice %arg4[%add3A, %dma_start3A_40, %dma_start3A_41] : memref<32x105x96xi32, #tpu.memory_space<hbm>> -> memref<1x105x96xi32, #tpu.memory_space<hbm>>
      %dma_start3A_43 = tpu.memref_squeeze %dma_start3A_42 : memref<1x105x96xi32, #tpu.memory_space<hbm>> -> memref<105x96xi32, #tpu.memory_space<hbm>>
      tpu.enqueue_dma source(%dma_start3A_43 : memref<105x96xi32, #tpu.memory_space<hbm>>) target(%arg8 : memref<105x96xi32, #tpu.memory_space<vmem>>) target_semaphore(%run_scoped3A_35 : memref<!tpu.dma_semaphore, #tpu.memory_space<semaphore_mem>>)
      %dma_wait3A_44 = arith.constant 0 : i32
      %dma_wait3A_45 = arith.constant 0 : i32
      %dma_wait3A_46 = tpu.memref_slice %arg4[%add3A, %dma_wait3A_44, %dma_wait3A_45] : memref<32x105x96xi32, #tpu.memory_space<hbm>> -> memref<1x105x96xi32, #tpu.memory_space<hbm>>
      %dma_wait3A_47 = tpu.memref_squeeze %dma_wait3A_46 : memref<1x105x96xi32, #tpu.memory_space<hbm>> -> memref<105x96xi32, #tpu.memory_space<hbm>>
      %dma_wait3A_48 = arith.constant 0 : i32
      %dma_wait3A_49 = arith.constant 0 : i32
      %dma_wait3A_50 = tpu.memref_slice %arg4[%add3A, %dma_wait3A_48, %dma_wait3A_49] : memref<32x105x96xi32, #tpu.memory_space<hbm>> -> memref<1x105x96xi32, #tpu.memory_space<hbm>>
      %dma_wait3A_51 = tpu.memref_squeeze %dma_wait3A_50 : memref<1x105x96xi32, #tpu.memory_space<hbm>> -> memref<105x96xi32, #tpu.memory_space<hbm>>
      tpu.wait_dma2 semaphore(%run_scoped3A_35 : memref<!tpu.dma_semaphore, #tpu.memory_space<semaphore_mem>>) src(%dma_wait3A_51 : memref<105x96xi32, #tpu.memory_space<hbm>>) dst(%arg8 : memref<105x96xi32, #tpu.memory_space<vmem>>)
      tpu.yield
    }) : () -> ()
    %barrier3A = arith.constant 0 : index
    tpu.barrier barrier_id(%barrier3A)
    %dma_start3A = arith.constant 0 : i32
    %dma_start3A_11 = tpu.memref_slice %arg7[%dma_start3A] : memref<10080xi32, #tpu.memory_space<vmem>> -> memref<96xi32, #tpu.memory_space<vmem>>
    %dma_start3A_12 = arith.constant 0 : i32
    %dma_start3A_13 = arith.constant 0 : i32
    %dma_start3A_14 = tpu.memref_slice %arg2[%dma_start3A_12, %dma_start3A_13] : memref<10000x128xf32, #tpu.memory_space<hbm>> -> memref<10000x128xf32, #tpu.memory_space<hbm>>
    tpu.enqueue_indirect_dma source(%dma_start3A_14 : memref<10000x128xf32, #tpu.memory_space<hbm>>) target(%arg9 : memref<96x128xf32, #tpu.memory_space<vmem>>) offsets(%dma_start3A_11 : memref<96xi32, #tpu.memory_space<vmem>>) semaphore(%arg12 : memref<!tpu.dma_semaphore, #tpu.memory_space<semaphore_mem>>)
    %scan3A = arith.constant 0 : i32
    %scan3A_15 = arith.constant 0 : i32
    %scan3A_16 = arith.constant 52 : i32
    %scan3A_17 = arith.addi %scan3A_15, %scan3A_16 : i32
    %scan3A_18 = arith.constant 1 : i32
    scf.for %scan3A_35 = %scan3A_15 to %scan3A_17 step %scan3A_18  : i32 {
      %mul3A_36 = arith.constant 2 : i32
      %mul3A_37 = arith.muli %mul3A_36, %scan3A_35 : i32
      %add3A_38 = arith.constant 1 : i32
      %add3A_39 = arith.addi %mul3A_37, %add3A_38 : i32
      %mul3A_40 = arith.constant 96 : i32
      %mul3A_41 = arith.muli %add3A_39, %mul3A_40 : i32
      %dma_start3A_42 = tpu.memref_slice %arg7[%mul3A_41] : memref<10080xi32, #tpu.memory_space<vmem>> -> memref<96xi32, #tpu.memory_space<vmem>>
      %dma_start3A_43 = arith.constant 0 : i32
      %dma_start3A_44 = arith.constant 0 : i32
      %dma_start3A_45 = tpu.memref_slice %arg2[%dma_start3A_43, %dma_start3A_44] : memref<10000x128xf32, #tpu.memory_space<hbm>> -> memref<10000x128xf32, #tpu.memory_space<hbm>>
      tpu.enqueue_indirect_dma source(%dma_start3A_45 : memref<10000x128xf32, #tpu.memory_space<hbm>>) target(%arg10 : memref<96x128xf32, #tpu.memory_space<vmem>>) offsets(%dma_start3A_42 : memref<96xi32, #tpu.memory_space<vmem>>) semaphore(%arg13 : memref<!tpu.dma_semaphore, #tpu.memory_space<semaphore_mem>>)
      %dma_wait3A_46 = arith.constant 0 : i32
      %dma_wait3A_47 = tpu.memref_slice %arg7[%dma_wait3A_46] : memref<10080xi32, #tpu.memory_space<vmem>> -> memref<96xi32, #tpu.memory_space<vmem>>
      %dma_wait3A_48 = arith.constant 0 : i32
      %dma_wait3A_49 = arith.constant 0 : i32
      %dma_wait3A_50 = tpu.memref_slice %arg2[%dma_wait3A_48, %dma_wait3A_49] : memref<10000x128xf32, #tpu.memory_space<hbm>> -> memref<10000x128xf32, #tpu.memory_space<hbm>>
      tpu.wait_indirect_dma semaphore(%arg12 : memref<!tpu.dma_semaphore, #tpu.memory_space<semaphore_mem>>) src(%dma_wait3A_50 : memref<10000x128xf32, #tpu.memory_space<hbm>>) dst(%arg9 : memref<96x128xf32, #tpu.memory_space<vmem>>)
      %sub3A = arith.constant 1 : i32
      %sub3A_51 = arith.subi %add3A_39, %sub3A : i32
      "tpu.region"() ({
        %run_scoped3A_65 = tpu.sem_alloc : memref<!tpu.dma_semaphore, #tpu.memory_space<semaphore_mem>>
        %dma_start3A_66 = arith.constant 0 : i32
        %dma_start3A_67 = tpu.memref_slice %arg8[%sub3A_51, %dma_start3A_66] : memref<105x96xi32, #tpu.memory_space<vmem>> -> memref<1x96xi32, #tpu.memory_space<vmem>>
        %dma_start3A_68 = tpu.memref_squeeze %dma_start3A_67 : memref<1x96xi32, #tpu.memory_space<vmem>> -> memref<96xi32, #tpu.memory_space<vmem>>
        %dma_start3A_69 = arith.constant 0 : i32
        %dma_start3A_70 = arith.constant 0 : i32
        %dma_start3A_71 = tpu.memref_slice %arg11[%dma_start3A_69, %dma_start3A_70] : memref<10128x128xf32, #tpu.memory_space<vmem_shared>> -> memref<10128x128xf32, #tpu.memory_space<vmem_shared>>
        tpu.enqueue_indirect_dma source(%arg9 : memref<96x128xf32, #tpu.memory_space<vmem>>) target(%dma_start3A_71 : memref<10128x128xf32, #tpu.memory_space<vmem_shared>>) offsets(%dma_start3A_68 : memref<96xi32, #tpu.memory_space<vmem>>) semaphore(%run_scoped3A_65 : memref<!tpu.dma_semaphore, #tpu.memory_space<semaphore_mem>>) {add = true}
        %dma_wait3A_72 = arith.constant 0 : i32
        %dma_wait3A_73 = tpu.memref_slice %arg8[%sub3A_51, %dma_wait3A_72] : memref<105x96xi32, #tpu.memory_space<vmem>> -> memref<1x96xi32, #tpu.memory_space<vmem>>
        %dma_wait3A_74 = tpu.memref_squeeze %dma_wait3A_73 : memref<1x96xi32, #tpu.memory_space<vmem>> -> memref<96xi32, #tpu.memory_space<vmem>>
        %dma_wait3A_75 = arith.constant 0 : i32
        %dma_wait3A_76 = arith.constant 0 : i32
        %dma_wait3A_77 = tpu.memref_slice %arg11[%dma_wait3A_75, %dma_wait3A_76] : memref<10128x128xf32, #tpu.memory_space<vmem_shared>> -> memref<10128x128xf32, #tpu.memory_space<vmem_shared>>
        tpu.wait_indirect_dma semaphore(%run_scoped3A_65 : memref<!tpu.dma_semaphore, #tpu.memory_space<semaphore_mem>>) src(%arg9 : memref<96x128xf32, #tpu.memory_space<vmem>>) dst(%dma_wait3A_77 : memref<10128x128xf32, #tpu.memory_space<vmem_shared>>)
        tpu.yield
      }) : () -> ()
      %add3A_52 = arith.constant 1 : i32
      %add3A_53 = arith.addi %add3A_39, %add3A_52 : i32
      %mul3A_54 = arith.constant 96 : i32
      %mul3A_55 = arith.muli %add3A_53, %mul3A_54 : i32
      %dma_start3A_56 = tpu.memref_slice %arg7[%mul3A_55] : memref<10080xi32, #tpu.memory_space<vmem>> -> memref<96xi32, #tpu.memory_space<vmem>>
      %dma_start3A_57 = arith.constant 0 : i32
      %dma_start3A_58 = arith.constant 0 : i32
      %dma_start3A_59 = tpu.memref_slice %arg2[%dma_start3A_57, %dma_start3A_58] : memref<10000x128xf32, #tpu.memory_space<hbm>> -> memref<10000x128xf32, #tpu.memory_space<hbm>>
      tpu.enqueue_indirect_dma source(%dma_start3A_59 : memref<10000x128xf32, #tpu.memory_space<hbm>>) target(%arg9 : memref<96x128xf32, #tpu.memory_space<vmem>>) offsets(%dma_start3A_56 : memref<96xi32, #tpu.memory_space<vmem>>) semaphore(%arg12 : memref<!tpu.dma_semaphore, #tpu.memory_space<semaphore_mem>>)
      %dma_wait3A_60 = arith.constant 0 : i32
      %dma_wait3A_61 = tpu.memref_slice %arg7[%dma_wait3A_60] : memref<10080xi32, #tpu.memory_space<vmem>> -> memref<96xi32, #tpu.memory_space<vmem>>
      %dma_wait3A_62 = arith.constant 0 : i32
      %dma_wait3A_63 = arith.constant 0 : i32
      %dma_wait3A_64 = tpu.memref_slice %arg2[%dma_wait3A_62, %dma_wait3A_63] : memref<10000x128xf32, #tpu.memory_space<hbm>> -> memref<10000x128xf32, #tpu.memory_space<hbm>>
      tpu.wait_indirect_dma semaphore(%arg13 : memref<!tpu.dma_semaphore, #tpu.memory_space<semaphore_mem>>) src(%dma_wait3A_64 : memref<10000x128xf32, #tpu.memory_space<hbm>>) dst(%arg10 : memref<96x128xf32, #tpu.memory_space<vmem>>)
      "tpu.region"() ({
        %run_scoped3A_65 = tpu.sem_alloc : memref<!tpu.dma_semaphore, #tpu.memory_space<semaphore_mem>>
        %dma_start3A_66 = arith.constant 0 : i32
        %dma_start3A_67 = tpu.memref_slice %arg8[%add3A_39, %dma_start3A_66] : memref<105x96xi32, #tpu.memory_space<vmem>> -> memref<1x96xi32, #tpu.memory_space<vmem>>
        %dma_start3A_68 = tpu.memref_squeeze %dma_start3A_67 : memref<1x96xi32, #tpu.memory_space<vmem>> -> memref<96xi32, #tpu.memory_space<vmem>>
        %dma_start3A_69 = arith.constant 0 : i32
        %dma_start3A_70 = arith.constant 0 : i32
        %dma_start3A_71 = tpu.memref_slice %arg11[%dma_start3A_69, %dma_start3A_70] : memref<10128x128xf32, #tpu.memory_space<vmem_shared>> -> memref<10128x128xf32, #tpu.memory_space<vmem_shared>>
        tpu.enqueue_indirect_dma source(%arg10 : memref<96x128xf32, #tpu.memory_space<vmem>>) target(%dma_start3A_71 : memref<10128x128xf32, #tpu.memory_space<vmem_shared>>) offsets(%dma_start3A_68 : memref<96xi32, #tpu.memory_space<vmem>>) semaphore(%run_scoped3A_65 : memref<!tpu.dma_semaphore, #tpu.memory_space<semaphore_mem>>) {add = true}
        %dma_wait3A_72 = arith.constant 0 : i32
        %dma_wait3A_73 = tpu.memref_slice %arg8[%add3A_39, %dma_wait3A_72] : memref<105x96xi32, #tpu.memory_space<vmem>> -> memref<1x96xi32, #tpu.memory_space<vmem>>
        %dma_wait3A_74 = tpu.memref_squeeze %dma_wait3A_73 : memref<1x96xi32, #tpu.memory_space<vmem>> -> memref<96xi32, #tpu.memory_space<vmem>>
        %dma_wait3A_75 = arith.constant 0 : i32
        %dma_wait3A_76 = arith.constant 0 : i32
        %dma_wait3A_77 = tpu.memref_slice %arg11[%dma_wait3A_75, %dma_wait3A_76] : memref<10128x128xf32, #tpu.memory_space<vmem_shared>> -> memref<10128x128xf32, #tpu.memory_space<vmem_shared>>
        tpu.wait_indirect_dma semaphore(%run_scoped3A_65 : memref<!tpu.dma_semaphore, #tpu.memory_space<semaphore_mem>>) src(%arg10 : memref<96x128xf32, #tpu.memory_space<vmem>>) dst(%dma_wait3A_77 : memref<10128x128xf32, #tpu.memory_space<vmem_shared>>)
        tpu.yield
      }) : () -> ()
    }
    %scan3A_19 = arith.constant 52 : i32
    %dma_wait3A = arith.constant 0 : i32
    %dma_wait3A_20 = tpu.memref_slice %arg7[%dma_wait3A] : memref<10080xi32, #tpu.memory_space<vmem>> -> memref<96xi32, #tpu.memory_space<vmem>>
    %dma_wait3A_21 = arith.constant 0 : i32
    %dma_wait3A_22 = arith.constant 0 : i32
    %dma_wait3A_23 = tpu.memref_slice %arg2[%dma_wait3A_21, %dma_wait3A_22] : memref<10000x128xf32, #tpu.memory_space<hbm>> -> memref<10000x128xf32, #tpu.memory_space<hbm>>
    tpu.wait_indirect_dma semaphore(%arg12 : memref<!tpu.dma_semaphore, #tpu.memory_space<semaphore_mem>>) src(%dma_wait3A_23 : memref<10000x128xf32, #tpu.memory_space<hbm>>) dst(%arg9 : memref<96x128xf32, #tpu.memory_space<vmem>>)
    %run_scoped3A = arith.constant 104 : i32
    "tpu.region"() ({
      %run_scoped3A_35 = tpu.sem_alloc : memref<!tpu.dma_semaphore, #tpu.memory_space<semaphore_mem>>
      %dma_start3A_36 = arith.constant 0 : i32
      %dma_start3A_37 = tpu.memref_slice %arg8[%run_scoped3A, %dma_start3A_36] : memref<105x96xi32, #tpu.memory_space<vmem>> -> memref<1x96xi32, #tpu.memory_space<vmem>>
      %dma_start3A_38 = tpu.memref_squeeze %dma_start3A_37 : memref<1x96xi32, #tpu.memory_space<vmem>> -> memref<96xi32, #tpu.memory_space<vmem>>
      %dma_start3A_39 = arith.constant 0 : i32
      %dma_start3A_40 = arith.constant 0 : i32
      %dma_start3A_41 = tpu.memref_slice %arg11[%dma_start3A_39, %dma_start3A_40] : memref<10128x128xf32, #tpu.memory_space<vmem_shared>> -> memref<10128x128xf32, #tpu.memory_space<vmem_shared>>
      tpu.enqueue_indirect_dma source(%arg9 : memref<96x128xf32, #tpu.memory_space<vmem>>) target(%dma_start3A_41 : memref<10128x128xf32, #tpu.memory_space<vmem_shared>>) offsets(%dma_start3A_38 : memref<96xi32, #tpu.memory_space<vmem>>) semaphore(%run_scoped3A_35 : memref<!tpu.dma_semaphore, #tpu.memory_space<semaphore_mem>>) {add = true}
      %dma_wait3A_42 = arith.constant 0 : i32
      %dma_wait3A_43 = tpu.memref_slice %arg8[%run_scoped3A, %dma_wait3A_42] : memref<105x96xi32, #tpu.memory_space<vmem>> -> memref<1x96xi32, #tpu.memory_space<vmem>>
      %dma_wait3A_44 = tpu.memref_squeeze %dma_wait3A_43 : memref<1x96xi32, #tpu.memory_space<vmem>> -> memref<96xi32, #tpu.memory_space<vmem>>
      %dma_wait3A_45 = arith.constant 0 : i32
      %dma_wait3A_46 = arith.constant 0 : i32
      %dma_wait3A_47 = tpu.memref_slice %arg11[%dma_wait3A_45, %dma_wait3A_46] : memref<10128x128xf32, #tpu.memory_space<vmem_shared>> -> memref<10128x128xf32, #tpu.memory_space<vmem_shared>>
      tpu.wait_indirect_dma semaphore(%run_scoped3A_35 : memref<!tpu.dma_semaphore, #tpu.memory_space<semaphore_mem>>) src(%arg9 : memref<96x128xf32, #tpu.memory_space<vmem>>) dst(%dma_wait3A_47 : memref<10128x128xf32, #tpu.memory_space<vmem_shared>>)
      tpu.yield
    }) : () -> ()
    %barrier3A_24 = arith.constant 0 : index
    tpu.barrier barrier_id(%barrier3A_24)
    %lt3A_25 = arith.constant 15 : i32
    %lt3A_26 = arith.cmpi slt, %arg1, %lt3A_25 : i32
    %convert_element_type3A_27 = arith.extui %lt3A_26 : i1 to i32
    %cond3A_28 = arith.constant 0 : i32
    %cond3A_29 = arith.cmpi ne, %convert_element_type3A_27, %cond3A_28 : i32
    scf.if %cond3A_29 {
      %mul3A_35 = arith.constant 624 : i32
      %mul3A_36 = arith.muli %arg1, %mul3A_35 : i32
      %mul3A_37 = arith.constant 10000 : i32
      %mul3A_38 = arith.muli %arg0, %mul3A_37 : i32
      %mul3A_39 = arith.constant 624 : i32
      %mul3A_40 = arith.muli %arg1, %mul3A_39 : i32
      %add3A_41 = arith.addi %mul3A_38, %mul3A_40 : i32
      "tpu.region"() ({
        %run_scoped3A_42 = tpu.sem_alloc : memref<!tpu.dma_semaphore, #tpu.memory_space<semaphore_mem>>
        %dma_start3A_43 = arith.constant 0 : i32
        %dma_start3A_44 = tpu.memref_slice %arg6[%add3A_41, %dma_start3A_43] : memref<20000x128xf32, #tpu.memory_space<hbm>> -> memref<624x128xf32, #tpu.memory_space<hbm>>
        %dma_start3A_45 = arith.constant 0 : i32
        %dma_start3A_46 = tpu.memref_slice %arg11[%mul3A_36, %dma_start3A_45] : memref<10128x128xf32, #tpu.memory_space<vmem_shared>> -> memref<624x128xf32, #tpu.memory_space<vmem_shared>>
        tpu.enqueue_dma source(%dma_start3A_46 : memref<624x128xf32, #tpu.memory_space<vmem_shared>>) target(%dma_start3A_44 : memref<624x128xf32, #tpu.memory_space<hbm>>) target_semaphore(%run_scoped3A_42 : memref<!tpu.dma_semaphore, #tpu.memory_space<semaphore_mem>>)
        %dma_wait3A_47 = arith.constant 0 : i32
        %dma_wait3A_48 = tpu.memref_slice %arg6[%add3A_41, %dma_wait3A_47] : memref<20000x128xf32, #tpu.memory_space<hbm>> -> memref<624x128xf32, #tpu.memory_space<hbm>>
        %dma_wait3A_49 = arith.constant 0 : i32
        %dma_wait3A_50 = tpu.memref_slice %arg11[%mul3A_36, %dma_wait3A_49] : memref<10128x128xf32, #tpu.memory_space<vmem_shared>> -> memref<624x128xf32, #tpu.memory_space<vmem_shared>>
        tpu.wait_dma2 semaphore(%run_scoped3A_42 : memref<!tpu.dma_semaphore, #tpu.memory_space<semaphore_mem>>) src(%dma_wait3A_50 : memref<624x128xf32, #tpu.memory_space<vmem_shared>>) dst(%dma_wait3A_48 : memref<624x128xf32, #tpu.memory_space<hbm>>)
        tpu.yield
      }) : () -> ()
    } else {
    }
    %eq3A_30 = arith.constant 15 : i32
    %eq3A_31 = arith.cmpi eq, %arg1, %eq3A_30 : i32
    %convert_element_type3A_32 = arith.extui %eq3A_31 : i1 to i32
    %cond3A_33 = arith.constant 0 : i32
    %cond3A_34 = arith.cmpi ne, %convert_element_type3A_32, %cond3A_33 : i32
    scf.if %cond3A_34 {
      %mul3A_35 = arith.constant 10000 : i32
      %mul3A_36 = arith.muli %arg0, %mul3A_35 : i32
      %add3A_37 = arith.constant 9360 : i32
      %add3A_38 = arith.addi %mul3A_36, %add3A_37 : i32
      "tpu.region"() ({
        %run_scoped3A_39 = tpu.sem_alloc : memref<!tpu.dma_semaphore, #tpu.memory_space<semaphore_mem>>
        %dma_start3A_40 = arith.constant 0 : i32
        %dma_start3A_41 = tpu.memref_slice %arg6[%add3A_38, %dma_start3A_40] : memref<20000x128xf32, #tpu.memory_space<hbm>> -> memref<640x128xf32, #tpu.memory_space<hbm>>
        %dma_start3A_42 = arith.constant 9360 : i32
        %dma_start3A_43 = arith.constant 0 : i32
        %dma_start3A_44 = tpu.memref_slice %arg11[%dma_start3A_42, %dma_start3A_43] : memref<10128x128xf32, #tpu.memory_space<vmem_shared>> -> memref<640x128xf32, #tpu.memory_space<vmem_shared>>
        tpu.enqueue_dma source(%dma_start3A_44 : memref<640x128xf32, #tpu.memory_space<vmem_shared>>) target(%dma_start3A_41 : memref<640x128xf32, #tpu.memory_space<hbm>>) target_semaphore(%run_scoped3A_39 : memref<!tpu.dma_semaphore, #tpu.memory_space<semaphore_mem>>)
        %dma_wait3A_45 = arith.constant 0 : i32
        %dma_wait3A_46 = tpu.memref_slice %arg6[%add3A_38, %dma_wait3A_45] : memref<20000x128xf32, #tpu.memory_space<hbm>> -> memref<640x128xf32, #tpu.memory_space<hbm>>
        %dma_wait3A_47 = arith.constant 9360 : i32
        %dma_wait3A_48 = arith.constant 0 : i32
        %dma_wait3A_49 = tpu.memref_slice %arg11[%dma_wait3A_47, %dma_wait3A_48] : memref<10128x128xf32, #tpu.memory_space<vmem_shared>> -> memref<640x128xf32, #tpu.memory_space<vmem_shared>>
        tpu.wait_dma2 semaphore(%run_scoped3A_39 : memref<!tpu.dma_semaphore, #tpu.memory_space<semaphore_mem>>) src(%dma_wait3A_49 : memref<640x128xf32, #tpu.memory_space<vmem_shared>>) dst(%dma_wait3A_46 : memref<640x128xf32, #tpu.memory_space<hbm>>)
        tpu.yield
      }) : () -> ()
    } else {
    }
    return
  }
}

#map = affine_map<(d0, d1) -> (0, 0)>
#map1 = affine_map<(d0, d1) -> (0)>
#map2 = affine_map<(d0, d1) -> (0, 0, 0)>
module attributes {stable_mosaic.version = 14 : i64} {
  func.func @body(%arg0: i32, %arg1: i32, %arg2: memref<10000x128xf32, #tpu.memory_space<hbm>>, %arg3: memref<167936xi32, #tpu.memory_space<hbm>>, %arg4: memref<32x41x128xi32, #tpu.memory_space<hbm>>, %arg5: memref<10000x128xf32, #tpu.memory_space<hbm>>, %arg6: memref<20000x128xf32, #tpu.memory_space<hbm>>, %arg7: memref<5248xi32, #tpu.memory_space<vmem>>, %arg8: memref<41x128xi32, #tpu.memory_space<vmem>>, %arg9: memref<128x128xf32, #tpu.memory_space<vmem>>, %arg10: memref<128x128xf32, #tpu.memory_space<vmem>>, %arg11: memref<10256x128xf32, #tpu.memory_space<vmem_shared>>, %arg12: memref<!tpu.dma_semaphore, #tpu.memory_space<semaphore_mem>>, %arg13: memref<!tpu.dma_semaphore, #tpu.memory_space<semaphore_mem>>) attributes {dimension_semantics = [#tpu.dimension_semantics<core_parallel>, #tpu.dimension_semantics<subcore_parallel>], iteration_bounds = array<i64: 2, 16>, scalar_prefetch = 0 : i64, scratch_operands = 7 : i64, tpu.core_type = #tpu.core_type<sc_vector_subcore>, window_params = [{transform_indices = #map}, {transform_indices = #map1}, {transform_indices = #map2}, {transform_indices = #map}, {transform_indices = #map}]} {
    %mul3A = arith.constant 16 : i32
    %mul3A_0 = arith.muli %arg0, %mul3A : i32
    %add3A = arith.addi %mul3A_0, %arg1 : i32
    %lt3A = arith.constant 15 : i32
    %lt3A_1 = arith.cmpi slt, %arg1, %lt3A : i32
    %convert_element_type3A = arith.extui %lt3A_1 : i1 to i32
    %cond3A = arith.constant 0 : i32
    %cond3A_2 = arith.cmpi ne, %convert_element_type3A, %cond3A : i32
    scf.if %cond3A_2 {
      %mul3A_35 = arith.constant 624 : i32
      %mul3A_36 = arith.muli %arg1, %mul3A_35 : i32
      %mul3A_37 = arith.constant 624 : i32
      %mul3A_38 = arith.muli %arg1, %mul3A_37 : i32
      "tpu.region"() ({
        %run_scoped3A_39 = tpu.sem_alloc : memref<!tpu.dma_semaphore, #tpu.memory_space<semaphore_mem>>
        %dma_start3A_40 = arith.constant 0 : i32
        %dma_start3A_41 = tpu.memref_slice %arg11[%mul3A_38, %dma_start3A_40] : memref<10256x128xf32, #tpu.memory_space<vmem_shared>> -> memref<624x128xf32, #tpu.memory_space<vmem_shared>>
        %dma_start3A_42 = arith.constant 0 : i32
        %dma_start3A_43 = tpu.memref_slice %arg5[%mul3A_36, %dma_start3A_42] : memref<10000x128xf32, #tpu.memory_space<hbm>> -> memref<624x128xf32, #tpu.memory_space<hbm>>
        tpu.enqueue_dma source(%dma_start3A_43 : memref<624x128xf32, #tpu.memory_space<hbm>>) target(%dma_start3A_41 : memref<624x128xf32, #tpu.memory_space<vmem_shared>>) target_semaphore(%run_scoped3A_39 : memref<!tpu.dma_semaphore, #tpu.memory_space<semaphore_mem>>)
        %dma_wait3A_44 = arith.constant 0 : i32
        %dma_wait3A_45 = tpu.memref_slice %arg11[%mul3A_38, %dma_wait3A_44] : memref<10256x128xf32, #tpu.memory_space<vmem_shared>> -> memref<624x128xf32, #tpu.memory_space<vmem_shared>>
        %dma_wait3A_46 = arith.constant 0 : i32
        %dma_wait3A_47 = tpu.memref_slice %arg5[%mul3A_36, %dma_wait3A_46] : memref<10000x128xf32, #tpu.memory_space<hbm>> -> memref<624x128xf32, #tpu.memory_space<hbm>>
        tpu.wait_dma2 semaphore(%run_scoped3A_39 : memref<!tpu.dma_semaphore, #tpu.memory_space<semaphore_mem>>) src(%dma_wait3A_47 : memref<624x128xf32, #tpu.memory_space<hbm>>) dst(%dma_wait3A_45 : memref<624x128xf32, #tpu.memory_space<vmem_shared>>)
        tpu.yield
      }) : () -> ()
    } else {
    }
    %eq3A = arith.constant 15 : i32
    %eq3A_3 = arith.cmpi eq, %arg1, %eq3A : i32
    %convert_element_type3A_4 = arith.extui %eq3A_3 : i1 to i32
    %cond3A_5 = arith.constant 0 : i32
    %cond3A_6 = arith.cmpi ne, %convert_element_type3A_4, %cond3A_5 : i32
    scf.if %cond3A_6 {
      "tpu.region"() ({
        %run_scoped3A_35 = tpu.sem_alloc : memref<!tpu.dma_semaphore, #tpu.memory_space<semaphore_mem>>
        %dma_start3A_36 = arith.constant 9360 : i32
        %dma_start3A_37 = arith.constant 0 : i32
        %dma_start3A_38 = tpu.memref_slice %arg11[%dma_start3A_36, %dma_start3A_37] : memref<10256x128xf32, #tpu.memory_space<vmem_shared>> -> memref<640x128xf32, #tpu.memory_space<vmem_shared>>
        %dma_start3A_39 = arith.constant 9360 : i32
        %dma_start3A_40 = arith.constant 0 : i32
        %dma_start3A_41 = tpu.memref_slice %arg5[%dma_start3A_39, %dma_start3A_40] : memref<10000x128xf32, #tpu.memory_space<hbm>> -> memref<640x128xf32, #tpu.memory_space<hbm>>
        tpu.enqueue_dma source(%dma_start3A_41 : memref<640x128xf32, #tpu.memory_space<hbm>>) target(%dma_start3A_38 : memref<640x128xf32, #tpu.memory_space<vmem_shared>>) target_semaphore(%run_scoped3A_35 : memref<!tpu.dma_semaphore, #tpu.memory_space<semaphore_mem>>)
        %dma_wait3A_42 = arith.constant 9360 : i32
        %dma_wait3A_43 = arith.constant 0 : i32
        %dma_wait3A_44 = tpu.memref_slice %arg11[%dma_wait3A_42, %dma_wait3A_43] : memref<10256x128xf32, #tpu.memory_space<vmem_shared>> -> memref<640x128xf32, #tpu.memory_space<vmem_shared>>
        %dma_wait3A_45 = arith.constant 9360 : i32
        %dma_wait3A_46 = arith.constant 0 : i32
        %dma_wait3A_47 = tpu.memref_slice %arg5[%dma_wait3A_45, %dma_wait3A_46] : memref<10000x128xf32, #tpu.memory_space<hbm>> -> memref<640x128xf32, #tpu.memory_space<hbm>>
        tpu.wait_dma2 semaphore(%run_scoped3A_35 : memref<!tpu.dma_semaphore, #tpu.memory_space<semaphore_mem>>) src(%dma_wait3A_47 : memref<640x128xf32, #tpu.memory_space<hbm>>) dst(%dma_wait3A_44 : memref<640x128xf32, #tpu.memory_space<vmem_shared>>)
        tpu.yield
      }) : () -> ()
    } else {
    }
    %mul3A_7 = arith.constant 41 : i32
    %mul3A_8 = arith.muli %add3A, %mul3A_7 : i32
    %mul3A_9 = arith.constant 128 : i32
    %mul3A_10 = arith.muli %mul3A_8, %mul3A_9 : i32
    "tpu.region"() ({
      %run_scoped3A_35 = tpu.sem_alloc : memref<!tpu.dma_semaphore, #tpu.memory_space<semaphore_mem>>
      %dma_start3A_36 = tpu.memref_slice %arg3[%mul3A_10] : memref<167936xi32, #tpu.memory_space<hbm>> -> memref<5248xi32, #tpu.memory_space<hbm>>
      %dma_start3A_37 = tpu.memref_slice %arg3[%mul3A_10] : memref<167936xi32, #tpu.memory_space<hbm>> -> memref<5248xi32, #tpu.memory_space<hbm>>
      tpu.enqueue_dma source(%dma_start3A_37 : memref<5248xi32, #tpu.memory_space<hbm>>) target(%arg7 : memref<5248xi32, #tpu.memory_space<vmem>>) target_semaphore(%run_scoped3A_35 : memref<!tpu.dma_semaphore, #tpu.memory_space<semaphore_mem>>)
      %dma_wait3A_38 = tpu.memref_slice %arg3[%mul3A_10] : memref<167936xi32, #tpu.memory_space<hbm>> -> memref<5248xi32, #tpu.memory_space<hbm>>
      %dma_wait3A_39 = tpu.memref_slice %arg3[%mul3A_10] : memref<167936xi32, #tpu.memory_space<hbm>> -> memref<5248xi32, #tpu.memory_space<hbm>>
      tpu.wait_dma2 semaphore(%run_scoped3A_35 : memref<!tpu.dma_semaphore, #tpu.memory_space<semaphore_mem>>) src(%dma_wait3A_39 : memref<5248xi32, #tpu.memory_space<hbm>>) dst(%arg7 : memref<5248xi32, #tpu.memory_space<vmem>>)
      tpu.yield
    }) : () -> ()
    "tpu.region"() ({
      %run_scoped3A_35 = tpu.sem_alloc : memref<!tpu.dma_semaphore, #tpu.memory_space<semaphore_mem>>
      %dma_start3A_36 = arith.constant 0 : i32
      %dma_start3A_37 = arith.constant 0 : i32
      %dma_start3A_38 = tpu.memref_slice %arg4[%add3A, %dma_start3A_36, %dma_start3A_37] : memref<32x41x128xi32, #tpu.memory_space<hbm>> -> memref<1x41x128xi32, #tpu.memory_space<hbm>>
      %dma_start3A_39 = tpu.memref_squeeze %dma_start3A_38 : memref<1x41x128xi32, #tpu.memory_space<hbm>> -> memref<41x128xi32, #tpu.memory_space<hbm>>
      %dma_start3A_40 = arith.constant 0 : i32
      %dma_start3A_41 = arith.constant 0 : i32
      %dma_start3A_42 = tpu.memref_slice %arg4[%add3A, %dma_start3A_40, %dma_start3A_41] : memref<32x41x128xi32, #tpu.memory_space<hbm>> -> memref<1x41x128xi32, #tpu.memory_space<hbm>>
      %dma_start3A_43 = tpu.memref_squeeze %dma_start3A_42 : memref<1x41x128xi32, #tpu.memory_space<hbm>> -> memref<41x128xi32, #tpu.memory_space<hbm>>
      tpu.enqueue_dma source(%dma_start3A_43 : memref<41x128xi32, #tpu.memory_space<hbm>>) target(%arg8 : memref<41x128xi32, #tpu.memory_space<vmem>>) target_semaphore(%run_scoped3A_35 : memref<!tpu.dma_semaphore, #tpu.memory_space<semaphore_mem>>)
      %dma_wait3A_44 = arith.constant 0 : i32
      %dma_wait3A_45 = arith.constant 0 : i32
      %dma_wait3A_46 = tpu.memref_slice %arg4[%add3A, %dma_wait3A_44, %dma_wait3A_45] : memref<32x41x128xi32, #tpu.memory_space<hbm>> -> memref<1x41x128xi32, #tpu.memory_space<hbm>>
      %dma_wait3A_47 = tpu.memref_squeeze %dma_wait3A_46 : memref<1x41x128xi32, #tpu.memory_space<hbm>> -> memref<41x128xi32, #tpu.memory_space<hbm>>
      %dma_wait3A_48 = arith.constant 0 : i32
      %dma_wait3A_49 = arith.constant 0 : i32
      %dma_wait3A_50 = tpu.memref_slice %arg4[%add3A, %dma_wait3A_48, %dma_wait3A_49] : memref<32x41x128xi32, #tpu.memory_space<hbm>> -> memref<1x41x128xi32, #tpu.memory_space<hbm>>
      %dma_wait3A_51 = tpu.memref_squeeze %dma_wait3A_50 : memref<1x41x128xi32, #tpu.memory_space<hbm>> -> memref<41x128xi32, #tpu.memory_space<hbm>>
      tpu.wait_dma2 semaphore(%run_scoped3A_35 : memref<!tpu.dma_semaphore, #tpu.memory_space<semaphore_mem>>) src(%dma_wait3A_51 : memref<41x128xi32, #tpu.memory_space<hbm>>) dst(%arg8 : memref<41x128xi32, #tpu.memory_space<vmem>>)
      tpu.yield
    }) : () -> ()
    %barrier3A = arith.constant 0 : index
    tpu.barrier barrier_id(%barrier3A)
    %dma_start3A = arith.constant 0 : i32
    %dma_start3A_11 = tpu.memref_slice %arg7[%dma_start3A] : memref<5248xi32, #tpu.memory_space<vmem>> -> memref<128xi32, #tpu.memory_space<vmem>>
    %dma_start3A_12 = arith.constant 0 : i32
    %dma_start3A_13 = arith.constant 0 : i32
    %dma_start3A_14 = tpu.memref_slice %arg2[%dma_start3A_12, %dma_start3A_13] : memref<10000x128xf32, #tpu.memory_space<hbm>> -> memref<10000x128xf32, #tpu.memory_space<hbm>>
    tpu.enqueue_indirect_dma source(%dma_start3A_14 : memref<10000x128xf32, #tpu.memory_space<hbm>>) target(%arg9 : memref<128x128xf32, #tpu.memory_space<vmem>>) offsets(%dma_start3A_11 : memref<128xi32, #tpu.memory_space<vmem>>) semaphore(%arg12 : memref<!tpu.dma_semaphore, #tpu.memory_space<semaphore_mem>>)
    %scan3A = arith.constant 0 : i32
    %scan3A_15 = arith.constant 0 : i32
    %scan3A_16 = arith.constant 20 : i32
    %scan3A_17 = arith.addi %scan3A_15, %scan3A_16 : i32
    %scan3A_18 = arith.constant 1 : i32
    scf.for %scan3A_35 = %scan3A_15 to %scan3A_17 step %scan3A_18  : i32 {
      %mul3A_36 = arith.constant 2 : i32
      %mul3A_37 = arith.muli %mul3A_36, %scan3A_35 : i32
      %add3A_38 = arith.constant 1 : i32
      %add3A_39 = arith.addi %mul3A_37, %add3A_38 : i32
      %mul3A_40 = arith.constant 128 : i32
      %mul3A_41 = arith.muli %add3A_39, %mul3A_40 : i32
      %dma_start3A_42 = tpu.memref_slice %arg7[%mul3A_41] : memref<5248xi32, #tpu.memory_space<vmem>> -> memref<128xi32, #tpu.memory_space<vmem>>
      %dma_start3A_43 = arith.constant 0 : i32
      %dma_start3A_44 = arith.constant 0 : i32
      %dma_start3A_45 = tpu.memref_slice %arg2[%dma_start3A_43, %dma_start3A_44] : memref<10000x128xf32, #tpu.memory_space<hbm>> -> memref<10000x128xf32, #tpu.memory_space<hbm>>
      tpu.enqueue_indirect_dma source(%dma_start3A_45 : memref<10000x128xf32, #tpu.memory_space<hbm>>) target(%arg10 : memref<128x128xf32, #tpu.memory_space<vmem>>) offsets(%dma_start3A_42 : memref<128xi32, #tpu.memory_space<vmem>>) semaphore(%arg13 : memref<!tpu.dma_semaphore, #tpu.memory_space<semaphore_mem>>)
      %dma_wait3A_46 = arith.constant 0 : i32
      %dma_wait3A_47 = tpu.memref_slice %arg7[%dma_wait3A_46] : memref<5248xi32, #tpu.memory_space<vmem>> -> memref<128xi32, #tpu.memory_space<vmem>>
      %dma_wait3A_48 = arith.constant 0 : i32
      %dma_wait3A_49 = arith.constant 0 : i32
      %dma_wait3A_50 = tpu.memref_slice %arg2[%dma_wait3A_48, %dma_wait3A_49] : memref<10000x128xf32, #tpu.memory_space<hbm>> -> memref<10000x128xf32, #tpu.memory_space<hbm>>
      tpu.wait_indirect_dma semaphore(%arg12 : memref<!tpu.dma_semaphore, #tpu.memory_space<semaphore_mem>>) src(%dma_wait3A_50 : memref<10000x128xf32, #tpu.memory_space<hbm>>) dst(%arg9 : memref<128x128xf32, #tpu.memory_space<vmem>>)
      %sub3A = arith.constant 1 : i32
      %sub3A_51 = arith.subi %add3A_39, %sub3A : i32
      "tpu.region"() ({
        %run_scoped3A_65 = tpu.sem_alloc : memref<!tpu.dma_semaphore, #tpu.memory_space<semaphore_mem>>
        %dma_start3A_66 = arith.constant 0 : i32
        %dma_start3A_67 = tpu.memref_slice %arg8[%sub3A_51, %dma_start3A_66] : memref<41x128xi32, #tpu.memory_space<vmem>> -> memref<1x128xi32, #tpu.memory_space<vmem>>
        %dma_start3A_68 = tpu.memref_squeeze %dma_start3A_67 : memref<1x128xi32, #tpu.memory_space<vmem>> -> memref<128xi32, #tpu.memory_space<vmem>>
        %dma_start3A_69 = arith.constant 0 : i32
        %dma_start3A_70 = arith.constant 0 : i32
        %dma_start3A_71 = tpu.memref_slice %arg11[%dma_start3A_69, %dma_start3A_70] : memref<10256x128xf32, #tpu.memory_space<vmem_shared>> -> memref<10256x128xf32, #tpu.memory_space<vmem_shared>>
        tpu.enqueue_indirect_dma source(%arg9 : memref<128x128xf32, #tpu.memory_space<vmem>>) target(%dma_start3A_71 : memref<10256x128xf32, #tpu.memory_space<vmem_shared>>) offsets(%dma_start3A_68 : memref<128xi32, #tpu.memory_space<vmem>>) semaphore(%run_scoped3A_65 : memref<!tpu.dma_semaphore, #tpu.memory_space<semaphore_mem>>) {add = true}
        %dma_wait3A_72 = arith.constant 0 : i32
        %dma_wait3A_73 = tpu.memref_slice %arg8[%sub3A_51, %dma_wait3A_72] : memref<41x128xi32, #tpu.memory_space<vmem>> -> memref<1x128xi32, #tpu.memory_space<vmem>>
        %dma_wait3A_74 = tpu.memref_squeeze %dma_wait3A_73 : memref<1x128xi32, #tpu.memory_space<vmem>> -> memref<128xi32, #tpu.memory_space<vmem>>
        %dma_wait3A_75 = arith.constant 0 : i32
        %dma_wait3A_76 = arith.constant 0 : i32
        %dma_wait3A_77 = tpu.memref_slice %arg11[%dma_wait3A_75, %dma_wait3A_76] : memref<10256x128xf32, #tpu.memory_space<vmem_shared>> -> memref<10256x128xf32, #tpu.memory_space<vmem_shared>>
        tpu.wait_indirect_dma semaphore(%run_scoped3A_65 : memref<!tpu.dma_semaphore, #tpu.memory_space<semaphore_mem>>) src(%arg9 : memref<128x128xf32, #tpu.memory_space<vmem>>) dst(%dma_wait3A_77 : memref<10256x128xf32, #tpu.memory_space<vmem_shared>>)
        tpu.yield
      }) : () -> ()
      %add3A_52 = arith.constant 1 : i32
      %add3A_53 = arith.addi %add3A_39, %add3A_52 : i32
      %mul3A_54 = arith.constant 128 : i32
      %mul3A_55 = arith.muli %add3A_53, %mul3A_54 : i32
      %dma_start3A_56 = tpu.memref_slice %arg7[%mul3A_55] : memref<5248xi32, #tpu.memory_space<vmem>> -> memref<128xi32, #tpu.memory_space<vmem>>
      %dma_start3A_57 = arith.constant 0 : i32
      %dma_start3A_58 = arith.constant 0 : i32
      %dma_start3A_59 = tpu.memref_slice %arg2[%dma_start3A_57, %dma_start3A_58] : memref<10000x128xf32, #tpu.memory_space<hbm>> -> memref<10000x128xf32, #tpu.memory_space<hbm>>
      tpu.enqueue_indirect_dma source(%dma_start3A_59 : memref<10000x128xf32, #tpu.memory_space<hbm>>) target(%arg9 : memref<128x128xf32, #tpu.memory_space<vmem>>) offsets(%dma_start3A_56 : memref<128xi32, #tpu.memory_space<vmem>>) semaphore(%arg12 : memref<!tpu.dma_semaphore, #tpu.memory_space<semaphore_mem>>)
      %dma_wait3A_60 = arith.constant 0 : i32
      %dma_wait3A_61 = tpu.memref_slice %arg7[%dma_wait3A_60] : memref<5248xi32, #tpu.memory_space<vmem>> -> memref<128xi32, #tpu.memory_space<vmem>>
      %dma_wait3A_62 = arith.constant 0 : i32
      %dma_wait3A_63 = arith.constant 0 : i32
      %dma_wait3A_64 = tpu.memref_slice %arg2[%dma_wait3A_62, %dma_wait3A_63] : memref<10000x128xf32, #tpu.memory_space<hbm>> -> memref<10000x128xf32, #tpu.memory_space<hbm>>
      tpu.wait_indirect_dma semaphore(%arg13 : memref<!tpu.dma_semaphore, #tpu.memory_space<semaphore_mem>>) src(%dma_wait3A_64 : memref<10000x128xf32, #tpu.memory_space<hbm>>) dst(%arg10 : memref<128x128xf32, #tpu.memory_space<vmem>>)
      "tpu.region"() ({
        %run_scoped3A_65 = tpu.sem_alloc : memref<!tpu.dma_semaphore, #tpu.memory_space<semaphore_mem>>
        %dma_start3A_66 = arith.constant 0 : i32
        %dma_start3A_67 = tpu.memref_slice %arg8[%add3A_39, %dma_start3A_66] : memref<41x128xi32, #tpu.memory_space<vmem>> -> memref<1x128xi32, #tpu.memory_space<vmem>>
        %dma_start3A_68 = tpu.memref_squeeze %dma_start3A_67 : memref<1x128xi32, #tpu.memory_space<vmem>> -> memref<128xi32, #tpu.memory_space<vmem>>
        %dma_start3A_69 = arith.constant 0 : i32
        %dma_start3A_70 = arith.constant 0 : i32
        %dma_start3A_71 = tpu.memref_slice %arg11[%dma_start3A_69, %dma_start3A_70] : memref<10256x128xf32, #tpu.memory_space<vmem_shared>> -> memref<10256x128xf32, #tpu.memory_space<vmem_shared>>
        tpu.enqueue_indirect_dma source(%arg10 : memref<128x128xf32, #tpu.memory_space<vmem>>) target(%dma_start3A_71 : memref<10256x128xf32, #tpu.memory_space<vmem_shared>>) offsets(%dma_start3A_68 : memref<128xi32, #tpu.memory_space<vmem>>) semaphore(%run_scoped3A_65 : memref<!tpu.dma_semaphore, #tpu.memory_space<semaphore_mem>>) {add = true}
        %dma_wait3A_72 = arith.constant 0 : i32
        %dma_wait3A_73 = tpu.memref_slice %arg8[%add3A_39, %dma_wait3A_72] : memref<41x128xi32, #tpu.memory_space<vmem>> -> memref<1x128xi32, #tpu.memory_space<vmem>>
        %dma_wait3A_74 = tpu.memref_squeeze %dma_wait3A_73 : memref<1x128xi32, #tpu.memory_space<vmem>> -> memref<128xi32, #tpu.memory_space<vmem>>
        %dma_wait3A_75 = arith.constant 0 : i32
        %dma_wait3A_76 = arith.constant 0 : i32
        %dma_wait3A_77 = tpu.memref_slice %arg11[%dma_wait3A_75, %dma_wait3A_76] : memref<10256x128xf32, #tpu.memory_space<vmem_shared>> -> memref<10256x128xf32, #tpu.memory_space<vmem_shared>>
        tpu.wait_indirect_dma semaphore(%run_scoped3A_65 : memref<!tpu.dma_semaphore, #tpu.memory_space<semaphore_mem>>) src(%arg10 : memref<128x128xf32, #tpu.memory_space<vmem>>) dst(%dma_wait3A_77 : memref<10256x128xf32, #tpu.memory_space<vmem_shared>>)
        tpu.yield
      }) : () -> ()
    }
    %scan3A_19 = arith.constant 20 : i32
    %dma_wait3A = arith.constant 0 : i32
    %dma_wait3A_20 = tpu.memref_slice %arg7[%dma_wait3A] : memref<5248xi32, #tpu.memory_space<vmem>> -> memref<128xi32, #tpu.memory_space<vmem>>
    %dma_wait3A_21 = arith.constant 0 : i32
    %dma_wait3A_22 = arith.constant 0 : i32
    %dma_wait3A_23 = tpu.memref_slice %arg2[%dma_wait3A_21, %dma_wait3A_22] : memref<10000x128xf32, #tpu.memory_space<hbm>> -> memref<10000x128xf32, #tpu.memory_space<hbm>>
    tpu.wait_indirect_dma semaphore(%arg12 : memref<!tpu.dma_semaphore, #tpu.memory_space<semaphore_mem>>) src(%dma_wait3A_23 : memref<10000x128xf32, #tpu.memory_space<hbm>>) dst(%arg9 : memref<128x128xf32, #tpu.memory_space<vmem>>)
    %run_scoped3A = arith.constant 40 : i32
    "tpu.region"() ({
      %run_scoped3A_35 = tpu.sem_alloc : memref<!tpu.dma_semaphore, #tpu.memory_space<semaphore_mem>>
      %dma_start3A_36 = arith.constant 0 : i32
      %dma_start3A_37 = tpu.memref_slice %arg8[%run_scoped3A, %dma_start3A_36] : memref<41x128xi32, #tpu.memory_space<vmem>> -> memref<1x128xi32, #tpu.memory_space<vmem>>
      %dma_start3A_38 = tpu.memref_squeeze %dma_start3A_37 : memref<1x128xi32, #tpu.memory_space<vmem>> -> memref<128xi32, #tpu.memory_space<vmem>>
      %dma_start3A_39 = arith.constant 0 : i32
      %dma_start3A_40 = arith.constant 0 : i32
      %dma_start3A_41 = tpu.memref_slice %arg11[%dma_start3A_39, %dma_start3A_40] : memref<10256x128xf32, #tpu.memory_space<vmem_shared>> -> memref<10256x128xf32, #tpu.memory_space<vmem_shared>>
      tpu.enqueue_indirect_dma source(%arg9 : memref<128x128xf32, #tpu.memory_space<vmem>>) target(%dma_start3A_41 : memref<10256x128xf32, #tpu.memory_space<vmem_shared>>) offsets(%dma_start3A_38 : memref<128xi32, #tpu.memory_space<vmem>>) semaphore(%run_scoped3A_35 : memref<!tpu.dma_semaphore, #tpu.memory_space<semaphore_mem>>) {add = true}
      %dma_wait3A_42 = arith.constant 0 : i32
      %dma_wait3A_43 = tpu.memref_slice %arg8[%run_scoped3A, %dma_wait3A_42] : memref<41x128xi32, #tpu.memory_space<vmem>> -> memref<1x128xi32, #tpu.memory_space<vmem>>
      %dma_wait3A_44 = tpu.memref_squeeze %dma_wait3A_43 : memref<1x128xi32, #tpu.memory_space<vmem>> -> memref<128xi32, #tpu.memory_space<vmem>>
      %dma_wait3A_45 = arith.constant 0 : i32
      %dma_wait3A_46 = arith.constant 0 : i32
      %dma_wait3A_47 = tpu.memref_slice %arg11[%dma_wait3A_45, %dma_wait3A_46] : memref<10256x128xf32, #tpu.memory_space<vmem_shared>> -> memref<10256x128xf32, #tpu.memory_space<vmem_shared>>
      tpu.wait_indirect_dma semaphore(%run_scoped3A_35 : memref<!tpu.dma_semaphore, #tpu.memory_space<semaphore_mem>>) src(%arg9 : memref<128x128xf32, #tpu.memory_space<vmem>>) dst(%dma_wait3A_47 : memref<10256x128xf32, #tpu.memory_space<vmem_shared>>)
      tpu.yield
    }) : () -> ()
    %barrier3A_24 = arith.constant 0 : index
    tpu.barrier barrier_id(%barrier3A_24)
    %lt3A_25 = arith.constant 15 : i32
    %lt3A_26 = arith.cmpi slt, %arg1, %lt3A_25 : i32
    %convert_element_type3A_27 = arith.extui %lt3A_26 : i1 to i32
    %cond3A_28 = arith.constant 0 : i32
    %cond3A_29 = arith.cmpi ne, %convert_element_type3A_27, %cond3A_28 : i32
    scf.if %cond3A_29 {
      %mul3A_35 = arith.constant 624 : i32
      %mul3A_36 = arith.muli %arg1, %mul3A_35 : i32
      %mul3A_37 = arith.constant 10000 : i32
      %mul3A_38 = arith.muli %arg0, %mul3A_37 : i32
      %mul3A_39 = arith.constant 624 : i32
      %mul3A_40 = arith.muli %arg1, %mul3A_39 : i32
      %add3A_41 = arith.addi %mul3A_38, %mul3A_40 : i32
      "tpu.region"() ({
        %run_scoped3A_42 = tpu.sem_alloc : memref<!tpu.dma_semaphore, #tpu.memory_space<semaphore_mem>>
        %dma_start3A_43 = arith.constant 0 : i32
        %dma_start3A_44 = tpu.memref_slice %arg6[%add3A_41, %dma_start3A_43] : memref<20000x128xf32, #tpu.memory_space<hbm>> -> memref<624x128xf32, #tpu.memory_space<hbm>>
        %dma_start3A_45 = arith.constant 0 : i32
        %dma_start3A_46 = tpu.memref_slice %arg11[%mul3A_36, %dma_start3A_45] : memref<10256x128xf32, #tpu.memory_space<vmem_shared>> -> memref<624x128xf32, #tpu.memory_space<vmem_shared>>
        tpu.enqueue_dma source(%dma_start3A_46 : memref<624x128xf32, #tpu.memory_space<vmem_shared>>) target(%dma_start3A_44 : memref<624x128xf32, #tpu.memory_space<hbm>>) target_semaphore(%run_scoped3A_42 : memref<!tpu.dma_semaphore, #tpu.memory_space<semaphore_mem>>)
        %dma_wait3A_47 = arith.constant 0 : i32
        %dma_wait3A_48 = tpu.memref_slice %arg6[%add3A_41, %dma_wait3A_47] : memref<20000x128xf32, #tpu.memory_space<hbm>> -> memref<624x128xf32, #tpu.memory_space<hbm>>
        %dma_wait3A_49 = arith.constant 0 : i32
        %dma_wait3A_50 = tpu.memref_slice %arg11[%mul3A_36, %dma_wait3A_49] : memref<10256x128xf32, #tpu.memory_space<vmem_shared>> -> memref<624x128xf32, #tpu.memory_space<vmem_shared>>
        tpu.wait_dma2 semaphore(%run_scoped3A_42 : memref<!tpu.dma_semaphore, #tpu.memory_space<semaphore_mem>>) src(%dma_wait3A_50 : memref<624x128xf32, #tpu.memory_space<vmem_shared>>) dst(%dma_wait3A_48 : memref<624x128xf32, #tpu.memory_space<hbm>>)
        tpu.yield
      }) : () -> ()
    } else {
    }
    %eq3A_30 = arith.constant 15 : i32
    %eq3A_31 = arith.cmpi eq, %arg1, %eq3A_30 : i32
    %convert_element_type3A_32 = arith.extui %eq3A_31 : i1 to i32
    %cond3A_33 = arith.constant 0 : i32
    %cond3A_34 = arith.cmpi ne, %convert_element_type3A_32, %cond3A_33 : i32
    scf.if %cond3A_34 {
      %mul3A_35 = arith.constant 10000 : i32
      %mul3A_36 = arith.muli %arg0, %mul3A_35 : i32
      %add3A_37 = arith.constant 9360 : i32
      %add3A_38 = arith.addi %mul3A_36, %add3A_37 : i32
      "tpu.region"() ({
        %run_scoped3A_39 = tpu.sem_alloc : memref<!tpu.dma_semaphore, #tpu.memory_space<semaphore_mem>>
        %dma_start3A_40 = arith.constant 0 : i32
        %dma_start3A_41 = tpu.memref_slice %arg6[%add3A_38, %dma_start3A_40] : memref<20000x128xf32, #tpu.memory_space<hbm>> -> memref<640x128xf32, #tpu.memory_space<hbm>>
        %dma_start3A_42 = arith.constant 9360 : i32
        %dma_start3A_43 = arith.constant 0 : i32
        %dma_start3A_44 = tpu.memref_slice %arg11[%dma_start3A_42, %dma_start3A_43] : memref<10256x128xf32, #tpu.memory_space<vmem_shared>> -> memref<640x128xf32, #tpu.memory_space<vmem_shared>>
        tpu.enqueue_dma source(%dma_start3A_44 : memref<640x128xf32, #tpu.memory_space<vmem_shared>>) target(%dma_start3A_41 : memref<640x128xf32, #tpu.memory_space<hbm>>) target_semaphore(%run_scoped3A_39 : memref<!tpu.dma_semaphore, #tpu.memory_space<semaphore_mem>>)
        %dma_wait3A_45 = arith.constant 0 : i32
        %dma_wait3A_46 = tpu.memref_slice %arg6[%add3A_38, %dma_wait3A_45] : memref<20000x128xf32, #tpu.memory_space<hbm>> -> memref<640x128xf32, #tpu.memory_space<hbm>>
        %dma_wait3A_47 = arith.constant 9360 : i32
        %dma_wait3A_48 = arith.constant 0 : i32
        %dma_wait3A_49 = tpu.memref_slice %arg11[%dma_wait3A_47, %dma_wait3A_48] : memref<10256x128xf32, #tpu.memory_space<vmem_shared>> -> memref<640x128xf32, #tpu.memory_space<vmem_shared>>
        tpu.wait_dma2 semaphore(%run_scoped3A_39 : memref<!tpu.dma_semaphore, #tpu.memory_space<semaphore_mem>>) src(%dma_wait3A_49 : memref<640x128xf32, #tpu.memory_space<vmem_shared>>) dst(%dma_wait3A_46 : memref<640x128xf32, #tpu.memory_space<hbm>>)
        tpu.yield
      }) : () -> ()
    } else {
    }
    return
  }
}

#map = affine_map<(d0, d1) -> (0, 0)>
#map1 = affine_map<(d0, d1) -> (0)>
#map2 = affine_map<(d0, d1) -> (0, 0, 0)>
module attributes {stable_mosaic.version = 14 : i64} {
  func.func @body(%arg0: i32, %arg1: i32, %arg2: memref<10000x128xf32, #tpu.memory_space<hbm>>, %arg3: memref<322560xi32, #tpu.memory_space<hbm>>, %arg4: memref<32x105x96xi32, #tpu.memory_space<hbm>>, %arg5: memref<10000x128xf32, #tpu.memory_space<hbm>>, %arg6: memref<20000x128xf32, #tpu.memory_space<hbm>>, %arg7: memref<10080xi32, #tpu.memory_space<vmem>>, %arg8: memref<105x96xi32, #tpu.memory_space<vmem>>, %arg9: memref<96x128xf32, #tpu.memory_space<vmem>>, %arg10: memref<96x128xf32, #tpu.memory_space<vmem>>, %arg11: memref<10128x128xf32, #tpu.memory_space<vmem_shared>>, %arg12: memref<!tpu.dma_semaphore, #tpu.memory_space<semaphore_mem>>, %arg13: memref<!tpu.dma_semaphore, #tpu.memory_space<semaphore_mem>>) attributes {dimension_semantics = [#tpu.dimension_semantics<core_parallel>, #tpu.dimension_semantics<subcore_parallel>], iteration_bounds = array<i64: 2, 16>, scalar_prefetch = 0 : i64, scratch_operands = 7 : i64, tpu.core_type = #tpu.core_type<sc_vector_subcore>, window_params = [{transform_indices = #map}, {transform_indices = #map1}, {transform_indices = #map2}, {transform_indices = #map}, {transform_indices = #map}]} {
    %mul3A = arith.constant 16 : i32
    %mul3A_0 = arith.muli %arg0, %mul3A : i32
    %add3A = arith.addi %mul3A_0, %arg1 : i32
    %lt3A = arith.constant 15 : i32
    %lt3A_1 = arith.cmpi slt, %arg1, %lt3A : i32
    %convert_element_type3A = arith.extui %lt3A_1 : i1 to i32
    %cond3A = arith.constant 0 : i32
    %cond3A_2 = arith.cmpi ne, %convert_element_type3A, %cond3A : i32
    scf.if %cond3A_2 {
      %mul3A_35 = arith.constant 624 : i32
      %mul3A_36 = arith.muli %arg1, %mul3A_35 : i32
      %mul3A_37 = arith.constant 624 : i32
      %mul3A_38 = arith.muli %arg1, %mul3A_37 : i32
      "tpu.region"() ({
        %run_scoped3A_39 = tpu.sem_alloc : memref<!tpu.dma_semaphore, #tpu.memory_space<semaphore_mem>>
        %dma_start3A_40 = arith.constant 0 : i32
        %dma_start3A_41 = tpu.memref_slice %arg11[%mul3A_38, %dma_start3A_40] : memref<10128x128xf32, #tpu.memory_space<vmem_shared>> -> memref<624x128xf32, #tpu.memory_space<vmem_shared>>
        %dma_start3A_42 = arith.constant 0 : i32
        %dma_start3A_43 = tpu.memref_slice %arg5[%mul3A_36, %dma_start3A_42] : memref<10000x128xf32, #tpu.memory_space<hbm>> -> memref<624x128xf32, #tpu.memory_space<hbm>>
        tpu.enqueue_dma source(%dma_start3A_43 : memref<624x128xf32, #tpu.memory_space<hbm>>) target(%dma_start3A_41 : memref<624x128xf32, #tpu.memory_space<vmem_shared>>) target_semaphore(%run_scoped3A_39 : memref<!tpu.dma_semaphore, #tpu.memory_space<semaphore_mem>>)
        %dma_wait3A_44 = arith.constant 0 : i32
        %dma_wait3A_45 = tpu.memref_slice %arg11[%mul3A_38, %dma_wait3A_44] : memref<10128x128xf32, #tpu.memory_space<vmem_shared>> -> memref<624x128xf32, #tpu.memory_space<vmem_shared>>
        %dma_wait3A_46 = arith.constant 0 : i32
        %dma_wait3A_47 = tpu.memref_slice %arg5[%mul3A_36, %dma_wait3A_46] : memref<10000x128xf32, #tpu.memory_space<hbm>> -> memref<624x128xf32, #tpu.memory_space<hbm>>
        tpu.wait_dma2 semaphore(%run_scoped3A_39 : memref<!tpu.dma_semaphore, #tpu.memory_space<semaphore_mem>>) src(%dma_wait3A_47 : memref<624x128xf32, #tpu.memory_space<hbm>>) dst(%dma_wait3A_45 : memref<624x128xf32, #tpu.memory_space<vmem_shared>>)
        tpu.yield
      }) : () -> ()
    } else {
    }
    %eq3A = arith.constant 15 : i32
    %eq3A_3 = arith.cmpi eq, %arg1, %eq3A : i32
    %convert_element_type3A_4 = arith.extui %eq3A_3 : i1 to i32
    %cond3A_5 = arith.constant 0 : i32
    %cond3A_6 = arith.cmpi ne, %convert_element_type3A_4, %cond3A_5 : i32
    scf.if %cond3A_6 {
      "tpu.region"() ({
        %run_scoped3A_35 = tpu.sem_alloc : memref<!tpu.dma_semaphore, #tpu.memory_space<semaphore_mem>>
        %dma_start3A_36 = arith.constant 9360 : i32
        %dma_start3A_37 = arith.constant 0 : i32
        %dma_start3A_38 = tpu.memref_slice %arg11[%dma_start3A_36, %dma_start3A_37] : memref<10128x128xf32, #tpu.memory_space<vmem_shared>> -> memref<640x128xf32, #tpu.memory_space<vmem_shared>>
        %dma_start3A_39 = arith.constant 9360 : i32
        %dma_start3A_40 = arith.constant 0 : i32
        %dma_start3A_41 = tpu.memref_slice %arg5[%dma_start3A_39, %dma_start3A_40] : memref<10000x128xf32, #tpu.memory_space<hbm>> -> memref<640x128xf32, #tpu.memory_space<hbm>>
        tpu.enqueue_dma source(%dma_start3A_41 : memref<640x128xf32, #tpu.memory_space<hbm>>) target(%dma_start3A_38 : memref<640x128xf32, #tpu.memory_space<vmem_shared>>) target_semaphore(%run_scoped3A_35 : memref<!tpu.dma_semaphore, #tpu.memory_space<semaphore_mem>>)
        %dma_wait3A_42 = arith.constant 9360 : i32
        %dma_wait3A_43 = arith.constant 0 : i32
        %dma_wait3A_44 = tpu.memref_slice %arg11[%dma_wait3A_42, %dma_wait3A_43] : memref<10128x128xf32, #tpu.memory_space<vmem_shared>> -> memref<640x128xf32, #tpu.memory_space<vmem_shared>>
        %dma_wait3A_45 = arith.constant 9360 : i32
        %dma_wait3A_46 = arith.constant 0 : i32
        %dma_wait3A_47 = tpu.memref_slice %arg5[%dma_wait3A_45, %dma_wait3A_46] : memref<10000x128xf32, #tpu.memory_space<hbm>> -> memref<640x128xf32, #tpu.memory_space<hbm>>
        tpu.wait_dma2 semaphore(%run_scoped3A_35 : memref<!tpu.dma_semaphore, #tpu.memory_space<semaphore_mem>>) src(%dma_wait3A_47 : memref<640x128xf32, #tpu.memory_space<hbm>>) dst(%dma_wait3A_44 : memref<640x128xf32, #tpu.memory_space<vmem_shared>>)
        tpu.yield
      }) : () -> ()
    } else {
    }
    %mul3A_7 = arith.constant 105 : i32
    %mul3A_8 = arith.muli %add3A, %mul3A_7 : i32
    %mul3A_9 = arith.constant 96 : i32
    %mul3A_10 = arith.muli %mul3A_8, %mul3A_9 : i32
    "tpu.region"() ({
      %run_scoped3A_35 = tpu.sem_alloc : memref<!tpu.dma_semaphore, #tpu.memory_space<semaphore_mem>>
      %dma_start3A_36 = tpu.memref_slice %arg3[%mul3A_10] : memref<322560xi32, #tpu.memory_space<hbm>> -> memref<10080xi32, #tpu.memory_space<hbm>>
      %dma_start3A_37 = tpu.memref_slice %arg3[%mul3A_10] : memref<322560xi32, #tpu.memory_space<hbm>> -> memref<10080xi32, #tpu.memory_space<hbm>>
      tpu.enqueue_dma source(%dma_start3A_37 : memref<10080xi32, #tpu.memory_space<hbm>>) target(%arg7 : memref<10080xi32, #tpu.memory_space<vmem>>) target_semaphore(%run_scoped3A_35 : memref<!tpu.dma_semaphore, #tpu.memory_space<semaphore_mem>>)
      %dma_wait3A_38 = tpu.memref_slice %arg3[%mul3A_10] : memref<322560xi32, #tpu.memory_space<hbm>> -> memref<10080xi32, #tpu.memory_space<hbm>>
      %dma_wait3A_39 = tpu.memref_slice %arg3[%mul3A_10] : memref<322560xi32, #tpu.memory_space<hbm>> -> memref<10080xi32, #tpu.memory_space<hbm>>
      tpu.wait_dma2 semaphore(%run_scoped3A_35 : memref<!tpu.dma_semaphore, #tpu.memory_space<semaphore_mem>>) src(%dma_wait3A_39 : memref<10080xi32, #tpu.memory_space<hbm>>) dst(%arg7 : memref<10080xi32, #tpu.memory_space<vmem>>)
      tpu.yield
    }) : () -> ()
    "tpu.region"() ({
      %run_scoped3A_35 = tpu.sem_alloc : memref<!tpu.dma_semaphore, #tpu.memory_space<semaphore_mem>>
      %dma_start3A_36 = arith.constant 0 : i32
      %dma_start3A_37 = arith.constant 0 : i32
      %dma_start3A_38 = tpu.memref_slice %arg4[%add3A, %dma_start3A_36, %dma_start3A_37] : memref<32x105x96xi32, #tpu.memory_space<hbm>> -> memref<1x105x96xi32, #tpu.memory_space<hbm>>
      %dma_start3A_39 = tpu.memref_squeeze %dma_start3A_38 : memref<1x105x96xi32, #tpu.memory_space<hbm>> -> memref<105x96xi32, #tpu.memory_space<hbm>>
      %dma_start3A_40 = arith.constant 0 : i32
      %dma_start3A_41 = arith.constant 0 : i32
      %dma_start3A_42 = tpu.memref_slice %arg4[%add3A, %dma_start3A_40, %dma_start3A_41] : memref<32x105x96xi32, #tpu.memory_space<hbm>> -> memref<1x105x96xi32, #tpu.memory_space<hbm>>
      %dma_start3A_43 = tpu.memref_squeeze %dma_start3A_42 : memref<1x105x96xi32, #tpu.memory_space<hbm>> -> memref<105x96xi32, #tpu.memory_space<hbm>>
      tpu.enqueue_dma source(%dma_start3A_43 : memref<105x96xi32, #tpu.memory_space<hbm>>) target(%arg8 : memref<105x96xi32, #tpu.memory_space<vmem>>) target_semaphore(%run_scoped3A_35 : memref<!tpu.dma_semaphore, #tpu.memory_space<semaphore_mem>>)
      %dma_wait3A_44 = arith.constant 0 : i32
      %dma_wait3A_45 = arith.constant 0 : i32
      %dma_wait3A_46 = tpu.memref_slice %arg4[%add3A, %dma_wait3A_44, %dma_wait3A_45] : memref<32x105x96xi32, #tpu.memory_space<hbm>> -> memref<1x105x96xi32, #tpu.memory_space<hbm>>
      %dma_wait3A_47 = tpu.memref_squeeze %dma_wait3A_46 : memref<1x105x96xi32, #tpu.memory_space<hbm>> -> memref<105x96xi32, #tpu.memory_space<hbm>>
      %dma_wait3A_48 = arith.constant 0 : i32
      %dma_wait3A_49 = arith.constant 0 : i32
      %dma_wait3A_50 = tpu.memref_slice %arg4[%add3A, %dma_wait3A_48, %dma_wait3A_49] : memref<32x105x96xi32, #tpu.memory_space<hbm>> -> memref<1x105x96xi32, #tpu.memory_space<hbm>>
      %dma_wait3A_51 = tpu.memref_squeeze %dma_wait3A_50 : memref<1x105x96xi32, #tpu.memory_space<hbm>> -> memref<105x96xi32, #tpu.memory_space<hbm>>
      tpu.wait_dma2 semaphore(%run_scoped3A_35 : memref<!tpu.dma_semaphore, #tpu.memory_space<semaphore_mem>>) src(%dma_wait3A_51 : memref<105x96xi32, #tpu.memory_space<hbm>>) dst(%arg8 : memref<105x96xi32, #tpu.memory_space<vmem>>)
      tpu.yield
    }) : () -> ()
    %barrier3A = arith.constant 0 : index
    tpu.barrier barrier_id(%barrier3A)
    %dma_start3A = arith.constant 0 : i32
    %dma_start3A_11 = tpu.memref_slice %arg7[%dma_start3A] : memref<10080xi32, #tpu.memory_space<vmem>> -> memref<96xi32, #tpu.memory_space<vmem>>
    %dma_start3A_12 = arith.constant 0 : i32
    %dma_start3A_13 = arith.constant 0 : i32
    %dma_start3A_14 = tpu.memref_slice %arg2[%dma_start3A_12, %dma_start3A_13] : memref<10000x128xf32, #tpu.memory_space<hbm>> -> memref<10000x128xf32, #tpu.memory_space<hbm>>
    tpu.enqueue_indirect_dma source(%dma_start3A_14 : memref<10000x128xf32, #tpu.memory_space<hbm>>) target(%arg9 : memref<96x128xf32, #tpu.memory_space<vmem>>) offsets(%dma_start3A_11 : memref<96xi32, #tpu.memory_space<vmem>>) semaphore(%arg12 : memref<!tpu.dma_semaphore, #tpu.memory_space<semaphore_mem>>)
    %scan3A = arith.constant 0 : i32
    %scan3A_15 = arith.constant 0 : i32
    %scan3A_16 = arith.constant 52 : i32
    %scan3A_17 = arith.addi %scan3A_15, %scan3A_16 : i32
    %scan3A_18 = arith.constant 1 : i32
    scf.for %scan3A_35 = %scan3A_15 to %scan3A_17 step %scan3A_18  : i32 {
      %mul3A_36 = arith.constant 2 : i32
      %mul3A_37 = arith.muli %mul3A_36, %scan3A_35 : i32
      %add3A_38 = arith.constant 1 : i32
      %add3A_39 = arith.addi %mul3A_37, %add3A_38 : i32
      %mul3A_40 = arith.constant 96 : i32
      %mul3A_41 = arith.muli %add3A_39, %mul3A_40 : i32
      %dma_start3A_42 = tpu.memref_slice %arg7[%mul3A_41] : memref<10080xi32, #tpu.memory_space<vmem>> -> memref<96xi32, #tpu.memory_space<vmem>>
      %dma_start3A_43 = arith.constant 0 : i32
      %dma_start3A_44 = arith.constant 0 : i32
      %dma_start3A_45 = tpu.memref_slice %arg2[%dma_start3A_43, %dma_start3A_44] : memref<10000x128xf32, #tpu.memory_space<hbm>> -> memref<10000x128xf32, #tpu.memory_space<hbm>>
      tpu.enqueue_indirect_dma source(%dma_start3A_45 : memref<10000x128xf32, #tpu.memory_space<hbm>>) target(%arg10 : memref<96x128xf32, #tpu.memory_space<vmem>>) offsets(%dma_start3A_42 : memref<96xi32, #tpu.memory_space<vmem>>) semaphore(%arg13 : memref<!tpu.dma_semaphore, #tpu.memory_space<semaphore_mem>>)
      %dma_wait3A_46 = arith.constant 0 : i32
      %dma_wait3A_47 = tpu.memref_slice %arg7[%dma_wait3A_46] : memref<10080xi32, #tpu.memory_space<vmem>> -> memref<96xi32, #tpu.memory_space<vmem>>
      %dma_wait3A_48 = arith.constant 0 : i32
      %dma_wait3A_49 = arith.constant 0 : i32
      %dma_wait3A_50 = tpu.memref_slice %arg2[%dma_wait3A_48, %dma_wait3A_49] : memref<10000x128xf32, #tpu.memory_space<hbm>> -> memref<10000x128xf32, #tpu.memory_space<hbm>>
      tpu.wait_indirect_dma semaphore(%arg12 : memref<!tpu.dma_semaphore, #tpu.memory_space<semaphore_mem>>) src(%dma_wait3A_50 : memref<10000x128xf32, #tpu.memory_space<hbm>>) dst(%arg9 : memref<96x128xf32, #tpu.memory_space<vmem>>)
      %sub3A = arith.constant 1 : i32
      %sub3A_51 = arith.subi %add3A_39, %sub3A : i32
      "tpu.region"() ({
        %run_scoped3A_65 = tpu.sem_alloc : memref<!tpu.dma_semaphore, #tpu.memory_space<semaphore_mem>>
        %dma_start3A_66 = arith.constant 0 : i32
        %dma_start3A_67 = tpu.memref_slice %arg8[%sub3A_51, %dma_start3A_66] : memref<105x96xi32, #tpu.memory_space<vmem>> -> memref<1x96xi32, #tpu.memory_space<vmem>>
        %dma_start3A_68 = tpu.memref_squeeze %dma_start3A_67 : memref<1x96xi32, #tpu.memory_space<vmem>> -> memref<96xi32, #tpu.memory_space<vmem>>
        %dma_start3A_69 = arith.constant 0 : i32
        %dma_start3A_70 = arith.constant 0 : i32
        %dma_start3A_71 = tpu.memref_slice %arg11[%dma_start3A_69, %dma_start3A_70] : memref<10128x128xf32, #tpu.memory_space<vmem_shared>> -> memref<10128x128xf32, #tpu.memory_space<vmem_shared>>
        tpu.enqueue_indirect_dma source(%arg9 : memref<96x128xf32, #tpu.memory_space<vmem>>) target(%dma_start3A_71 : memref<10128x128xf32, #tpu.memory_space<vmem_shared>>) offsets(%dma_start3A_68 : memref<96xi32, #tpu.memory_space<vmem>>) semaphore(%run_scoped3A_65 : memref<!tpu.dma_semaphore, #tpu.memory_space<semaphore_mem>>) {add = true}
        %dma_wait3A_72 = arith.constant 0 : i32
        %dma_wait3A_73 = tpu.memref_slice %arg8[%sub3A_51, %dma_wait3A_72] : memref<105x96xi32, #tpu.memory_space<vmem>> -> memref<1x96xi32, #tpu.memory_space<vmem>>
        %dma_wait3A_74 = tpu.memref_squeeze %dma_wait3A_73 : memref<1x96xi32, #tpu.memory_space<vmem>> -> memref<96xi32, #tpu.memory_space<vmem>>
        %dma_wait3A_75 = arith.constant 0 : i32
        %dma_wait3A_76 = arith.constant 0 : i32
        %dma_wait3A_77 = tpu.memref_slice %arg11[%dma_wait3A_75, %dma_wait3A_76] : memref<10128x128xf32, #tpu.memory_space<vmem_shared>> -> memref<10128x128xf32, #tpu.memory_space<vmem_shared>>
        tpu.wait_indirect_dma semaphore(%run_scoped3A_65 : memref<!tpu.dma_semaphore, #tpu.memory_space<semaphore_mem>>) src(%arg9 : memref<96x128xf32, #tpu.memory_space<vmem>>) dst(%dma_wait3A_77 : memref<10128x128xf32, #tpu.memory_space<vmem_shared>>)
        tpu.yield
      }) : () -> ()
      %add3A_52 = arith.constant 1 : i32
      %add3A_53 = arith.addi %add3A_39, %add3A_52 : i32
      %mul3A_54 = arith.constant 96 : i32
      %mul3A_55 = arith.muli %add3A_53, %mul3A_54 : i32
      %dma_start3A_56 = tpu.memref_slice %arg7[%mul3A_55] : memref<10080xi32, #tpu.memory_space<vmem>> -> memref<96xi32, #tpu.memory_space<vmem>>
      %dma_start3A_57 = arith.constant 0 : i32
      %dma_start3A_58 = arith.constant 0 : i32
      %dma_start3A_59 = tpu.memref_slice %arg2[%dma_start3A_57, %dma_start3A_58] : memref<10000x128xf32, #tpu.memory_space<hbm>> -> memref<10000x128xf32, #tpu.memory_space<hbm>>
      tpu.enqueue_indirect_dma source(%dma_start3A_59 : memref<10000x128xf32, #tpu.memory_space<hbm>>) target(%arg9 : memref<96x128xf32, #tpu.memory_space<vmem>>) offsets(%dma_start3A_56 : memref<96xi32, #tpu.memory_space<vmem>>) semaphore(%arg12 : memref<!tpu.dma_semaphore, #tpu.memory_space<semaphore_mem>>)
      %dma_wait3A_60 = arith.constant 0 : i32
      %dma_wait3A_61 = tpu.memref_slice %arg7[%dma_wait3A_60] : memref<10080xi32, #tpu.memory_space<vmem>> -> memref<96xi32, #tpu.memory_space<vmem>>
      %dma_wait3A_62 = arith.constant 0 : i32
      %dma_wait3A_63 = arith.constant 0 : i32
      %dma_wait3A_64 = tpu.memref_slice %arg2[%dma_wait3A_62, %dma_wait3A_63] : memref<10000x128xf32, #tpu.memory_space<hbm>> -> memref<10000x128xf32, #tpu.memory_space<hbm>>
      tpu.wait_indirect_dma semaphore(%arg13 : memref<!tpu.dma_semaphore, #tpu.memory_space<semaphore_mem>>) src(%dma_wait3A_64 : memref<10000x128xf32, #tpu.memory_space<hbm>>) dst(%arg10 : memref<96x128xf32, #tpu.memory_space<vmem>>)
      "tpu.region"() ({
        %run_scoped3A_65 = tpu.sem_alloc : memref<!tpu.dma_semaphore, #tpu.memory_space<semaphore_mem>>
        %dma_start3A_66 = arith.constant 0 : i32
        %dma_start3A_67 = tpu.memref_slice %arg8[%add3A_39, %dma_start3A_66] : memref<105x96xi32, #tpu.memory_space<vmem>> -> memref<1x96xi32, #tpu.memory_space<vmem>>
        %dma_start3A_68 = tpu.memref_squeeze %dma_start3A_67 : memref<1x96xi32, #tpu.memory_space<vmem>> -> memref<96xi32, #tpu.memory_space<vmem>>
        %dma_start3A_69 = arith.constant 0 : i32
        %dma_start3A_70 = arith.constant 0 : i32
        %dma_start3A_71 = tpu.memref_slice %arg11[%dma_start3A_69, %dma_start3A_70] : memref<10128x128xf32, #tpu.memory_space<vmem_shared>> -> memref<10128x128xf32, #tpu.memory_space<vmem_shared>>
        tpu.enqueue_indirect_dma source(%arg10 : memref<96x128xf32, #tpu.memory_space<vmem>>) target(%dma_start3A_71 : memref<10128x128xf32, #tpu.memory_space<vmem_shared>>) offsets(%dma_start3A_68 : memref<96xi32, #tpu.memory_space<vmem>>) semaphore(%run_scoped3A_65 : memref<!tpu.dma_semaphore, #tpu.memory_space<semaphore_mem>>) {add = true}
        %dma_wait3A_72 = arith.constant 0 : i32
        %dma_wait3A_73 = tpu.memref_slice %arg8[%add3A_39, %dma_wait3A_72] : memref<105x96xi32, #tpu.memory_space<vmem>> -> memref<1x96xi32, #tpu.memory_space<vmem>>
        %dma_wait3A_74 = tpu.memref_squeeze %dma_wait3A_73 : memref<1x96xi32, #tpu.memory_space<vmem>> -> memref<96xi32, #tpu.memory_space<vmem>>
        %dma_wait3A_75 = arith.constant 0 : i32
        %dma_wait3A_76 = arith.constant 0 : i32
        %dma_wait3A_77 = tpu.memref_slice %arg11[%dma_wait3A_75, %dma_wait3A_76] : memref<10128x128xf32, #tpu.memory_space<vmem_shared>> -> memref<10128x128xf32, #tpu.memory_space<vmem_shared>>
        tpu.wait_indirect_dma semaphore(%run_scoped3A_65 : memref<!tpu.dma_semaphore, #tpu.memory_space<semaphore_mem>>) src(%arg10 : memref<96x128xf32, #tpu.memory_space<vmem>>) dst(%dma_wait3A_77 : memref<10128x128xf32, #tpu.memory_space<vmem_shared>>)
        tpu.yield
      }) : () -> ()
    }
    %scan3A_19 = arith.constant 52 : i32
    %dma_wait3A = arith.constant 0 : i32
    %dma_wait3A_20 = tpu.memref_slice %arg7[%dma_wait3A] : memref<10080xi32, #tpu.memory_space<vmem>> -> memref<96xi32, #tpu.memory_space<vmem>>
    %dma_wait3A_21 = arith.constant 0 : i32
    %dma_wait3A_22 = arith.constant 0 : i32
    %dma_wait3A_23 = tpu.memref_slice %arg2[%dma_wait3A_21, %dma_wait3A_22] : memref<10000x128xf32, #tpu.memory_space<hbm>> -> memref<10000x128xf32, #tpu.memory_space<hbm>>
    tpu.wait_indirect_dma semaphore(%arg12 : memref<!tpu.dma_semaphore, #tpu.memory_space<semaphore_mem>>) src(%dma_wait3A_23 : memref<10000x128xf32, #tpu.memory_space<hbm>>) dst(%arg9 : memref<96x128xf32, #tpu.memory_space<vmem>>)
    %run_scoped3A = arith.constant 104 : i32
    "tpu.region"() ({
      %run_scoped3A_35 = tpu.sem_alloc : memref<!tpu.dma_semaphore, #tpu.memory_space<semaphore_mem>>
      %dma_start3A_36 = arith.constant 0 : i32
      %dma_start3A_37 = tpu.memref_slice %arg8[%run_scoped3A, %dma_start3A_36] : memref<105x96xi32, #tpu.memory_space<vmem>> -> memref<1x96xi32, #tpu.memory_space<vmem>>
      %dma_start3A_38 = tpu.memref_squeeze %dma_start3A_37 : memref<1x96xi32, #tpu.memory_space<vmem>> -> memref<96xi32, #tpu.memory_space<vmem>>
      %dma_start3A_39 = arith.constant 0 : i32
      %dma_start3A_40 = arith.constant 0 : i32
      %dma_start3A_41 = tpu.memref_slice %arg11[%dma_start3A_39, %dma_start3A_40] : memref<10128x128xf32, #tpu.memory_space<vmem_shared>> -> memref<10128x128xf32, #tpu.memory_space<vmem_shared>>
      tpu.enqueue_indirect_dma source(%arg9 : memref<96x128xf32, #tpu.memory_space<vmem>>) target(%dma_start3A_41 : memref<10128x128xf32, #tpu.memory_space<vmem_shared>>) offsets(%dma_start3A_38 : memref<96xi32, #tpu.memory_space<vmem>>) semaphore(%run_scoped3A_35 : memref<!tpu.dma_semaphore, #tpu.memory_space<semaphore_mem>>) {add = true}
      %dma_wait3A_42 = arith.constant 0 : i32
      %dma_wait3A_43 = tpu.memref_slice %arg8[%run_scoped3A, %dma_wait3A_42] : memref<105x96xi32, #tpu.memory_space<vmem>> -> memref<1x96xi32, #tpu.memory_space<vmem>>
      %dma_wait3A_44 = tpu.memref_squeeze %dma_wait3A_43 : memref<1x96xi32, #tpu.memory_space<vmem>> -> memref<96xi32, #tpu.memory_space<vmem>>
      %dma_wait3A_45 = arith.constant 0 : i32
      %dma_wait3A_46 = arith.constant 0 : i32
      %dma_wait3A_47 = tpu.memref_slice %arg11[%dma_wait3A_45, %dma_wait3A_46] : memref<10128x128xf32, #tpu.memory_space<vmem_shared>> -> memref<10128x128xf32, #tpu.memory_space<vmem_shared>>
      tpu.wait_indirect_dma semaphore(%run_scoped3A_35 : memref<!tpu.dma_semaphore, #tpu.memory_space<semaphore_mem>>) src(%arg9 : memref<96x128xf32, #tpu.memory_space<vmem>>) dst(%dma_wait3A_47 : memref<10128x128xf32, #tpu.memory_space<vmem_shared>>)
      tpu.yield
    }) : () -> ()
    %barrier3A_24 = arith.constant 0 : index
    tpu.barrier barrier_id(%barrier3A_24)
    %lt3A_25 = arith.constant 15 : i32
    %lt3A_26 = arith.cmpi slt, %arg1, %lt3A_25 : i32
    %convert_element_type3A_27 = arith.extui %lt3A_26 : i1 to i32
    %cond3A_28 = arith.constant 0 : i32
    %cond3A_29 = arith.cmpi ne, %convert_element_type3A_27, %cond3A_28 : i32
    scf.if %cond3A_29 {
      %mul3A_35 = arith.constant 624 : i32
      %mul3A_36 = arith.muli %arg1, %mul3A_35 : i32
      %mul3A_37 = arith.constant 10000 : i32
      %mul3A_38 = arith.muli %arg0, %mul3A_37 : i32
      %mul3A_39 = arith.constant 624 : i32
      %mul3A_40 = arith.muli %arg1, %mul3A_39 : i32
      %add3A_41 = arith.addi %mul3A_38, %mul3A_40 : i32
      "tpu.region"() ({
        %run_scoped3A_42 = tpu.sem_alloc : memref<!tpu.dma_semaphore, #tpu.memory_space<semaphore_mem>>
        %dma_start3A_43 = arith.constant 0 : i32
        %dma_start3A_44 = tpu.memref_slice %arg6[%add3A_41, %dma_start3A_43] : memref<20000x128xf32, #tpu.memory_space<hbm>> -> memref<624x128xf32, #tpu.memory_space<hbm>>
        %dma_start3A_45 = arith.constant 0 : i32
        %dma_start3A_46 = tpu.memref_slice %arg11[%mul3A_36, %dma_start3A_45] : memref<10128x128xf32, #tpu.memory_space<vmem_shared>> -> memref<624x128xf32, #tpu.memory_space<vmem_shared>>
        tpu.enqueue_dma source(%dma_start3A_46 : memref<624x128xf32, #tpu.memory_space<vmem_shared>>) target(%dma_start3A_44 : memref<624x128xf32, #tpu.memory_space<hbm>>) target_semaphore(%run_scoped3A_42 : memref<!tpu.dma_semaphore, #tpu.memory_space<semaphore_mem>>)
        %dma_wait3A_47 = arith.constant 0 : i32
        %dma_wait3A_48 = tpu.memref_slice %arg6[%add3A_41, %dma_wait3A_47] : memref<20000x128xf32, #tpu.memory_space<hbm>> -> memref<624x128xf32, #tpu.memory_space<hbm>>
        %dma_wait3A_49 = arith.constant 0 : i32
        %dma_wait3A_50 = tpu.memref_slice %arg11[%mul3A_36, %dma_wait3A_49] : memref<10128x128xf32, #tpu.memory_space<vmem_shared>> -> memref<624x128xf32, #tpu.memory_space<vmem_shared>>
        tpu.wait_dma2 semaphore(%run_scoped3A_42 : memref<!tpu.dma_semaphore, #tpu.memory_space<semaphore_mem>>) src(%dma_wait3A_50 : memref<624x128xf32, #tpu.memory_space<vmem_shared>>) dst(%dma_wait3A_48 : memref<624x128xf32, #tpu.memory_space<hbm>>)
        tpu.yield
      }) : () -> ()
    } else {
    }
    %eq3A_30 = arith.constant 15 : i32
    %eq3A_31 = arith.cmpi eq, %arg1, %eq3A_30 : i32
    %convert_element_type3A_32 = arith.extui %eq3A_31 : i1 to i32
    %cond3A_33 = arith.constant 0 : i32
    %cond3A_34 = arith.cmpi ne, %convert_element_type3A_32, %cond3A_33 : i32
    scf.if %cond3A_34 {
      %mul3A_35 = arith.constant 10000 : i32
      %mul3A_36 = arith.muli %arg0, %mul3A_35 : i32
      %add3A_37 = arith.constant 9360 : i32
      %add3A_38 = arith.addi %mul3A_36, %add3A_37 : i32
      "tpu.region"() ({
        %run_scoped3A_39 = tpu.sem_alloc : memref<!tpu.dma_semaphore, #tpu.memory_space<semaphore_mem>>
        %dma_start3A_40 = arith.constant 0 : i32
        %dma_start3A_41 = tpu.memref_slice %arg6[%add3A_38, %dma_start3A_40] : memref<20000x128xf32, #tpu.memory_space<hbm>> -> memref<640x128xf32, #tpu.memory_space<hbm>>
        %dma_start3A_42 = arith.constant 9360 : i32
        %dma_start3A_43 = arith.constant 0 : i32
        %dma_start3A_44 = tpu.memref_slice %arg11[%dma_start3A_42, %dma_start3A_43] : memref<10128x128xf32, #tpu.memory_space<vmem_shared>> -> memref<640x128xf32, #tpu.memory_space<vmem_shared>>
        tpu.enqueue_dma source(%dma_start3A_44 : memref<640x128xf32, #tpu.memory_space<vmem_shared>>) target(%dma_start3A_41 : memref<640x128xf32, #tpu.memory_space<hbm>>) target_semaphore(%run_scoped3A_39 : memref<!tpu.dma_semaphore, #tpu.memory_space<semaphore_mem>>)
        %dma_wait3A_45 = arith.constant 0 : i32
        %dma_wait3A_46 = tpu.memref_slice %arg6[%add3A_38, %dma_wait3A_45] : memref<20000x128xf32, #tpu.memory_space<hbm>> -> memref<640x128xf32, #tpu.memory_space<hbm>>
        %dma_wait3A_47 = arith.constant 9360 : i32
        %dma_wait3A_48 = arith.constant 0 : i32
        %dma_wait3A_49 = tpu.memref_slice %arg11[%dma_wait3A_47, %dma_wait3A_48] : memref<10128x128xf32, #tpu.memory_space<vmem_shared>> -> memref<640x128xf32, #tpu.memory_space<vmem_shared>>
        tpu.wait_dma2 semaphore(%run_scoped3A_39 : memref<!tpu.dma_semaphore, #tpu.memory_space<semaphore_mem>>) src(%dma_wait3A_49 : memref<640x128xf32, #tpu.memory_space<vmem_shared>>) dst(%dma_wait3A_46 : memref<640x128xf32, #tpu.memory_space<hbm>>)
        tpu.yield
      }) : () -> ()
    } else {
    }
    return
  }
}

#map = affine_map<(d0, d1) -> (0, 0)>
#map1 = affine_map<(d0, d1) -> (0)>
module attributes {stable_mosaic.version = 14 : i64} {
  func.func @body(%arg0: i32, %arg1: i32, %arg2: memref<7370x128xf32, #tpu.memory_space<hbm>>, %arg3: memref<346x128xf32, #tpu.memory_space<hbm>>, %arg4: memref<10240xi32, #tpu.memory_space<hbm>>, %arg5: memref<10240xi32, #tpu.memory_space<hbm>>, %arg6: memref<20480x128xf32, #tpu.memory_space<hbm>>, %arg7: memref<320xi32, #tpu.memory_space<vmem>>, %arg8: memref<320xi32, #tpu.memory_space<vmem>>, %arg9: memref<320x128xf32, #tpu.memory_space<vmem>>, %arg10: memref<320x128xf32, #tpu.memory_space<vmem>>, %arg11: memref<!tpu.dma_semaphore, #tpu.memory_space<semaphore_mem>>) attributes {dimension_semantics = [#tpu.dimension_semantics<core_parallel>, #tpu.dimension_semantics<subcore_parallel>], iteration_bounds = array<i64: 2, 16>, scalar_prefetch = 0 : i64, scratch_operands = 5 : i64, tpu.core_type = #tpu.core_type<sc_vector_subcore>, window_params = [{transform_indices = #map}, {transform_indices = #map}, {transform_indices = #map1}, {transform_indices = #map1}, {transform_indices = #map}]} {
    %mul3A = arith.constant 16 : i32
    %mul3A_0 = arith.muli %arg0, %mul3A : i32
    %add3A = arith.addi %mul3A_0, %arg1 : i32
    %mul3A_1 = arith.constant 320 : i32
    %mul3A_2 = arith.muli %add3A, %mul3A_1 : i32
    "tpu.region"() ({
      %run_scoped3A = tpu.sem_alloc : memref<!tpu.dma_semaphore, #tpu.memory_space<semaphore_mem>>
      %dma_start3A_99 = tpu.memref_slice %arg4[%mul3A_2] : memref<10240xi32, #tpu.memory_space<hbm>> -> memref<320xi32, #tpu.memory_space<hbm>>
      %dma_start3A_100 = tpu.memref_slice %arg4[%mul3A_2] : memref<10240xi32, #tpu.memory_space<hbm>> -> memref<320xi32, #tpu.memory_space<hbm>>
      tpu.enqueue_dma source(%dma_start3A_100 : memref<320xi32, #tpu.memory_space<hbm>>) target(%arg7 : memref<320xi32, #tpu.memory_space<vmem>>) target_semaphore(%run_scoped3A : memref<!tpu.dma_semaphore, #tpu.memory_space<semaphore_mem>>)
      %dma_wait3A_101 = tpu.memref_slice %arg4[%mul3A_2] : memref<10240xi32, #tpu.memory_space<hbm>> -> memref<320xi32, #tpu.memory_space<hbm>>
      %dma_wait3A_102 = tpu.memref_slice %arg4[%mul3A_2] : memref<10240xi32, #tpu.memory_space<hbm>> -> memref<320xi32, #tpu.memory_space<hbm>>
      tpu.wait_dma2 semaphore(%run_scoped3A : memref<!tpu.dma_semaphore, #tpu.memory_space<semaphore_mem>>) src(%dma_wait3A_102 : memref<320xi32, #tpu.memory_space<hbm>>) dst(%arg7 : memref<320xi32, #tpu.memory_space<vmem>>)
      tpu.yield
    }) : () -> ()
    "tpu.region"() ({
      %run_scoped3A = tpu.sem_alloc : memref<!tpu.dma_semaphore, #tpu.memory_space<semaphore_mem>>
      %dma_start3A_99 = tpu.memref_slice %arg5[%mul3A_2] : memref<10240xi32, #tpu.memory_space<hbm>> -> memref<320xi32, #tpu.memory_space<hbm>>
      %dma_start3A_100 = tpu.memref_slice %arg5[%mul3A_2] : memref<10240xi32, #tpu.memory_space<hbm>> -> memref<320xi32, #tpu.memory_space<hbm>>
      tpu.enqueue_dma source(%dma_start3A_100 : memref<320xi32, #tpu.memory_space<hbm>>) target(%arg8 : memref<320xi32, #tpu.memory_space<vmem>>) target_semaphore(%run_scoped3A : memref<!tpu.dma_semaphore, #tpu.memory_space<semaphore_mem>>)
      %dma_wait3A_101 = tpu.memref_slice %arg5[%mul3A_2] : memref<10240xi32, #tpu.memory_space<hbm>> -> memref<320xi32, #tpu.memory_space<hbm>>
      %dma_wait3A_102 = tpu.memref_slice %arg5[%mul3A_2] : memref<10240xi32, #tpu.memory_space<hbm>> -> memref<320xi32, #tpu.memory_space<hbm>>
      tpu.wait_dma2 semaphore(%run_scoped3A : memref<!tpu.dma_semaphore, #tpu.memory_space<semaphore_mem>>) src(%dma_wait3A_102 : memref<320xi32, #tpu.memory_space<hbm>>) dst(%arg8 : memref<320xi32, #tpu.memory_space<vmem>>)
      tpu.yield
    }) : () -> ()
    %dma_start3A = arith.constant 0 : i32
    %dma_start3A_3 = arith.constant 0 : i32
    %dma_start3A_4 = tpu.memref_slice %arg9[%dma_start3A, %dma_start3A_3] : memref<320x128xf32, #tpu.memory_space<vmem>> -> memref<128x128xf32, #tpu.memory_space<vmem>>
    %dma_start3A_5 = arith.constant 0 : i32
    %dma_start3A_6 = tpu.memref_slice %arg7[%dma_start3A_5] : memref<320xi32, #tpu.memory_space<vmem>> -> memref<128xi32, #tpu.memory_space<vmem>>
    %dma_start3A_7 = arith.constant 0 : i32
    %dma_start3A_8 = arith.constant 0 : i32
    %dma_start3A_9 = tpu.memref_slice %arg2[%dma_start3A_7, %dma_start3A_8] : memref<7370x128xf32, #tpu.memory_space<hbm>> -> memref<7370x128xf32, #tpu.memory_space<hbm>>
    tpu.enqueue_indirect_dma source(%dma_start3A_9 : memref<7370x128xf32, #tpu.memory_space<hbm>>) target(%dma_start3A_4 : memref<128x128xf32, #tpu.memory_space<vmem>>) offsets(%dma_start3A_6 : memref<128xi32, #tpu.memory_space<vmem>>) semaphore(%arg11 : memref<!tpu.dma_semaphore, #tpu.memory_space<semaphore_mem>>)
    %dma_start3A_10 = arith.constant 0 : i32
    %dma_start3A_11 = arith.constant 0 : i32
    %dma_start3A_12 = tpu.memref_slice %arg10[%dma_start3A_10, %dma_start3A_11] : memref<320x128xf32, #tpu.memory_space<vmem>> -> memref<128x128xf32, #tpu.memory_space<vmem>>
    %dma_start3A_13 = arith.constant 0 : i32
    %dma_start3A_14 = tpu.memref_slice %arg8[%dma_start3A_13] : memref<320xi32, #tpu.memory_space<vmem>> -> memref<128xi32, #tpu.memory_space<vmem>>
    %dma_start3A_15 = arith.constant 0 : i32
    %dma_start3A_16 = arith.constant 0 : i32
    %dma_start3A_17 = tpu.memref_slice %arg3[%dma_start3A_15, %dma_start3A_16] : memref<346x128xf32, #tpu.memory_space<hbm>> -> memref<346x128xf32, #tpu.memory_space<hbm>>
    tpu.enqueue_indirect_dma source(%dma_start3A_17 : memref<346x128xf32, #tpu.memory_space<hbm>>) target(%dma_start3A_12 : memref<128x128xf32, #tpu.memory_space<vmem>>) offsets(%dma_start3A_14 : memref<128xi32, #tpu.memory_space<vmem>>) semaphore(%arg11 : memref<!tpu.dma_semaphore, #tpu.memory_space<semaphore_mem>>)
    %dma_start3A_18 = arith.constant 128 : i32
    %dma_start3A_19 = arith.constant 0 : i32
    %dma_start3A_20 = tpu.memref_slice %arg9[%dma_start3A_18, %dma_start3A_19] : memref<320x128xf32, #tpu.memory_space<vmem>> -> memref<128x128xf32, #tpu.memory_space<vmem>>
    %dma_start3A_21 = arith.constant 128 : i32
    %dma_start3A_22 = tpu.memref_slice %arg7[%dma_start3A_21] : memref<320xi32, #tpu.memory_space<vmem>> -> memref<128xi32, #tpu.memory_space<vmem>>
    %dma_start3A_23 = arith.constant 0 : i32
    %dma_start3A_24 = arith.constant 0 : i32
    %dma_start3A_25 = tpu.memref_slice %arg2[%dma_start3A_23, %dma_start3A_24] : memref<7370x128xf32, #tpu.memory_space<hbm>> -> memref<7370x128xf32, #tpu.memory_space<hbm>>
    tpu.enqueue_indirect_dma source(%dma_start3A_25 : memref<7370x128xf32, #tpu.memory_space<hbm>>) target(%dma_start3A_20 : memref<128x128xf32, #tpu.memory_space<vmem>>) offsets(%dma_start3A_22 : memref<128xi32, #tpu.memory_space<vmem>>) semaphore(%arg11 : memref<!tpu.dma_semaphore, #tpu.memory_space<semaphore_mem>>)
    %dma_start3A_26 = arith.constant 128 : i32
    %dma_start3A_27 = arith.constant 0 : i32
    %dma_start3A_28 = tpu.memref_slice %arg10[%dma_start3A_26, %dma_start3A_27] : memref<320x128xf32, #tpu.memory_space<vmem>> -> memref<128x128xf32, #tpu.memory_space<vmem>>
    %dma_start3A_29 = arith.constant 128 : i32
    %dma_start3A_30 = tpu.memref_slice %arg8[%dma_start3A_29] : memref<320xi32, #tpu.memory_space<vmem>> -> memref<128xi32, #tpu.memory_space<vmem>>
    %dma_start3A_31 = arith.constant 0 : i32
    %dma_start3A_32 = arith.constant 0 : i32
    %dma_start3A_33 = tpu.memref_slice %arg3[%dma_start3A_31, %dma_start3A_32] : memref<346x128xf32, #tpu.memory_space<hbm>> -> memref<346x128xf32, #tpu.memory_space<hbm>>
    tpu.enqueue_indirect_dma source(%dma_start3A_33 : memref<346x128xf32, #tpu.memory_space<hbm>>) target(%dma_start3A_28 : memref<128x128xf32, #tpu.memory_space<vmem>>) offsets(%dma_start3A_30 : memref<128xi32, #tpu.memory_space<vmem>>) semaphore(%arg11 : memref<!tpu.dma_semaphore, #tpu.memory_space<semaphore_mem>>)
    %dma_start3A_34 = arith.constant 256 : i32
    %dma_start3A_35 = arith.constant 0 : i32
    %dma_start3A_36 = tpu.memref_slice %arg9[%dma_start3A_34, %dma_start3A_35] : memref<320x128xf32, #tpu.memory_space<vmem>> -> memref<64x128xf32, #tpu.memory_space<vmem>>
    %dma_start3A_37 = arith.constant 256 : i32
    %dma_start3A_38 = tpu.memref_slice %arg7[%dma_start3A_37] : memref<320xi32, #tpu.memory_space<vmem>> -> memref<64xi32, #tpu.memory_space<vmem>>
    %dma_start3A_39 = arith.constant 0 : i32
    %dma_start3A_40 = arith.constant 0 : i32
    %dma_start3A_41 = tpu.memref_slice %arg2[%dma_start3A_39, %dma_start3A_40] : memref<7370x128xf32, #tpu.memory_space<hbm>> -> memref<7370x128xf32, #tpu.memory_space<hbm>>
    tpu.enqueue_indirect_dma source(%dma_start3A_41 : memref<7370x128xf32, #tpu.memory_space<hbm>>) target(%dma_start3A_36 : memref<64x128xf32, #tpu.memory_space<vmem>>) offsets(%dma_start3A_38 : memref<64xi32, #tpu.memory_space<vmem>>) semaphore(%arg11 : memref<!tpu.dma_semaphore, #tpu.memory_space<semaphore_mem>>)
    %dma_start3A_42 = arith.constant 256 : i32
    %dma_start3A_43 = arith.constant 0 : i32
    %dma_start3A_44 = tpu.memref_slice %arg10[%dma_start3A_42, %dma_start3A_43] : memref<320x128xf32, #tpu.memory_space<vmem>> -> memref<64x128xf32, #tpu.memory_space<vmem>>
    %dma_start3A_45 = arith.constant 256 : i32
    %dma_start3A_46 = tpu.memref_slice %arg8[%dma_start3A_45] : memref<320xi32, #tpu.memory_space<vmem>> -> memref<64xi32, #tpu.memory_space<vmem>>
    %dma_start3A_47 = arith.constant 0 : i32
    %dma_start3A_48 = arith.constant 0 : i32
    %dma_start3A_49 = tpu.memref_slice %arg3[%dma_start3A_47, %dma_start3A_48] : memref<346x128xf32, #tpu.memory_space<hbm>> -> memref<346x128xf32, #tpu.memory_space<hbm>>
    tpu.enqueue_indirect_dma source(%dma_start3A_49 : memref<346x128xf32, #tpu.memory_space<hbm>>) target(%dma_start3A_44 : memref<64x128xf32, #tpu.memory_space<vmem>>) offsets(%dma_start3A_46 : memref<64xi32, #tpu.memory_space<vmem>>) semaphore(%arg11 : memref<!tpu.dma_semaphore, #tpu.memory_space<semaphore_mem>>)
    %dma_wait3A = arith.constant 0 : i32
    %dma_wait3A_50 = arith.constant 0 : i32
    %dma_wait3A_51 = tpu.memref_slice %arg9[%dma_wait3A, %dma_wait3A_50] : memref<320x128xf32, #tpu.memory_space<vmem>> -> memref<128x128xf32, #tpu.memory_space<vmem>>
    %dma_wait3A_52 = arith.constant 0 : i32
    %dma_wait3A_53 = tpu.memref_slice %arg7[%dma_wait3A_52] : memref<320xi32, #tpu.memory_space<vmem>> -> memref<128xi32, #tpu.memory_space<vmem>>
    %dma_wait3A_54 = arith.constant 0 : i32
    %dma_wait3A_55 = arith.constant 0 : i32
    %dma_wait3A_56 = tpu.memref_slice %arg2[%dma_wait3A_54, %dma_wait3A_55] : memref<7370x128xf32, #tpu.memory_space<hbm>> -> memref<7370x128xf32, #tpu.memory_space<hbm>>
    tpu.wait_indirect_dma semaphore(%arg11 : memref<!tpu.dma_semaphore, #tpu.memory_space<semaphore_mem>>) src(%dma_wait3A_56 : memref<7370x128xf32, #tpu.memory_space<hbm>>) dst(%dma_wait3A_51 : memref<128x128xf32, #tpu.memory_space<vmem>>)
    %dma_wait3A_57 = arith.constant 0 : i32
    %dma_wait3A_58 = arith.constant 0 : i32
    %dma_wait3A_59 = tpu.memref_slice %arg10[%dma_wait3A_57, %dma_wait3A_58] : memref<320x128xf32, #tpu.memory_space<vmem>> -> memref<128x128xf32, #tpu.memory_space<vmem>>
    %dma_wait3A_60 = arith.constant 0 : i32
    %dma_wait3A_61 = tpu.memref_slice %arg8[%dma_wait3A_60] : memref<320xi32, #tpu.memory_space<vmem>> -> memref<128xi32, #tpu.memory_space<vmem>>
    %dma_wait3A_62 = arith.constant 0 : i32
    %dma_wait3A_63 = arith.constant 0 : i32
    %dma_wait3A_64 = tpu.memref_slice %arg3[%dma_wait3A_62, %dma_wait3A_63] : memref<346x128xf32, #tpu.memory_space<hbm>> -> memref<346x128xf32, #tpu.memory_space<hbm>>
    tpu.wait_indirect_dma semaphore(%arg11 : memref<!tpu.dma_semaphore, #tpu.memory_space<semaphore_mem>>) src(%dma_wait3A_64 : memref<346x128xf32, #tpu.memory_space<hbm>>) dst(%dma_wait3A_59 : memref<128x128xf32, #tpu.memory_space<vmem>>)
    %dma_wait3A_65 = arith.constant 128 : i32
    %dma_wait3A_66 = arith.constant 0 : i32
    %dma_wait3A_67 = tpu.memref_slice %arg9[%dma_wait3A_65, %dma_wait3A_66] : memref<320x128xf32, #tpu.memory_space<vmem>> -> memref<128x128xf32, #tpu.memory_space<vmem>>
    %dma_wait3A_68 = arith.constant 128 : i32
    %dma_wait3A_69 = tpu.memref_slice %arg7[%dma_wait3A_68] : memref<320xi32, #tpu.memory_space<vmem>> -> memref<128xi32, #tpu.memory_space<vmem>>
    %dma_wait3A_70 = arith.constant 0 : i32
    %dma_wait3A_71 = arith.constant 0 : i32
    %dma_wait3A_72 = tpu.memref_slice %arg2[%dma_wait3A_70, %dma_wait3A_71] : memref<7370x128xf32, #tpu.memory_space<hbm>> -> memref<7370x128xf32, #tpu.memory_space<hbm>>
    tpu.wait_indirect_dma semaphore(%arg11 : memref<!tpu.dma_semaphore, #tpu.memory_space<semaphore_mem>>) src(%dma_wait3A_72 : memref<7370x128xf32, #tpu.memory_space<hbm>>) dst(%dma_wait3A_67 : memref<128x128xf32, #tpu.memory_space<vmem>>)
    %dma_wait3A_73 = arith.constant 128 : i32
    %dma_wait3A_74 = arith.constant 0 : i32
    %dma_wait3A_75 = tpu.memref_slice %arg10[%dma_wait3A_73, %dma_wait3A_74] : memref<320x128xf32, #tpu.memory_space<vmem>> -> memref<128x128xf32, #tpu.memory_space<vmem>>
    %dma_wait3A_76 = arith.constant 128 : i32
    %dma_wait3A_77 = tpu.memref_slice %arg8[%dma_wait3A_76] : memref<320xi32, #tpu.memory_space<vmem>> -> memref<128xi32, #tpu.memory_space<vmem>>
    %dma_wait3A_78 = arith.constant 0 : i32
    %dma_wait3A_79 = arith.constant 0 : i32
    %dma_wait3A_80 = tpu.memref_slice %arg3[%dma_wait3A_78, %dma_wait3A_79] : memref<346x128xf32, #tpu.memory_space<hbm>> -> memref<346x128xf32, #tpu.memory_space<hbm>>
    tpu.wait_indirect_dma semaphore(%arg11 : memref<!tpu.dma_semaphore, #tpu.memory_space<semaphore_mem>>) src(%dma_wait3A_80 : memref<346x128xf32, #tpu.memory_space<hbm>>) dst(%dma_wait3A_75 : memref<128x128xf32, #tpu.memory_space<vmem>>)
    %dma_wait3A_81 = arith.constant 256 : i32
    %dma_wait3A_82 = arith.constant 0 : i32
    %dma_wait3A_83 = tpu.memref_slice %arg9[%dma_wait3A_81, %dma_wait3A_82] : memref<320x128xf32, #tpu.memory_space<vmem>> -> memref<64x128xf32, #tpu.memory_space<vmem>>
    %dma_wait3A_84 = arith.constant 256 : i32
    %dma_wait3A_85 = tpu.memref_slice %arg7[%dma_wait3A_84] : memref<320xi32, #tpu.memory_space<vmem>> -> memref<64xi32, #tpu.memory_space<vmem>>
    %dma_wait3A_86 = arith.constant 0 : i32
    %dma_wait3A_87 = arith.constant 0 : i32
    %dma_wait3A_88 = tpu.memref_slice %arg2[%dma_wait3A_86, %dma_wait3A_87] : memref<7370x128xf32, #tpu.memory_space<hbm>> -> memref<7370x128xf32, #tpu.memory_space<hbm>>
    tpu.wait_indirect_dma semaphore(%arg11 : memref<!tpu.dma_semaphore, #tpu.memory_space<semaphore_mem>>) src(%dma_wait3A_88 : memref<7370x128xf32, #tpu.memory_space<hbm>>) dst(%dma_wait3A_83 : memref<64x128xf32, #tpu.memory_space<vmem>>)
    %dma_wait3A_89 = arith.constant 256 : i32
    %dma_wait3A_90 = arith.constant 0 : i32
    %dma_wait3A_91 = tpu.memref_slice %arg10[%dma_wait3A_89, %dma_wait3A_90] : memref<320x128xf32, #tpu.memory_space<vmem>> -> memref<64x128xf32, #tpu.memory_space<vmem>>
    %dma_wait3A_92 = arith.constant 256 : i32
    %dma_wait3A_93 = tpu.memref_slice %arg8[%dma_wait3A_92] : memref<320xi32, #tpu.memory_space<vmem>> -> memref<64xi32, #tpu.memory_space<vmem>>
    %dma_wait3A_94 = arith.constant 0 : i32
    %dma_wait3A_95 = arith.constant 0 : i32
    %dma_wait3A_96 = tpu.memref_slice %arg3[%dma_wait3A_94, %dma_wait3A_95] : memref<346x128xf32, #tpu.memory_space<hbm>> -> memref<346x128xf32, #tpu.memory_space<hbm>>
    tpu.wait_indirect_dma semaphore(%arg11 : memref<!tpu.dma_semaphore, #tpu.memory_space<semaphore_mem>>) src(%dma_wait3A_96 : memref<346x128xf32, #tpu.memory_space<hbm>>) dst(%dma_wait3A_91 : memref<64x128xf32, #tpu.memory_space<vmem>>)
    "tpu.region"() ({
      %run_scoped3A = tpu.sem_alloc : memref<!tpu.dma_semaphore, #tpu.memory_space<semaphore_mem>>
      %dma_start3A_99 = arith.constant 0 : i32
      %dma_start3A_100 = tpu.memref_slice %arg6[%mul3A_2, %dma_start3A_99] : memref<20480x128xf32, #tpu.memory_space<hbm>> -> memref<320x128xf32, #tpu.memory_space<hbm>>
      %dma_start3A_101 = arith.constant 0 : i32
      %dma_start3A_102 = tpu.memref_slice %arg6[%mul3A_2, %dma_start3A_101] : memref<20480x128xf32, #tpu.memory_space<hbm>> -> memref<320x128xf32, #tpu.memory_space<hbm>>
      tpu.enqueue_dma source(%arg9 : memref<320x128xf32, #tpu.memory_space<vmem>>) target(%dma_start3A_102 : memref<320x128xf32, #tpu.memory_space<hbm>>) target_semaphore(%run_scoped3A : memref<!tpu.dma_semaphore, #tpu.memory_space<semaphore_mem>>)
      %dma_wait3A_103 = arith.constant 0 : i32
      %dma_wait3A_104 = tpu.memref_slice %arg6[%mul3A_2, %dma_wait3A_103] : memref<20480x128xf32, #tpu.memory_space<hbm>> -> memref<320x128xf32, #tpu.memory_space<hbm>>
      %dma_wait3A_105 = arith.constant 0 : i32
      %dma_wait3A_106 = tpu.memref_slice %arg6[%mul3A_2, %dma_wait3A_105] : memref<20480x128xf32, #tpu.memory_space<hbm>> -> memref<320x128xf32, #tpu.memory_space<hbm>>
      tpu.wait_dma2 semaphore(%run_scoped3A : memref<!tpu.dma_semaphore, #tpu.memory_space<semaphore_mem>>) src(%arg9 : memref<320x128xf32, #tpu.memory_space<vmem>>) dst(%dma_wait3A_106 : memref<320x128xf32, #tpu.memory_space<hbm>>)
      tpu.yield
    }) : () -> ()
    %add3A_97 = arith.constant 10240 : i32
    %add3A_98 = arith.addi %add3A_97, %mul3A_2 : i32
    "tpu.region"() ({
      %run_scoped3A = tpu.sem_alloc : memref<!tpu.dma_semaphore, #tpu.memory_space<semaphore_mem>>
      %dma_start3A_99 = arith.constant 0 : i32
      %dma_start3A_100 = tpu.memref_slice %arg6[%add3A_98, %dma_start3A_99] : memref<20480x128xf32, #tpu.memory_space<hbm>> -> memref<320x128xf32, #tpu.memory_space<hbm>>
      %dma_start3A_101 = arith.constant 0 : i32
      %dma_start3A_102 = tpu.memref_slice %arg6[%add3A_98, %dma_start3A_101] : memref<20480x128xf32, #tpu.memory_space<hbm>> -> memref<320x128xf32, #tpu.memory_space<hbm>>
      tpu.enqueue_dma source(%arg10 : memref<320x128xf32, #tpu.memory_space<vmem>>) target(%dma_start3A_102 : memref<320x128xf32, #tpu.memory_space<hbm>>) target_semaphore(%run_scoped3A : memref<!tpu.dma_semaphore, #tpu.memory_space<semaphore_mem>>)
      %dma_wait3A_103 = arith.constant 0 : i32
      %dma_wait3A_104 = tpu.memref_slice %arg6[%add3A_98, %dma_wait3A_103] : memref<20480x128xf32, #tpu.memory_space<hbm>> -> memref<320x128xf32, #tpu.memory_space<hbm>>
      %dma_wait3A_105 = arith.constant 0 : i32
      %dma_wait3A_106 = tpu.memref_slice %arg6[%add3A_98, %dma_wait3A_105] : memref<20480x128xf32, #tpu.memory_space<hbm>> -> memref<320x128xf32, #tpu.memory_space<hbm>>
      tpu.wait_dma2 semaphore(%run_scoped3A : memref<!tpu.dma_semaphore, #tpu.memory_space<semaphore_mem>>) src(%arg10 : memref<320x128xf32, #tpu.memory_space<vmem>>) dst(%dma_wait3A_106 : memref<320x128xf32, #tpu.memory_space<hbm>>)
      tpu.yield
    }) : () -> ()
    return
  }
}

#map = affine_map<(d0, d1) -> (0, 0)>
#map1 = affine_map<(d0, d1) -> (0)>
#map2 = affine_map<(d0, d1) -> (0, 0, 0)>
module attributes {stable_mosaic.version = 14 : i64} {
  func.func @body(%arg0: i32, %arg1: i32, %arg2: memref<10000x128xf32, #tpu.memory_space<hbm>>, %arg3: memref<322560xi32, #tpu.memory_space<hbm>>, %arg4: memref<32x105x96xi32, #tpu.memory_space<hbm>>, %arg5: memref<10000x128xf32, #tpu.memory_space<hbm>>, %arg6: memref<20000x128xf32, #tpu.memory_space<hbm>>, %arg7: memref<10080xi32, #tpu.memory_space<vmem>>, %arg8: memref<105x96xi32, #tpu.memory_space<vmem>>, %arg9: memref<96x128xf32, #tpu.memory_space<vmem>>, %arg10: memref<96x128xf32, #tpu.memory_space<vmem>>, %arg11: memref<10128x128xf32, #tpu.memory_space<vmem_shared>>, %arg12: memref<!tpu.dma_semaphore, #tpu.memory_space<semaphore_mem>>, %arg13: memref<!tpu.dma_semaphore, #tpu.memory_space<semaphore_mem>>) attributes {dimension_semantics = [#tpu.dimension_semantics<core_parallel>, #tpu.dimension_semantics<subcore_parallel>], iteration_bounds = array<i64: 2, 16>, scalar_prefetch = 0 : i64, scratch_operands = 7 : i64, tpu.core_type = #tpu.core_type<sc_vector_subcore>, window_params = [{transform_indices = #map}, {transform_indices = #map1}, {transform_indices = #map2}, {transform_indices = #map}, {transform_indices = #map}]} {
    %mul3A = arith.constant 16 : i32
    %mul3A_0 = arith.muli %arg0, %mul3A : i32
    %add3A = arith.addi %mul3A_0, %arg1 : i32
    %lt3A = arith.constant 15 : i32
    %lt3A_1 = arith.cmpi slt, %arg1, %lt3A : i32
    %convert_element_type3A = arith.extui %lt3A_1 : i1 to i32
    %cond3A = arith.constant 0 : i32
    %cond3A_2 = arith.cmpi ne, %convert_element_type3A, %cond3A : i32
    scf.if %cond3A_2 {
      %mul3A_35 = arith.constant 624 : i32
      %mul3A_36 = arith.muli %arg1, %mul3A_35 : i32
      %mul3A_37 = arith.constant 624 : i32
      %mul3A_38 = arith.muli %arg1, %mul3A_37 : i32
      "tpu.region"() ({
        %run_scoped3A_39 = tpu.sem_alloc : memref<!tpu.dma_semaphore, #tpu.memory_space<semaphore_mem>>
        %dma_start3A_40 = arith.constant 0 : i32
        %dma_start3A_41 = tpu.memref_slice %arg11[%mul3A_38, %dma_start3A_40] : memref<10128x128xf32, #tpu.memory_space<vmem_shared>> -> memref<624x128xf32, #tpu.memory_space<vmem_shared>>
        %dma_start3A_42 = arith.constant 0 : i32
        %dma_start3A_43 = tpu.memref_slice %arg5[%mul3A_36, %dma_start3A_42] : memref<10000x128xf32, #tpu.memory_space<hbm>> -> memref<624x128xf32, #tpu.memory_space<hbm>>
        tpu.enqueue_dma source(%dma_start3A_43 : memref<624x128xf32, #tpu.memory_space<hbm>>) target(%dma_start3A_41 : memref<624x128xf32, #tpu.memory_space<vmem_shared>>) target_semaphore(%run_scoped3A_39 : memref<!tpu.dma_semaphore, #tpu.memory_space<semaphore_mem>>)
        %dma_wait3A_44 = arith.constant 0 : i32
        %dma_wait3A_45 = tpu.memref_slice %arg11[%mul3A_38, %dma_wait3A_44] : memref<10128x128xf32, #tpu.memory_space<vmem_shared>> -> memref<624x128xf32, #tpu.memory_space<vmem_shared>>
        %dma_wait3A_46 = arith.constant 0 : i32
        %dma_wait3A_47 = tpu.memref_slice %arg5[%mul3A_36, %dma_wait3A_46] : memref<10000x128xf32, #tpu.memory_space<hbm>> -> memref<624x128xf32, #tpu.memory_space<hbm>>
        tpu.wait_dma2 semaphore(%run_scoped3A_39 : memref<!tpu.dma_semaphore, #tpu.memory_space<semaphore_mem>>) src(%dma_wait3A_47 : memref<624x128xf32, #tpu.memory_space<hbm>>) dst(%dma_wait3A_45 : memref<624x128xf32, #tpu.memory_space<vmem_shared>>)
        tpu.yield
      }) : () -> ()
    } else {
    }
    %eq3A = arith.constant 15 : i32
    %eq3A_3 = arith.cmpi eq, %arg1, %eq3A : i32
    %convert_element_type3A_4 = arith.extui %eq3A_3 : i1 to i32
    %cond3A_5 = arith.constant 0 : i32
    %cond3A_6 = arith.cmpi ne, %convert_element_type3A_4, %cond3A_5 : i32
    scf.if %cond3A_6 {
      "tpu.region"() ({
        %run_scoped3A_35 = tpu.sem_alloc : memref<!tpu.dma_semaphore, #tpu.memory_space<semaphore_mem>>
        %dma_start3A_36 = arith.constant 9360 : i32
        %dma_start3A_37 = arith.constant 0 : i32
        %dma_start3A_38 = tpu.memref_slice %arg11[%dma_start3A_36, %dma_start3A_37] : memref<10128x128xf32, #tpu.memory_space<vmem_shared>> -> memref<640x128xf32, #tpu.memory_space<vmem_shared>>
        %dma_start3A_39 = arith.constant 9360 : i32
        %dma_start3A_40 = arith.constant 0 : i32
        %dma_start3A_41 = tpu.memref_slice %arg5[%dma_start3A_39, %dma_start3A_40] : memref<10000x128xf32, #tpu.memory_space<hbm>> -> memref<640x128xf32, #tpu.memory_space<hbm>>
        tpu.enqueue_dma source(%dma_start3A_41 : memref<640x128xf32, #tpu.memory_space<hbm>>) target(%dma_start3A_38 : memref<640x128xf32, #tpu.memory_space<vmem_shared>>) target_semaphore(%run_scoped3A_35 : memref<!tpu.dma_semaphore, #tpu.memory_space<semaphore_mem>>)
        %dma_wait3A_42 = arith.constant 9360 : i32
        %dma_wait3A_43 = arith.constant 0 : i32
        %dma_wait3A_44 = tpu.memref_slice %arg11[%dma_wait3A_42, %dma_wait3A_43] : memref<10128x128xf32, #tpu.memory_space<vmem_shared>> -> memref<640x128xf32, #tpu.memory_space<vmem_shared>>
        %dma_wait3A_45 = arith.constant 9360 : i32
        %dma_wait3A_46 = arith.constant 0 : i32
        %dma_wait3A_47 = tpu.memref_slice %arg5[%dma_wait3A_45, %dma_wait3A_46] : memref<10000x128xf32, #tpu.memory_space<hbm>> -> memref<640x128xf32, #tpu.memory_space<hbm>>
        tpu.wait_dma2 semaphore(%run_scoped3A_35 : memref<!tpu.dma_semaphore, #tpu.memory_space<semaphore_mem>>) src(%dma_wait3A_47 : memref<640x128xf32, #tpu.memory_space<hbm>>) dst(%dma_wait3A_44 : memref<640x128xf32, #tpu.memory_space<vmem_shared>>)
        tpu.yield
      }) : () -> ()
    } else {
    }
    %mul3A_7 = arith.constant 105 : i32
    %mul3A_8 = arith.muli %add3A, %mul3A_7 : i32
    %mul3A_9 = arith.constant 96 : i32
    %mul3A_10 = arith.muli %mul3A_8, %mul3A_9 : i32
    "tpu.region"() ({
      %run_scoped3A_35 = tpu.sem_alloc : memref<!tpu.dma_semaphore, #tpu.memory_space<semaphore_mem>>
      %dma_start3A_36 = tpu.memref_slice %arg3[%mul3A_10] : memref<322560xi32, #tpu.memory_space<hbm>> -> memref<10080xi32, #tpu.memory_space<hbm>>
      %dma_start3A_37 = tpu.memref_slice %arg3[%mul3A_10] : memref<322560xi32, #tpu.memory_space<hbm>> -> memref<10080xi32, #tpu.memory_space<hbm>>
      tpu.enqueue_dma source(%dma_start3A_37 : memref<10080xi32, #tpu.memory_space<hbm>>) target(%arg7 : memref<10080xi32, #tpu.memory_space<vmem>>) target_semaphore(%run_scoped3A_35 : memref<!tpu.dma_semaphore, #tpu.memory_space<semaphore_mem>>)
      %dma_wait3A_38 = tpu.memref_slice %arg3[%mul3A_10] : memref<322560xi32, #tpu.memory_space<hbm>> -> memref<10080xi32, #tpu.memory_space<hbm>>
      %dma_wait3A_39 = tpu.memref_slice %arg3[%mul3A_10] : memref<322560xi32, #tpu.memory_space<hbm>> -> memref<10080xi32, #tpu.memory_space<hbm>>
      tpu.wait_dma2 semaphore(%run_scoped3A_35 : memref<!tpu.dma_semaphore, #tpu.memory_space<semaphore_mem>>) src(%dma_wait3A_39 : memref<10080xi32, #tpu.memory_space<hbm>>) dst(%arg7 : memref<10080xi32, #tpu.memory_space<vmem>>)
      tpu.yield
    }) : () -> ()
    "tpu.region"() ({
      %run_scoped3A_35 = tpu.sem_alloc : memref<!tpu.dma_semaphore, #tpu.memory_space<semaphore_mem>>
      %dma_start3A_36 = arith.constant 0 : i32
      %dma_start3A_37 = arith.constant 0 : i32
      %dma_start3A_38 = tpu.memref_slice %arg4[%add3A, %dma_start3A_36, %dma_start3A_37] : memref<32x105x96xi32, #tpu.memory_space<hbm>> -> memref<1x105x96xi32, #tpu.memory_space<hbm>>
      %dma_start3A_39 = tpu.memref_squeeze %dma_start3A_38 : memref<1x105x96xi32, #tpu.memory_space<hbm>> -> memref<105x96xi32, #tpu.memory_space<hbm>>
      %dma_start3A_40 = arith.constant 0 : i32
      %dma_start3A_41 = arith.constant 0 : i32
      %dma_start3A_42 = tpu.memref_slice %arg4[%add3A, %dma_start3A_40, %dma_start3A_41] : memref<32x105x96xi32, #tpu.memory_space<hbm>> -> memref<1x105x96xi32, #tpu.memory_space<hbm>>
      %dma_start3A_43 = tpu.memref_squeeze %dma_start3A_42 : memref<1x105x96xi32, #tpu.memory_space<hbm>> -> memref<105x96xi32, #tpu.memory_space<hbm>>
      tpu.enqueue_dma source(%dma_start3A_43 : memref<105x96xi32, #tpu.memory_space<hbm>>) target(%arg8 : memref<105x96xi32, #tpu.memory_space<vmem>>) target_semaphore(%run_scoped3A_35 : memref<!tpu.dma_semaphore, #tpu.memory_space<semaphore_mem>>)
      %dma_wait3A_44 = arith.constant 0 : i32
      %dma_wait3A_45 = arith.constant 0 : i32
      %dma_wait3A_46 = tpu.memref_slice %arg4[%add3A, %dma_wait3A_44, %dma_wait3A_45] : memref<32x105x96xi32, #tpu.memory_space<hbm>> -> memref<1x105x96xi32, #tpu.memory_space<hbm>>
      %dma_wait3A_47 = tpu.memref_squeeze %dma_wait3A_46 : memref<1x105x96xi32, #tpu.memory_space<hbm>> -> memref<105x96xi32, #tpu.memory_space<hbm>>
      %dma_wait3A_48 = arith.constant 0 : i32
      %dma_wait3A_49 = arith.constant 0 : i32
      %dma_wait3A_50 = tpu.memref_slice %arg4[%add3A, %dma_wait3A_48, %dma_wait3A_49] : memref<32x105x96xi32, #tpu.memory_space<hbm>> -> memref<1x105x96xi32, #tpu.memory_space<hbm>>
      %dma_wait3A_51 = tpu.memref_squeeze %dma_wait3A_50 : memref<1x105x96xi32, #tpu.memory_space<hbm>> -> memref<105x96xi32, #tpu.memory_space<hbm>>
      tpu.wait_dma2 semaphore(%run_scoped3A_35 : memref<!tpu.dma_semaphore, #tpu.memory_space<semaphore_mem>>) src(%dma_wait3A_51 : memref<105x96xi32, #tpu.memory_space<hbm>>) dst(%arg8 : memref<105x96xi32, #tpu.memory_space<vmem>>)
      tpu.yield
    }) : () -> ()
    %barrier3A = arith.constant 0 : index
    tpu.barrier barrier_id(%barrier3A)
    %dma_start3A = arith.constant 0 : i32
    %dma_start3A_11 = tpu.memref_slice %arg7[%dma_start3A] : memref<10080xi32, #tpu.memory_space<vmem>> -> memref<96xi32, #tpu.memory_space<vmem>>
    %dma_start3A_12 = arith.constant 0 : i32
    %dma_start3A_13 = arith.constant 0 : i32
    %dma_start3A_14 = tpu.memref_slice %arg2[%dma_start3A_12, %dma_start3A_13] : memref<10000x128xf32, #tpu.memory_space<hbm>> -> memref<10000x128xf32, #tpu.memory_space<hbm>>
    tpu.enqueue_indirect_dma source(%dma_start3A_14 : memref<10000x128xf32, #tpu.memory_space<hbm>>) target(%arg9 : memref<96x128xf32, #tpu.memory_space<vmem>>) offsets(%dma_start3A_11 : memref<96xi32, #tpu.memory_space<vmem>>) semaphore(%arg12 : memref<!tpu.dma_semaphore, #tpu.memory_space<semaphore_mem>>)
    %scan3A = arith.constant 0 : i32
    %scan3A_15 = arith.constant 0 : i32
    %scan3A_16 = arith.constant 52 : i32
    %scan3A_17 = arith.addi %scan3A_15, %scan3A_16 : i32
    %scan3A_18 = arith.constant 1 : i32
    scf.for %scan3A_35 = %scan3A_15 to %scan3A_17 step %scan3A_18  : i32 {
      %mul3A_36 = arith.constant 2 : i32
      %mul3A_37 = arith.muli %mul3A_36, %scan3A_35 : i32
      %add3A_38 = arith.constant 1 : i32
      %add3A_39 = arith.addi %mul3A_37, %add3A_38 : i32
      %mul3A_40 = arith.constant 96 : i32
      %mul3A_41 = arith.muli %add3A_39, %mul3A_40 : i32
      %dma_start3A_42 = tpu.memref_slice %arg7[%mul3A_41] : memref<10080xi32, #tpu.memory_space<vmem>> -> memref<96xi32, #tpu.memory_space<vmem>>
      %dma_start3A_43 = arith.constant 0 : i32
      %dma_start3A_44 = arith.constant 0 : i32
      %dma_start3A_45 = tpu.memref_slice %arg2[%dma_start3A_43, %dma_start3A_44] : memref<10000x128xf32, #tpu.memory_space<hbm>> -> memref<10000x128xf32, #tpu.memory_space<hbm>>
      tpu.enqueue_indirect_dma source(%dma_start3A_45 : memref<10000x128xf32, #tpu.memory_space<hbm>>) target(%arg10 : memref<96x128xf32, #tpu.memory_space<vmem>>) offsets(%dma_start3A_42 : memref<96xi32, #tpu.memory_space<vmem>>) semaphore(%arg13 : memref<!tpu.dma_semaphore, #tpu.memory_space<semaphore_mem>>)
      %dma_wait3A_46 = arith.constant 0 : i32
      %dma_wait3A_47 = tpu.memref_slice %arg7[%dma_wait3A_46] : memref<10080xi32, #tpu.memory_space<vmem>> -> memref<96xi32, #tpu.memory_space<vmem>>
      %dma_wait3A_48 = arith.constant 0 : i32
      %dma_wait3A_49 = arith.constant 0 : i32
      %dma_wait3A_50 = tpu.memref_slice %arg2[%dma_wait3A_48, %dma_wait3A_49] : memref<10000x128xf32, #tpu.memory_space<hbm>> -> memref<10000x128xf32, #tpu.memory_space<hbm>>
      tpu.wait_indirect_dma semaphore(%arg12 : memref<!tpu.dma_semaphore, #tpu.memory_space<semaphore_mem>>) src(%dma_wait3A_50 : memref<10000x128xf32, #tpu.memory_space<hbm>>) dst(%arg9 : memref<96x128xf32, #tpu.memory_space<vmem>>)
      %sub3A = arith.constant 1 : i32
      %sub3A_51 = arith.subi %add3A_39, %sub3A : i32
      "tpu.region"() ({
        %run_scoped3A_65 = tpu.sem_alloc : memref<!tpu.dma_semaphore, #tpu.memory_space<semaphore_mem>>
        %dma_start3A_66 = arith.constant 0 : i32
        %dma_start3A_67 = tpu.memref_slice %arg8[%sub3A_51, %dma_start3A_66] : memref<105x96xi32, #tpu.memory_space<vmem>> -> memref<1x96xi32, #tpu.memory_space<vmem>>
        %dma_start3A_68 = tpu.memref_squeeze %dma_start3A_67 : memref<1x96xi32, #tpu.memory_space<vmem>> -> memref<96xi32, #tpu.memory_space<vmem>>
        %dma_start3A_69 = arith.constant 0 : i32
        %dma_start3A_70 = arith.constant 0 : i32
        %dma_start3A_71 = tpu.memref_slice %arg11[%dma_start3A_69, %dma_start3A_70] : memref<10128x128xf32, #tpu.memory_space<vmem_shared>> -> memref<10128x128xf32, #tpu.memory_space<vmem_shared>>
        tpu.enqueue_indirect_dma source(%arg9 : memref<96x128xf32, #tpu.memory_space<vmem>>) target(%dma_start3A_71 : memref<10128x128xf32, #tpu.memory_space<vmem_shared>>) offsets(%dma_start3A_68 : memref<96xi32, #tpu.memory_space<vmem>>) semaphore(%run_scoped3A_65 : memref<!tpu.dma_semaphore, #tpu.memory_space<semaphore_mem>>) {add = true}
        %dma_wait3A_72 = arith.constant 0 : i32
        %dma_wait3A_73 = tpu.memref_slice %arg8[%sub3A_51, %dma_wait3A_72] : memref<105x96xi32, #tpu.memory_space<vmem>> -> memref<1x96xi32, #tpu.memory_space<vmem>>
        %dma_wait3A_74 = tpu.memref_squeeze %dma_wait3A_73 : memref<1x96xi32, #tpu.memory_space<vmem>> -> memref<96xi32, #tpu.memory_space<vmem>>
        %dma_wait3A_75 = arith.constant 0 : i32
        %dma_wait3A_76 = arith.constant 0 : i32
        %dma_wait3A_77 = tpu.memref_slice %arg11[%dma_wait3A_75, %dma_wait3A_76] : memref<10128x128xf32, #tpu.memory_space<vmem_shared>> -> memref<10128x128xf32, #tpu.memory_space<vmem_shared>>
        tpu.wait_indirect_dma semaphore(%run_scoped3A_65 : memref<!tpu.dma_semaphore, #tpu.memory_space<semaphore_mem>>) src(%arg9 : memref<96x128xf32, #tpu.memory_space<vmem>>) dst(%dma_wait3A_77 : memref<10128x128xf32, #tpu.memory_space<vmem_shared>>)
        tpu.yield
      }) : () -> ()
      %add3A_52 = arith.constant 1 : i32
      %add3A_53 = arith.addi %add3A_39, %add3A_52 : i32
      %mul3A_54 = arith.constant 96 : i32
      %mul3A_55 = arith.muli %add3A_53, %mul3A_54 : i32
      %dma_start3A_56 = tpu.memref_slice %arg7[%mul3A_55] : memref<10080xi32, #tpu.memory_space<vmem>> -> memref<96xi32, #tpu.memory_space<vmem>>
      %dma_start3A_57 = arith.constant 0 : i32
      %dma_start3A_58 = arith.constant 0 : i32
      %dma_start3A_59 = tpu.memref_slice %arg2[%dma_start3A_57, %dma_start3A_58] : memref<10000x128xf32, #tpu.memory_space<hbm>> -> memref<10000x128xf32, #tpu.memory_space<hbm>>
      tpu.enqueue_indirect_dma source(%dma_start3A_59 : memref<10000x128xf32, #tpu.memory_space<hbm>>) target(%arg9 : memref<96x128xf32, #tpu.memory_space<vmem>>) offsets(%dma_start3A_56 : memref<96xi32, #tpu.memory_space<vmem>>) semaphore(%arg12 : memref<!tpu.dma_semaphore, #tpu.memory_space<semaphore_mem>>)
      %dma_wait3A_60 = arith.constant 0 : i32
      %dma_wait3A_61 = tpu.memref_slice %arg7[%dma_wait3A_60] : memref<10080xi32, #tpu.memory_space<vmem>> -> memref<96xi32, #tpu.memory_space<vmem>>
      %dma_wait3A_62 = arith.constant 0 : i32
      %dma_wait3A_63 = arith.constant 0 : i32
      %dma_wait3A_64 = tpu.memref_slice %arg2[%dma_wait3A_62, %dma_wait3A_63] : memref<10000x128xf32, #tpu.memory_space<hbm>> -> memref<10000x128xf32, #tpu.memory_space<hbm>>
      tpu.wait_indirect_dma semaphore(%arg13 : memref<!tpu.dma_semaphore, #tpu.memory_space<semaphore_mem>>) src(%dma_wait3A_64 : memref<10000x128xf32, #tpu.memory_space<hbm>>) dst(%arg10 : memref<96x128xf32, #tpu.memory_space<vmem>>)
      "tpu.region"() ({
        %run_scoped3A_65 = tpu.sem_alloc : memref<!tpu.dma_semaphore, #tpu.memory_space<semaphore_mem>>
        %dma_start3A_66 = arith.constant 0 : i32
        %dma_start3A_67 = tpu.memref_slice %arg8[%add3A_39, %dma_start3A_66] : memref<105x96xi32, #tpu.memory_space<vmem>> -> memref<1x96xi32, #tpu.memory_space<vmem>>
        %dma_start3A_68 = tpu.memref_squeeze %dma_start3A_67 : memref<1x96xi32, #tpu.memory_space<vmem>> -> memref<96xi32, #tpu.memory_space<vmem>>
        %dma_start3A_69 = arith.constant 0 : i32
        %dma_start3A_70 = arith.constant 0 : i32
        %dma_start3A_71 = tpu.memref_slice %arg11[%dma_start3A_69, %dma_start3A_70] : memref<10128x128xf32, #tpu.memory_space<vmem_shared>> -> memref<10128x128xf32, #tpu.memory_space<vmem_shared>>
        tpu.enqueue_indirect_dma source(%arg10 : memref<96x128xf32, #tpu.memory_space<vmem>>) target(%dma_start3A_71 : memref<10128x128xf32, #tpu.memory_space<vmem_shared>>) offsets(%dma_start3A_68 : memref<96xi32, #tpu.memory_space<vmem>>) semaphore(%run_scoped3A_65 : memref<!tpu.dma_semaphore, #tpu.memory_space<semaphore_mem>>) {add = true}
        %dma_wait3A_72 = arith.constant 0 : i32
        %dma_wait3A_73 = tpu.memref_slice %arg8[%add3A_39, %dma_wait3A_72] : memref<105x96xi32, #tpu.memory_space<vmem>> -> memref<1x96xi32, #tpu.memory_space<vmem>>
        %dma_wait3A_74 = tpu.memref_squeeze %dma_wait3A_73 : memref<1x96xi32, #tpu.memory_space<vmem>> -> memref<96xi32, #tpu.memory_space<vmem>>
        %dma_wait3A_75 = arith.constant 0 : i32
        %dma_wait3A_76 = arith.constant 0 : i32
        %dma_wait3A_77 = tpu.memref_slice %arg11[%dma_wait3A_75, %dma_wait3A_76] : memref<10128x128xf32, #tpu.memory_space<vmem_shared>> -> memref<10128x128xf32, #tpu.memory_space<vmem_shared>>
        tpu.wait_indirect_dma semaphore(%run_scoped3A_65 : memref<!tpu.dma_semaphore, #tpu.memory_space<semaphore_mem>>) src(%arg10 : memref<96x128xf32, #tpu.memory_space<vmem>>) dst(%dma_wait3A_77 : memref<10128x128xf32, #tpu.memory_space<vmem_shared>>)
        tpu.yield
      }) : () -> ()
    }
    %scan3A_19 = arith.constant 52 : i32
    %dma_wait3A = arith.constant 0 : i32
    %dma_wait3A_20 = tpu.memref_slice %arg7[%dma_wait3A] : memref<10080xi32, #tpu.memory_space<vmem>> -> memref<96xi32, #tpu.memory_space<vmem>>
    %dma_wait3A_21 = arith.constant 0 : i32
    %dma_wait3A_22 = arith.constant 0 : i32
    %dma_wait3A_23 = tpu.memref_slice %arg2[%dma_wait3A_21, %dma_wait3A_22] : memref<10000x128xf32, #tpu.memory_space<hbm>> -> memref<10000x128xf32, #tpu.memory_space<hbm>>
    tpu.wait_indirect_dma semaphore(%arg12 : memref<!tpu.dma_semaphore, #tpu.memory_space<semaphore_mem>>) src(%dma_wait3A_23 : memref<10000x128xf32, #tpu.memory_space<hbm>>) dst(%arg9 : memref<96x128xf32, #tpu.memory_space<vmem>>)
    %run_scoped3A = arith.constant 104 : i32
    "tpu.region"() ({
      %run_scoped3A_35 = tpu.sem_alloc : memref<!tpu.dma_semaphore, #tpu.memory_space<semaphore_mem>>
      %dma_start3A_36 = arith.constant 0 : i32
      %dma_start3A_37 = tpu.memref_slice %arg8[%run_scoped3A, %dma_start3A_36] : memref<105x96xi32, #tpu.memory_space<vmem>> -> memref<1x96xi32, #tpu.memory_space<vmem>>
      %dma_start3A_38 = tpu.memref_squeeze %dma_start3A_37 : memref<1x96xi32, #tpu.memory_space<vmem>> -> memref<96xi32, #tpu.memory_space<vmem>>
      %dma_start3A_39 = arith.constant 0 : i32
      %dma_start3A_40 = arith.constant 0 : i32
      %dma_start3A_41 = tpu.memref_slice %arg11[%dma_start3A_39, %dma_start3A_40] : memref<10128x128xf32, #tpu.memory_space<vmem_shared>> -> memref<10128x128xf32, #tpu.memory_space<vmem_shared>>
      tpu.enqueue_indirect_dma source(%arg9 : memref<96x128xf32, #tpu.memory_space<vmem>>) target(%dma_start3A_41 : memref<10128x128xf32, #tpu.memory_space<vmem_shared>>) offsets(%dma_start3A_38 : memref<96xi32, #tpu.memory_space<vmem>>) semaphore(%run_scoped3A_35 : memref<!tpu.dma_semaphore, #tpu.memory_space<semaphore_mem>>) {add = true}
      %dma_wait3A_42 = arith.constant 0 : i32
      %dma_wait3A_43 = tpu.memref_slice %arg8[%run_scoped3A, %dma_wait3A_42] : memref<105x96xi32, #tpu.memory_space<vmem>> -> memref<1x96xi32, #tpu.memory_space<vmem>>
      %dma_wait3A_44 = tpu.memref_squeeze %dma_wait3A_43 : memref<1x96xi32, #tpu.memory_space<vmem>> -> memref<96xi32, #tpu.memory_space<vmem>>
      %dma_wait3A_45 = arith.constant 0 : i32
      %dma_wait3A_46 = arith.constant 0 : i32
      %dma_wait3A_47 = tpu.memref_slice %arg11[%dma_wait3A_45, %dma_wait3A_46] : memref<10128x128xf32, #tpu.memory_space<vmem_shared>> -> memref<10128x128xf32, #tpu.memory_space<vmem_shared>>
      tpu.wait_indirect_dma semaphore(%run_scoped3A_35 : memref<!tpu.dma_semaphore, #tpu.memory_space<semaphore_mem>>) src(%arg9 : memref<96x128xf32, #tpu.memory_space<vmem>>) dst(%dma_wait3A_47 : memref<10128x128xf32, #tpu.memory_space<vmem_shared>>)
      tpu.yield
    }) : () -> ()
    %barrier3A_24 = arith.constant 0 : index
    tpu.barrier barrier_id(%barrier3A_24)
    %lt3A_25 = arith.constant 15 : i32
    %lt3A_26 = arith.cmpi slt, %arg1, %lt3A_25 : i32
    %convert_element_type3A_27 = arith.extui %lt3A_26 : i1 to i32
    %cond3A_28 = arith.constant 0 : i32
    %cond3A_29 = arith.cmpi ne, %convert_element_type3A_27, %cond3A_28 : i32
    scf.if %cond3A_29 {
      %mul3A_35 = arith.constant 624 : i32
      %mul3A_36 = arith.muli %arg1, %mul3A_35 : i32
      %mul3A_37 = arith.constant 10000 : i32
      %mul3A_38 = arith.muli %arg0, %mul3A_37 : i32
      %mul3A_39 = arith.constant 624 : i32
      %mul3A_40 = arith.muli %arg1, %mul3A_39 : i32
      %add3A_41 = arith.addi %mul3A_38, %mul3A_40 : i32
      "tpu.region"() ({
        %run_scoped3A_42 = tpu.sem_alloc : memref<!tpu.dma_semaphore, #tpu.memory_space<semaphore_mem>>
        %dma_start3A_43 = arith.constant 0 : i32
        %dma_start3A_44 = tpu.memref_slice %arg6[%add3A_41, %dma_start3A_43] : memref<20000x128xf32, #tpu.memory_space<hbm>> -> memref<624x128xf32, #tpu.memory_space<hbm>>
        %dma_start3A_45 = arith.constant 0 : i32
        %dma_start3A_46 = tpu.memref_slice %arg11[%mul3A_36, %dma_start3A_45] : memref<10128x128xf32, #tpu.memory_space<vmem_shared>> -> memref<624x128xf32, #tpu.memory_space<vmem_shared>>
        tpu.enqueue_dma source(%dma_start3A_46 : memref<624x128xf32, #tpu.memory_space<vmem_shared>>) target(%dma_start3A_44 : memref<624x128xf32, #tpu.memory_space<hbm>>) target_semaphore(%run_scoped3A_42 : memref<!tpu.dma_semaphore, #tpu.memory_space<semaphore_mem>>)
        %dma_wait3A_47 = arith.constant 0 : i32
        %dma_wait3A_48 = tpu.memref_slice %arg6[%add3A_41, %dma_wait3A_47] : memref<20000x128xf32, #tpu.memory_space<hbm>> -> memref<624x128xf32, #tpu.memory_space<hbm>>
        %dma_wait3A_49 = arith.constant 0 : i32
        %dma_wait3A_50 = tpu.memref_slice %arg11[%mul3A_36, %dma_wait3A_49] : memref<10128x128xf32, #tpu.memory_space<vmem_shared>> -> memref<624x128xf32, #tpu.memory_space<vmem_shared>>
        tpu.wait_dma2 semaphore(%run_scoped3A_42 : memref<!tpu.dma_semaphore, #tpu.memory_space<semaphore_mem>>) src(%dma_wait3A_50 : memref<624x128xf32, #tpu.memory_space<vmem_shared>>) dst(%dma_wait3A_48 : memref<624x128xf32, #tpu.memory_space<hbm>>)
        tpu.yield
      }) : () -> ()
    } else {
    }
    %eq3A_30 = arith.constant 15 : i32
    %eq3A_31 = arith.cmpi eq, %arg1, %eq3A_30 : i32
    %convert_element_type3A_32 = arith.extui %eq3A_31 : i1 to i32
    %cond3A_33 = arith.constant 0 : i32
    %cond3A_34 = arith.cmpi ne, %convert_element_type3A_32, %cond3A_33 : i32
    scf.if %cond3A_34 {
      %mul3A_35 = arith.constant 10000 : i32
      %mul3A_36 = arith.muli %arg0, %mul3A_35 : i32
      %add3A_37 = arith.constant 9360 : i32
      %add3A_38 = arith.addi %mul3A_36, %add3A_37 : i32
      "tpu.region"() ({
        %run_scoped3A_39 = tpu.sem_alloc : memref<!tpu.dma_semaphore, #tpu.memory_space<semaphore_mem>>
        %dma_start3A_40 = arith.constant 0 : i32
        %dma_start3A_41 = tpu.memref_slice %arg6[%add3A_38, %dma_start3A_40] : memref<20000x128xf32, #tpu.memory_space<hbm>> -> memref<640x128xf32, #tpu.memory_space<hbm>>
        %dma_start3A_42 = arith.constant 9360 : i32
        %dma_start3A_43 = arith.constant 0 : i32
        %dma_start3A_44 = tpu.memref_slice %arg11[%dma_start3A_42, %dma_start3A_43] : memref<10128x128xf32, #tpu.memory_space<vmem_shared>> -> memref<640x128xf32, #tpu.memory_space<vmem_shared>>
        tpu.enqueue_dma source(%dma_start3A_44 : memref<640x128xf32, #tpu.memory_space<vmem_shared>>) target(%dma_start3A_41 : memref<640x128xf32, #tpu.memory_space<hbm>>) target_semaphore(%run_scoped3A_39 : memref<!tpu.dma_semaphore, #tpu.memory_space<semaphore_mem>>)
        %dma_wait3A_45 = arith.constant 0 : i32
        %dma_wait3A_46 = tpu.memref_slice %arg6[%add3A_38, %dma_wait3A_45] : memref<20000x128xf32, #tpu.memory_space<hbm>> -> memref<640x128xf32, #tpu.memory_space<hbm>>
        %dma_wait3A_47 = arith.constant 9360 : i32
        %dma_wait3A_48 = arith.constant 0 : i32
        %dma_wait3A_49 = tpu.memref_slice %arg11[%dma_wait3A_47, %dma_wait3A_48] : memref<10128x128xf32, #tpu.memory_space<vmem_shared>> -> memref<640x128xf32, #tpu.memory_space<vmem_shared>>
        tpu.wait_dma2 semaphore(%run_scoped3A_39 : memref<!tpu.dma_semaphore, #tpu.memory_space<semaphore_mem>>) src(%dma_wait3A_49 : memref<640x128xf32, #tpu.memory_space<vmem_shared>>) dst(%dma_wait3A_46 : memref<640x128xf32, #tpu.memory_space<hbm>>)
        tpu.yield
      }) : () -> ()
    } else {
    }
    return
  }
}

#map = affine_map<(d0, d1) -> (0, 0)>
#map1 = affine_map<(d0, d1) -> (0)>
#map2 = affine_map<(d0, d1) -> (0, 0, 0)>
module attributes {stable_mosaic.version = 14 : i64} {
  func.func @body(%arg0: i32, %arg1: i32, %arg2: memref<10000x128xf32, #tpu.memory_space<hbm>>, %arg3: memref<167936xi32, #tpu.memory_space<hbm>>, %arg4: memref<32x41x128xi32, #tpu.memory_space<hbm>>, %arg5: memref<10000x128xf32, #tpu.memory_space<hbm>>, %arg6: memref<20000x128xf32, #tpu.memory_space<hbm>>, %arg7: memref<5248xi32, #tpu.memory_space<vmem>>, %arg8: memref<41x128xi32, #tpu.memory_space<vmem>>, %arg9: memref<128x128xf32, #tpu.memory_space<vmem>>, %arg10: memref<128x128xf32, #tpu.memory_space<vmem>>, %arg11: memref<10256x128xf32, #tpu.memory_space<vmem_shared>>, %arg12: memref<!tpu.dma_semaphore, #tpu.memory_space<semaphore_mem>>, %arg13: memref<!tpu.dma_semaphore, #tpu.memory_space<semaphore_mem>>) attributes {dimension_semantics = [#tpu.dimension_semantics<core_parallel>, #tpu.dimension_semantics<subcore_parallel>], iteration_bounds = array<i64: 2, 16>, scalar_prefetch = 0 : i64, scratch_operands = 7 : i64, tpu.core_type = #tpu.core_type<sc_vector_subcore>, window_params = [{transform_indices = #map}, {transform_indices = #map1}, {transform_indices = #map2}, {transform_indices = #map}, {transform_indices = #map}]} {
    %mul3A = arith.constant 16 : i32
    %mul3A_0 = arith.muli %arg0, %mul3A : i32
    %add3A = arith.addi %mul3A_0, %arg1 : i32
    %lt3A = arith.constant 15 : i32
    %lt3A_1 = arith.cmpi slt, %arg1, %lt3A : i32
    %convert_element_type3A = arith.extui %lt3A_1 : i1 to i32
    %cond3A = arith.constant 0 : i32
    %cond3A_2 = arith.cmpi ne, %convert_element_type3A, %cond3A : i32
    scf.if %cond3A_2 {
      %mul3A_35 = arith.constant 624 : i32
      %mul3A_36 = arith.muli %arg1, %mul3A_35 : i32
      %mul3A_37 = arith.constant 624 : i32
      %mul3A_38 = arith.muli %arg1, %mul3A_37 : i32
      "tpu.region"() ({
        %run_scoped3A_39 = tpu.sem_alloc : memref<!tpu.dma_semaphore, #tpu.memory_space<semaphore_mem>>
        %dma_start3A_40 = arith.constant 0 : i32
        %dma_start3A_41 = tpu.memref_slice %arg11[%mul3A_38, %dma_start3A_40] : memref<10256x128xf32, #tpu.memory_space<vmem_shared>> -> memref<624x128xf32, #tpu.memory_space<vmem_shared>>
        %dma_start3A_42 = arith.constant 0 : i32
        %dma_start3A_43 = tpu.memref_slice %arg5[%mul3A_36, %dma_start3A_42] : memref<10000x128xf32, #tpu.memory_space<hbm>> -> memref<624x128xf32, #tpu.memory_space<hbm>>
        tpu.enqueue_dma source(%dma_start3A_43 : memref<624x128xf32, #tpu.memory_space<hbm>>) target(%dma_start3A_41 : memref<624x128xf32, #tpu.memory_space<vmem_shared>>) target_semaphore(%run_scoped3A_39 : memref<!tpu.dma_semaphore, #tpu.memory_space<semaphore_mem>>)
        %dma_wait3A_44 = arith.constant 0 : i32
        %dma_wait3A_45 = tpu.memref_slice %arg11[%mul3A_38, %dma_wait3A_44] : memref<10256x128xf32, #tpu.memory_space<vmem_shared>> -> memref<624x128xf32, #tpu.memory_space<vmem_shared>>
        %dma_wait3A_46 = arith.constant 0 : i32
        %dma_wait3A_47 = tpu.memref_slice %arg5[%mul3A_36, %dma_wait3A_46] : memref<10000x128xf32, #tpu.memory_space<hbm>> -> memref<624x128xf32, #tpu.memory_space<hbm>>
        tpu.wait_dma2 semaphore(%run_scoped3A_39 : memref<!tpu.dma_semaphore, #tpu.memory_space<semaphore_mem>>) src(%dma_wait3A_47 : memref<624x128xf32, #tpu.memory_space<hbm>>) dst(%dma_wait3A_45 : memref<624x128xf32, #tpu.memory_space<vmem_shared>>)
        tpu.yield
      }) : () -> ()
    } else {
    }
    %eq3A = arith.constant 15 : i32
    %eq3A_3 = arith.cmpi eq, %arg1, %eq3A : i32
    %convert_element_type3A_4 = arith.extui %eq3A_3 : i1 to i32
    %cond3A_5 = arith.constant 0 : i32
    %cond3A_6 = arith.cmpi ne, %convert_element_type3A_4, %cond3A_5 : i32
    scf.if %cond3A_6 {
      "tpu.region"() ({
        %run_scoped3A_35 = tpu.sem_alloc : memref<!tpu.dma_semaphore, #tpu.memory_space<semaphore_mem>>
        %dma_start3A_36 = arith.constant 9360 : i32
        %dma_start3A_37 = arith.constant 0 : i32
        %dma_start3A_38 = tpu.memref_slice %arg11[%dma_start3A_36, %dma_start3A_37] : memref<10256x128xf32, #tpu.memory_space<vmem_shared>> -> memref<640x128xf32, #tpu.memory_space<vmem_shared>>
        %dma_start3A_39 = arith.constant 9360 : i32
        %dma_start3A_40 = arith.constant 0 : i32
        %dma_start3A_41 = tpu.memref_slice %arg5[%dma_start3A_39, %dma_start3A_40] : memref<10000x128xf32, #tpu.memory_space<hbm>> -> memref<640x128xf32, #tpu.memory_space<hbm>>
        tpu.enqueue_dma source(%dma_start3A_41 : memref<640x128xf32, #tpu.memory_space<hbm>>) target(%dma_start3A_38 : memref<640x128xf32, #tpu.memory_space<vmem_shared>>) target_semaphore(%run_scoped3A_35 : memref<!tpu.dma_semaphore, #tpu.memory_space<semaphore_mem>>)
        %dma_wait3A_42 = arith.constant 9360 : i32
        %dma_wait3A_43 = arith.constant 0 : i32
        %dma_wait3A_44 = tpu.memref_slice %arg11[%dma_wait3A_42, %dma_wait3A_43] : memref<10256x128xf32, #tpu.memory_space<vmem_shared>> -> memref<640x128xf32, #tpu.memory_space<vmem_shared>>
        %dma_wait3A_45 = arith.constant 9360 : i32
        %dma_wait3A_46 = arith.constant 0 : i32
        %dma_wait3A_47 = tpu.memref_slice %arg5[%dma_wait3A_45, %dma_wait3A_46] : memref<10000x128xf32, #tpu.memory_space<hbm>> -> memref<640x128xf32, #tpu.memory_space<hbm>>
        tpu.wait_dma2 semaphore(%run_scoped3A_35 : memref<!tpu.dma_semaphore, #tpu.memory_space<semaphore_mem>>) src(%dma_wait3A_47 : memref<640x128xf32, #tpu.memory_space<hbm>>) dst(%dma_wait3A_44 : memref<640x128xf32, #tpu.memory_space<vmem_shared>>)
        tpu.yield
      }) : () -> ()
    } else {
    }
    %mul3A_7 = arith.constant 41 : i32
    %mul3A_8 = arith.muli %add3A, %mul3A_7 : i32
    %mul3A_9 = arith.constant 128 : i32
    %mul3A_10 = arith.muli %mul3A_8, %mul3A_9 : i32
    "tpu.region"() ({
      %run_scoped3A_35 = tpu.sem_alloc : memref<!tpu.dma_semaphore, #tpu.memory_space<semaphore_mem>>
      %dma_start3A_36 = tpu.memref_slice %arg3[%mul3A_10] : memref<167936xi32, #tpu.memory_space<hbm>> -> memref<5248xi32, #tpu.memory_space<hbm>>
      %dma_start3A_37 = tpu.memref_slice %arg3[%mul3A_10] : memref<167936xi32, #tpu.memory_space<hbm>> -> memref<5248xi32, #tpu.memory_space<hbm>>
      tpu.enqueue_dma source(%dma_start3A_37 : memref<5248xi32, #tpu.memory_space<hbm>>) target(%arg7 : memref<5248xi32, #tpu.memory_space<vmem>>) target_semaphore(%run_scoped3A_35 : memref<!tpu.dma_semaphore, #tpu.memory_space<semaphore_mem>>)
      %dma_wait3A_38 = tpu.memref_slice %arg3[%mul3A_10] : memref<167936xi32, #tpu.memory_space<hbm>> -> memref<5248xi32, #tpu.memory_space<hbm>>
      %dma_wait3A_39 = tpu.memref_slice %arg3[%mul3A_10] : memref<167936xi32, #tpu.memory_space<hbm>> -> memref<5248xi32, #tpu.memory_space<hbm>>
      tpu.wait_dma2 semaphore(%run_scoped3A_35 : memref<!tpu.dma_semaphore, #tpu.memory_space<semaphore_mem>>) src(%dma_wait3A_39 : memref<5248xi32, #tpu.memory_space<hbm>>) dst(%arg7 : memref<5248xi32, #tpu.memory_space<vmem>>)
      tpu.yield
    }) : () -> ()
    "tpu.region"() ({
      %run_scoped3A_35 = tpu.sem_alloc : memref<!tpu.dma_semaphore, #tpu.memory_space<semaphore_mem>>
      %dma_start3A_36 = arith.constant 0 : i32
      %dma_start3A_37 = arith.constant 0 : i32
      %dma_start3A_38 = tpu.memref_slice %arg4[%add3A, %dma_start3A_36, %dma_start3A_37] : memref<32x41x128xi32, #tpu.memory_space<hbm>> -> memref<1x41x128xi32, #tpu.memory_space<hbm>>
      %dma_start3A_39 = tpu.memref_squeeze %dma_start3A_38 : memref<1x41x128xi32, #tpu.memory_space<hbm>> -> memref<41x128xi32, #tpu.memory_space<hbm>>
      %dma_start3A_40 = arith.constant 0 : i32
      %dma_start3A_41 = arith.constant 0 : i32
      %dma_start3A_42 = tpu.memref_slice %arg4[%add3A, %dma_start3A_40, %dma_start3A_41] : memref<32x41x128xi32, #tpu.memory_space<hbm>> -> memref<1x41x128xi32, #tpu.memory_space<hbm>>
      %dma_start3A_43 = tpu.memref_squeeze %dma_start3A_42 : memref<1x41x128xi32, #tpu.memory_space<hbm>> -> memref<41x128xi32, #tpu.memory_space<hbm>>
      tpu.enqueue_dma source(%dma_start3A_43 : memref<41x128xi32, #tpu.memory_space<hbm>>) target(%arg8 : memref<41x128xi32, #tpu.memory_space<vmem>>) target_semaphore(%run_scoped3A_35 : memref<!tpu.dma_semaphore, #tpu.memory_space<semaphore_mem>>)
      %dma_wait3A_44 = arith.constant 0 : i32
      %dma_wait3A_45 = arith.constant 0 : i32
      %dma_wait3A_46 = tpu.memref_slice %arg4[%add3A, %dma_wait3A_44, %dma_wait3A_45] : memref<32x41x128xi32, #tpu.memory_space<hbm>> -> memref<1x41x128xi32, #tpu.memory_space<hbm>>
      %dma_wait3A_47 = tpu.memref_squeeze %dma_wait3A_46 : memref<1x41x128xi32, #tpu.memory_space<hbm>> -> memref<41x128xi32, #tpu.memory_space<hbm>>
      %dma_wait3A_48 = arith.constant 0 : i32
      %dma_wait3A_49 = arith.constant 0 : i32
      %dma_wait3A_50 = tpu.memref_slice %arg4[%add3A, %dma_wait3A_48, %dma_wait3A_49] : memref<32x41x128xi32, #tpu.memory_space<hbm>> -> memref<1x41x128xi32, #tpu.memory_space<hbm>>
      %dma_wait3A_51 = tpu.memref_squeeze %dma_wait3A_50 : memref<1x41x128xi32, #tpu.memory_space<hbm>> -> memref<41x128xi32, #tpu.memory_space<hbm>>
      tpu.wait_dma2 semaphore(%run_scoped3A_35 : memref<!tpu.dma_semaphore, #tpu.memory_space<semaphore_mem>>) src(%dma_wait3A_51 : memref<41x128xi32, #tpu.memory_space<hbm>>) dst(%arg8 : memref<41x128xi32, #tpu.memory_space<vmem>>)
      tpu.yield
    }) : () -> ()
    %barrier3A = arith.constant 0 : index
    tpu.barrier barrier_id(%barrier3A)
    %dma_start3A = arith.constant 0 : i32
    %dma_start3A_11 = tpu.memref_slice %arg7[%dma_start3A] : memref<5248xi32, #tpu.memory_space<vmem>> -> memref<128xi32, #tpu.memory_space<vmem>>
    %dma_start3A_12 = arith.constant 0 : i32
    %dma_start3A_13 = arith.constant 0 : i32
    %dma_start3A_14 = tpu.memref_slice %arg2[%dma_start3A_12, %dma_start3A_13] : memref<10000x128xf32, #tpu.memory_space<hbm>> -> memref<10000x128xf32, #tpu.memory_space<hbm>>
    tpu.enqueue_indirect_dma source(%dma_start3A_14 : memref<10000x128xf32, #tpu.memory_space<hbm>>) target(%arg9 : memref<128x128xf32, #tpu.memory_space<vmem>>) offsets(%dma_start3A_11 : memref<128xi32, #tpu.memory_space<vmem>>) semaphore(%arg12 : memref<!tpu.dma_semaphore, #tpu.memory_space<semaphore_mem>>)
    %scan3A = arith.constant 0 : i32
    %scan3A_15 = arith.constant 0 : i32
    %scan3A_16 = arith.constant 20 : i32
    %scan3A_17 = arith.addi %scan3A_15, %scan3A_16 : i32
    %scan3A_18 = arith.constant 1 : i32
    scf.for %scan3A_35 = %scan3A_15 to %scan3A_17 step %scan3A_18  : i32 {
      %mul3A_36 = arith.constant 2 : i32
      %mul3A_37 = arith.muli %mul3A_36, %scan3A_35 : i32
      %add3A_38 = arith.constant 1 : i32
      %add3A_39 = arith.addi %mul3A_37, %add3A_38 : i32
      %mul3A_40 = arith.constant 128 : i32
      %mul3A_41 = arith.muli %add3A_39, %mul3A_40 : i32
      %dma_start3A_42 = tpu.memref_slice %arg7[%mul3A_41] : memref<5248xi32, #tpu.memory_space<vmem>> -> memref<128xi32, #tpu.memory_space<vmem>>
      %dma_start3A_43 = arith.constant 0 : i32
      %dma_start3A_44 = arith.constant 0 : i32
      %dma_start3A_45 = tpu.memref_slice %arg2[%dma_start3A_43, %dma_start3A_44] : memref<10000x128xf32, #tpu.memory_space<hbm>> -> memref<10000x128xf32, #tpu.memory_space<hbm>>
      tpu.enqueue_indirect_dma source(%dma_start3A_45 : memref<10000x128xf32, #tpu.memory_space<hbm>>) target(%arg10 : memref<128x128xf32, #tpu.memory_space<vmem>>) offsets(%dma_start3A_42 : memref<128xi32, #tpu.memory_space<vmem>>) semaphore(%arg13 : memref<!tpu.dma_semaphore, #tpu.memory_space<semaphore_mem>>)
      %dma_wait3A_46 = arith.constant 0 : i32
      %dma_wait3A_47 = tpu.memref_slice %arg7[%dma_wait3A_46] : memref<5248xi32, #tpu.memory_space<vmem>> -> memref<128xi32, #tpu.memory_space<vmem>>
      %dma_wait3A_48 = arith.constant 0 : i32
      %dma_wait3A_49 = arith.constant 0 : i32
      %dma_wait3A_50 = tpu.memref_slice %arg2[%dma_wait3A_48, %dma_wait3A_49] : memref<10000x128xf32, #tpu.memory_space<hbm>> -> memref<10000x128xf32, #tpu.memory_space<hbm>>
      tpu.wait_indirect_dma semaphore(%arg12 : memref<!tpu.dma_semaphore, #tpu.memory_space<semaphore_mem>>) src(%dma_wait3A_50 : memref<10000x128xf32, #tpu.memory_space<hbm>>) dst(%arg9 : memref<128x128xf32, #tpu.memory_space<vmem>>)
      %sub3A = arith.constant 1 : i32
      %sub3A_51 = arith.subi %add3A_39, %sub3A : i32
      "tpu.region"() ({
        %run_scoped3A_65 = tpu.sem_alloc : memref<!tpu.dma_semaphore, #tpu.memory_space<semaphore_mem>>
        %dma_start3A_66 = arith.constant 0 : i32
        %dma_start3A_67 = tpu.memref_slice %arg8[%sub3A_51, %dma_start3A_66] : memref<41x128xi32, #tpu.memory_space<vmem>> -> memref<1x128xi32, #tpu.memory_space<vmem>>
        %dma_start3A_68 = tpu.memref_squeeze %dma_start3A_67 : memref<1x128xi32, #tpu.memory_space<vmem>> -> memref<128xi32, #tpu.memory_space<vmem>>
        %dma_start3A_69 = arith.constant 0 : i32
        %dma_start3A_70 = arith.constant 0 : i32
        %dma_start3A_71 = tpu.memref_slice %arg11[%dma_start3A_69, %dma_start3A_70] : memref<10256x128xf32, #tpu.memory_space<vmem_shared>> -> memref<10256x128xf32, #tpu.memory_space<vmem_shared>>
        tpu.enqueue_indirect_dma source(%arg9 : memref<128x128xf32, #tpu.memory_space<vmem>>) target(%dma_start3A_71 : memref<10256x128xf32, #tpu.memory_space<vmem_shared>>) offsets(%dma_start3A_68 : memref<128xi32, #tpu.memory_space<vmem>>) semaphore(%run_scoped3A_65 : memref<!tpu.dma_semaphore, #tpu.memory_space<semaphore_mem>>) {add = true}
        %dma_wait3A_72 = arith.constant 0 : i32
        %dma_wait3A_73 = tpu.memref_slice %arg8[%sub3A_51, %dma_wait3A_72] : memref<41x128xi32, #tpu.memory_space<vmem>> -> memref<1x128xi32, #tpu.memory_space<vmem>>
        %dma_wait3A_74 = tpu.memref_squeeze %dma_wait3A_73 : memref<1x128xi32, #tpu.memory_space<vmem>> -> memref<128xi32, #tpu.memory_space<vmem>>
        %dma_wait3A_75 = arith.constant 0 : i32
        %dma_wait3A_76 = arith.constant 0 : i32
        %dma_wait3A_77 = tpu.memref_slice %arg11[%dma_wait3A_75, %dma_wait3A_76] : memref<10256x128xf32, #tpu.memory_space<vmem_shared>> -> memref<10256x128xf32, #tpu.memory_space<vmem_shared>>
        tpu.wait_indirect_dma semaphore(%run_scoped3A_65 : memref<!tpu.dma_semaphore, #tpu.memory_space<semaphore_mem>>) src(%arg9 : memref<128x128xf32, #tpu.memory_space<vmem>>) dst(%dma_wait3A_77 : memref<10256x128xf32, #tpu.memory_space<vmem_shared>>)
        tpu.yield
      }) : () -> ()
      %add3A_52 = arith.constant 1 : i32
      %add3A_53 = arith.addi %add3A_39, %add3A_52 : i32
      %mul3A_54 = arith.constant 128 : i32
      %mul3A_55 = arith.muli %add3A_53, %mul3A_54 : i32
      %dma_start3A_56 = tpu.memref_slice %arg7[%mul3A_55] : memref<5248xi32, #tpu.memory_space<vmem>> -> memref<128xi32, #tpu.memory_space<vmem>>
      %dma_start3A_57 = arith.constant 0 : i32
      %dma_start3A_58 = arith.constant 0 : i32
      %dma_start3A_59 = tpu.memref_slice %arg2[%dma_start3A_57, %dma_start3A_58] : memref<10000x128xf32, #tpu.memory_space<hbm>> -> memref<10000x128xf32, #tpu.memory_space<hbm>>
      tpu.enqueue_indirect_dma source(%dma_start3A_59 : memref<10000x128xf32, #tpu.memory_space<hbm>>) target(%arg9 : memref<128x128xf32, #tpu.memory_space<vmem>>) offsets(%dma_start3A_56 : memref<128xi32, #tpu.memory_space<vmem>>) semaphore(%arg12 : memref<!tpu.dma_semaphore, #tpu.memory_space<semaphore_mem>>)
      %dma_wait3A_60 = arith.constant 0 : i32
      %dma_wait3A_61 = tpu.memref_slice %arg7[%dma_wait3A_60] : memref<5248xi32, #tpu.memory_space<vmem>> -> memref<128xi32, #tpu.memory_space<vmem>>
      %dma_wait3A_62 = arith.constant 0 : i32
      %dma_wait3A_63 = arith.constant 0 : i32
      %dma_wait3A_64 = tpu.memref_slice %arg2[%dma_wait3A_62, %dma_wait3A_63] : memref<10000x128xf32, #tpu.memory_space<hbm>> -> memref<10000x128xf32, #tpu.memory_space<hbm>>
      tpu.wait_indirect_dma semaphore(%arg13 : memref<!tpu.dma_semaphore, #tpu.memory_space<semaphore_mem>>) src(%dma_wait3A_64 : memref<10000x128xf32, #tpu.memory_space<hbm>>) dst(%arg10 : memref<128x128xf32, #tpu.memory_space<vmem>>)
      "tpu.region"() ({
        %run_scoped3A_65 = tpu.sem_alloc : memref<!tpu.dma_semaphore, #tpu.memory_space<semaphore_mem>>
        %dma_start3A_66 = arith.constant 0 : i32
        %dma_start3A_67 = tpu.memref_slice %arg8[%add3A_39, %dma_start3A_66] : memref<41x128xi32, #tpu.memory_space<vmem>> -> memref<1x128xi32, #tpu.memory_space<vmem>>
        %dma_start3A_68 = tpu.memref_squeeze %dma_start3A_67 : memref<1x128xi32, #tpu.memory_space<vmem>> -> memref<128xi32, #tpu.memory_space<vmem>>
        %dma_start3A_69 = arith.constant 0 : i32
        %dma_start3A_70 = arith.constant 0 : i32
        %dma_start3A_71 = tpu.memref_slice %arg11[%dma_start3A_69, %dma_start3A_70] : memref<10256x128xf32, #tpu.memory_space<vmem_shared>> -> memref<10256x128xf32, #tpu.memory_space<vmem_shared>>
        tpu.enqueue_indirect_dma source(%arg10 : memref<128x128xf32, #tpu.memory_space<vmem>>) target(%dma_start3A_71 : memref<10256x128xf32, #tpu.memory_space<vmem_shared>>) offsets(%dma_start3A_68 : memref<128xi32, #tpu.memory_space<vmem>>) semaphore(%run_scoped3A_65 : memref<!tpu.dma_semaphore, #tpu.memory_space<semaphore_mem>>) {add = true}
        %dma_wait3A_72 = arith.constant 0 : i32
        %dma_wait3A_73 = tpu.memref_slice %arg8[%add3A_39, %dma_wait3A_72] : memref<41x128xi32, #tpu.memory_space<vmem>> -> memref<1x128xi32, #tpu.memory_space<vmem>>
        %dma_wait3A_74 = tpu.memref_squeeze %dma_wait3A_73 : memref<1x128xi32, #tpu.memory_space<vmem>> -> memref<128xi32, #tpu.memory_space<vmem>>
        %dma_wait3A_75 = arith.constant 0 : i32
        %dma_wait3A_76 = arith.constant 0 : i32
        %dma_wait3A_77 = tpu.memref_slice %arg11[%dma_wait3A_75, %dma_wait3A_76] : memref<10256x128xf32, #tpu.memory_space<vmem_shared>> -> memref<10256x128xf32, #tpu.memory_space<vmem_shared>>
        tpu.wait_indirect_dma semaphore(%run_scoped3A_65 : memref<!tpu.dma_semaphore, #tpu.memory_space<semaphore_mem>>) src(%arg10 : memref<128x128xf32, #tpu.memory_space<vmem>>) dst(%dma_wait3A_77 : memref<10256x128xf32, #tpu.memory_space<vmem_shared>>)
        tpu.yield
      }) : () -> ()
    }
    %scan3A_19 = arith.constant 20 : i32
    %dma_wait3A = arith.constant 0 : i32
    %dma_wait3A_20 = tpu.memref_slice %arg7[%dma_wait3A] : memref<5248xi32, #tpu.memory_space<vmem>> -> memref<128xi32, #tpu.memory_space<vmem>>
    %dma_wait3A_21 = arith.constant 0 : i32
    %dma_wait3A_22 = arith.constant 0 : i32
    %dma_wait3A_23 = tpu.memref_slice %arg2[%dma_wait3A_21, %dma_wait3A_22] : memref<10000x128xf32, #tpu.memory_space<hbm>> -> memref<10000x128xf32, #tpu.memory_space<hbm>>
    tpu.wait_indirect_dma semaphore(%arg12 : memref<!tpu.dma_semaphore, #tpu.memory_space<semaphore_mem>>) src(%dma_wait3A_23 : memref<10000x128xf32, #tpu.memory_space<hbm>>) dst(%arg9 : memref<128x128xf32, #tpu.memory_space<vmem>>)
    %run_scoped3A = arith.constant 40 : i32
    "tpu.region"() ({
      %run_scoped3A_35 = tpu.sem_alloc : memref<!tpu.dma_semaphore, #tpu.memory_space<semaphore_mem>>
      %dma_start3A_36 = arith.constant 0 : i32
      %dma_start3A_37 = tpu.memref_slice %arg8[%run_scoped3A, %dma_start3A_36] : memref<41x128xi32, #tpu.memory_space<vmem>> -> memref<1x128xi32, #tpu.memory_space<vmem>>
      %dma_start3A_38 = tpu.memref_squeeze %dma_start3A_37 : memref<1x128xi32, #tpu.memory_space<vmem>> -> memref<128xi32, #tpu.memory_space<vmem>>
      %dma_start3A_39 = arith.constant 0 : i32
      %dma_start3A_40 = arith.constant 0 : i32
      %dma_start3A_41 = tpu.memref_slice %arg11[%dma_start3A_39, %dma_start3A_40] : memref<10256x128xf32, #tpu.memory_space<vmem_shared>> -> memref<10256x128xf32, #tpu.memory_space<vmem_shared>>
      tpu.enqueue_indirect_dma source(%arg9 : memref<128x128xf32, #tpu.memory_space<vmem>>) target(%dma_start3A_41 : memref<10256x128xf32, #tpu.memory_space<vmem_shared>>) offsets(%dma_start3A_38 : memref<128xi32, #tpu.memory_space<vmem>>) semaphore(%run_scoped3A_35 : memref<!tpu.dma_semaphore, #tpu.memory_space<semaphore_mem>>) {add = true}
      %dma_wait3A_42 = arith.constant 0 : i32
      %dma_wait3A_43 = tpu.memref_slice %arg8[%run_scoped3A, %dma_wait3A_42] : memref<41x128xi32, #tpu.memory_space<vmem>> -> memref<1x128xi32, #tpu.memory_space<vmem>>
      %dma_wait3A_44 = tpu.memref_squeeze %dma_wait3A_43 : memref<1x128xi32, #tpu.memory_space<vmem>> -> memref<128xi32, #tpu.memory_space<vmem>>
      %dma_wait3A_45 = arith.constant 0 : i32
      %dma_wait3A_46 = arith.constant 0 : i32
      %dma_wait3A_47 = tpu.memref_slice %arg11[%dma_wait3A_45, %dma_wait3A_46] : memref<10256x128xf32, #tpu.memory_space<vmem_shared>> -> memref<10256x128xf32, #tpu.memory_space<vmem_shared>>
      tpu.wait_indirect_dma semaphore(%run_scoped3A_35 : memref<!tpu.dma_semaphore, #tpu.memory_space<semaphore_mem>>) src(%arg9 : memref<128x128xf32, #tpu.memory_space<vmem>>) dst(%dma_wait3A_47 : memref<10256x128xf32, #tpu.memory_space<vmem_shared>>)
      tpu.yield
    }) : () -> ()
    %barrier3A_24 = arith.constant 0 : index
    tpu.barrier barrier_id(%barrier3A_24)
    %lt3A_25 = arith.constant 15 : i32
    %lt3A_26 = arith.cmpi slt, %arg1, %lt3A_25 : i32
    %convert_element_type3A_27 = arith.extui %lt3A_26 : i1 to i32
    %cond3A_28 = arith.constant 0 : i32
    %cond3A_29 = arith.cmpi ne, %convert_element_type3A_27, %cond3A_28 : i32
    scf.if %cond3A_29 {
      %mul3A_35 = arith.constant 624 : i32
      %mul3A_36 = arith.muli %arg1, %mul3A_35 : i32
      %mul3A_37 = arith.constant 10000 : i32
      %mul3A_38 = arith.muli %arg0, %mul3A_37 : i32
      %mul3A_39 = arith.constant 624 : i32
      %mul3A_40 = arith.muli %arg1, %mul3A_39 : i32
      %add3A_41 = arith.addi %mul3A_38, %mul3A_40 : i32
      "tpu.region"() ({
        %run_scoped3A_42 = tpu.sem_alloc : memref<!tpu.dma_semaphore, #tpu.memory_space<semaphore_mem>>
        %dma_start3A_43 = arith.constant 0 : i32
        %dma_start3A_44 = tpu.memref_slice %arg6[%add3A_41, %dma_start3A_43] : memref<20000x128xf32, #tpu.memory_space<hbm>> -> memref<624x128xf32, #tpu.memory_space<hbm>>
        %dma_start3A_45 = arith.constant 0 : i32
        %dma_start3A_46 = tpu.memref_slice %arg11[%mul3A_36, %dma_start3A_45] : memref<10256x128xf32, #tpu.memory_space<vmem_shared>> -> memref<624x128xf32, #tpu.memory_space<vmem_shared>>
        tpu.enqueue_dma source(%dma_start3A_46 : memref<624x128xf32, #tpu.memory_space<vmem_shared>>) target(%dma_start3A_44 : memref<624x128xf32, #tpu.memory_space<hbm>>) target_semaphore(%run_scoped3A_42 : memref<!tpu.dma_semaphore, #tpu.memory_space<semaphore_mem>>)
        %dma_wait3A_47 = arith.constant 0 : i32
        %dma_wait3A_48 = tpu.memref_slice %arg6[%add3A_41, %dma_wait3A_47] : memref<20000x128xf32, #tpu.memory_space<hbm>> -> memref<624x128xf32, #tpu.memory_space<hbm>>
        %dma_wait3A_49 = arith.constant 0 : i32
        %dma_wait3A_50 = tpu.memref_slice %arg11[%mul3A_36, %dma_wait3A_49] : memref<10256x128xf32, #tpu.memory_space<vmem_shared>> -> memref<624x128xf32, #tpu.memory_space<vmem_shared>>
        tpu.wait_dma2 semaphore(%run_scoped3A_42 : memref<!tpu.dma_semaphore, #tpu.memory_space<semaphore_mem>>) src(%dma_wait3A_50 : memref<624x128xf32, #tpu.memory_space<vmem_shared>>) dst(%dma_wait3A_48 : memref<624x128xf32, #tpu.memory_space<hbm>>)
        tpu.yield
      }) : () -> ()
    } else {
    }
    %eq3A_30 = arith.constant 15 : i32
    %eq3A_31 = arith.cmpi eq, %arg1, %eq3A_30 : i32
    %convert_element_type3A_32 = arith.extui %eq3A_31 : i1 to i32
    %cond3A_33 = arith.constant 0 : i32
    %cond3A_34 = arith.cmpi ne, %convert_element_type3A_32, %cond3A_33 : i32
    scf.if %cond3A_34 {
      %mul3A_35 = arith.constant 10000 : i32
      %mul3A_36 = arith.muli %arg0, %mul3A_35 : i32
      %add3A_37 = arith.constant 9360 : i32
      %add3A_38 = arith.addi %mul3A_36, %add3A_37 : i32
      "tpu.region"() ({
        %run_scoped3A_39 = tpu.sem_alloc : memref<!tpu.dma_semaphore, #tpu.memory_space<semaphore_mem>>
        %dma_start3A_40 = arith.constant 0 : i32
        %dma_start3A_41 = tpu.memref_slice %arg6[%add3A_38, %dma_start3A_40] : memref<20000x128xf32, #tpu.memory_space<hbm>> -> memref<640x128xf32, #tpu.memory_space<hbm>>
        %dma_start3A_42 = arith.constant 9360 : i32
        %dma_start3A_43 = arith.constant 0 : i32
        %dma_start3A_44 = tpu.memref_slice %arg11[%dma_start3A_42, %dma_start3A_43] : memref<10256x128xf32, #tpu.memory_space<vmem_shared>> -> memref<640x128xf32, #tpu.memory_space<vmem_shared>>
        tpu.enqueue_dma source(%dma_start3A_44 : memref<640x128xf32, #tpu.memory_space<vmem_shared>>) target(%dma_start3A_41 : memref<640x128xf32, #tpu.memory_space<hbm>>) target_semaphore(%run_scoped3A_39 : memref<!tpu.dma_semaphore, #tpu.memory_space<semaphore_mem>>)
        %dma_wait3A_45 = arith.constant 0 : i32
        %dma_wait3A_46 = tpu.memref_slice %arg6[%add3A_38, %dma_wait3A_45] : memref<20000x128xf32, #tpu.memory_space<hbm>> -> memref<640x128xf32, #tpu.memory_space<hbm>>
        %dma_wait3A_47 = arith.constant 9360 : i32
        %dma_wait3A_48 = arith.constant 0 : i32
        %dma_wait3A_49 = tpu.memref_slice %arg11[%dma_wait3A_47, %dma_wait3A_48] : memref<10256x128xf32, #tpu.memory_space<vmem_shared>> -> memref<640x128xf32, #tpu.memory_space<vmem_shared>>
        tpu.wait_dma2 semaphore(%run_scoped3A_39 : memref<!tpu.dma_semaphore, #tpu.memory_space<semaphore_mem>>) src(%dma_wait3A_49 : memref<640x128xf32, #tpu.memory_space<vmem_shared>>) dst(%dma_wait3A_46 : memref<640x128xf32, #tpu.memory_space<hbm>>)
        tpu.yield
      }) : () -> ()
    } else {
    }
    return
  }
}

module attributes {stable_mosaic.version = 14 : i64} {
  func.func @body(%arg0: i32, %arg1: memref<2000x128xf32, #tpu.memory_space<vmem>>, %arg2: memref<128x128xf32, #tpu.memory_space<vmem>>, %arg3: memref<1x128xf32, #tpu.memory_space<vmem>>, %arg4: memref<2000x128xf32, #tpu.memory_space<vmem>>) attributes {dimension_semantics = [#tpu.dimension_semantics<arbitrary>], iteration_bounds = array<i64: 5>, scalar_prefetch = 0 : i64, scratch_operands = 0 : i64, tpu.core_type = #tpu.core_type<tc>, window_params = [{transform_indices = @transform_0, window_bounds = array<i64: 2000, 128>}, {pipeline_mode = #tpu.pipeline_mode<synchronous>, transform_indices = @transform_1, window_bounds = array<i64: 128, 128>}, {pipeline_mode = #tpu.pipeline_mode<synchronous>, transform_indices = @transform_2, window_bounds = array<i64: 1, 128>}, {transform_indices = @transform_3, window_bounds = array<i64: 2000, 128>}]} {
    %get3A = arith.constant 0 : index
    %get3A_0 = arith.constant 0 : index
    %get3A_1 = vector.load %arg1[%get3A, %get3A_0] : memref<2000x128xf32, #tpu.memory_space<vmem>>, vector<2000x128xf32>
    %get3A_2 = arith.constant 0 : index
    %get3A_3 = arith.constant 0 : index
    %get3A_4 = vector.load %arg2[%get3A_2, %get3A_3] : memref<128x128xf32, #tpu.memory_space<vmem>>, vector<128x128xf32>
    %dot_general3A = arith.constant dense<0.000000e+00> : vector<2000x128xf32>
    %dot_general3A_5 = tpu.matmul %get3A_1, %get3A_4, %dot_general3A {dimension_numbers = #tpu.dot_dimension_numbers<[1], [0], [0], [1], [0, 0, 1, 1], [], []>, transpose_lhs_hint = false} : vector<2000x128xf32>, vector<128x128xf32>, vector<2000x128xf32> -> vector<2000x128xf32>
    %get3A_6 = arith.constant 0 : index
    %get3A_7 = arith.constant 0 : index
    %get3A_8 = vector.load %arg3[%get3A_6, %get3A_7] : memref<1x128xf32, #tpu.memory_space<vmem>>, vector<1x128xf32>
    %add3A = vector.broadcast %get3A_8 : vector<1x128xf32> to vector<2000x128xf32>
    %add3A_9 = arith.addf %dot_general3A_5, %add3A : vector<2000x128xf32>
    %max3A = arith.constant 0.000000e+00 : f32
    %max3A_10 = vector.broadcast %max3A : f32 to vector<2000x128xf32>
    %max3A_11 = arith.maximumf %add3A_9, %max3A_10 : vector<2000x128xf32>
    %swap3A = arith.constant 0 : index
    %swap3A_12 = arith.constant 0 : index
    %swap3A_13 = vector.load %arg4[%swap3A, %swap3A_12] : memref<2000x128xf32, #tpu.memory_space<vmem>>, vector<2000x128xf32>
    tpu.vector_store %arg4[%swap3A, %swap3A_12], %max3A_11 {strides = array<i32>} : memref<2000x128xf32, #tpu.memory_space<vmem>>, vector<2000x128xf32>,
    return
  }
  func.func @transform_0(%arg0: i32) -> (i32, i32) {
    %c0_i32 = arith.constant 0 : i32
    %c0_i32_0 = arith.constant 0 : i32
    return %arg0, %c0_i32 : i32, i32
  }
  func.func @transform_1(%arg0: i32) -> (i32, i32) {
    %c0_i32 = arith.constant 0 : i32
    %c0_i32_0 = arith.constant 0 : i32
    %c0_i32_1 = arith.constant 0 : i32
    return %c0_i32, %c0_i32_0 : i32, i32
  }
  func.func @transform_2(%arg0: i32) -> (i32, i32) {
    %c0_i32 = arith.constant 0 : i32
    %c0_i32_0 = arith.constant 0 : i32
    %c0_i32_1 = arith.constant 0 : i32
    return %c0_i32, %c0_i32_0 : i32, i32
  }
  func.func @transform_3(%arg0: i32) -> (i32, i32) {
    %c0_i32 = arith.constant 0 : i32
    %c0_i32_0 = arith.constant 0 : i32
    return %arg0, %c0_i32 : i32, i32
  }
}

module attributes {stable_mosaic.version = 14 : i64} {
  func.func @body(%arg0: i32, %arg1: memref<2000x136xf32, #tpu.memory_space<vmem>>, %arg2: memref<136x128xf32, #tpu.memory_space<vmem>>, %arg3: memref<1x128xf32, #tpu.memory_space<vmem>>, %arg4: memref<2000x128xf32, #tpu.memory_space<vmem>>) attributes {dimension_semantics = [#tpu.dimension_semantics<arbitrary>], iteration_bounds = array<i64: 5>, scalar_prefetch = 0 : i64, scratch_operands = 0 : i64, tpu.core_type = #tpu.core_type<tc>, window_params = [{transform_indices = @transform_0, window_bounds = array<i64: 2000, 136>}, {pipeline_mode = #tpu.pipeline_mode<synchronous>, transform_indices = @transform_1, window_bounds = array<i64: 136, 128>}, {pipeline_mode = #tpu.pipeline_mode<synchronous>, transform_indices = @transform_2, window_bounds = array<i64: 1, 128>}, {transform_indices = @transform_3, window_bounds = array<i64: 2000, 128>}]} {
    %get3A = arith.constant 0 : index
    %get3A_0 = arith.constant 0 : index
    %get3A_1 = vector.load %arg1[%get3A, %get3A_0] : memref<2000x136xf32, #tpu.memory_space<vmem>>, vector<2000x136xf32>
    %get3A_2 = arith.constant 0 : index
    %get3A_3 = arith.constant 0 : index
    %get3A_4 = vector.load %arg2[%get3A_2, %get3A_3] : memref<136x128xf32, #tpu.memory_space<vmem>>, vector<136x128xf32>
    %dot_general3A = arith.constant dense<0.000000e+00> : vector<2000x128xf32>
    %dot_general3A_5 = tpu.matmul %get3A_1, %get3A_4, %dot_general3A {dimension_numbers = #tpu.dot_dimension_numbers<[1], [0], [0], [1], [0, 0, 1, 1], [], []>, transpose_lhs_hint = false} : vector<2000x136xf32>, vector<136x128xf32>, vector<2000x128xf32> -> vector<2000x128xf32>
    %get3A_6 = arith.constant 0 : index
    %get3A_7 = arith.constant 0 : index
    %get3A_8 = vector.load %arg3[%get3A_6, %get3A_7] : memref<1x128xf32, #tpu.memory_space<vmem>>, vector<1x128xf32>
    %add3A = vector.broadcast %get3A_8 : vector<1x128xf32> to vector<2000x128xf32>
    %add3A_9 = arith.addf %dot_general3A_5, %add3A : vector<2000x128xf32>
    %max3A = arith.constant 0.000000e+00 : f32
    %max3A_10 = vector.broadcast %max3A : f32 to vector<2000x128xf32>
    %max3A_11 = arith.maximumf %add3A_9, %max3A_10 : vector<2000x128xf32>
    %swap3A = arith.constant 0 : index
    %swap3A_12 = arith.constant 0 : index
    %swap3A_13 = vector.load %arg4[%swap3A, %swap3A_12] : memref<2000x128xf32, #tpu.memory_space<vmem>>, vector<2000x128xf32>
    tpu.vector_store %arg4[%swap3A, %swap3A_12], %max3A_11 {strides = array<i32>} : memref<2000x128xf32, #tpu.memory_space<vmem>>, vector<2000x128xf32>,
    return
  }
  func.func @transform_0(%arg0: i32) -> (i32, i32) {
    %c0_i32 = arith.constant 0 : i32
    %c0_i32_0 = arith.constant 0 : i32
    return %arg0, %c0_i32 : i32, i32
  }
  func.func @transform_1(%arg0: i32) -> (i32, i32) {
    %c0_i32 = arith.constant 0 : i32
    %c0_i32_0 = arith.constant 0 : i32
    %c0_i32_1 = arith.constant 0 : i32
    return %c0_i32, %c0_i32_0 : i32, i32
  }
  func.func @transform_2(%arg0: i32) -> (i32, i32) {
    %c0_i32 = arith.constant 0 : i32
    %c0_i32_0 = arith.constant 0 : i32
    %c0_i32_1 = arith.constant 0 : i32
    return %c0_i32, %c0_i32_0 : i32, i32
  }
  func.func @transform_3(%arg0: i32) -> (i32, i32) {
    %c0_i32 = arith.constant 0 : i32
    %c0_i32_0 = arith.constant 0 : i32
    return %arg0, %c0_i32 : i32, i32
  }
}

module attributes {stable_mosaic.version = 14 : i64} {
  func.func @body(%arg0: i32, %arg1: memref<2000x128xf32, #tpu.memory_space<vmem>>, %arg2: memref<2000x128xf32, #tpu.memory_space<vmem>>, %arg3: memref<2000x128xf32, #tpu.memory_space<vmem>>, %arg4: memref<1x128xf32, #tpu.memory_space<vmem>>, %arg5: memref<128x128xf32, #tpu.memory_space<vmem>>, %arg6: memref<1x128xf32, #tpu.memory_space<vmem>>, %arg7: memref<2000x128xf32, #tpu.memory_space<vmem>>, %arg8: memref<2x128xf32, #tpu.memory_space<vmem>>) attributes {dimension_semantics = [#tpu.dimension_semantics<arbitrary>], iteration_bounds = array<i64: 5>, scalar_prefetch = 0 : i64, scratch_operands = 0 : i64, tpu.core_type = #tpu.core_type<tc>, window_params = [{transform_indices = @transform_0, window_bounds = array<i64: 2000, 128>}, {transform_indices = @transform_1, window_bounds = array<i64: 2000, 128>}, {transform_indices = @transform_2, window_bounds = array<i64: 2000, 128>}, {pipeline_mode = #tpu.pipeline_mode<synchronous>, transform_indices = @transform_3, window_bounds = array<i64: 1, 128>}, {pipeline_mode = #tpu.pipeline_mode<synchronous>, transform_indices = @transform_4, window_bounds = array<i64: 128, 128>}, {pipeline_mode = #tpu.pipeline_mode<synchronous>, transform_indices = @transform_5, window_bounds = array<i64: 1, 128>}, {transform_indices = @transform_6, window_bounds = array<i64: 2000, 128>}, {pipeline_mode = #tpu.pipeline_mode<synchronous>, transform_indices = @transform_7, window_bounds = array<i64: 2, 128>}]} {
    %get3A = arith.constant 0 : index
    %get3A_0 = arith.constant 0 : index
    %get3A_1 = vector.load %arg1[%get3A, %get3A_0] : memref<2000x128xf32, #tpu.memory_space<vmem>>, vector<2000x128xf32>
    %get3A_2 = arith.constant 0 : index
    %get3A_3 = arith.constant 0 : index
    %get3A_4 = vector.load %arg4[%get3A_2, %get3A_3] : memref<1x128xf32, #tpu.memory_space<vmem>>, vector<1x128xf32>
    %mul3A = vector.broadcast %get3A_4 : vector<1x128xf32> to vector<2000x128xf32>
    %mul3A_5 = arith.mulf %get3A_1, %mul3A : vector<2000x128xf32>
    %get3A_6 = arith.constant 0 : index
    %get3A_7 = arith.constant 0 : index
    %get3A_8 = vector.load %arg2[%get3A_6, %get3A_7] : memref<2000x128xf32, #tpu.memory_space<vmem>>, vector<2000x128xf32>
    %add3A = arith.addf %mul3A_5, %get3A_8 : vector<2000x128xf32>
    %get3A_9 = arith.constant 0 : index
    %get3A_10 = arith.constant 0 : index
    %get3A_11 = vector.load %arg3[%get3A_9, %get3A_10] : memref<2000x128xf32, #tpu.memory_space<vmem>>, vector<2000x128xf32>
    %add3A_12 = arith.addf %add3A, %get3A_11 : vector<2000x128xf32>
    %get3A_13 = arith.constant 0 : index
    %get3A_14 = arith.constant 0 : index
    %get3A_15 = vector.load %arg5[%get3A_13, %get3A_14] : memref<128x128xf32, #tpu.memory_space<vmem>>, vector<128x128xf32>
    %dot_general3A = arith.constant dense<0.000000e+00> : vector<2000x128xf32>
    %dot_general3A_16 = tpu.matmul %add3A_12, %get3A_15, %dot_general3A {dimension_numbers = #tpu.dot_dimension_numbers<[1], [0], [0], [1], [0, 0, 1, 1], [], []>, transpose_lhs_hint = false} : vector<2000x128xf32>, vector<128x128xf32>, vector<2000x128xf32> -> vector<2000x128xf32>
    %get3A_17 = arith.constant 0 : index
    %get3A_18 = arith.constant 0 : index
    %get3A_19 = vector.load %arg6[%get3A_17, %get3A_18] : memref<1x128xf32, #tpu.memory_space<vmem>>, vector<1x128xf32>
    %add3A_20 = vector.broadcast %get3A_19 : vector<1x128xf32> to vector<2000x128xf32>
    %add3A_21 = arith.addf %dot_general3A_16, %add3A_20 : vector<2000x128xf32>
    %swap3A = arith.constant 0 : index
    %swap3A_22 = arith.constant 0 : index
    %swap3A_23 = vector.load %arg7[%swap3A, %swap3A_22] : memref<2000x128xf32, #tpu.memory_space<vmem>>, vector<2000x128xf32>
    tpu.vector_store %arg7[%swap3A, %swap3A_22], %add3A_21 {strides = array<i32>} : memref<2000x128xf32, #tpu.memory_space<vmem>>, vector<2000x128xf32>,
    %eq3A = arith.constant 0 : i32
    %eq3A_24 = arith.cmpi eq, %arg0, %eq3A : i32
    %convert_element_type3A = arith.extui %eq3A_24 : i1 to i32
    %cond3A = arith.constant 0 : i32
    %cond3A_25 = arith.cmpi ne, %convert_element_type3A, %cond3A : i32
    scf.if %cond3A_25 {
      %broadcast_in_dim3A_45 = arith.constant 0.000000e+00 : f32
      %broadcast_in_dim3A_46 = vector.broadcast %broadcast_in_dim3A_45 : f32 to vector<2x128xf32>
      %swap3A_47 = arith.constant 0 : index
      %swap3A_48 = arith.constant 0 : index
      %swap3A_49 = vector.load %arg8[%swap3A_47, %swap3A_48] : memref<2x128xf32, #tpu.memory_space<vmem>>, vector<2x128xf32>
      tpu.vector_store %arg8[%swap3A_47, %swap3A_48], %broadcast_in_dim3A_46 {strides = array<i32>} : memref<2x128xf32, #tpu.memory_space<vmem>>, vector<2x128xf32>,
    } else {
    }
    %get3A_26 = arith.constant 0 : index
    %get3A_27 = arith.constant 0 : index
    %get3A_28 = vector.load %arg8[%get3A_26, %get3A_27] : memref<2x128xf32, #tpu.memory_space<vmem>>, vector<1x128xf32>
    %reduce_sum3A = arith.constant dense<0.000000e+00> : vector<128xf32>
    %reduce_sum3A_29 = vector.multi_reduction <add>, %add3A_21, %reduce_sum3A [0] : vector<2000x128xf32> to vector<128xf32>
    %broadcast_in_dim3A = vector.shape_cast %reduce_sum3A_29 : vector<128xf32> to vector<1x128xf32>
    %add3A_30 = arith.addf %get3A_28, %broadcast_in_dim3A : vector<1x128xf32>
    %swap3A_31 = arith.constant 0 : index
    %swap3A_32 = arith.constant 0 : index
    %swap3A_33 = vector.load %arg8[%swap3A_31, %swap3A_32] : memref<2x128xf32, #tpu.memory_space<vmem>>, vector<1x128xf32>
    tpu.vector_store %arg8[%swap3A_31, %swap3A_32], %add3A_30 {strides = array<i32>} : memref<2x128xf32, #tpu.memory_space<vmem>>, vector<1x128xf32>,
    %get3A_34 = arith.constant 1 : index
    %get3A_35 = arith.constant 0 : index
    %get3A_36 = vector.load %arg8[%get3A_34, %get3A_35] : memref<2x128xf32, #tpu.memory_space<vmem>>, vector<1x128xf32>
    %mul3A_37 = arith.mulf %add3A_21, %add3A_21 : vector<2000x128xf32>
    %reduce_sum3A_38 = arith.constant dense<0.000000e+00> : vector<128xf32>
    %reduce_sum3A_39 = vector.multi_reduction <add>, %mul3A_37, %reduce_sum3A_38 [0] : vector<2000x128xf32> to vector<128xf32>
    %broadcast_in_dim3A_40 = vector.shape_cast %reduce_sum3A_39 : vector<128xf32> to vector<1x128xf32>
    %add3A_41 = arith.addf %get3A_36, %broadcast_in_dim3A_40 : vector<1x128xf32>
    %swap3A_42 = arith.constant 1 : index
    %swap3A_43 = arith.constant 0 : index
    %swap3A_44 = vector.load %arg8[%swap3A_42, %swap3A_43] : memref<2x128xf32, #tpu.memory_space<vmem>>, vector<1x128xf32>
    tpu.vector_store %arg8[%swap3A_42, %swap3A_43], %add3A_41 {strides = array<i32>} : memref<2x128xf32, #tpu.memory_space<vmem>>, vector<1x128xf32>,
    return
  }
  func.func @transform_0(%arg0: i32) -> (i32, i32) {
    %c0_i32 = arith.constant 0 : i32
    %c0_i32_0 = arith.constant 0 : i32
    return %arg0, %c0_i32 : i32, i32
  }
  func.func @transform_1(%arg0: i32) -> (i32, i32) {
    %c0_i32 = arith.constant 0 : i32
    %c0_i32_0 = arith.constant 0 : i32
    return %arg0, %c0_i32 : i32, i32
  }
  func.func @transform_2(%arg0: i32) -> (i32, i32) {
    %add3A = arith.constant 5 : i32
    %add3A_0 = arith.addi %arg0, %add3A : i32
    %c0_i32 = arith.constant 0 : i32
    %c0_i32_1 = arith.constant 0 : i32
    return %add3A_0, %c0_i32 : i32, i32
  }
  func.func @transform_3(%arg0: i32) -> (i32, i32) {
    %c0_i32 = arith.constant 0 : i32
    %c0_i32_0 = arith.constant 0 : i32
    %c0_i32_1 = arith.constant 0 : i32
    return %c0_i32, %c0_i32_0 : i32, i32
  }
  func.func @transform_4(%arg0: i32) -> (i32, i32) {
    %c0_i32 = arith.constant 0 : i32
    %c0_i32_0 = arith.constant 0 : i32
    %c0_i32_1 = arith.constant 0 : i32
    return %c0_i32, %c0_i32_0 : i32, i32
  }
  func.func @transform_5(%arg0: i32) -> (i32, i32) {
    %c0_i32 = arith.constant 0 : i32
    %c0_i32_0 = arith.constant 0 : i32
    %c0_i32_1 = arith.constant 0 : i32
    return %c0_i32, %c0_i32_0 : i32, i32
  }
  func.func @transform_6(%arg0: i32) -> (i32, i32) {
    %c0_i32 = arith.constant 0 : i32
    %c0_i32_0 = arith.constant 0 : i32
    return %arg0, %c0_i32 : i32, i32
  }
  func.func @transform_7(%arg0: i32) -> (i32, i32) {
    %c0_i32 = arith.constant 0 : i32
    %c0_i32_0 = arith.constant 0 : i32
    %c0_i32_1 = arith.constant 0 : i32
    return %c0_i32, %c0_i32_0 : i32, i32
  }
}

module attributes {stable_mosaic.version = 14 : i64} {
  func.func @body(%arg0: i32, %arg1: memref<2000x128xf32, #tpu.memory_space<vmem>>, %arg2: memref<2x128xf32, #tpu.memory_space<vmem>>, %arg3: memref<1x128xf32, #tpu.memory_space<vmem>>, %arg4: memref<1x128xf32, #tpu.memory_space<vmem>>, %arg5: memref<128x128xf32, #tpu.memory_space<vmem>>, %arg6: memref<1x128xf32, #tpu.memory_space<vmem>>, %arg7: memref<2000x128xf32, #tpu.memory_space<vmem>>, %arg8: memref<2x128xf32, #tpu.memory_space<vmem>>) attributes {dimension_semantics = [#tpu.dimension_semantics<arbitrary>], iteration_bounds = array<i64: 5>, scalar_prefetch = 0 : i64, scratch_operands = 0 : i64, tpu.core_type = #tpu.core_type<tc>, window_params = [{transform_indices = @transform_0, window_bounds = array<i64: 2000, 128>}, {pipeline_mode = #tpu.pipeline_mode<synchronous>, transform_indices = @transform_1, window_bounds = array<i64: 2, 128>}, {pipeline_mode = #tpu.pipeline_mode<synchronous>, transform_indices = @transform_2, window_bounds = array<i64: 1, 128>}, {pipeline_mode = #tpu.pipeline_mode<synchronous>, transform_indices = @transform_3, window_bounds = array<i64: 1, 128>}, {pipeline_mode = #tpu.pipeline_mode<synchronous>, transform_indices = @transform_4, window_bounds = array<i64: 128, 128>}, {pipeline_mode = #tpu.pipeline_mode<synchronous>, transform_indices = @transform_5, window_bounds = array<i64: 1, 128>}, {transform_indices = @transform_6, window_bounds = array<i64: 2000, 128>}, {pipeline_mode = #tpu.pipeline_mode<synchronous>, transform_indices = @transform_7, window_bounds = array<i64: 2, 128>}]} {
    %get3A = arith.constant 0 : index
    %get3A_0 = arith.constant 0 : index
    %get3A_1 = vector.load %arg2[%get3A, %get3A_0] : memref<2x128xf32, #tpu.memory_space<vmem>>, vector<1x128xf32>
    %mul3A = arith.constant 9.99999974E-5 : f32
    %mul3A_2 = vector.broadcast %mul3A : f32 to vector<1x128xf32>
    %mul3A_3 = arith.mulf %get3A_1, %mul3A_2 : vector<1x128xf32>
    %get3A_4 = arith.constant 1 : index
    %get3A_5 = arith.constant 0 : index
    %get3A_6 = vector.load %arg2[%get3A_4, %get3A_5] : memref<2x128xf32, #tpu.memory_space<vmem>>, vector<1x128xf32>
    %mul3A_7 = arith.constant 9.99999974E-5 : f32
    %mul3A_8 = vector.broadcast %mul3A_7 : f32 to vector<1x128xf32>
    %mul3A_9 = arith.mulf %get3A_6, %mul3A_8 : vector<1x128xf32>
    %mul3A_10 = arith.mulf %mul3A_3, %mul3A_3 : vector<1x128xf32>
    %sub3A = arith.subf %mul3A_9, %mul3A_10 : vector<1x128xf32>
    %get3A_11 = arith.constant 0 : index
    %get3A_12 = arith.constant 0 : index
    %get3A_13 = vector.load %arg3[%get3A_11, %get3A_12] : memref<1x128xf32, #tpu.memory_space<vmem>>, vector<1x128xf32>
    %add3A = arith.constant 9.99999974E-6 : f32
    %add3A_14 = vector.broadcast %add3A : f32 to vector<1x128xf32>
    %add3A_15 = arith.addf %sub3A, %add3A_14 : vector<1x128xf32>
    %rsqrt3A = math.rsqrt %add3A_15 : vector<1x128xf32>
    %mul3A_16 = arith.mulf %get3A_13, %rsqrt3A : vector<1x128xf32>
    %get3A_17 = arith.constant 0 : index
    %get3A_18 = arith.constant 0 : index
    %get3A_19 = vector.load %arg4[%get3A_17, %get3A_18] : memref<1x128xf32, #tpu.memory_space<vmem>>, vector<1x128xf32>
    %mul3A_20 = arith.mulf %mul3A_3, %mul3A_16 : vector<1x128xf32>
    %sub3A_21 = arith.subf %get3A_19, %mul3A_20 : vector<1x128xf32>
    %get3A_22 = arith.constant 0 : index
    %get3A_23 = arith.constant 0 : index
    %get3A_24 = vector.load %arg1[%get3A_22, %get3A_23] : memref<2000x128xf32, #tpu.memory_space<vmem>>, vector<2000x128xf32>
    %mul3A_25 = vector.broadcast %mul3A_16 : vector<1x128xf32> to vector<2000x128xf32>
    %mul3A_26 = arith.mulf %get3A_24, %mul3A_25 : vector<2000x128xf32>
    %add3A_27 = vector.broadcast %sub3A_21 : vector<1x128xf32> to vector<2000x128xf32>
    %add3A_28 = arith.addf %mul3A_26, %add3A_27 : vector<2000x128xf32>
    %max3A = arith.constant 0.000000e+00 : f32
    %max3A_29 = vector.broadcast %max3A : f32 to vector<2000x128xf32>
    %max3A_30 = arith.maximumf %add3A_28, %max3A_29 : vector<2000x128xf32>
    %get3A_31 = arith.constant 0 : index
    %get3A_32 = arith.constant 0 : index
    %get3A_33 = vector.load %arg5[%get3A_31, %get3A_32] : memref<128x128xf32, #tpu.memory_space<vmem>>, vector<128x128xf32>
    %dot_general3A = arith.constant dense<0.000000e+00> : vector<2000x128xf32>
    %dot_general3A_34 = tpu.matmul %max3A_30, %get3A_33, %dot_general3A {dimension_numbers = #tpu.dot_dimension_numbers<[1], [0], [0], [1], [0, 0, 1, 1], [], []>, transpose_lhs_hint = false} : vector<2000x128xf32>, vector<128x128xf32>, vector<2000x128xf32> -> vector<2000x128xf32>
    %get3A_35 = arith.constant 0 : index
    %get3A_36 = arith.constant 0 : index
    %get3A_37 = vector.load %arg6[%get3A_35, %get3A_36] : memref<1x128xf32, #tpu.memory_space<vmem>>, vector<1x128xf32>
    %add3A_38 = vector.broadcast %get3A_37 : vector<1x128xf32> to vector<2000x128xf32>
    %add3A_39 = arith.addf %dot_general3A_34, %add3A_38 : vector<2000x128xf32>
    %swap3A = arith.constant 0 : index
    %swap3A_40 = arith.constant 0 : index
    %swap3A_41 = vector.load %arg7[%swap3A, %swap3A_40] : memref<2000x128xf32, #tpu.memory_space<vmem>>, vector<2000x128xf32>
    tpu.vector_store %arg7[%swap3A, %swap3A_40], %add3A_39 {strides = array<i32>} : memref<2000x128xf32, #tpu.memory_space<vmem>>, vector<2000x128xf32>,
    %eq3A = arith.constant 0 : i32
    %eq3A_42 = arith.cmpi eq, %arg0, %eq3A : i32
    %convert_element_type3A = arith.extui %eq3A_42 : i1 to i32
    %cond3A = arith.constant 0 : i32
    %cond3A_43 = arith.cmpi ne, %convert_element_type3A, %cond3A : i32
    scf.if %cond3A_43 {
      %broadcast_in_dim3A_63 = arith.constant 0.000000e+00 : f32
      %broadcast_in_dim3A_64 = vector.broadcast %broadcast_in_dim3A_63 : f32 to vector<2x128xf32>
      %swap3A_65 = arith.constant 0 : index
      %swap3A_66 = arith.constant 0 : index
      %swap3A_67 = vector.load %arg8[%swap3A_65, %swap3A_66] : memref<2x128xf32, #tpu.memory_space<vmem>>, vector<2x128xf32>
      tpu.vector_store %arg8[%swap3A_65, %swap3A_66], %broadcast_in_dim3A_64 {strides = array<i32>} : memref<2x128xf32, #tpu.memory_space<vmem>>, vector<2x128xf32>,
    } else {
    }
    %get3A_44 = arith.constant 0 : index
    %get3A_45 = arith.constant 0 : index
    %get3A_46 = vector.load %arg8[%get3A_44, %get3A_45] : memref<2x128xf32, #tpu.memory_space<vmem>>, vector<1x128xf32>
    %reduce_sum3A = arith.constant dense<0.000000e+00> : vector<128xf32>
    %reduce_sum3A_47 = vector.multi_reduction <add>, %add3A_39, %reduce_sum3A [0] : vector<2000x128xf32> to vector<128xf32>
    %broadcast_in_dim3A = vector.shape_cast %reduce_sum3A_47 : vector<128xf32> to vector<1x128xf32>
    %add3A_48 = arith.addf %get3A_46, %broadcast_in_dim3A : vector<1x128xf32>
    %swap3A_49 = arith.constant 0 : index
    %swap3A_50 = arith.constant 0 : index
    %swap3A_51 = vector.load %arg8[%swap3A_49, %swap3A_50] : memref<2x128xf32, #tpu.memory_space<vmem>>, vector<1x128xf32>
    tpu.vector_store %arg8[%swap3A_49, %swap3A_50], %add3A_48 {strides = array<i32>} : memref<2x128xf32, #tpu.memory_space<vmem>>, vector<1x128xf32>,
    %get3A_52 = arith.constant 1 : index
    %get3A_53 = arith.constant 0 : index
    %get3A_54 = vector.load %arg8[%get3A_52, %get3A_53] : memref<2x128xf32, #tpu.memory_space<vmem>>, vector<1x128xf32>
    %mul3A_55 = arith.mulf %add3A_39, %add3A_39 : vector<2000x128xf32>
    %reduce_sum3A_56 = arith.constant dense<0.000000e+00> : vector<128xf32>
    %reduce_sum3A_57 = vector.multi_reduction <add>, %mul3A_55, %reduce_sum3A_56 [0] : vector<2000x128xf32> to vector<128xf32>
    %broadcast_in_dim3A_58 = vector.shape_cast %reduce_sum3A_57 : vector<128xf32> to vector<1x128xf32>
    %add3A_59 = arith.addf %get3A_54, %broadcast_in_dim3A_58 : vector<1x128xf32>
    %swap3A_60 = arith.constant 1 : index
    %swap3A_61 = arith.constant 0 : index
    %swap3A_62 = vector.load %arg8[%swap3A_60, %swap3A_61] : memref<2x128xf32, #tpu.memory_space<vmem>>, vector<1x128xf32>
    tpu.vector_store %arg8[%swap3A_60, %swap3A_61], %add3A_59 {strides = array<i32>} : memref<2x128xf32, #tpu.memory_space<vmem>>, vector<1x128xf32>,
    return
  }
  func.func @transform_0(%arg0: i32) -> (i32, i32) {
    %c0_i32 = arith.constant 0 : i32
    %c0_i32_0 = arith.constant 0 : i32
    return %arg0, %c0_i32 : i32, i32
  }
  func.func @transform_1(%arg0: i32) -> (i32, i32) {
    %c0_i32 = arith.constant 0 : i32
    %c0_i32_0 = arith.constant 0 : i32
    %c0_i32_1 = arith.constant 0 : i32
    return %c0_i32, %c0_i32_0 : i32, i32
  }
  func.func @transform_2(%arg0: i32) -> (i32, i32) {
    %c0_i32 = arith.constant 0 : i32
    %c0_i32_0 = arith.constant 0 : i32
    %c0_i32_1 = arith.constant 0 : i32
    return %c0_i32, %c0_i32_0 : i32, i32
  }
  func.func @transform_3(%arg0: i32) -> (i32, i32) {
    %c0_i32 = arith.constant 0 : i32
    %c0_i32_0 = arith.constant 0 : i32
    %c0_i32_1 = arith.constant 0 : i32
    return %c0_i32, %c0_i32_0 : i32, i32
  }
  func.func @transform_4(%arg0: i32) -> (i32, i32) {
    %c0_i32 = arith.constant 0 : i32
    %c0_i32_0 = arith.constant 0 : i32
    %c0_i32_1 = arith.constant 0 : i32
    return %c0_i32, %c0_i32_0 : i32, i32
  }
  func.func @transform_5(%arg0: i32) -> (i32, i32) {
    %c0_i32 = arith.constant 0 : i32
    %c0_i32_0 = arith.constant 0 : i32
    %c0_i32_1 = arith.constant 0 : i32
    return %c0_i32, %c0_i32_0 : i32, i32
  }
  func.func @transform_6(%arg0: i32) -> (i32, i32) {
    %c0_i32 = arith.constant 0 : i32
    %c0_i32_0 = arith.constant 0 : i32
    return %arg0, %c0_i32 : i32, i32
  }
  func.func @transform_7(%arg0: i32) -> (i32, i32) {
    %c0_i32 = arith.constant 0 : i32
    %c0_i32_0 = arith.constant 0 : i32
    %c0_i32_1 = arith.constant 0 : i32
    return %c0_i32, %c0_i32_0 : i32, i32
  }
}

module attributes {stable_mosaic.version = 14 : i64} {
  func.func @body(%arg0: i32, %arg1: memref<2000x128xf32, #tpu.memory_space<vmem>>, %arg2: memref<2x128xf32, #tpu.memory_space<vmem>>, %arg3: memref<1x128xf32, #tpu.memory_space<vmem>>, %arg4: memref<1x128xf32, #tpu.memory_space<vmem>>, %arg5: memref<2000x128xf32, #tpu.memory_space<vmem>>) attributes {dimension_semantics = [#tpu.dimension_semantics<arbitrary>], iteration_bounds = array<i64: 5>, scalar_prefetch = 0 : i64, scratch_operands = 0 : i64, tpu.core_type = #tpu.core_type<tc>, window_params = [{transform_indices = @transform_0, window_bounds = array<i64: 2000, 128>}, {pipeline_mode = #tpu.pipeline_mode<synchronous>, transform_indices = @transform_1, window_bounds = array<i64: 2, 128>}, {pipeline_mode = #tpu.pipeline_mode<synchronous>, transform_indices = @transform_2, window_bounds = array<i64: 1, 128>}, {pipeline_mode = #tpu.pipeline_mode<synchronous>, transform_indices = @transform_3, window_bounds = array<i64: 1, 128>}, {transform_indices = @transform_4, window_bounds = array<i64: 2000, 128>}]} {
    %get3A = arith.constant 0 : index
    %get3A_0 = arith.constant 0 : index
    %get3A_1 = vector.load %arg2[%get3A, %get3A_0] : memref<2x128xf32, #tpu.memory_space<vmem>>, vector<1x128xf32>
    %mul3A = arith.constant 9.99999974E-5 : f32
    %mul3A_2 = vector.broadcast %mul3A : f32 to vector<1x128xf32>
    %mul3A_3 = arith.mulf %get3A_1, %mul3A_2 : vector<1x128xf32>
    %get3A_4 = arith.constant 1 : index
    %get3A_5 = arith.constant 0 : index
    %get3A_6 = vector.load %arg2[%get3A_4, %get3A_5] : memref<2x128xf32, #tpu.memory_space<vmem>>, vector<1x128xf32>
    %mul3A_7 = arith.constant 9.99999974E-5 : f32
    %mul3A_8 = vector.broadcast %mul3A_7 : f32 to vector<1x128xf32>
    %mul3A_9 = arith.mulf %get3A_6, %mul3A_8 : vector<1x128xf32>
    %mul3A_10 = arith.mulf %mul3A_3, %mul3A_3 : vector<1x128xf32>
    %sub3A = arith.subf %mul3A_9, %mul3A_10 : vector<1x128xf32>
    %get3A_11 = arith.constant 0 : index
    %get3A_12 = arith.constant 0 : index
    %get3A_13 = vector.load %arg3[%get3A_11, %get3A_12] : memref<1x128xf32, #tpu.memory_space<vmem>>, vector<1x128xf32>
    %add3A = arith.constant 9.99999974E-6 : f32
    %add3A_14 = vector.broadcast %add3A : f32 to vector<1x128xf32>
    %add3A_15 = arith.addf %sub3A, %add3A_14 : vector<1x128xf32>
    %rsqrt3A = math.rsqrt %add3A_15 : vector<1x128xf32>
    %mul3A_16 = arith.mulf %get3A_13, %rsqrt3A : vector<1x128xf32>
    %get3A_17 = arith.constant 0 : index
    %get3A_18 = arith.constant 0 : index
    %get3A_19 = vector.load %arg4[%get3A_17, %get3A_18] : memref<1x128xf32, #tpu.memory_space<vmem>>, vector<1x128xf32>
    %mul3A_20 = arith.mulf %mul3A_3, %mul3A_16 : vector<1x128xf32>
    %sub3A_21 = arith.subf %get3A_19, %mul3A_20 : vector<1x128xf32>
    %get3A_22 = arith.constant 0 : index
    %get3A_23 = arith.constant 0 : index
    %get3A_24 = vector.load %arg1[%get3A_22, %get3A_23] : memref<2000x128xf32, #tpu.memory_space<vmem>>, vector<2000x128xf32>
    %mul3A_25 = vector.broadcast %mul3A_16 : vector<1x128xf32> to vector<2000x128xf32>
    %mul3A_26 = arith.mulf %get3A_24, %mul3A_25 : vector<2000x128xf32>
    %add3A_27 = vector.broadcast %sub3A_21 : vector<1x128xf32> to vector<2000x128xf32>
    %add3A_28 = arith.addf %mul3A_26, %add3A_27 : vector<2000x128xf32>
    %max3A = arith.constant 0.000000e+00 : f32
    %max3A_29 = vector.broadcast %max3A : f32 to vector<2000x128xf32>
    %max3A_30 = arith.maximumf %add3A_28, %max3A_29 : vector<2000x128xf32>
    %swap3A = arith.constant 0 : index
    %swap3A_31 = arith.constant 0 : index
    %swap3A_32 = vector.load %arg5[%swap3A, %swap3A_31] : memref<2000x128xf32, #tpu.memory_space<vmem>>, vector<2000x128xf32>
    tpu.vector_store %arg5[%swap3A, %swap3A_31], %max3A_30 {strides = array<i32>} : memref<2000x128xf32, #tpu.memory_space<vmem>>, vector<2000x128xf32>,
    return
  }
  func.func @transform_0(%arg0: i32) -> (i32, i32) {
    %c0_i32 = arith.constant 0 : i32
    %c0_i32_0 = arith.constant 0 : i32
    return %arg0, %c0_i32 : i32, i32
  }
  func.func @transform_1(%arg0: i32) -> (i32, i32) {
    %c0_i32 = arith.constant 0 : i32
    %c0_i32_0 = arith.constant 0 : i32
    %c0_i32_1 = arith.constant 0 : i32
    return %c0_i32, %c0_i32_0 : i32, i32
  }
  func.func @transform_2(%arg0: i32) -> (i32, i32) {
    %c0_i32 = arith.constant 0 : i32
    %c0_i32_0 = arith.constant 0 : i32
    %c0_i32_1 = arith.constant 0 : i32
    return %c0_i32, %c0_i32_0 : i32, i32
  }
  func.func @transform_3(%arg0: i32) -> (i32, i32) {
    %c0_i32 = arith.constant 0 : i32
    %c0_i32_0 = arith.constant 0 : i32
    %c0_i32_1 = arith.constant 0 : i32
    return %c0_i32, %c0_i32_0 : i32, i32
  }
  func.func @transform_4(%arg0: i32) -> (i32, i32) {
    %c0_i32 = arith.constant 0 : i32
    %c0_i32_0 = arith.constant 0 : i32
    return %arg0, %c0_i32 : i32, i32
  }
}

module attributes {stable_mosaic.version = 14 : i64} {
  func.func @body(%arg0: i32, %arg1: memref<2048x128xf32, #tpu.memory_space<vmem>>, %arg2: memref<2048x128xf32, #tpu.memory_space<vmem>>) attributes {dimension_semantics = [#tpu.dimension_semantics<arbitrary>], iteration_bounds = array<i64: 10>, scalar_prefetch = 0 : i64, scratch_operands = 0 : i64, tpu.core_type = #tpu.core_type<tc>, window_params = [{transform_indices = @transform_0, window_bounds = array<i64: 2048, 128>}, {transform_indices = @transform_1, window_bounds = array<i64: 2048, 128>}]} {
    %get3A = arith.constant 0 : index
    %get3A_0 = arith.constant 0 : index
    %get3A_1 = vector.load %arg1[%get3A, %get3A_0] : memref<2048x128xf32, #tpu.memory_space<vmem>>, vector<2048x128xf32>
    %mul3A = arith.mulf %get3A_1, %get3A_1 : vector<2048x128xf32>
    %reduce_sum3A = arith.constant dense<0.000000e+00> : vector<2048xf32>
    %reduce_sum3A_2 = vector.multi_reduction <add>, %mul3A, %reduce_sum3A [1] : vector<2048x128xf32> to vector<2048xf32>
    %broadcast_in_dim3A = vector.shape_cast %reduce_sum3A_2 : vector<2048xf32> to vector<2048x1xf32>
    %sqrt3A = math.sqrt %broadcast_in_dim3A : vector<2048x1xf32>
    %max3A = arith.constant 9.99999996E-13 : f32
    %max3A_3 = vector.broadcast %max3A : f32 to vector<2048x1xf32>
    %max3A_4 = arith.maximumf %sqrt3A, %max3A_3 : vector<2048x1xf32>
    %div3A = vector.broadcast %max3A_4 : vector<2048x1xf32> to vector<2048x128xf32>
    %div3A_5 = arith.divf %get3A_1, %div3A : vector<2048x128xf32>
    %swap3A = arith.constant 0 : index
    %swap3A_6 = arith.constant 0 : index
    %swap3A_7 = vector.load %arg2[%swap3A, %swap3A_6] : memref<2048x128xf32, #tpu.memory_space<vmem>>, vector<2048x128xf32>
    tpu.vector_store %arg2[%swap3A, %swap3A_6], %div3A_5 {strides = array<i32>} : memref<2048x128xf32, #tpu.memory_space<vmem>>, vector<2048x128xf32>,
    return
  }
  func.func @transform_0(%arg0: i32) -> (i32, i32) {
    %c0_i32 = arith.constant 0 : i32
    %c0_i32_0 = arith.constant 0 : i32
    return %arg0, %c0_i32 : i32, i32
  }
  func.func @transform_1(%arg0: i32) -> (i32, i32) {
    %c0_i32 = arith.constant 0 : i32
    %c0_i32_0 = arith.constant 0 : i32
    return %arg0, %c0_i32 : i32, i32
  }
}

module attributes {stable_mosaic.version = 14 : i64} {
  func.func @body(%arg0: i32, %arg1: memref<2000x128xf32, #tpu.memory_space<vmem>>, %arg2: memref<2x128xf32, #tpu.memory_space<vmem>>, %arg3: memref<1x128xf32, #tpu.memory_space<vmem>>, %arg4: memref<1x128xf32, #tpu.memory_space<vmem>>, %arg5: memref<128x128xf32, #tpu.memory_space<vmem>>, %arg6: memref<1x128xf32, #tpu.memory_space<vmem>>, %arg7: memref<2000x1xf32, #tpu.memory_space<vmem>>, %arg8: memref<2000x128xf32, #tpu.memory_space<vmem>>, %arg9: memref<2000x128xf32, #tpu.memory_space<vmem>>, %arg10: memref<64x128xf32, #tpu.memory_space<vmem>>, %arg11: memref<64x128xf32, #tpu.memory_space<vmem>>, %arg12: memref<64x128xf32, #tpu.memory_space<vmem>>) attributes {dimension_semantics = [#tpu.dimension_semantics<arbitrary>], iteration_bounds = array<i64: 5>, scalar_prefetch = 0 : i64, scratch_operands = 0 : i64, tpu.core_type = #tpu.core_type<tc>, window_params = [{transform_indices = @transform_0, window_bounds = array<i64: 2000, 128>}, {pipeline_mode = #tpu.pipeline_mode<synchronous>, transform_indices = @transform_1, window_bounds = array<i64: 2, 128>}, {pipeline_mode = #tpu.pipeline_mode<synchronous>, transform_indices = @transform_2, window_bounds = array<i64: 1, 128>}, {pipeline_mode = #tpu.pipeline_mode<synchronous>, transform_indices = @transform_3, window_bounds = array<i64: 1, 128>}, {pipeline_mode = #tpu.pipeline_mode<synchronous>, transform_indices = @transform_4, window_bounds = array<i64: 128, 128>}, {pipeline_mode = #tpu.pipeline_mode<synchronous>, transform_indices = @transform_5, window_bounds = array<i64: 1, 128>}, {transform_indices = @transform_6, window_bounds = array<i64: 2000, 1>}, {transform_indices = @transform_7, window_bounds = array<i64: 2000, 128>}, {transform_indices = @transform_8, window_bounds = array<i64: 2000, 128>}, {pipeline_mode = #tpu.pipeline_mode<synchronous>, transform_indices = @transform_9, window_bounds = array<i64: 64, 128>}, {pipeline_mode = #tpu.pipeline_mode<synchronous>, transform_indices = @transform_10, window_bounds = array<i64: 64, 128>}, {pipeline_mode = #tpu.pipeline_mode<synchronous>, transform_indices = @transform_11, window_bounds = array<i64: 64, 128>}]} {
    %get3A = arith.constant 0 : index
    %get3A_0 = arith.constant 0 : index
    %get3A_1 = vector.load %arg2[%get3A, %get3A_0] : memref<2x128xf32, #tpu.memory_space<vmem>>, vector<1x128xf32>
    %mul3A = arith.constant 9.99999974E-5 : f32
    %mul3A_2 = vector.broadcast %mul3A : f32 to vector<1x128xf32>
    %mul3A_3 = arith.mulf %get3A_1, %mul3A_2 : vector<1x128xf32>
    %get3A_4 = arith.constant 1 : index
    %get3A_5 = arith.constant 0 : index
    %get3A_6 = vector.load %arg2[%get3A_4, %get3A_5] : memref<2x128xf32, #tpu.memory_space<vmem>>, vector<1x128xf32>
    %mul3A_7 = arith.constant 9.99999974E-5 : f32
    %mul3A_8 = vector.broadcast %mul3A_7 : f32 to vector<1x128xf32>
    %mul3A_9 = arith.mulf %get3A_6, %mul3A_8 : vector<1x128xf32>
    %mul3A_10 = arith.mulf %mul3A_3, %mul3A_3 : vector<1x128xf32>
    %sub3A = arith.subf %mul3A_9, %mul3A_10 : vector<1x128xf32>
    %get3A_11 = arith.constant 0 : index
    %get3A_12 = arith.constant 0 : index
    %get3A_13 = vector.load %arg3[%get3A_11, %get3A_12] : memref<1x128xf32, #tpu.memory_space<vmem>>, vector<1x128xf32>
    %add3A = arith.constant 9.99999974E-6 : f32
    %add3A_14 = vector.broadcast %add3A : f32 to vector<1x128xf32>
    %add3A_15 = arith.addf %sub3A, %add3A_14 : vector<1x128xf32>
    %rsqrt3A = math.rsqrt %add3A_15 : vector<1x128xf32>
    %mul3A_16 = arith.mulf %get3A_13, %rsqrt3A : vector<1x128xf32>
    %get3A_17 = arith.constant 0 : index
    %get3A_18 = arith.constant 0 : index
    %get3A_19 = vector.load %arg4[%get3A_17, %get3A_18] : memref<1x128xf32, #tpu.memory_space<vmem>>, vector<1x128xf32>
    %mul3A_20 = arith.mulf %mul3A_3, %mul3A_16 : vector<1x128xf32>
    %sub3A_21 = arith.subf %get3A_19, %mul3A_20 : vector<1x128xf32>
    %get3A_22 = arith.constant 0 : index
    %get3A_23 = arith.constant 0 : index
    %get3A_24 = vector.load %arg1[%get3A_22, %get3A_23] : memref<2000x128xf32, #tpu.memory_space<vmem>>, vector<2000x128xf32>
    %mul3A_25 = vector.broadcast %mul3A_16 : vector<1x128xf32> to vector<2000x128xf32>
    %mul3A_26 = arith.mulf %get3A_24, %mul3A_25 : vector<2000x128xf32>
    %add3A_27 = vector.broadcast %sub3A_21 : vector<1x128xf32> to vector<2000x128xf32>
    %add3A_28 = arith.addf %mul3A_26, %add3A_27 : vector<2000x128xf32>
    %max3A = arith.constant 0.000000e+00 : f32
    %max3A_29 = vector.broadcast %max3A : f32 to vector<2000x128xf32>
    %max3A_30 = arith.maximumf %add3A_28, %max3A_29 : vector<2000x128xf32>
    %swap3A = arith.constant 0 : index
    %swap3A_31 = arith.constant 0 : index
    %swap3A_32 = vector.load %arg8[%swap3A, %swap3A_31] : memref<2000x128xf32, #tpu.memory_space<vmem>>, vector<2000x128xf32>
    tpu.vector_store %arg8[%swap3A, %swap3A_31], %max3A_30 {strides = array<i32>} : memref<2000x128xf32, #tpu.memory_space<vmem>>, vector<2000x128xf32>,
    %get3A_33 = arith.constant 0 : index
    %get3A_34 = arith.constant 0 : index
    %get3A_35 = vector.load %arg5[%get3A_33, %get3A_34] : memref<128x128xf32, #tpu.memory_space<vmem>>, vector<128x128xf32>
    %dot_general3A = arith.constant dense<0.000000e+00> : vector<2000x128xf32>
    %dot_general3A_36 = tpu.matmul %max3A_30, %get3A_35, %dot_general3A {dimension_numbers = #tpu.dot_dimension_numbers<[1], [0], [0], [1], [0, 0, 1, 1], [], []>, transpose_lhs_hint = false} : vector<2000x128xf32>, vector<128x128xf32>, vector<2000x128xf32> -> vector<2000x128xf32>
    %get3A_37 = arith.constant 0 : index
    %get3A_38 = arith.constant 0 : index
    %get3A_39 = vector.load %arg6[%get3A_37, %get3A_38] : memref<1x128xf32, #tpu.memory_space<vmem>>, vector<1x128xf32>
    %add3A_40 = vector.broadcast %get3A_39 : vector<1x128xf32> to vector<2000x128xf32>
    %add3A_41 = arith.addf %dot_general3A_36, %add3A_40 : vector<2000x128xf32>
    %mul3A_42 = arith.mulf %add3A_41, %add3A_41 : vector<2000x128xf32>
    %reduce_sum3A = arith.constant dense<0.000000e+00> : vector<2000xf32>
    %reduce_sum3A_43 = vector.multi_reduction <add>, %mul3A_42, %reduce_sum3A [1] : vector<2000x128xf32> to vector<2000xf32>
    %broadcast_in_dim3A = vector.shape_cast %reduce_sum3A_43 : vector<2000xf32> to vector<2000x1xf32>
    %sqrt3A = math.sqrt %broadcast_in_dim3A : vector<2000x1xf32>
    %max3A_44 = arith.constant 9.99999996E-13 : f32
    %max3A_45 = vector.broadcast %max3A_44 : f32 to vector<2000x1xf32>
    %max3A_46 = arith.maximumf %sqrt3A, %max3A_45 : vector<2000x1xf32>
    %div3A = vector.broadcast %max3A_46 : vector<2000x1xf32> to vector<2000x128xf32>
    %div3A_47 = arith.divf %add3A_41, %div3A : vector<2000x128xf32>
    %swap3A_48 = arith.constant 0 : index
    %swap3A_49 = arith.constant 0 : index
    %swap3A_50 = vector.load %arg9[%swap3A_48, %swap3A_49] : memref<2000x128xf32, #tpu.memory_space<vmem>>, vector<2000x128xf32>
    tpu.vector_store %arg9[%swap3A_48, %swap3A_49], %div3A_47 {strides = array<i32>} : memref<2000x128xf32, #tpu.memory_space<vmem>>, vector<2000x128xf32>,
    %get3A_51 = arith.constant 0 : index
    %get3A_52 = arith.constant 0 : index
    %get3A_53 = vector.load %arg7[%get3A_51, %get3A_52] : memref<2000x1xf32, #tpu.memory_space<vmem>>, vector<2000x1xf32>
    %iota3A = tpu.iota {dimensions = array<i32: 1>} : vector<2000x64xi32>
    %convert_element_type3A = arith.sitofp %iota3A : vector<2000x64xi32> to vector<2000x64xf32>
    %eq3A = vector.broadcast %get3A_53 : vector<2000x1xf32> to vector<2000x64xf32>
    %eq3A_54 = arith.cmpf oeq, %eq3A, %convert_element_type3A : vector<2000x64xf32>
    %convert_element_type3A_55 = arith.extui %eq3A_54 : vector<2000x64xi1> to vector<2000x64xi32>
    %convert_element_type3A_56 = arith.sitofp %convert_element_type3A_55 : vector<2000x64xi32> to vector<2000x64xf32>
    %eq3A_57 = arith.constant 0 : i32
    %eq3A_58 = arith.cmpi eq, %arg0, %eq3A_57 : i32
    %convert_element_type3A_59 = arith.extui %eq3A_58 : i1 to i32
    %cond3A = arith.constant 0 : i32
    %cond3A_60 = arith.cmpi ne, %convert_element_type3A_59, %cond3A : i32
    scf.if %cond3A_60 {
      %broadcast_in_dim3A_90 = arith.constant 0.000000e+00 : f32
      %broadcast_in_dim3A_91 = vector.broadcast %broadcast_in_dim3A_90 : f32 to vector<64x128xf32>
      %swap3A_92 = arith.constant 0 : index
      %swap3A_93 = arith.constant 0 : index
      %swap3A_94 = vector.load %arg10[%swap3A_92, %swap3A_93] : memref<64x128xf32, #tpu.memory_space<vmem>>, vector<64x128xf32>
      tpu.vector_store %arg10[%swap3A_92, %swap3A_93], %broadcast_in_dim3A_91 {strides = array<i32>} : memref<64x128xf32, #tpu.memory_space<vmem>>, vector<64x128xf32>,
      %broadcast_in_dim3A_95 = arith.constant 0.000000e+00 : f32
      %broadcast_in_dim3A_96 = vector.broadcast %broadcast_in_dim3A_95 : f32 to vector<64x128xf32>
      %swap3A_97 = arith.constant 0 : index
      %swap3A_98 = arith.constant 0 : index
      %swap3A_99 = vector.load %arg11[%swap3A_97, %swap3A_98] : memref<64x128xf32, #tpu.memory_space<vmem>>, vector<64x128xf32>
      tpu.vector_store %arg11[%swap3A_97, %swap3A_98], %broadcast_in_dim3A_96 {strides = array<i32>} : memref<64x128xf32, #tpu.memory_space<vmem>>, vector<64x128xf32>,
      %broadcast_in_dim3A_100 = arith.constant 0.000000e+00 : f32
      %broadcast_in_dim3A_101 = vector.broadcast %broadcast_in_dim3A_100 : f32 to vector<64x128xf32>
      %swap3A_102 = arith.constant 0 : index
      %swap3A_103 = arith.constant 0 : index
      %swap3A_104 = vector.load %arg12[%swap3A_102, %swap3A_103] : memref<64x128xf32, #tpu.memory_space<vmem>>, vector<64x128xf32>
      tpu.vector_store %arg12[%swap3A_102, %swap3A_103], %broadcast_in_dim3A_101 {strides = array<i32>} : memref<64x128xf32, #tpu.memory_space<vmem>>, vector<64x128xf32>,
    } else {
    }
    %get3A_61 = arith.constant 0 : index
    %get3A_62 = arith.constant 0 : index
    %get3A_63 = vector.load %arg10[%get3A_61, %get3A_62] : memref<64x128xf32, #tpu.memory_space<vmem>>, vector<64x128xf32>
    %dot_general3A_64 = arith.constant dense<0.000000e+00> : vector<64x128xf32>
    %dot_general3A_65 = tpu.matmul %convert_element_type3A_56, %max3A_30, %dot_general3A_64 {dimension_numbers = #tpu.dot_dimension_numbers<[0], [0], [1], [1], [0, 1, 1, 1], [], []>, transpose_lhs_hint = false} : vector<2000x64xf32>, vector<2000x128xf32>, vector<64x128xf32> -> vector<64x128xf32>
    %add3A_66 = arith.addf %get3A_63, %dot_general3A_65 : vector<64x128xf32>
    %swap3A_67 = arith.constant 0 : index
    %swap3A_68 = arith.constant 0 : index
    %swap3A_69 = vector.load %arg10[%swap3A_67, %swap3A_68] : memref<64x128xf32, #tpu.memory_space<vmem>>, vector<64x128xf32>
    tpu.vector_store %arg10[%swap3A_67, %swap3A_68], %add3A_66 {strides = array<i32>} : memref<64x128xf32, #tpu.memory_space<vmem>>, vector<64x128xf32>,
    %get3A_70 = arith.constant 0 : index
    %get3A_71 = arith.constant 0 : index
    %get3A_72 = vector.load %arg11[%get3A_70, %get3A_71] : memref<64x128xf32, #tpu.memory_space<vmem>>, vector<64x128xf32>
    %dot_general3A_73 = arith.constant dense<0.000000e+00> : vector<64x128xf32>
    %dot_general3A_74 = tpu.matmul %convert_element_type3A_56, %div3A_47, %dot_general3A_73 {dimension_numbers = #tpu.dot_dimension_numbers<[0], [0], [1], [1], [0, 1, 1, 1], [], []>, transpose_lhs_hint = false} : vector<2000x64xf32>, vector<2000x128xf32>, vector<64x128xf32> -> vector<64x128xf32>
    %add3A_75 = arith.addf %get3A_72, %dot_general3A_74 : vector<64x128xf32>
    %swap3A_76 = arith.constant 0 : index
    %swap3A_77 = arith.constant 0 : index
    %swap3A_78 = vector.load %arg11[%swap3A_76, %swap3A_77] : memref<64x128xf32, #tpu.memory_space<vmem>>, vector<64x128xf32>
    tpu.vector_store %arg11[%swap3A_76, %swap3A_77], %add3A_75 {strides = array<i32>} : memref<64x128xf32, #tpu.memory_space<vmem>>, vector<64x128xf32>,
    %get3A_79 = arith.constant 0 : index
    %get3A_80 = arith.constant 0 : index
    %get3A_81 = vector.load %arg12[%get3A_79, %get3A_80] : memref<64x128xf32, #tpu.memory_space<vmem>>, vector<64x128xf32>
    %broadcast_in_dim3A_82 = arith.constant 1.000000e+00 : f32
    %broadcast_in_dim3A_83 = vector.broadcast %broadcast_in_dim3A_82 : f32 to vector<2000x128xf32>
    %dot_general3A_84 = arith.constant dense<0.000000e+00> : vector<64x128xf32>
    %dot_general3A_85 = tpu.matmul %convert_element_type3A_56, %broadcast_in_dim3A_83, %dot_general3A_84 {dimension_numbers = #tpu.dot_dimension_numbers<[0], [0], [1], [1], [0, 1, 1, 1], [], []>, transpose_lhs_hint = false} : vector<2000x64xf32>, vector<2000x128xf32>, vector<64x128xf32> -> vector<64x128xf32>
    %add3A_86 = arith.addf %get3A_81, %dot_general3A_85 : vector<64x128xf32>
    %swap3A_87 = arith.constant 0 : index
    %swap3A_88 = arith.constant 0 : index
    %swap3A_89 = vector.load %arg12[%swap3A_87, %swap3A_88] : memref<64x128xf32, #tpu.memory_space<vmem>>, vector<64x128xf32>
    tpu.vector_store %arg12[%swap3A_87, %swap3A_88], %add3A_86 {strides = array<i32>} : memref<64x128xf32, #tpu.memory_space<vmem>>, vector<64x128xf32>,
    return
  }
  func.func @transform_0(%arg0: i32) -> (i32, i32) {
    %c0_i32 = arith.constant 0 : i32
    %c0_i32_0 = arith.constant 0 : i32
    return %arg0, %c0_i32 : i32, i32
  }
  func.func @transform_1(%arg0: i32) -> (i32, i32) {
    %c0_i32 = arith.constant 0 : i32
    %c0_i32_0 = arith.constant 0 : i32
    %c0_i32_1 = arith.constant 0 : i32
    return %c0_i32, %c0_i32_0 : i32, i32
  }
  func.func @transform_2(%arg0: i32) -> (i32, i32) {
    %c0_i32 = arith.constant 0 : i32
    %c0_i32_0 = arith.constant 0 : i32
    %c0_i32_1 = arith.constant 0 : i32
    return %c0_i32, %c0_i32_0 : i32, i32
  }
  func.func @transform_3(%arg0: i32) -> (i32, i32) {
    %c0_i32 = arith.constant 0 : i32
    %c0_i32_0 = arith.constant 0 : i32
    %c0_i32_1 = arith.constant 0 : i32
    return %c0_i32, %c0_i32_0 : i32, i32
  }
  func.func @transform_4(%arg0: i32) -> (i32, i32) {
    %c0_i32 = arith.constant 0 : i32
    %c0_i32_0 = arith.constant 0 : i32
    %c0_i32_1 = arith.constant 0 : i32
    return %c0_i32, %c0_i32_0 : i32, i32
  }
  func.func @transform_5(%arg0: i32) -> (i32, i32) {
    %c0_i32 = arith.constant 0 : i32
    %c0_i32_0 = arith.constant 0 : i32
    %c0_i32_1 = arith.constant 0 : i32
    return %c0_i32, %c0_i32_0 : i32, i32
  }
  func.func @transform_6(%arg0: i32) -> (i32, i32) {
    %c0_i32 = arith.constant 0 : i32
    %c0_i32_0 = arith.constant 0 : i32
    return %arg0, %c0_i32 : i32, i32
  }
  func.func @transform_7(%arg0: i32) -> (i32, i32) {
    %c0_i32 = arith.constant 0 : i32
    %c0_i32_0 = arith.constant 0 : i32
    return %arg0, %c0_i32 : i32, i32
  }
  func.func @transform_8(%arg0: i32) -> (i32, i32) {
    %c0_i32 = arith.constant 0 : i32
    %c0_i32_0 = arith.constant 0 : i32
    return %arg0, %c0_i32 : i32, i32
  }
  func.func @transform_9(%arg0: i32) -> (i32, i32) {
    %c0_i32 = arith.constant 0 : i32
    %c0_i32_0 = arith.constant 0 : i32
    %c0_i32_1 = arith.constant 0 : i32
    return %c0_i32, %c0_i32_0 : i32, i32
  }
  func.func @transform_10(%arg0: i32) -> (i32, i32) {
    %c0_i32 = arith.constant 0 : i32
    %c0_i32_0 = arith.constant 0 : i32
    %c0_i32_1 = arith.constant 0 : i32
    return %c0_i32, %c0_i32_0 : i32, i32
  }
  func.func @transform_11(%arg0: i32) -> (i32, i32) {
    %c0_i32 = arith.constant 0 : i32
    %c0_i32_0 = arith.constant 0 : i32
    %c0_i32_1 = arith.constant 0 : i32
    return %c0_i32, %c0_i32_0 : i32, i32
  }
}

module attributes {stable_mosaic.version = 14 : i64} {
  func.func @body(%arg0: memref<64x128xf32, #tpu.memory_space<vmem>>, %arg1: memref<64x128xf32, #tpu.memory_space<vmem>>, %arg2: memref<64x128xf32, #tpu.memory_space<vmem>>, %arg3: memref<64x128xf32, #tpu.memory_space<vmem>>, %arg4: memref<64x128xf32, #tpu.memory_space<vmem>>, %arg5: memref<64x128xf32, #tpu.memory_space<vmem>>, %arg6: memref<128x128xf32, #tpu.memory_space<vmem>>, %arg7: memref<1x128xf32, #tpu.memory_space<vmem>>, %arg8: memref<128x128xf32, #tpu.memory_space<vmem>>, %arg9: memref<1x128xf32, #tpu.memory_space<vmem>>, %arg10: memref<512x512xf32, #tpu.memory_space<vmem>>, %arg11: memref<1x512xf32, #tpu.memory_space<vmem>>, %arg12: memref<512x256xf32, #tpu.memory_space<vmem>>, %arg13: memref<1x256xf32, #tpu.memory_space<vmem>>, %arg14: memref<256x128xf32, #tpu.memory_space<vmem>>, %arg15: memref<1x128xf32, #tpu.memory_space<vmem>>, %arg16: memref<64x128xf32, #tpu.memory_space<vmem>>, %arg17: memref<64x128xf32, #tpu.memory_space<vmem>>, %arg18: memref<64x128xf32, #tpu.memory_space<vmem>>) attributes {dimension_semantics = [], scalar_prefetch = 0 : i64, scratch_operands = 0 : i64, tpu.core_type = #tpu.core_type<tc>} {
    %get3A = arith.constant 0 : index
    %get3A_0 = arith.constant 0 : index
    %get3A_1 = vector.load %arg2[%get3A, %get3A_0] : memref<64x128xf32, #tpu.memory_space<vmem>>, vector<64x128xf32>
    %max3A = arith.constant 1.000000e+00 : f32
    %max3A_2 = vector.broadcast %max3A : f32 to vector<64x128xf32>
    %max3A_3 = arith.maximumf %get3A_1, %max3A_2 : vector<64x128xf32>
    %get3A_4 = arith.constant 0 : index
    %get3A_5 = arith.constant 0 : index
    %get3A_6 = vector.load %arg5[%get3A_4, %get3A_5] : memref<64x128xf32, #tpu.memory_space<vmem>>, vector<64x128xf32>
    %max3A_7 = arith.constant 1.000000e+00 : f32
    %max3A_8 = vector.broadcast %max3A_7 : f32 to vector<64x128xf32>
    %max3A_9 = arith.maximumf %get3A_6, %max3A_8 : vector<64x128xf32>
    %get3A_10 = arith.constant 0 : index
    %get3A_11 = arith.constant 0 : index
    %get3A_12 = vector.load %arg0[%get3A_10, %get3A_11] : memref<64x128xf32, #tpu.memory_space<vmem>>, vector<64x128xf32>
    %div3A = arith.divf %get3A_12, %max3A_3 : vector<64x128xf32>
    %get3A_13 = arith.constant 0 : index
    %get3A_14 = arith.constant 0 : index
    %get3A_15 = vector.load %arg6[%get3A_13, %get3A_14] : memref<128x128xf32, #tpu.memory_space<vmem>>, vector<128x128xf32>
    %dot_general3A = arith.constant dense<0.000000e+00> : vector<64x128xf32>
    %dot_general3A_16 = tpu.matmul %div3A, %get3A_15, %dot_general3A {dimension_numbers = #tpu.dot_dimension_numbers<[1], [0], [0], [1], [0, 0, 1, 1], [], []>, transpose_lhs_hint = false} : vector<64x128xf32>, vector<128x128xf32>, vector<64x128xf32> -> vector<64x128xf32>
    %get3A_17 = arith.constant 0 : index
    %get3A_18 = arith.constant 0 : index
    %get3A_19 = vector.load %arg7[%get3A_17, %get3A_18] : memref<1x128xf32, #tpu.memory_space<vmem>>, vector<1x128xf32>
    %add3A = vector.broadcast %get3A_19 : vector<1x128xf32> to vector<64x128xf32>
    %add3A_20 = arith.addf %dot_general3A_16, %add3A : vector<64x128xf32>
    %mul3A = arith.mulf %add3A_20, %add3A_20 : vector<64x128xf32>
    %reduce_sum3A = arith.constant dense<0.000000e+00> : vector<64xf32>
    %reduce_sum3A_21 = vector.multi_reduction <add>, %mul3A, %reduce_sum3A [1] : vector<64x128xf32> to vector<64xf32>
    %broadcast_in_dim3A = vector.shape_cast %reduce_sum3A_21 : vector<64xf32> to vector<64x1xf32>
    %sqrt3A = math.sqrt %broadcast_in_dim3A : vector<64x1xf32>
    %max3A_22 = arith.constant 9.99999996E-13 : f32
    %max3A_23 = vector.broadcast %max3A_22 : f32 to vector<64x1xf32>
    %max3A_24 = arith.maximumf %sqrt3A, %max3A_23 : vector<64x1xf32>
    %div3A_25 = vector.broadcast %max3A_24 : vector<64x1xf32> to vector<64x128xf32>
    %div3A_26 = arith.divf %add3A_20, %div3A_25 : vector<64x128xf32>
    %swap3A = arith.constant 0 : index
    %swap3A_27 = arith.constant 0 : index
    %swap3A_28 = vector.load %arg16[%swap3A, %swap3A_27] : memref<64x128xf32, #tpu.memory_space<vmem>>, vector<64x128xf32>
    tpu.vector_store %arg16[%swap3A, %swap3A_27], %div3A_26 {strides = array<i32>} : memref<64x128xf32, #tpu.memory_space<vmem>>, vector<64x128xf32>,
    %get3A_29 = arith.constant 0 : index
    %get3A_30 = arith.constant 0 : index
    %get3A_31 = vector.load %arg1[%get3A_29, %get3A_30] : memref<64x128xf32, #tpu.memory_space<vmem>>, vector<64x128xf32>
    %div3A_32 = arith.divf %get3A_31, %max3A_3 : vector<64x128xf32>
    %get3A_33 = arith.constant 0 : index
    %get3A_34 = arith.constant 0 : index
    %get3A_35 = vector.load %arg3[%get3A_33, %get3A_34] : memref<64x128xf32, #tpu.memory_space<vmem>>, vector<64x128xf32>
    %div3A_36 = arith.divf %get3A_35, %max3A_9 : vector<64x128xf32>
    %get3A_37 = arith.constant 0 : index
    %get3A_38 = arith.constant 0 : index
    %get3A_39 = vector.load %arg8[%get3A_37, %get3A_38] : memref<128x128xf32, #tpu.memory_space<vmem>>, vector<128x128xf32>
    %dot_general3A_40 = arith.constant dense<0.000000e+00> : vector<64x128xf32>
    %dot_general3A_41 = tpu.matmul %div3A_36, %get3A_39, %dot_general3A_40 {dimension_numbers = #tpu.dot_dimension_numbers<[1], [0], [0], [1], [0, 0, 1, 1], [], []>, transpose_lhs_hint = false} : vector<64x128xf32>, vector<128x128xf32>, vector<64x128xf32> -> vector<64x128xf32>
    %get3A_42 = arith.constant 0 : index
    %get3A_43 = arith.constant 0 : index
    %get3A_44 = vector.load %arg9[%get3A_42, %get3A_43] : memref<1x128xf32, #tpu.memory_space<vmem>>, vector<1x128xf32>
    %add3A_45 = vector.broadcast %get3A_44 : vector<1x128xf32> to vector<64x128xf32>
    %add3A_46 = arith.addf %dot_general3A_41, %add3A_45 : vector<64x128xf32>
    %mul3A_47 = arith.mulf %add3A_46, %add3A_46 : vector<64x128xf32>
    %reduce_sum3A_48 = arith.constant dense<0.000000e+00> : vector<64xf32>
    %reduce_sum3A_49 = vector.multi_reduction <add>, %mul3A_47, %reduce_sum3A_48 [1] : vector<64x128xf32> to vector<64xf32>
    %broadcast_in_dim3A_50 = vector.shape_cast %reduce_sum3A_49 : vector<64xf32> to vector<64x1xf32>
    %sqrt3A_51 = math.sqrt %broadcast_in_dim3A_50 : vector<64x1xf32>
    %max3A_52 = arith.constant 9.99999996E-13 : f32
    %max3A_53 = vector.broadcast %max3A_52 : f32 to vector<64x1xf32>
    %max3A_54 = arith.maximumf %sqrt3A_51, %max3A_53 : vector<64x1xf32>
    %div3A_55 = vector.broadcast %max3A_54 : vector<64x1xf32> to vector<64x128xf32>
    %div3A_56 = arith.divf %add3A_46, %div3A_55 : vector<64x128xf32>
    %swap3A_57 = arith.constant 0 : index
    %swap3A_58 = arith.constant 0 : index
    %swap3A_59 = vector.load %arg17[%swap3A_57, %swap3A_58] : memref<64x128xf32, #tpu.memory_space<vmem>>, vector<64x128xf32>
    tpu.vector_store %arg17[%swap3A_57, %swap3A_58], %div3A_56 {strides = array<i32>} : memref<64x128xf32, #tpu.memory_space<vmem>>, vector<64x128xf32>,
    %get3A_60 = arith.constant 0 : index
    %get3A_61 = arith.constant 0 : index
    %get3A_62 = vector.load %arg4[%get3A_60, %get3A_61] : memref<64x128xf32, #tpu.memory_space<vmem>>, vector<64x128xf32>
    %div3A_63 = arith.divf %get3A_62, %max3A_9 : vector<64x128xf32>
    %get3A_64 = arith.constant 0 : index
    %get3A_65 = arith.constant 0 : index
    %get3A_66 = vector.load %arg10[%get3A_64, %get3A_65] : memref<512x512xf32, #tpu.memory_space<vmem>>, vector<128x512xf32>
    %dot_general3A_67 = arith.constant dense<0.000000e+00> : vector<64x512xf32>
    %dot_general3A_68 = tpu.matmul %div3A_26, %get3A_66, %dot_general3A_67 {dimension_numbers = #tpu.dot_dimension_numbers<[1], [0], [0], [1], [0, 0, 1, 1], [], []>, transpose_lhs_hint = false} : vector<64x128xf32>, vector<128x512xf32>, vector<64x512xf32> -> vector<64x512xf32>
    %get3A_69 = arith.constant 128 : index
    %get3A_70 = arith.constant 0 : index
    %get3A_71 = vector.load %arg10[%get3A_69, %get3A_70] : memref<512x512xf32, #tpu.memory_space<vmem>>, vector<128x512xf32>
    %dot_general3A_72 = arith.constant dense<0.000000e+00> : vector<64x512xf32>
    %dot_general3A_73 = tpu.matmul %div3A_32, %get3A_71, %dot_general3A_72 {dimension_numbers = #tpu.dot_dimension_numbers<[1], [0], [0], [1], [0, 0, 1, 1], [], []>, transpose_lhs_hint = false} : vector<64x128xf32>, vector<128x512xf32>, vector<64x512xf32> -> vector<64x512xf32>
    %add3A_74 = arith.addf %dot_general3A_68, %dot_general3A_73 : vector<64x512xf32>
    %get3A_75 = arith.constant 256 : index
    %get3A_76 = arith.constant 0 : index
    %get3A_77 = vector.load %arg10[%get3A_75, %get3A_76] : memref<512x512xf32, #tpu.memory_space<vmem>>, vector<128x512xf32>
    %dot_general3A_78 = arith.constant dense<0.000000e+00> : vector<64x512xf32>
    %dot_general3A_79 = tpu.matmul %div3A_56, %get3A_77, %dot_general3A_78 {dimension_numbers = #tpu.dot_dimension_numbers<[1], [0], [0], [1], [0, 0, 1, 1], [], []>, transpose_lhs_hint = false} : vector<64x128xf32>, vector<128x512xf32>, vector<64x512xf32> -> vector<64x512xf32>
    %add3A_80 = arith.addf %add3A_74, %dot_general3A_79 : vector<64x512xf32>
    %get3A_81 = arith.constant 384 : index
    %get3A_82 = arith.constant 0 : index
    %get3A_83 = vector.load %arg10[%get3A_81, %get3A_82] : memref<512x512xf32, #tpu.memory_space<vmem>>, vector<128x512xf32>
    %dot_general3A_84 = arith.constant dense<0.000000e+00> : vector<64x512xf32>
    %dot_general3A_85 = tpu.matmul %div3A_63, %get3A_83, %dot_general3A_84 {dimension_numbers = #tpu.dot_dimension_numbers<[1], [0], [0], [1], [0, 0, 1, 1], [], []>, transpose_lhs_hint = false} : vector<64x128xf32>, vector<128x512xf32>, vector<64x512xf32> -> vector<64x512xf32>
    %add3A_86 = arith.addf %add3A_80, %dot_general3A_85 : vector<64x512xf32>
    %get3A_87 = arith.constant 0 : index
    %get3A_88 = arith.constant 0 : index
    %get3A_89 = vector.load %arg11[%get3A_87, %get3A_88] : memref<1x512xf32, #tpu.memory_space<vmem>>, vector<1x512xf32>
    %add3A_90 = vector.broadcast %get3A_89 : vector<1x512xf32> to vector<64x512xf32>
    %add3A_91 = arith.addf %add3A_86, %add3A_90 : vector<64x512xf32>
    %max3A_92 = arith.constant 0.000000e+00 : f32
    %max3A_93 = vector.broadcast %max3A_92 : f32 to vector<64x512xf32>
    %max3A_94 = arith.maximumf %add3A_91, %max3A_93 : vector<64x512xf32>
    %get3A_95 = arith.constant 0 : index
    %get3A_96 = arith.constant 0 : index
    %get3A_97 = vector.load %arg12[%get3A_95, %get3A_96] : memref<512x256xf32, #tpu.memory_space<vmem>>, vector<512x256xf32>
    %dot_general3A_98 = arith.constant dense<0.000000e+00> : vector<64x256xf32>
    %dot_general3A_99 = tpu.matmul %max3A_94, %get3A_97, %dot_general3A_98 {dimension_numbers = #tpu.dot_dimension_numbers<[1], [0], [0], [1], [0, 0, 1, 1], [], []>, transpose_lhs_hint = false} : vector<64x512xf32>, vector<512x256xf32>, vector<64x256xf32> -> vector<64x256xf32>
    %get3A_100 = arith.constant 0 : index
    %get3A_101 = arith.constant 0 : index
    %get3A_102 = vector.load %arg13[%get3A_100, %get3A_101] : memref<1x256xf32, #tpu.memory_space<vmem>>, vector<1x256xf32>
    %add3A_103 = vector.broadcast %get3A_102 : vector<1x256xf32> to vector<64x256xf32>
    %add3A_104 = arith.addf %dot_general3A_99, %add3A_103 : vector<64x256xf32>
    %max3A_105 = arith.constant 0.000000e+00 : f32
    %max3A_106 = vector.broadcast %max3A_105 : f32 to vector<64x256xf32>
    %max3A_107 = arith.maximumf %add3A_104, %max3A_106 : vector<64x256xf32>
    %get3A_108 = arith.constant 0 : index
    %get3A_109 = arith.constant 0 : index
    %get3A_110 = vector.load %arg14[%get3A_108, %get3A_109] : memref<256x128xf32, #tpu.memory_space<vmem>>, vector<256x128xf32>
    %dot_general3A_111 = arith.constant dense<0.000000e+00> : vector<64x128xf32>
    %dot_general3A_112 = tpu.matmul %max3A_107, %get3A_110, %dot_general3A_111 {dimension_numbers = #tpu.dot_dimension_numbers<[1], [0], [0], [1], [0, 0, 1, 1], [], []>, transpose_lhs_hint = false} : vector<64x256xf32>, vector<256x128xf32>, vector<64x128xf32> -> vector<64x128xf32>
    %get3A_113 = arith.constant 0 : index
    %get3A_114 = arith.constant 0 : index
    %get3A_115 = vector.load %arg15[%get3A_113, %get3A_114] : memref<1x128xf32, #tpu.memory_space<vmem>>, vector<1x128xf32>
    %add3A_116 = vector.broadcast %get3A_115 : vector<1x128xf32> to vector<64x128xf32>
    %add3A_117 = arith.addf %dot_general3A_112, %add3A_116 : vector<64x128xf32>
    %swap3A_118 = arith.constant 0 : index
    %swap3A_119 = arith.constant 0 : index
    %swap3A_120 = vector.load %arg18[%swap3A_118, %swap3A_119] : memref<64x128xf32, #tpu.memory_space<vmem>>, vector<64x128xf32>
    tpu.vector_store %arg18[%swap3A_118, %swap3A_119], %add3A_117 {strides = array<i32>} : memref<64x128xf32, #tpu.memory_space<vmem>>, vector<64x128xf32>,
    return
  }
}

</mosaic_0001>

<sc_bundles>
// kernel: kernel.31.cloned.1.call-start
scs
__scs_entry_jumppad:
0x0: {  	(pc) =	sbr.rel $0x88, $3  }
0x1: {  	(tag) =	ssettag $0x0;
	lr =	simm.s32 $0x1  }
0x2: {  	[smem:$0x3F4F] =	sst lr;
	_ =	strace $0xD0000000  }
0x3: {  	_ = 	snop  }
0x4: {  	_ = 	snop  }
0x5: {  	_ = 	snop  }
0x6: {  	_ = 	snop  }
0x7: {  	_ = 	snop  }
__scs_overlays_trampoline_lowered:
0x8: {  	[smem:$0x3F5E] =	sst s0  }
0x9: {  	[smem:$0x3F5F] =	sst s1  }
0xa: {  	[smem:$0x3F60] =	sst s2  }
0xb: {  	[smem:$0x3F61] =	sst s3  }
0xc: {  	[smem:$0x3F62] =	sst s4  }
0xd: {  	[smem:$0x3F63] =	sst s5  }
0xe: {  	[smem:$0x3F64] =	sst s6  }
0xf: {  	[smem:$0x3F65] =	sst s7  }
0x10: {  	[smem:$0x3F66] =	sst s8  }
0x11: {  	[smem:$0x3F67] =	sst s9;
	s0 =	simm.s32 @!p0 $0x0  }
0x12: {  	s1 =	sld [smem:$0x3F4D];
	s0 =	simm.s32 @p0 $0x1  }
0x13: {  	[smem:$0x3F68] =	sst s0;
	s0 =	simm.s32 @!p1 $0x0  }
0x14: {  	s2 =	sld [smem:$0x3F4C];
	s0 =	simm.s32 @p1 $0x1  }
0x15: {  	[smem:$0x3F69] =	sst s0;
	s0 =	simm.s32 @!p2 $0x0  }
0x16: {  	s3 =	sld [smem:$0x3FDB];
	s0 =	simm.s32 @p2 $0x1  }
0x17: {  	s4 =	simm.s32 $0x1BF5;
	[smem:$0x3F6B] =	sst s0  }
0x18: {  	s0 =	sld [smem:$0x3F4E];
	_ =	swait.ge [sflag:s4], $0x0  }
0x19: {  	s7 =	sld [smem:$0x3F4F]  }
0x1a: {  	s8 =	sadd.s32 $0xFFFFE003, lr  }
0x1b: {  	s9 =	sadd.s32 $0xFFFFFEF7, lr;
	s5 =	simm.s32 $0xFFFFFFFF;
	p2 =	slt.u32 s8, $0xFFFFF086  }
0x1c: {  	p1 =	slt.u32 s9, $0xF7A;
	s5 =	simm.s32 @!p2 $0x0  }
0x1d: {  	s5 =	simm.s32 @p1 $0x1;
	p0 =	seq.s32 s7, s2  }
0x1e: {  	s7 =	smul.u32 @!p0 $0xF7A, s2;
	p2 =	seq.s32 @!p0 s5, $0x0  }
0x1f: {  	s9 =	smul.u32 $0xF7A, s1;
	s8 =	simm.s32 @!p0 $0x1BF5;
	p2 =	por !p2, p0  }
0x20: {  	[sflag:s8] =	ssyncset.s32 @!p0 $0xFFFFF086;
	s6 =	sadd.s32 @!p0 s3, s7;
	s7 =	simm.s32 @!p0 $0x108  }
0x21: {  	s3 =	sadd.s32 s3, s9;
	s6 =	sadd.s32 @!p0 $0x88, s6;
	s7 =	simm.s32 @p2 $0x1082  }
0x22: {  	[simem:s7], [sflag:s8] =	dma.local @!p0 [hbm:s6], $0xF7A  }
0x23: {  	s9 =	sor.u32 $0xD0000000, s2;
	s6 =	simm.s32 $0x108;
	_ =	swait.ge @!p0 [sflag:s8], $0x0  }
0x24: {  	s3 =	sadd.s32 $0x88, s3;
	s6 =	simm.s32 @!p1 $0x1082;
	[sflag:s4] =	ssyncset.s32 $0xFFFFF086  }
0x25: {  	[simem:s6], [sflag:s4] =	dma.local [hbm:s3], $0xF7A  }
0x26: {  	[smem:$0x3F4F] =	sst s1;
	(tag) =	ssettag s2;
	_ =	strace s9  }
0x27: {  	s1 =	sld [smem:$0x3F5F]  }
0x28: {  	s2 =	sld [smem:$0x3F60]  }
0x29: {  	s4 =	sld [smem:$0x3F62]  }
0x2a: {  	p0 =	seq.s32 s5, $0x0;
	s5 =	sld [smem:$0x3F63]  }
0x2b: {  	s6 =	sld [smem:$0x3F64]  }
0x2c: {  	s7 =	sld [smem:$0x3F65]  }
0x2d: {  	s3 =	simm.s32 $0x108;
	s8 =	sld [smem:$0x3F66]  }
0x2e: {  	s3 =	simm.s32 @!p0 $0x1082;
	s9 =	sld [smem:$0x3F67]  }
0x2f: {  	lr =	sadd.s32 s0, s3;
	s0 =	sld [smem:$0x3F5E]  }
0x30: {  	s3 =	sld [smem:$0x3F61]  }
0x31: {  	[smem:$0x3F6A] =	sst s10  }
0x32: {  	s10 =	sld [smem:$0x3F68];
	_ =	sdelay $0x3  }
0x33: {  	p0 =	seq.s32 s10, $0x1;
	s10 =	sld [smem:$0x3F6A];
	_ =	sdelay $0x3  }
0x34: {  	[smem:$0x3F6A] =	sst s10  }
0x35: {  	s10 =	sld [smem:$0x3F69];
	_ =	sdelay $0x3  }
0x36: {  	p1 =	seq.s32 s10, $0x1;
	s10 =	sld [smem:$0x3F6A];
	_ =	sdelay $0x3  }
0x37: {  	[smem:$0x3F6A] =	sst s10  }
0x38: {  	s10 =	sld [smem:$0x3F6B]  }
0x39: {  	_ = 	snop;
	(pc) =	sbr.ind lr, $3  }
0x3a: {  	_ = 	snop  }
0x3b: {  	_ = 	snop  }
0x3c: {  	p2 =	seq.s32 s10, $0x1;
	s10 =	sld [smem:$0x3F6A]  }
0x3d: {  	_ =	shalt  }
0x3e: {  	_ =	shalt  }
0x3f: {  	_ =	shalt  }
0x40: {  	_ =	shalt  }
0x41: {  	_ =	shalt  }
0x42: {  	_ =	shalt  }
0x43: {  	_ =	shalt  }
0x44: {  	_ =	shalt  }
0x45: {  	_ =	shalt  }
0x46: {  	_ =	shalt  }
0x47: {  	_ =	shalt  }
0x48: {  	_ =	shalt  }
0x49: {  	_ =	shalt  }
0x4a: {  	_ =	shalt  }
0x4b: {  	_ =	shalt  }
0x4c: {  	_ =	shalt  }
0x4d: {  	_ =	shalt  }
0x4e: {  	_ =	shalt  }
0x4f: {  	_ =	shalt  }
0x50: {  	_ =	shalt  }
0x51: {  	_ =	shalt  }
0x52: {  	_ =	shalt  }
0x53: {  	_ =	shalt  }
0x54: {  	_ =	shalt  }
0x55: {  	_ =	shalt  }
0x56: {  	_ =	shalt  }
0x57: {  	_ =	shalt  }
0x58: {  	_ =	shalt  }
0x59: {  	_ =	shalt  }
0x5a: {  	_ =	shalt  }
0x5b: {  	_ =	shalt  }
0x5c: {  	_ =	shalt  }
0x5d: {  	_ =	shalt  }
0x5e: {  	_ =	shalt  }
0x5f: {  	_ =	shalt  }
0x60: {  	_ =	shalt  }
0x61: {  	_ =	shalt  }
0x62: {  	_ =	shalt  }
0x63: {  	_ =	shalt  }
0x64: {  	_ =	shalt  }
0x65: {  	_ =	shalt  }
0x66: {  	_ =	shalt  }
0x67: {  	_ =	shalt  }
0x68: {  	_ =	shalt  }
0x69: {  	_ =	shalt  }
0x6a: {  	_ =	shalt  }
0x6b: {  	_ =	shalt  }
0x6c: {  	_ =	shalt  }
0x6d: {  	_ =	shalt  }
0x6e: {  	_ =	shalt  }
0x6f: {  	_ =	shalt  }
0x70: {  	_ =	shalt  }
0x71: {  	_ =	shalt  }
0x72: {  	_ =	shalt  }
0x73: {  	_ =	shalt  }
0x74: {  	_ =	shalt  }
0x75: {  	_ =	shalt  }
0x76: {  	_ =	shalt  }
0x77: {  	_ =	shalt  }
0x78: {  	_ =	shalt  }
0x79: {  	_ =	shalt  }
0x7a: {  	_ =	shalt  }
0x7b: {  	_ =	shalt  }
0x7c: {  	_ =	shalt  }
0x7d: {  	_ =	shalt  }
0x7e: {  	_ =	shalt  }
0x7f: {  	_ =	shalt  }
0x80: {  	_ =	shalt  }
0x81: {  	_ =	shalt  }
0x82: {  	_ =	shalt  }
0x83: {  	_ =	shalt  }
0x84: {  	_ =	shalt  }
0x85: {  	_ =	shalt  }
0x86: {  	_ =	shalt  }
0x87: {  	_ =	shalt  }
.Lfunc_end0:
.L_simem_size_0:
called_computation_lowered:
.L_overlay_start_0:
0x88: {  	s2 =	sld [smem:$0x3FD9]  }
0x89: {  	s3 =	sld [smem:$0x3FFE];
	_ =	sdelay $0x1  }
0x8a: {  	s1 =	srdreg.scid  }
0x8b: {  	s0 =	sand.u32 $0x1, s1  }
0x8c: {  	s17 =	sshll.u32 s0, $0xA;
	s2 =	sadd.s32 s3, s2  }
0x8d: {  	s2 =	sadd.s32 s2, s17  }
0x8e: {  	[smem:$0x3F76] =	sst s2  }
0x8f: {  	_ = 	snop  }
0x90: {  	s18 =	sld [smem:$0x3F79]  }
0x91: {  	s4 =	sld [smem:$0x3F78];
	(tm) =	ssettm $0x1  }
0x92: {  	s19 =	sld [smem:$0x3FFB];
	_ =	sdelay $0x3  }
0x93: {  	_ =	strace s19  }
0x94: {  	s2 =	sld [smem:$0x3FFC];
	_ =	sdelay $0x3  }
0x95: {  	_ =	strace s2  }
0x96: {  	s2 =	sld [smem:$0x3FFD];
	_ =	sdelay $0x3  }
0x97: {  	_ =	strace s2  }
0x98: {  	_ =	strace $0x8FFFFFFF  }
0x99: {  	s20 =	sld [smem:$0x3FDB];
	_ =	sdelay $0x1  }
0x9a: {  	s5 =	simm.s32 $_scs_section_size  }
0x9b: {  	s6 =	simm.s32 $_size__tile_overlayer_lowered;
	s7 =	simm.s32 $_tile_overlayer_lowered  }
0x9c: {  	s8 =	simm.s32 $0x1BFF;
	s21 =	sshll.u32 s7, $0x1;
	s5 =	sadd.s32 s5, s20  }
0x9d: {  	s22 =	simm.s32 $0x0;
	s6 =	sshll.u32 s6, $0x1;
	s7 =	sadd.s32 s21, s5  }
0x9e: {  	[timem:s22], [sflag:s8] =	dma.local [hbm:s7], s6  }
0x9f: {  	_ =	swait.ge [sflag:s8], s6  }
0xa0: {  	s6 =	ssub.s32 $0x0, s6;
	[sflag:s8] =	ssyncset.done $0x0  }
0xa1: {  	[sflag:s8] =	ssyncadd.s32 s6;
	_ =	sdelay $0x1  }
0xa2: {  	s23 =	simm.s32 $0x1B8B  }
0xa3: {  	_ =	swait.ge [sflag:s23], $0x1  }
0xa4: {  	[sflag:s23] =	ssyncset.done $0x0  }
0xa5: {  	[sflag:s23] =	ssyncadd.s32 $0xFFFFFFFF  }
0xa6: {  	s6 =	sld [smem:$0x0]  }
0xa7: {  	s7 =	sand.u32 $0xFFFFFFFE, s1  }
0xa8: {  	p0 =	sne.s32 s1, s7  }
0xa9: {  	s7 =	sshll.u32 @p0 s7, $0xE  }
0xaa: {  	s7 =	sadd.s32 @p0 $0x11B8D, s7;
	s8 =	sshll.u32 @p0 s6, $0x11  }
0xab: {  	s7 =	sor.u32 @p0 s8, s7  }
0xac: {  	[sflag:s7] =	ssyncadd.remote.s32 @p0 $0x1;
	_ =	sdelay $0x1  }
0xad: {  	s7 =	simm.s32 @p0 $0x1B8D  }
0xae: {  	_ =	swait.eq @p0 [sflag:s7], $0x1  }
0xaf: {  	[sflag:s7] =	ssyncadd.s32 @p0 $0xFFFFFFFF  }
0xb0: {  	s8 =	sshll.u32 @!p0 s1, $0xE  }
0xb1: {  	s8 =	sor.u32 @!p0 $0x4000, s8;
	s7 =	simm.s32 @!p0 $0x1B8D  }
0xb2: {  	s6 =	sshll.u32 @!p0 s6, $0x11;
	s8 =	sadd.s32 @!p0 $0x11B8D, s8;
	_ =	swait.eq @!p0 [sflag:s7], $0x1  }
0xb3: {  	s6 =	sor.u32 @!p0 s6, s8;
	[sflag:s7] =	ssyncadd.s32 @!p0 $0xFFFFFFFF  }
0xb4: {  	s25 =	simm.s32 $0x1B8E;
	s24 =	sld [smem:$0x3FFE];
	[sflag:s6] =	ssyncadd.remote.s32 @!p0 $0x1  }
0xb5: {  	s26 =	simm.s32 $execute0_lowered;
	[smem:$0x3FD2] =	sst s25  }
0xb6: {  	s7 =	sshll.u32 s26, $0x1;
	_ =	strace $0x80000052;
	[dreg:$0x1] =	wrdreg $0xFFFFFFFF  }
0xb7: {  	s28 =	simm.s32 $_size_execute0_lowered;
	s5 =	sadd.s32 s5, s7;
	[dreg:$0x0] =	wrdreg $0x0  }
0xb8: {  	s7 =	sshll.u32 s28, $0x1;
	[dreg:$0x2] =	wrdreg s5  }
0xb9: {  	[dreg:$0x3] =	wrdreg s7  }
0xba: {  	[dreg:$0x4] =	wrdreg $0xC0  }
0xbb: {  	_ =	task [dreg:s22], $0x5FFFF  }
0xbc: {  	[dreg:$0x1] =	wrdreg $0xFFFFFFFF  }
0xbd: {  	[dreg:$0x0] =	wrdreg $0x60  }
0xbe: {  	[dreg:$0x2] =	wrdreg s18  }
0xbf: {  	[dreg:$0x3] =	wrdreg s4  }
0xc0: {  	[dreg:$0x4] =	wrdreg s24  }
0xc1: {  	[dreg:$0x5] =	wrdreg $0x9  }
0xc2: {  	_ =	task.clear_ibuf [dreg:s22], $0x6FFFF;
	_ =	strace $0x90000052  }
0xc3: {  	s29 =	simm.s32 $0x9;
	_ =	strace $0x80000054  }
0xc4: {  	_ =	swait.ge [sflag:s29], $0x1  }
0xc5: {  	[sflag:s29] =	ssyncadd.s32 $0xFFFFFFFF  }
0xc6: {  	_ =	strace $0x90000054  }
0xc7: {  	_ =	sfence  }
0xc8: {  	s30 =	sld [smem:$0x0];
	_ =	sdelay $0x2  }
0xc9: {  	s31 =	sshll.u32 s1, $0xD;
	s1 =	sshrl.u32 s1, $0x2  }
0xca: {  	s4 =	sand.u32 $0x4000, s31;
	s1 =	sadd.s32 s1, s30  }
0xcb: {  	s0 =	sor.u32 s4, s0;
	s1 =	sshll.u32 s1, $0x11  }
0xcc: {  	s0 =	sor.u32 s1, s0  }
0xcd: {  	s0 =	sadd.s32 $0x8F2B, s0  }
0xce: {  	[sflag:s0] =	ssyncadd.remote.s32 $0x1  }
0xcf: {  	_ =	sfence.sel $0xFFFF  }
0xd0: {  	[dreg:$0x0] =	wrdreg $0xFFFFFFFF;
	(pc) =	sbr.abs _section_cstart, $3  }
0xd1: {  	[dreg:$0x1] =	wrdreg $0xFFFFFFFF  }
0xd2: {  	_ =	task.clear_ibuf [dreg:s22], $0x2FFFF;
	_ =	strace $0x9FFFFFFF  }
0xd3: {  	(tm) =	ssettm $0x7FFFFFFF  }
tec
execute0_lowered:
.L_overlay_start_1:
0x0: {  	(tag) =	ssettag $0x1  }
0x1: {  	s0 =	srdreg.scid  }
0x2: {  	s21 =	sand.u32 $0x1, s0  }
0x3: {  	s2 =	rddreg [dreg:$0x0];
	s0 =	stileid.u32;
	s1 =	sshll.u32 s21, $0x4  }
0x4: {  	s3 =	rddreg [dreg:$0x1];
	s22 =	sor.u32 s0, s1  }
0x5: {  	s23 =	rddreg [dreg:$0x2];
	s4 =	simm.s32 $0x0;
	s5 =	smul.u32 $0x28, s22  }
0x6: {  	[smem:$0x7FF] =	sst s4  }
0x7: {  	s1 =	rddreg [dreg:$0x3];
	s7 =	sadd.s32 s5, s23  }
0x8: {  	_ =	strace $0x80000053;
	s5 =	simm.s32 $0x2;
	s6 =	sadd.s32 $0xD1E00, s7  }
0x9: {  	[tilespmem:s4], [sflag:$0x2] =	stream.linear.gather [hbm4b:s6+s4], $0x140, $0x38;
	[tilespmem:$0x14300] =	vst v63  }
0xa: {  	_ =	swait.ge [sflag:s5], $0x140  }
0xb: {  	[sflag:s5] =	ssyncset.done $0x0  }
0xc: {  	s8 =	simm.s32 $0x180;
	s7 =	sadd.s32 $0xD2400, s7;
	[sflag:s5] =	ssyncadd.s32 $0xFFFFFEC0  }
0xd: {  	[tilespmem:s8], [sflag:$0x2] =	stream.linear.gather [hbm4b:s7+s4], $0x140, $0x38;
	[tilespmem:$0x14300] =	vst v63  }
0xe: {  	_ =	swait.ge [sflag:s5], $0x140  }
0xf: {  	[sflag:s5] =	ssyncset.done $0x0  }
0x10: {  	s9 =	simm.s32 $0x80;
	s10 =	simm.s32 $0x300;
	[sflag:s5] =	ssyncadd.s32 $0xFFFFFEC0  }
0x11: {  	[tilespmem:s10], [sflag:$0x1] =	stream.indirect.gather [hbm4b:s2+s9], $0x80, s4, s9, $0xb8;
	[tilespmem:$0x14300] =	vst v63  }
0x12: {  	s11 =	simm.s32 $0xA300  }
0x13: {  	[tilespmem:s11], [sflag:$0x1] =	stream.indirect.gather [hbm4b:s3+s9], $0x80, s8, s9, $0xb8;
	[tilespmem:$0x14300] =	vst v63  }
0x14: {  	s12 =	simm.s32 $0x4300  }
0x15: {  	[tilespmem:s12], [sflag:$0x1] =	stream.indirect.gather [hbm4b:s2+s9], $0x80, s9, s9, $0xb8;
	[tilespmem:$0x14300] =	vst v63  }
0x16: {  	s13 =	simm.s32 $0x200;
	s14 =	simm.s32 $0xE300  }
0x17: {  	[tilespmem:s14], [sflag:$0x1] =	stream.indirect.gather [hbm4b:s3+s9], $0x80, s13, s9, $0xb8;
	[tilespmem:$0x14300] =	vst v63  }
0x18: {  	s15 =	simm.s32 $0x40;
	s16 =	simm.s32 $0x100;
	s17 =	simm.s32 $0x8300  }
0x19: {  	[tilespmem:s17], [sflag:$0x1] =	stream.indirect.gather [hbm4b:s2+s15], $0x80, s16, s15, $0xb8;
	[tilespmem:$0x14300] =	vst v63  }
0x1a: {  	s18 =	simm.s32 $0x280;
	s19 =	simm.s32 $0x12300;
	s20 =	simm.s32 $0x1  }
0x1b: {  	[tilespmem:s19], [sflag:$0x1] =	stream.indirect.gather [hbm4b:s3+s15], $0x80, s18, s15, $0xb8;
	[tilespmem:$0x14300] =	vst v63  }
0x1c: {  	_ =	swait.ge [sflag:s20], $0x4000  }
0x1d: {  	[sflag:s20] =	ssyncset.done $0x0  }
0x1e: {  	[sflag:s20] =	ssyncadd.s32 $0xFFFFC000  }
0x1f: {  	_ =	swait.ge [sflag:s20], $0x4000  }
0x20: {  	[sflag:s20] =	ssyncset.done $0x0  }
0x21: {  	[sflag:s20] =	ssyncadd.s32 $0xFFFFC000  }
0x22: {  	_ =	swait.ge [sflag:s20], $0x4000  }
0x23: {  	[sflag:s20] =	ssyncset.done $0x0  }
0x24: {  	[sflag:s20] =	ssyncadd.s32 $0xFFFFC000  }
0x25: {  	_ =	swait.ge [sflag:s20], $0x4000  }
0x26: {  	[sflag:s20] =	ssyncset.done $0x0  }
0x27: {  	[sflag:s20] =	ssyncadd.s32 $0xFFFFC000  }
0x28: {  	_ =	swait.ge [sflag:s20], $0x2000  }
0x29: {  	[sflag:s20] =	ssyncset.done $0x0  }
0x2a: {  	s25 =	ssub.s32 $0x2, s21;
	s24 =	smul.u32 $0x1400, s22;
	[sflag:s20] =	ssyncadd.s32 $0xFFFFE000  }
0x2b: {  	s30 =	sshrl.u32 s25, $0x1;
	s23 =	sadd.s32 $0xD2A00, s23;
	_ =	swait.ge [sflag:s20], $0x2000  }
0x2c: {  	s21 =	sadd.s32 s23, s24;
	s24 =	ssub.s32 s25, s30;
	[sflag:s20] =	ssyncset.done $0x0  }
0x2d: {  	s22 =	smul.u32 $0xA000, s22;
	s31 =	smax.u32 s24, $0x1;
	[sflag:s20] =	ssyncadd.s32 $0xFFFFE000  }
0x2e: {  	[hbm4b:s21+s4] =	stream.linear.scatter [tilespmem:s10], [sflag:$0x2], $0xA000, $0x38;
	[tilespmem:$0x14300] =	vst v63  }
0x2f: {  	s22 =	sshrl.u32 s22, $0x3;
	p0 =	sne.s32 s31, $0x1;
	_ =	swait.ge [sflag:s5], $0xA000  }
.Ltmp0:
0x30: {  	s22 =	sadd.s32 s23, s22;
	[sflag:s5] =	ssyncset.done $0x0;
	(pc) =	sbr.rel @!p0 .LBB2_2-.Ltmp0, $4  }
0x31: {  	s22 =	sadd.s32 $0x28000, s22;
	[sflag:s5] =	ssyncadd.s32 $0xFFFF6000  }
0x32: {  	[hbm4b:s22+s4] =	stream.linear.scatter [tilespmem:s11], [sflag:$0x2], $0xA000, $0x38;
	[tilespmem:$0x14300] =	vst v63  }
0x33: {  	_ =	swait.ge [sflag:s5], $0xA000  }
0x34: {  	s23 =	sadd.s32 $0xFFFFFFFF, s31;
	[sflag:s5] =	ssyncset.done $0x0  }
.LBB2_1:
0x35: {  	p0 =	sne.s32 s23, $0x1;
	s23 =	sadd.s32 $0xFFFFFFFF, s23;
	[sflag:s5] =	ssyncadd.s32 $0xFFFF6000  }
0x36: {  	[tilespmem:s4], [sflag:$0x2] =	stream.linear.gather [hbm4b:s6+s4], $0x140, $0x38;
	[tilespmem:$0x14300] =	vst v63  }
0x37: {  	_ =	swait.ge [sflag:s5], $0x140  }
0x38: {  	[sflag:s5] =	ssyncset.done $0x0  }
0x39: {  	[sflag:s5] =	ssyncadd.s32 $0xFFFFFEC0  }
0x3a: {  	[tilespmem:s8], [sflag:$0x2] =	stream.linear.gather [hbm4b:s7+s4], $0x140, $0x38;
	[tilespmem:$0x14300] =	vst v63  }
0x3b: {  	_ =	swait.ge [sflag:s5], $0x140  }
0x3c: {  	[sflag:s5] =	ssyncset.done $0x0  }
0x3d: {  	[sflag:s5] =	ssyncadd.s32 $0xFFFFFEC0  }
0x3e: {  	[tilespmem:s10], [sflag:$0x1] =	stream.indirect.gather [hbm4b:s2+s9], $0x80, s4, s9, $0xb8;
	[tilespmem:$0x14300] =	vst v63  }
0x3f: {  	_ = 	snop  }
0x40: {  	[tilespmem:s11], [sflag:$0x1] =	stream.indirect.gather [hbm4b:s3+s9], $0x80, s8, s9, $0xb8;
	[tilespmem:$0x14300] =	vst v63  }
0x41: {  	_ = 	snop  }
0x42: {  	[tilespmem:s12], [sflag:$0x1] =	stream.indirect.gather [hbm4b:s2+s9], $0x80, s9, s9, $0xb8;
	[tilespmem:$0x14300] =	vst v63  }
0x43: {  	_ = 	snop  }
0x44: {  	[tilespmem:s14], [sflag:$0x1] =	stream.indirect.gather [hbm4b:s3+s9], $0x80, s13, s9, $0xb8;
	[tilespmem:$0x14300] =	vst v63  }
0x45: {  	_ = 	snop  }
0x46: {  	[tilespmem:s17], [sflag:$0x1] =	stream.indirect.gather [hbm4b:s2+s15], $0x80, s16, s15, $0xb8;
	[tilespmem:$0x14300] =	vst v63  }
0x47: {  	_ = 	snop  }
0x48: {  	[tilespmem:s19], [sflag:$0x1] =	stream.indirect.gather [hbm4b:s3+s15], $0x80, s18, s15, $0xb8;
	[tilespmem:$0x14300] =	vst v63  }
0x49: {  	_ =	swait.ge [sflag:s20], $0x4000  }
0x4a: {  	[sflag:s20] =	ssyncset.done $0x0  }
0x4b: {  	[sflag:s20] =	ssyncadd.s32 $0xFFFFC000  }
0x4c: {  	_ =	swait.ge [sflag:s20], $0x4000  }
0x4d: {  	[sflag:s20] =	ssyncset.done $0x0  }
0x4e: {  	[sflag:s20] =	ssyncadd.s32 $0xFFFFC000  }
0x4f: {  	_ =	swait.ge [sflag:s20], $0x4000  }
0x50: {  	[sflag:s20] =	ssyncset.done $0x0  }
0x51: {  	[sflag:s20] =	ssyncadd.s32 $0xFFFFC000  }
0x52: {  	_ =	swait.ge [sflag:s20], $0x4000  }
0x53: {  	[sflag:s20] =	ssyncset.done $0x0  }
0x54: {  	[sflag:s20] =	ssyncadd.s32 $0xFFFFC000  }
0x55: {  	_ =	swait.ge [sflag:s20], $0x2000  }
0x56: {  	[sflag:s20] =	ssyncset.done $0x0  }
0x57: {  	[sflag:s20] =	ssyncadd.s32 $0xFFFFE000  }
0x58: {  	_ =	swait.ge [sflag:s20], $0x2000  }
0x59: {  	[sflag:s20] =	ssyncset.done $0x0  }
0x5a: {  	[sflag:s20] =	ssyncadd.s32 $0xFFFFE000  }
0x5b: {  	[hbm4b:s21+s4] =	stream.linear.scatter [tilespmem:s10], [sflag:$0x2], $0xA000, $0x38;
	[tilespmem:$0x14300] =	vst v63  }
0x5c: {  	_ =	swait.ge [sflag:s5], $0xA000  }
.Ltmp1:
0x5d: {  	[sflag:s5] =	ssyncset.done $0x0;
	(pc) =	sbr.rel @p0 .LBB2_1-.Ltmp1, $4  }
0x5e: {  	[sflag:s5] =	ssyncadd.s32 $0xFFFF6000  }
0x5f: {  	[hbm4b:s22+s4] =	stream.linear.scatter [tilespmem:s11], [sflag:$0x2], $0xA000, $0x38;
	[tilespmem:$0x14300] =	vst v63  }
0x60: {  	_ =	swait.ge [sflag:s5], $0xA000  }
0x61: {  	[sflag:s5] =	ssyncset.done $0x0  }
.LBB2_2:
0x62: {  	[sflag:s5] =	ssyncadd.s32 $0xFFFF6000  }
0x63: {  	_ =	sfence.sel $0x180000  }
0x64: {  	[bflag:$0x0] =	sbarrier.arrive $0xFFFF  }
0x65: {  	p0 =	sne.s32 s0, $0x0;
	_ =	strace $0x90000053  }
0x66: {  	s0 =	sadd.s32 @!p0 $0x100000, s1;
	[bflag:$0x2] =	sbarrier.arrive $0xFFFF  }
0x67: {  	[sflag:s0] =	ssyncadd.tile.s32 @!p0 $0x1;
	_ =	shalt  }
.Lfunc_end2:
_tile_overlayer_lowered:
.L_overlay_start_2:
0x68: {  	(tag) =	ssettag $0x2  }
0x69: {  	s0 =	rddreg [dreg:$0x0];
	s2 =	stileid.u32  }
0x6a: {  	s1 =	rddreg [dreg:$0x1];
	p0 =	sne.s32 s2, $0x0  }
0x6b: {  	s3 =	rddreg [dreg:$0x2];
	[bflag:$0x3] =	sbarrier.arrive $0xFFFF;
	s2 =	simm.s32 @!p0 $0x1C02  }
0x6c: {  	[timem:s3], [sflag:s2] =	dma.local @!p0 [hbm:s0], s1  }
0x6d: {  	s0 =	simm.s32 @!p0 $0x2  }
0x6e: {  	_ =	swait.ge @!p0 [sflag:s0], s1  }
0x6f: {  	s1 =	ssub.s32 @!p0 $0x0, s1;
	[sflag:s0] =	ssyncset.done @!p0 $0x0  }
0x70: {  	[sflag:s0] =	ssyncadd.s32 @!p0 s1  }
0x71: {  	[bflag:$0x3] =	sbarrier.arrive $0xFFFF  }
0x72: {  	_ =	shalt  }

// kernel: kernel.34.cloned.1.call-start
scs
__scs_entry_jumppad:
0x0: {  	(pc) =	sbr.rel $0x88, $3  }
0x1: {  	(tag) =	ssettag $0x0;
	lr =	simm.s32 $0x1  }
0x2: {  	[smem:$0x3F4F] =	sst lr;
	_ =	strace $0xD0000000  }
0x3: {  	_ = 	snop  }
0x4: {  	_ = 	snop  }
0x5: {  	_ = 	snop  }
0x6: {  	_ = 	snop  }
0x7: {  	_ = 	snop  }
__scs_overlays_trampoline_lowered:
0x8: {  	[smem:$0x3F5E] =	sst s0  }
0x9: {  	[smem:$0x3F5F] =	sst s1  }
0xa: {  	[smem:$0x3F60] =	sst s2  }
0xb: {  	[smem:$0x3F61] =	sst s3  }
0xc: {  	[smem:$0x3F62] =	sst s4  }
0xd: {  	[smem:$0x3F63] =	sst s5  }
0xe: {  	[smem:$0x3F64] =	sst s6  }
0xf: {  	[smem:$0x3F65] =	sst s7  }
0x10: {  	[smem:$0x3F66] =	sst s8  }
0x11: {  	[smem:$0x3F67] =	sst s9;
	s0 =	simm.s32 @!p0 $0x0  }
0x12: {  	s1 =	sld [smem:$0x3F4D];
	s0 =	simm.s32 @p0 $0x1  }
0x13: {  	[smem:$0x3F68] =	sst s0;
	s0 =	simm.s32 @!p1 $0x0  }
0x14: {  	s2 =	sld [smem:$0x3F4C];
	s0 =	simm.s32 @p1 $0x1  }
0x15: {  	[smem:$0x3F69] =	sst s0;
	s0 =	simm.s32 @!p2 $0x0  }
0x16: {  	s3 =	sld [smem:$0x3FDB];
	s0 =	simm.s32 @p2 $0x1  }
0x17: {  	s4 =	simm.s32 $0x1BF5;
	[smem:$0x3F6B] =	sst s0  }
0x18: {  	s0 =	sld [smem:$0x3F4E];
	_ =	swait.ge [sflag:s4], $0x0  }
0x19: {  	s7 =	sld [smem:$0x3F4F]  }
0x1a: {  	s8 =	sadd.s32 $0xFFFFE003, lr  }
0x1b: {  	s9 =	sadd.s32 $0xFFFFFEF7, lr;
	s5 =	simm.s32 $0xFFFFFFFF;
	p2 =	slt.u32 s8, $0xFFFFF086  }
0x1c: {  	p1 =	slt.u32 s9, $0xF7A;
	s5 =	simm.s32 @!p2 $0x0  }
0x1d: {  	s5 =	simm.s32 @p1 $0x1;
	p0 =	seq.s32 s7, s2  }
0x1e: {  	s7 =	smul.u32 @!p0 $0xF7A, s2;
	p2 =	seq.s32 @!p0 s5, $0x0  }
0x1f: {  	s9 =	smul.u32 $0xF7A, s1;
	s8 =	simm.s32 @!p0 $0x1BF5;
	p2 =	por !p2, p0  }
0x20: {  	[sflag:s8] =	ssyncset.s32 @!p0 $0xFFFFF086;
	s6 =	sadd.s32 @!p0 s3, s7;
	s7 =	simm.s32 @!p0 $0x108  }
0x21: {  	s3 =	sadd.s32 s3, s9;
	s6 =	sadd.s32 @!p0 $0x88, s6;
	s7 =	simm.s32 @p2 $0x1082  }
0x22: {  	[simem:s7], [sflag:s8] =	dma.local @!p0 [hbm:s6], $0xF7A  }
0x23: {  	s9 =	sor.u32 $0xD0000000, s2;
	s6 =	simm.s32 $0x108;
	_ =	swait.ge @!p0 [sflag:s8], $0x0  }
0x24: {  	s3 =	sadd.s32 $0x88, s3;
	s6 =	simm.s32 @!p1 $0x1082;
	[sflag:s4] =	ssyncset.s32 $0xFFFFF086  }
0x25: {  	[simem:s6], [sflag:s4] =	dma.local [hbm:s3], $0xF7A  }
0x26: {  	[smem:$0x3F4F] =	sst s1;
	(tag) =	ssettag s2;
	_ =	strace s9  }
0x27: {  	s1 =	sld [smem:$0x3F5F]  }
0x28: {  	s2 =	sld [smem:$0x3F60]  }
0x29: {  	s4 =	sld [smem:$0x3F62]  }
0x2a: {  	p0 =	seq.s32 s5, $0x0;
	s5 =	sld [smem:$0x3F63]  }
0x2b: {  	s6 =	sld [smem:$0x3F64]  }
0x2c: {  	s7 =	sld [smem:$0x3F65]  }
0x2d: {  	s3 =	simm.s32 $0x108;
	s8 =	sld [smem:$0x3F66]  }
0x2e: {  	s3 =	simm.s32 @!p0 $0x1082;
	s9 =	sld [smem:$0x3F67]  }
0x2f: {  	lr =	sadd.s32 s0, s3;
	s0 =	sld [smem:$0x3F5E]  }
0x30: {  	s3 =	sld [smem:$0x3F61]  }
0x31: {  	[smem:$0x3F6A] =	sst s10  }
0x32: {  	s10 =	sld [smem:$0x3F68];
	_ =	sdelay $0x3  }
0x33: {  	p0 =	seq.s32 s10, $0x1;
	s10 =	sld [smem:$0x3F6A];
	_ =	sdelay $0x3  }
0x34: {  	[smem:$0x3F6A] =	sst s10  }
0x35: {  	s10 =	sld [smem:$0x3F69];
	_ =	sdelay $0x3  }
0x36: {  	p1 =	seq.s32 s10, $0x1;
	s10 =	sld [smem:$0x3F6A];
	_ =	sdelay $0x3  }
0x37: {  	[smem:$0x3F6A] =	sst s10  }
0x38: {  	s10 =	sld [smem:$0x3F6B]  }
0x39: {  	_ = 	snop;
	(pc) =	sbr.ind lr, $3  }
0x3a: {  	_ = 	snop  }
0x3b: {  	_ = 	snop  }
0x3c: {  	p2 =	seq.s32 s10, $0x1;
	s10 =	sld [smem:$0x3F6A]  }
0x3d: {  	_ =	shalt  }
0x3e: {  	_ =	shalt  }
0x3f: {  	_ =	shalt  }
0x40: {  	_ =	shalt  }
0x41: {  	_ =	shalt  }
0x42: {  	_ =	shalt  }
0x43: {  	_ =	shalt  }
0x44: {  	_ =	shalt  }
0x45: {  	_ =	shalt  }
0x46: {  	_ =	shalt  }
0x47: {  	_ =	shalt  }
0x48: {  	_ =	shalt  }
0x49: {  	_ =	shalt  }
0x4a: {  	_ =	shalt  }
0x4b: {  	_ =	shalt  }
0x4c: {  	_ =	shalt  }
0x4d: {  	_ =	shalt  }
0x4e: {  	_ =	shalt  }
0x4f: {  	_ =	shalt  }
0x50: {  	_ =	shalt  }
0x51: {  	_ =	shalt  }
0x52: {  	_ =	shalt  }
0x53: {  	_ =	shalt  }
0x54: {  	_ =	shalt  }
0x55: {  	_ =	shalt  }
0x56: {  	_ =	shalt  }
0x57: {  	_ =	shalt  }
0x58: {  	_ =	shalt  }
0x59: {  	_ =	shalt  }
0x5a: {  	_ =	shalt  }
0x5b: {  	_ =	shalt  }
0x5c: {  	_ =	shalt  }
0x5d: {  	_ =	shalt  }
0x5e: {  	_ =	shalt  }
0x5f: {  	_ =	shalt  }
0x60: {  	_ =	shalt  }
0x61: {  	_ =	shalt  }
0x62: {  	_ =	shalt  }
0x63: {  	_ =	shalt  }
0x64: {  	_ =	shalt  }
0x65: {  	_ =	shalt  }
0x66: {  	_ =	shalt  }
0x67: {  	_ =	shalt  }
0x68: {  	_ =	shalt  }
0x69: {  	_ =	shalt  }
0x6a: {  	_ =	shalt  }
0x6b: {  	_ =	shalt  }
0x6c: {  	_ =	shalt  }
0x6d: {  	_ =	shalt  }
0x6e: {  	_ =	shalt  }
0x6f: {  	_ =	shalt  }
0x70: {  	_ =	shalt  }
0x71: {  	_ =	shalt  }
0x72: {  	_ =	shalt  }
0x73: {  	_ =	shalt  }
0x74: {  	_ =	shalt  }
0x75: {  	_ =	shalt  }
0x76: {  	_ =	shalt  }
0x77: {  	_ =	shalt  }
0x78: {  	_ =	shalt  }
0x79: {  	_ =	shalt  }
0x7a: {  	_ =	shalt  }
0x7b: {  	_ =	shalt  }
0x7c: {  	_ =	shalt  }
0x7d: {  	_ =	shalt  }
0x7e: {  	_ =	shalt  }
0x7f: {  	_ =	shalt  }
0x80: {  	_ =	shalt  }
0x81: {  	_ =	shalt  }
0x82: {  	_ =	shalt  }
0x83: {  	_ =	shalt  }
0x84: {  	_ =	shalt  }
0x85: {  	_ =	shalt  }
0x86: {  	_ =	shalt  }
0x87: {  	_ =	shalt  }
.Lfunc_end0:
.L_simem_size_0:
called_computation.1_lowered:
.L_overlay_start_0:
0x88: {  	s2 =	sld [smem:$0x3FD9]  }
0x89: {  	s3 =	sld [smem:$0x3FFE];
	_ =	sdelay $0x1  }
0x8a: {  	s1 =	srdreg.scid  }
0x8b: {  	s0 =	sand.u32 $0x1, s1  }
0x8c: {  	s14 =	sshll.u32 s0, $0xA;
	s2 =	sadd.s32 s3, s2  }
0x8d: {  	s2 =	sadd.s32 s2, s14  }
0x8e: {  	[smem:$0x3F76] =	sst s2  }
0x8f: {  	_ = 	snop  }
0x90: {  	s2 =	sld [smem:$0x3FD0];
	_ =	sdelay $0x2  }
0x91: {  	s15 =	simm.s32 $0xC;
	s4 =	simm.s32 $0x10  }
0x92: {  	[smem:s4], [sflag:s15] =	dma.local [hbm:s2], $0x1  }
0x93: {  	_ =	swait.eq [sflag:s15], $0x1  }
0x94: {  	[sflag:s15] =	ssyncset.done $0x0  }
0x95: {  	s16 =	sld [smem:$0x13];
	[sflag:s15] =	ssyncadd.s32 $0xFFFFFFFF  }
0x96: {  	s17 =	sld [smem:$0x14];
	(tm) =	ssettm $0x1  }
0x97: {  	s18 =	sld [smem:$0x3FFB];
	_ =	sdelay $0x3  }
0x98: {  	_ =	strace s18  }
0x99: {  	s4 =	sld [smem:$0x3FFC];
	_ =	sdelay $0x3  }
0x9a: {  	_ =	strace s4  }
0x9b: {  	s4 =	sld [smem:$0x3FFD];
	_ =	sdelay $0x3  }
0x9c: {  	_ =	strace s4  }
0x9d: {  	_ =	strace $0x8FFFFFFF  }
0x9e: {  	s19 =	sld [smem:$0x3FDB];
	_ =	sdelay $0x1  }
0x9f: {  	s5 =	simm.s32 $_scs_section_size  }
0xa0: {  	s6 =	simm.s32 $_size__tile_overlayer_lowered;
	s7 =	simm.s32 $_tile_overlayer_lowered  }
0xa1: {  	s22 =	simm.s32 $0x1BFF;
	s21 =	sshll.u32 s7, $0x1;
	s4 =	sadd.s32 s5, s19  }
0xa2: {  	s8 =	simm.s32 $0x0;
	s20 =	sshll.u32 s6, $0x1;
	s6 =	sadd.s32 s21, s4  }
0xa3: {  	[timem:s8], [sflag:s22] =	dma.local [hbm:s6], s20  }
0xa4: {  	_ =	swait.ge [sflag:s22], s20  }
0xa5: {  	s5 =	ssub.s32 $0x0, s20;
	[sflag:s22] =	ssyncset.done $0x0  }
0xa6: {  	[sflag:s22] =	ssyncadd.s32 s5;
	_ =	sdelay $0x1  }
0xa7: {  	s23 =	simm.s32 $0x1B8B  }
0xa8: {  	_ =	swait.ge [sflag:s23], $0x1  }
0xa9: {  	[sflag:s23] =	ssyncset.done $0x0  }
0xaa: {  	s25 =	simm.s32 $0x1B8E;
	s24 =	sld [smem:$0x3FFE];
	[sflag:s23] =	ssyncadd.s32 $0xFFFFFFFF  }
0xab: {  	s26 =	simm.s32 $execute0_lowered;
	[smem:$0x3FD2] =	sst s25  }
0xac: {  	s6 =	sshll.u32 s26, $0x1;
	_ =	strace $0x80000046;
	[dreg:$0x1] =	wrdreg $0xFFFFFFFF  }
0xad: {  	s28 =	simm.s32 $_size_execute0_lowered;
	s4 =	sadd.s32 s4, s6;
	[dreg:$0x0] =	wrdreg $0x0  }
0xae: {  	s6 =	sshll.u32 s28, $0x1;
	[dreg:$0x2] =	wrdreg s4  }
0xaf: {  	[dreg:$0x3] =	wrdreg s6  }
0xb0: {  	[dreg:$0x4] =	wrdreg $0xC0  }
0xb1: {  	_ =	task [dreg:s8], $0x5FFFF  }
0xb2: {  	[dreg:$0x1] =	wrdreg $0xFFFFFFFF  }
0xb3: {  	[dreg:$0x0] =	wrdreg $0x60  }
0xb4: {  	[dreg:$0x2] =	wrdreg s17  }
0xb5: {  	[dreg:$0x3] =	wrdreg s24  }
0xb6: {  	[dreg:$0x4] =	wrdreg s16  }
0xb7: {  	[dreg:$0x5] =	wrdreg $0xBF800  }
0xb8: {  	[dreg:$0x6] =	wrdreg $0xA  }
0xb9: {  	_ =	task.clear_ibuf [dreg:s8], $0x7FFFF;
	_ =	strace $0x90000046  }
0xba: {  	s29 =	simm.s32 $0xA;
	_ =	strace $0x80000048  }
0xbb: {  	_ =	swait.ge [sflag:s29], $0x1  }
0xbc: {  	[sflag:s29] =	ssyncadd.s32 $0xFFFFFFFF  }
0xbd: {  	_ =	strace $0x90000048  }
0xbe: {  	_ =	sfence  }
0xbf: {  	s30 =	sld [smem:$0x0];
	_ =	sdelay $0x2  }
0xc0: {  	s31 =	sshll.u32 s1, $0xD;
	s1 =	sshrl.u32 s1, $0x2  }
0xc1: {  	s3 =	sand.u32 $0x4000, s31;
	s1 =	sadd.s32 s1, s30  }
0xc2: {  	s0 =	sor.u32 s3, s0;
	s1 =	sshll.u32 s1, $0x11  }
0xc3: {  	s0 =	sor.u32 s1, s0  }
0xc4: {  	s0 =	sadd.s32 $0x8F2B, s0  }
0xc5: {  	[sflag:s0] =	ssyncadd.remote.s32 $0x1  }
0xc6: {  	_ =	sfence.sel $0xFFFF  }
0xc7: {  	[dreg:$0x0] =	wrdreg $0xFFFFFFFF;
	(pc) =	sbr.abs _section_cstart, $3  }
0xc8: {  	[dreg:$0x1] =	wrdreg $0xFFFFFFFF  }
0xc9: {  	_ =	task.clear_ibuf [dreg:s8], $0x2FFFF;
	_ =	strace $0x9FFFFFFF  }
0xca: {  	(tm) =	ssettm $0x7FFFFFFF  }
0xcb: {  	_ =	shalt  }
tec
execute0_lowered:
.L_overlay_start_1:
0x0: {  	(tag) =	ssettag $0x1  }
0x1: {  	s0 =	rddreg [dreg:$0x0]  }
0x2: {  	s5 =	rddreg [dreg:$0x1]  }
0x3: {  	s1 =	srdreg.scid;
	s7 =	rddreg [dreg:$0x2]  }
0x4: {  	s3 =	rddreg [dreg:$0x3];
	s4 =	simm.s32 $0x0;
	s17 =	simm.s32 $0x60  }
0x5: {  	s18 =	simm.s32 $0x5F80;
	s19 =	simm.s32 $0x8F80;
	s20 =	simm.s32 $0x1  }
0x6: {  	s21 =	simm.s32 $0x2;
	s6 =	sand.u32 $0x1, s1;
	s1 =	stileid.u32  }
0x7: {  	s22 =	simm.s32 $0x5B80;
	s23 =	simm.s32 $0x0;
	s11 =	smul.u32 $0x4E000, s1  }
0x8: {  	[smem:$0x7FF] =	sst s4;
	s12 =	sadd.s32 $0x2A800, s5;
	s13 =	smul.u32 $0x2700, s1  }
0x9: {  	s16 =	sadd.s32 $0x124800, s3;
	s2 =	sshll.u32 s6, $0x4;
	s28 =	smul.u32 $0x27100, s6  }
0xa: {  	s10 =	ssub.s32 $0x2, s6;
	s29 =	smul.u32 $0x138800, s6;
	s6 =	sadd.s32 $0x24900, s7  }
0xb: {  	p0 =	seq.s32 s1, $0xF;
	s8 =	sor.u32 s1, s2;
	s2 =	rddreg [dreg:$0x4]  }
0xc: {  	_ =	strace $0x80000047;
	s25 =	sshrl.u32 s10, $0x1;
	s9 =	smul.u32 $0x4EC, s8  }
0xd: {  	s8 =	smul.u32 $0x700, s8;
	s14 =	ssub.s32 s10, s25;
	s26 =	sshrl.u32 s11, $0x2  }
0xe: {  	s30 =	sadd.s32 s13, s28;
	s31 =	sshrl.u32 s29, $0x3;
	s15 =	sadd.s32 s26, s3  }
0xf: {  	s10 =	sadd.s32 s12, s31;
	s11 =	smax.u32 s14, $0x1;
	s9 =	sadd.s32 s9, s5  }
0x10: {  	s8 =	sadd.s32 s8, s5;
	s5 =	sadd.s32 s7, s13;
	s10 =	sadd.s32 $0x24900, s10  }
0x11: {  	s13 =	sshll.u32 @!p0 s1, $0x6;
	s14 =	sshrl.u32 @!p0 s15, $0x3;
	s15 =	simm.s32 $0x3  }
0x12: {  	s7 =	sadd.s32 $0x12A00, s9;
	s8 =	sadd.s32 $0x1C800, s8;
	s9 =	sadd.s32 s12, s30  }
0x13: {  	s12 =	sshrl.u32 @p0 s16, $0x3;
	s13 =	sor.u32 @!p0 $0x1C03, s13;
	s16 =	simm.s32 $0x2780  }
.LBB2_1:
0x14: {  	s24 =	simm.s32 @p0 $0x1FC3  }
0x15: {  	[spmem:s12], [sflag:s24] =	dma.local @p0 [hbm:s6], $0x2800  }
0x16: {  	s24 =	simm.s32 @p0 $0x3  }
0x17: {  	_ =	swait.ge @p0 [sflag:s24], $0x2800  }
0x18: {  	[sflag:s24] =	ssyncset.done @p0 $0x0  }
0x19: {  	[sflag:s24] =	ssyncadd.s32 @p0 $0xFFFFD800;
	s24 =	simm.s32 @!p0 $0x3  }
0x1a: {  	[spmem:s14], [sflag:s13] =	dma.local @!p0 [hbm:s5], $0x2700  }
0x1b: {  	_ =	swait.ge @!p0 [sflag:s24], $0x2700  }
0x1c: {  	[sflag:s24] =	ssyncset.done @!p0 $0x0  }
0x1d: {  	[sflag:s24] =	ssyncadd.s32 @!p0 $0xFFFFD900  }
0x1e: {  	[tilespmem:s4], [sflag:$0x3] =	stream.linear.gather [hbm4b:s7+s4], $0x2760, $0x38;
	[tilespmem:$0x1FC00] =	vst v63  }
0x1f: {  	_ =	swait.ge [sflag:s15], $0x2760  }
0x20: {  	[sflag:s15] =	ssyncset.done $0x0  }
0x21: {  	[sflag:s15] =	ssyncadd.s32 $0xFFFFD8A0  }
0x22: {  	[tilespmem:s16], [sflag:$0x3] =	stream.linear.gather [hbm4b:s8+s4], $0x3480, $0x38;
	[tilespmem:$0x1FC00] =	vst v63  }
0x23: {  	_ =	swait.ge [sflag:s15], $0x3480  }
0x24: {  	[sflag:s15] =	ssyncset.done $0x0  }
0x25: {  	[sflag:s15] =	ssyncadd.s32 $0xFFFFCB80  }
0x26: {  	[bflag:$0x0] =	sbarrier.arrive $0xFFFF  }
0x27: {  	[tilespmem:s18], [sflag:$0x1] =	stream.indirect.gather [hbm4b:s0+s17], $0x80, s4, s17, $0xb8;
	[tilespmem:$0x1FC00] =	vst v63  }
0x28: {  	s28 =	simm.s32 $0x60  }
0x29: {  	[tilespmem:s19], [sflag:$0x2] =	stream.indirect.gather [hbm4b:s0+s17], $0x80, s28, s17, $0xb8;
	[tilespmem:$0x1FC00] =	vst v63  }
0x2a: {  	_ =	swait.ge [sflag:s20], $0x3000  }
0x2b: {  	[sflag:s20] =	ssyncset.done $0x0  }
0x2c: {  	s29 =	simm.s32 $0x2780;
	[sflag:s20] =	ssyncadd.s32 $0xFFFFD000  }
0x2d: {  	[spmem:s3] =	stream.indirect.scatter.add.f32 [tilespmem:s18], [sflag:$0x3], $0x80, s29, s17, $0xb8;
	[tilespmem:$0x1FC00] =	vst v63  }
0x2e: {  	_ =	swait.ge [sflag:s15], $0x3000  }
0x2f: {  	[sflag:s15] =	ssyncset.done $0x0  }
0x30: {  	s30 =	simm.s32 $0xC0;
	[sflag:s15] =	ssyncadd.s32 $0xFFFFD000  }
0x31: {  	[tilespmem:s18], [sflag:$0x1] =	stream.indirect.gather [hbm4b:s0+s17], $0x80, s30, s17, $0xb8;
	[tilespmem:$0x1FC00] =	vst v63  }
0x32: {  	_ =	swait.ge [sflag:s21], $0x3000  }
0x33: {  	[sflag:s21] =	ssyncset.done $0x0  }
0x34: {  	s31 =	simm.s32 $0x2800;
	[sflag:s21] =	ssyncadd.s32 $0xFFFFD000  }
0x35: {  	[spmem:s3] =	stream.indirect.scatter.add.f32 [tilespmem:s19], [sflag:$0x3], $0x80, s31, s17, $0xb8;
	[tilespmem:$0x1FC00] =	vst v63  }
0x36: {  	s25 =	simm.s32 $0x400;
	_ =	swait.ge [sflag:s15], $0x3000  }
0x37: {  	s26 =	simm.s32 $0x800;
	s24 =	simm.s32 $0x180;
	[sflag:s15] =	ssyncset.done $0x0  }
.LBB2_2:
0x38: {  	p1 =	sne.s32 s26, $0xCC00;
	s28 =	sadd.s32 $0xFFFFFFA0, s24;
	[sflag:s15] =	ssyncadd.s32 $0xFFFFD000  }
0x39: {  	[tilespmem:s19], [sflag:$0x2] =	stream.indirect.gather [hbm4b:s0+s17], $0x80, s28, s17, $0xb8;
	[tilespmem:$0x1FC00] =	vst v63  }
0x3a: {  	s28 =	smov.u32 s26;
	s26 =	sadd.s32 $0x400, s26;
	_ =	swait.ge [sflag:s20], $0x3000  }
0x3b: {  	s29 =	sshra.s32 s25, $0x2;
	s25 =	smov.u32 s28;
	[sflag:s20] =	ssyncset.done $0x0  }
0x3c: {  	s28 =	sadd.s32 $0x2780, s29;
	[sflag:s20] =	ssyncadd.s32 $0xFFFFD000  }
0x3d: {  	[spmem:s3] =	stream.indirect.scatter.add.f32 [tilespmem:s18], [sflag:$0x3], $0x80, s28, s17, $0xb8;
	[tilespmem:$0x1FC00] =	vst v63  }
0x3e: {  	_ =	swait.ge [sflag:s15], $0x3000  }
0x3f: {  	[sflag:s15] =	ssyncset.done $0x0  }
0x40: {  	[sflag:s15] =	ssyncadd.s32 $0xFFFFD000  }
0x41: {  	[tilespmem:s18], [sflag:$0x1] =	stream.indirect.gather [hbm4b:s0+s17], $0x80, s24, s17, $0xb8;
	[tilespmem:$0x1FC00] =	vst v63  }
0x42: {  	_ =	swait.ge [sflag:s21], $0x3000  }
.Ltmp0:
0x43: {  	[sflag:s21] =	ssyncset.done $0x0;
	(pc) =	sbr.rel @p1 .LBB2_2-.Ltmp0, $4  }
0x44: {  	s28 =	sadd.s32 $0x2800, s29;
	[sflag:s21] =	ssyncadd.s32 $0xFFFFD000  }
0x45: {  	[spmem:s3] =	stream.indirect.scatter.add.f32 [tilespmem:s19], [sflag:$0x3], $0x80, s28, s17, $0xb8;
	[tilespmem:$0x1FC00] =	vst v63  }
0x46: {  	_ =	swait.ge [sflag:s15], $0x3000  }
0x47: {  	s24 =	sadd.s32 $0xC0, s24;
	[sflag:s15] =	ssyncset.done $0x0  }
0x48: {  	s26 =	sadd.s32 $0xFFFFFFA0, s24;
	[sflag:s15] =	ssyncadd.s32 $0xFFFFD000  }
0x49: {  	[tilespmem:s19], [sflag:$0x2] =	stream.indirect.gather [hbm4b:s0+s17], $0x80, s26, s17, $0xb8;
	[tilespmem:$0x1FC00] =	vst v63  }
0x4a: {  	_ =	swait.ge [sflag:s20], $0x3000  }
0x4b: {  	s25 =	sshra.s32 s25, $0x2;
	[sflag:s20] =	ssyncset.done $0x0  }
0x4c: {  	s30 =	sadd.s32 $0x2780, s25;
	[sflag:s20] =	ssyncadd.s32 $0xFFFFD000  }
0x4d: {  	[spmem:s3] =	stream.indirect.scatter.add.f32 [tilespmem:s18], [sflag:$0x3], $0x80, s30, s17, $0xb8;
	[tilespmem:$0x1FC00] =	vst v63  }
0x4e: {  	_ =	swait.ge [sflag:s15], $0x3000  }
0x4f: {  	[sflag:s15] =	ssyncset.done $0x0  }
0x50: {  	[sflag:s15] =	ssyncadd.s32 $0xFFFFD000  }
0x51: {  	[tilespmem:s18], [sflag:$0x1] =	stream.indirect.gather [hbm4b:s0+s17], $0x80, s24, s17, $0xb8;
	[tilespmem:$0x1FC00] =	vst v63  }
0x52: {  	_ =	swait.ge [sflag:s21], $0x3000  }
0x53: {  	[sflag:s21] =	ssyncset.done $0x0  }
0x54: {  	s31 =	sadd.s32 $0x2800, s25;
	[sflag:s21] =	ssyncadd.s32 $0xFFFFD000  }
0x55: {  	[spmem:s3] =	stream.indirect.scatter.add.f32 [tilespmem:s19], [sflag:$0x3], $0x80, s31, s17, $0xb8;
	[tilespmem:$0x1FC00] =	vst v63  }
0x56: {  	_ =	swait.ge [sflag:s15], $0x3000  }
0x57: {  	[sflag:s15] =	ssyncset.done $0x0  }
0x58: {  	[sflag:s15] =	ssyncadd.s32 $0xFFFFD000  }
0x59: {  	_ =	swait.ge [sflag:s20], $0x3000  }
0x5a: {  	[sflag:s20] =	ssyncset.done $0x0  }
0x5b: {  	[sflag:s20] =	ssyncadd.s32 $0xFFFFD000  }
0x5c: {  	[spmem:s3] =	stream.indirect.scatter.add.f32 [tilespmem:s18], [sflag:$0x3], $0x80, s22, s17, $0xb8;
	[tilespmem:$0x1FC00] =	vst v63  }
0x5d: {  	_ =	swait.ge [sflag:s15], $0x3000  }
0x5e: {  	[sflag:s15] =	ssyncset.done $0x0  }
0x5f: {  	[sflag:s15] =	ssyncadd.s32 $0xFFFFD000  }
0x60: {  	s24 =	simm.s32 @p0 $0x1FC3;
	[bflag:$0x0] =	sbarrier.arrive $0xFFFF  }
0x61: {  	[hbm:s10], [sflag:s24] =	dma.local @p0 [spmem:s12], $0x2800  }
0x62: {  	s24 =	simm.s32 @p0 $0x3  }
0x63: {  	s23 =	sadd.s32 $0x1, s23;
	_ =	swait.ge @p0 [sflag:s24], $0x2800  }
0x64: {  	p1 =	sne.s32 s23, s11;
	[sflag:s24] =	ssyncset.done @p0 $0x0  }
.Ltmp1:
0x65: {  	[sflag:s24] =	ssyncadd.s32 @p0 $0xFFFFD800;
	s24 =	simm.s32 @!p0 $0x3;
	(pc) =	sbr.rel @p1 .LBB2_1-.Ltmp1, $4  }
0x66: {  	[hbm:s9], [sflag:s13] =	dma.local @!p0 [spmem:s14], $0x2700  }
0x67: {  	_ =	swait.ge @!p0 [sflag:s24], $0x2700  }
0x68: {  	[sflag:s24] =	ssyncset.done @!p0 $0x0  }
0x69: {  	[sflag:s24] =	ssyncadd.s32 @!p0 $0xFFFFD900  }
0x6a: {  	_ =	sfence.sel $0x180000  }
0x6b: {  	[bflag:$0x0] =	sbarrier.arrive $0xFFFF  }
0x6c: {  	p0 =	sne.s32 s1, $0x0;
	_ =	strace $0x90000047  }
0x6d: {  	s0 =	sadd.s32 @!p0 $0x100000, s2;
	[bflag:$0x2] =	sbarrier.arrive $0xFFFF  }
0x6e: {  	[sflag:s0] =	ssyncadd.tile.s32 @!p0 $0x1;
	_ =	shalt  }
.Lfunc_end2:
_tile_overlayer_lowered:
.L_overlay_start_2:
0x6f: {  	(tag) =	ssettag $0x2  }
0x70: {  	s0 =	rddreg [dreg:$0x0];
	s2 =	stileid.u32  }
0x71: {  	s1 =	rddreg [dreg:$0x1];
	p0 =	sne.s32 s2, $0x0  }
0x72: {  	s3 =	rddreg [dreg:$0x2];
	[bflag:$0x3] =	sbarrier.arrive $0xFFFF;
	s2 =	simm.s32 @!p0 $0x1C03  }
0x73: {  	[timem:s3], [sflag:s2] =	dma.local @!p0 [hbm:s0], s1  }
0x74: {  	s0 =	simm.s32 @!p0 $0x3  }
0x75: {  	_ =	swait.ge @!p0 [sflag:s0], s1  }
0x76: {  	s1 =	ssub.s32 @!p0 $0x0, s1;
	[sflag:s0] =	ssyncset.done @!p0 $0x0  }
0x77: {  	[sflag:s0] =	ssyncadd.s32 @!p0 s1  }
0x78: {  	[bflag:$0x3] =	sbarrier.arrive $0xFFFF  }
0x79: {  	_ =	shalt  }

// kernel: kernel.37.cloned.1.call-start
scs
__scs_entry_jumppad:
0x0: {  	(pc) =	sbr.rel $0x88, $3  }
0x1: {  	(tag) =	ssettag $0x0;
	lr =	simm.s32 $0x1  }
0x2: {  	[smem:$0x3F4F] =	sst lr;
	_ =	strace $0xD0000000  }
0x3: {  	_ = 	snop  }
0x4: {  	_ = 	snop  }
0x5: {  	_ = 	snop  }
0x6: {  	_ = 	snop  }
0x7: {  	_ = 	snop  }
__scs_overlays_trampoline_lowered:
0x8: {  	[smem:$0x3F5E] =	sst s0  }
0x9: {  	[smem:$0x3F5F] =	sst s1  }
0xa: {  	[smem:$0x3F60] =	sst s2  }
0xb: {  	[smem:$0x3F61] =	sst s3  }
0xc: {  	[smem:$0x3F62] =	sst s4  }
0xd: {  	[smem:$0x3F63] =	sst s5  }
0xe: {  	[smem:$0x3F64] =	sst s6  }
0xf: {  	[smem:$0x3F65] =	sst s7  }
0x10: {  	[smem:$0x3F66] =	sst s8  }
0x11: {  	[smem:$0x3F67] =	sst s9;
	s0 =	simm.s32 @!p0 $0x0  }
0x12: {  	s1 =	sld [smem:$0x3F4D];
	s0 =	simm.s32 @p0 $0x1  }
0x13: {  	[smem:$0x3F68] =	sst s0;
	s0 =	simm.s32 @!p1 $0x0  }
0x14: {  	s2 =	sld [smem:$0x3F4C];
	s0 =	simm.s32 @p1 $0x1  }
0x15: {  	[smem:$0x3F69] =	sst s0;
	s0 =	simm.s32 @!p2 $0x0  }
0x16: {  	s3 =	sld [smem:$0x3FDB];
	s0 =	simm.s32 @p2 $0x1  }
0x17: {  	s4 =	simm.s32 $0x1BF5;
	[smem:$0x3F6B] =	sst s0  }
0x18: {  	s0 =	sld [smem:$0x3F4E];
	_ =	swait.ge [sflag:s4], $0x0  }
0x19: {  	s7 =	sld [smem:$0x3F4F]  }
0x1a: {  	s8 =	sadd.s32 $0xFFFFE003, lr  }
0x1b: {  	s9 =	sadd.s32 $0xFFFFFEF7, lr;
	s5 =	simm.s32 $0xFFFFFFFF;
	p2 =	slt.u32 s8, $0xFFFFF086  }
0x1c: {  	p1 =	slt.u32 s9, $0xF7A;
	s5 =	simm.s32 @!p2 $0x0  }
0x1d: {  	s5 =	simm.s32 @p1 $0x1;
	p0 =	seq.s32 s7, s2  }
0x1e: {  	s7 =	smul.u32 @!p0 $0xF7A, s2;
	p2 =	seq.s32 @!p0 s5, $0x0  }
0x1f: {  	s9 =	smul.u32 $0xF7A, s1;
	s8 =	simm.s32 @!p0 $0x1BF5;
	p2 =	por !p2, p0  }
0x20: {  	[sflag:s8] =	ssyncset.s32 @!p0 $0xFFFFF086;
	s6 =	sadd.s32 @!p0 s3, s7;
	s7 =	simm.s32 @!p0 $0x108  }
0x21: {  	s3 =	sadd.s32 s3, s9;
	s6 =	sadd.s32 @!p0 $0x88, s6;
	s7 =	simm.s32 @p2 $0x1082  }
0x22: {  	[simem:s7], [sflag:s8] =	dma.local @!p0 [hbm:s6], $0xF7A  }
0x23: {  	s9 =	sor.u32 $0xD0000000, s2;
	s6 =	simm.s32 $0x108;
	_ =	swait.ge @!p0 [sflag:s8], $0x0  }
0x24: {  	s3 =	sadd.s32 $0x88, s3;
	s6 =	simm.s32 @!p1 $0x1082;
	[sflag:s4] =	ssyncset.s32 $0xFFFFF086  }
0x25: {  	[simem:s6], [sflag:s4] =	dma.local [hbm:s3], $0xF7A  }
0x26: {  	[smem:$0x3F4F] =	sst s1;
	(tag) =	ssettag s2;
	_ =	strace s9  }
0x27: {  	s1 =	sld [smem:$0x3F5F]  }
0x28: {  	s2 =	sld [smem:$0x3F60]  }
0x29: {  	s4 =	sld [smem:$0x3F62]  }
0x2a: {  	p0 =	seq.s32 s5, $0x0;
	s5 =	sld [smem:$0x3F63]  }
0x2b: {  	s6 =	sld [smem:$0x3F64]  }
0x2c: {  	s7 =	sld [smem:$0x3F65]  }
0x2d: {  	s3 =	simm.s32 $0x108;
	s8 =	sld [smem:$0x3F66]  }
0x2e: {  	s3 =	simm.s32 @!p0 $0x1082;
	s9 =	sld [smem:$0x3F67]  }
0x2f: {  	lr =	sadd.s32 s0, s3;
	s0 =	sld [smem:$0x3F5E]  }
0x30: {  	s3 =	sld [smem:$0x3F61]  }
0x31: {  	[smem:$0x3F6A] =	sst s10  }
0x32: {  	s10 =	sld [smem:$0x3F68];
	_ =	sdelay $0x3  }
0x33: {  	p0 =	seq.s32 s10, $0x1;
	s10 =	sld [smem:$0x3F6A];
	_ =	sdelay $0x3  }
0x34: {  	[smem:$0x3F6A] =	sst s10  }
0x35: {  	s10 =	sld [smem:$0x3F69];
	_ =	sdelay $0x3  }
0x36: {  	p1 =	seq.s32 s10, $0x1;
	s10 =	sld [smem:$0x3F6A];
	_ =	sdelay $0x3  }
0x37: {  	[smem:$0x3F6A] =	sst s10  }
0x38: {  	s10 =	sld [smem:$0x3F6B]  }
0x39: {  	_ = 	snop;
	(pc) =	sbr.ind lr, $3  }
0x3a: {  	_ = 	snop  }
0x3b: {  	_ = 	snop  }
0x3c: {  	p2 =	seq.s32 s10, $0x1;
	s10 =	sld [smem:$0x3F6A]  }
0x3d: {  	_ =	shalt  }
0x3e: {  	_ =	shalt  }
0x3f: {  	_ =	shalt  }
0x40: {  	_ =	shalt  }
0x41: {  	_ =	shalt  }
0x42: {  	_ =	shalt  }
0x43: {  	_ =	shalt  }
0x44: {  	_ =	shalt  }
0x45: {  	_ =	shalt  }
0x46: {  	_ =	shalt  }
0x47: {  	_ =	shalt  }
0x48: {  	_ =	shalt  }
0x49: {  	_ =	shalt  }
0x4a: {  	_ =	shalt  }
0x4b: {  	_ =	shalt  }
0x4c: {  	_ =	shalt  }
0x4d: {  	_ =	shalt  }
0x4e: {  	_ =	shalt  }
0x4f: {  	_ =	shalt  }
0x50: {  	_ =	shalt  }
0x51: {  	_ =	shalt  }
0x52: {  	_ =	shalt  }
0x53: {  	_ =	shalt  }
0x54: {  	_ =	shalt  }
0x55: {  	_ =	shalt  }
0x56: {  	_ =	shalt  }
0x57: {  	_ =	shalt  }
0x58: {  	_ =	shalt  }
0x59: {  	_ =	shalt  }
0x5a: {  	_ =	shalt  }
0x5b: {  	_ =	shalt  }
0x5c: {  	_ =	shalt  }
0x5d: {  	_ =	shalt  }
0x5e: {  	_ =	shalt  }
0x5f: {  	_ =	shalt  }
0x60: {  	_ =	shalt  }
0x61: {  	_ =	shalt  }
0x62: {  	_ =	shalt  }
0x63: {  	_ =	shalt  }
0x64: {  	_ =	shalt  }
0x65: {  	_ =	shalt  }
0x66: {  	_ =	shalt  }
0x67: {  	_ =	shalt  }
0x68: {  	_ =	shalt  }
0x69: {  	_ =	shalt  }
0x6a: {  	_ =	shalt  }
0x6b: {  	_ =	shalt  }
0x6c: {  	_ =	shalt  }
0x6d: {  	_ =	shalt  }
0x6e: {  	_ =	shalt  }
0x6f: {  	_ =	shalt  }
0x70: {  	_ =	shalt  }
0x71: {  	_ =	shalt  }
0x72: {  	_ =	shalt  }
0x73: {  	_ =	shalt  }
0x74: {  	_ =	shalt  }
0x75: {  	_ =	shalt  }
0x76: {  	_ =	shalt  }
0x77: {  	_ =	shalt  }
0x78: {  	_ =	shalt  }
0x79: {  	_ =	shalt  }
0x7a: {  	_ =	shalt  }
0x7b: {  	_ =	shalt  }
0x7c: {  	_ =	shalt  }
0x7d: {  	_ =	shalt  }
0x7e: {  	_ =	shalt  }
0x7f: {  	_ =	shalt  }
0x80: {  	_ =	shalt  }
0x81: {  	_ =	shalt  }
0x82: {  	_ =	shalt  }
0x83: {  	_ =	shalt  }
0x84: {  	_ =	shalt  }
0x85: {  	_ =	shalt  }
0x86: {  	_ =	shalt  }
0x87: {  	_ =	shalt  }
.Lfunc_end0:
.L_simem_size_0:
called_computation.2_lowered:
.L_overlay_start_0:
0x88: {  	s2 =	sld [smem:$0x3FD9]  }
0x89: {  	s3 =	sld [smem:$0x3FFE];
	_ =	sdelay $0x1  }
0x8a: {  	s1 =	srdreg.scid  }
0x8b: {  	s0 =	sand.u32 $0x1, s1  }
0x8c: {  	s15 =	sshll.u32 s0, $0xA;
	s2 =	sadd.s32 s3, s2  }
0x8d: {  	s2 =	sadd.s32 s2, s15  }
0x8e: {  	[smem:$0x3F76] =	sst s2  }
0x8f: {  	_ = 	snop  }
0x90: {  	s2 =	sld [smem:$0x3FD0];
	_ =	sdelay $0x2  }
0x91: {  	s4 =	simm.s32 $0xC;
	s16 =	simm.s32 $0x10  }
0x92: {  	[smem:s16], [sflag:s4] =	dma.local [hbm:s2], $0x1  }
0x93: {  	_ =	swait.eq [sflag:s4], $0x1  }
0x94: {  	[sflag:s4] =	ssyncset.done $0x0  }
0x95: {  	s17 =	sld [smem:$0x13];
	[sflag:s4] =	ssyncadd.s32 $0xFFFFFFFF  }
0x96: {  	s18 =	sld [smem:$0x15];
	(tm) =	ssettm $0x1  }
0x97: {  	s19 =	sld [smem:$0x3FFB];
	_ =	sdelay $0x3  }
0x98: {  	_ =	strace s19  }
0x99: {  	s2 =	sld [smem:$0x3FFC];
	_ =	sdelay $0x3  }
0x9a: {  	_ =	strace s2  }
0x9b: {  	s2 =	sld [smem:$0x3FFD];
	_ =	sdelay $0x3  }
0x9c: {  	_ =	strace s2  }
0x9d: {  	_ =	strace $0x8FFFFFFF  }
0x9e: {  	s20 =	sld [smem:$0x3FDB];
	_ =	sdelay $0x1  }
0x9f: {  	s5 =	simm.s32 $_scs_section_size  }
0xa0: {  	s6 =	simm.s32 $_size__tile_overlayer_lowered;
	s7 =	simm.s32 $_tile_overlayer_lowered  }
0xa1: {  	s8 =	simm.s32 $0x1BFF;
	s21 =	sshll.u32 s7, $0x1;
	s5 =	sadd.s32 s5, s20  }
0xa2: {  	s22 =	simm.s32 $0x0;
	s6 =	sshll.u32 s6, $0x1;
	s7 =	sadd.s32 s21, s5  }
0xa3: {  	[timem:s22], [sflag:s8] =	dma.local [hbm:s7], s6  }
0xa4: {  	_ =	swait.ge [sflag:s8], s6  }
0xa5: {  	s6 =	ssub.s32 $0x0, s6;
	[sflag:s8] =	ssyncset.done $0x0  }
0xa6: {  	[sflag:s8] =	ssyncadd.s32 s6;
	_ =	sdelay $0x1  }
0xa7: {  	s23 =	simm.s32 $0x1B8B  }
0xa8: {  	_ =	swait.ge [sflag:s23], $0x1  }
0xa9: {  	[sflag:s23] =	ssyncset.done $0x0  }
0xaa: {  	[sflag:s23] =	ssyncadd.s32 $0xFFFFFFFF  }
0xab: {  	s6 =	sld [smem:$0x0]  }
0xac: {  	s7 =	sand.u32 $0xFFFFFFFE, s1  }
0xad: {  	p0 =	sne.s32 s1, s7  }
0xae: {  	s7 =	sshll.u32 @p0 s7, $0xE  }
0xaf: {  	s7 =	sadd.s32 @p0 $0x11B8D, s7;
	s8 =	sshll.u32 @p0 s6, $0x11  }
0xb0: {  	s7 =	sor.u32 @p0 s8, s7  }
0xb1: {  	[sflag:s7] =	ssyncadd.remote.s32 @p0 $0x1;
	_ =	sdelay $0x1  }
0xb2: {  	s7 =	simm.s32 @p0 $0x1B8D  }
0xb3: {  	_ =	swait.eq @p0 [sflag:s7], $0x1  }
0xb4: {  	[sflag:s7] =	ssyncadd.s32 @p0 $0xFFFFFFFF  }
0xb5: {  	s8 =	sshll.u32 @!p0 s1, $0xE  }
0xb6: {  	s8 =	sor.u32 @!p0 $0x4000, s8;
	s7 =	simm.s32 @!p0 $0x1B8D  }
0xb7: {  	s6 =	sshll.u32 @!p0 s6, $0x11;
	s8 =	sadd.s32 @!p0 $0x11B8D, s8;
	_ =	swait.eq @!p0 [sflag:s7], $0x1  }
0xb8: {  	s6 =	sor.u32 @!p0 s6, s8;
	[sflag:s7] =	ssyncadd.s32 @!p0 $0xFFFFFFFF  }
0xb9: {  	s25 =	simm.s32 $0x1B8E;
	s24 =	sld [smem:$0x3FFE];
	[sflag:s6] =	ssyncadd.remote.s32 @!p0 $0x1  }
0xba: {  	s26 =	simm.s32 $execute0_lowered;
	[smem:$0x3FD2] =	sst s25  }
0xbb: {  	s7 =	sshll.u32 s26, $0x1;
	_ =	strace $0x80000049;
	[dreg:$0x1] =	wrdreg $0xFFFFFFFF  }
0xbc: {  	s28 =	simm.s32 $_size_execute0_lowered;
	s5 =	sadd.s32 s5, s7;
	[dreg:$0x0] =	wrdreg $0x0  }
0xbd: {  	s7 =	sshll.u32 s28, $0x1;
	[dreg:$0x2] =	wrdreg s5  }
0xbe: {  	[dreg:$0x3] =	wrdreg s7  }
0xbf: {  	[dreg:$0x4] =	wrdreg $0xC0  }
0xc0: {  	_ =	task [dreg:s22], $0x5FFFF  }
0xc1: {  	[dreg:$0x1] =	wrdreg $0xFFFFFFFF  }
0xc2: {  	[dreg:$0x0] =	wrdreg $0x60  }
0xc3: {  	[dreg:$0x2] =	wrdreg s18  }
0xc4: {  	[dreg:$0x3] =	wrdreg s24  }
0xc5: {  	[dreg:$0x4] =	wrdreg s17  }
0xc6: {  	[dreg:$0x5] =	wrdreg $0xAC800  }
0xc7: {  	[dreg:$0x6] =	wrdreg $0x9  }
0xc8: {  	_ =	task.clear_ibuf [dreg:s22], $0x7FFFF;
	_ =	strace $0x90000049  }
0xc9: {  	s29 =	simm.s32 $0x9;
	_ =	strace $0x8000004B  }
0xca: {  	_ =	swait.ge [sflag:s29], $0x1  }
0xcb: {  	[sflag:s29] =	ssyncadd.s32 $0xFFFFFFFF  }
0xcc: {  	_ =	strace $0x9000004B  }
0xcd: {  	_ =	sfence  }
0xce: {  	s30 =	sld [smem:$0x0];
	_ =	sdelay $0x2  }
0xcf: {  	s31 =	sshll.u32 s1, $0xD;
	s1 =	sshrl.u32 s1, $0x2  }
0xd0: {  	s4 =	sand.u32 $0x4000, s31;
	s1 =	sadd.s32 s1, s30  }
0xd1: {  	s0 =	sor.u32 s4, s0;
	s1 =	sshll.u32 s1, $0x11  }
0xd2: {  	s0 =	sor.u32 s1, s0  }
0xd3: {  	s0 =	sadd.s32 $0x8F2B, s0  }
0xd4: {  	[sflag:s0] =	ssyncadd.remote.s32 $0x1  }
0xd5: {  	_ =	sfence.sel $0xFFFF  }
0xd6: {  	[dreg:$0x0] =	wrdreg $0xFFFFFFFF;
	(pc) =	sbr.abs _section_cstart, $3  }
0xd7: {  	[dreg:$0x1] =	wrdreg $0xFFFFFFFF  }
0xd8: {  	_ =	task.clear_ibuf [dreg:s22], $0x2FFFF;
	_ =	strace $0x9FFFFFFF  }
0xd9: {  	(tm) =	ssettm $0x7FFFFFFF  }
tec
execute0_lowered:
.L_overlay_start_1:
0x0: {  	(tag) =	ssettag $0x1  }
0x1: {  	s0 =	rddreg [dreg:$0x0]  }
0x2: {  	s5 =	rddreg [dreg:$0x1]  }
0x3: {  	s1 =	srdreg.scid;
	s7 =	rddreg [dreg:$0x2]  }
0x4: {  	s3 =	rddreg [dreg:$0x3];
	s4 =	simm.s32 $0x0;
	s17 =	simm.s32 $0x80  }
0x5: {  	s18 =	simm.s32 $0x2C80;
	s19 =	simm.s32 $0x6C80;
	s20 =	simm.s32 $0x1  }
0x6: {  	s21 =	simm.s32 $0x2;
	s6 =	sand.u32 $0x1, s1;
	s1 =	stileid.u32  }
0x7: {  	s22 =	simm.s32 $0x2880;
	s23 =	simm.s32 $0x0;
	s11 =	smul.u32 $0x4E000, s1  }
0x8: {  	[smem:$0x7FF] =	sst s4;
	s12 =	sadd.s32 $0x83C00, s5;
	s13 =	smul.u32 $0x2700, s1  }
0x9: {  	s16 =	sadd.s32 $0x124800, s3;
	s2 =	sshll.u32 s6, $0x4;
	s28 =	smul.u32 $0x27100, s6  }
0xa: {  	s10 =	ssub.s32 $0x2, s6;
	s29 =	smul.u32 $0x138800, s6;
	s6 =	sadd.s32 $0x24900, s7  }
0xb: {  	p0 =	seq.s32 s1, $0xF;
	s8 =	sor.u32 s1, s2;
	s2 =	rddreg [dreg:$0x4]  }
0xc: {  	_ =	strace $0x8000004A;
	s25 =	sshrl.u32 s10, $0x1;
	s9 =	smul.u32 $0x290, s8  }
0xd: {  	s8 =	smul.u32 $0x300, s8;
	s14 =	ssub.s32 s10, s25;
	s26 =	sshrl.u32 s11, $0x2  }
0xe: {  	s30 =	sadd.s32 s13, s28;
	s31 =	sshrl.u32 s29, $0x3;
	s15 =	sadd.s32 s26, s3  }
0xf: {  	s10 =	sadd.s32 s12, s31;
	s11 =	smax.u32 s14, $0x1;
	s9 =	sadd.s32 s9, s5  }
0x10: {  	s8 =	sadd.s32 s8, s5;
	s5 =	sadd.s32 s7, s13;
	s10 =	sadd.s32 $0x24900, s10  }
0x11: {  	s13 =	sshll.u32 @!p0 s1, $0x6;
	s14 =	sshrl.u32 @!p0 s15, $0x3;
	s15 =	simm.s32 $0x3  }
0x12: {  	s7 =	sadd.s32 $0x78A00, s9;
	s8 =	sadd.s32 $0x7DC00, s8;
	s9 =	sadd.s32 s12, s30  }
0x13: {  	s12 =	sshrl.u32 @p0 s16, $0x3;
	s13 =	sor.u32 @!p0 $0x1C03, s13;
	s16 =	simm.s32 $0x1480  }
.LBB2_1:
0x14: {  	s24 =	simm.s32 @p0 $0x1FC3  }
0x15: {  	[spmem:s12], [sflag:s24] =	dma.local @p0 [hbm:s6], $0x2800  }
0x16: {  	s24 =	simm.s32 @p0 $0x3  }
0x17: {  	_ =	swait.ge @p0 [sflag:s24], $0x2800  }
0x18: {  	[sflag:s24] =	ssyncset.done @p0 $0x0  }
0x19: {  	[sflag:s24] =	ssyncadd.s32 @p0 $0xFFFFD800;
	s24 =	simm.s32 @!p0 $0x3  }
0x1a: {  	[spmem:s14], [sflag:s13] =	dma.local @!p0 [hbm:s5], $0x2700  }
0x1b: {  	_ =	swait.ge @!p0 [sflag:s24], $0x2700  }
0x1c: {  	[sflag:s24] =	ssyncset.done @!p0 $0x0  }
0x1d: {  	[sflag:s24] =	ssyncadd.s32 @!p0 $0xFFFFD900  }
0x1e: {  	[tilespmem:s4], [sflag:$0x3] =	stream.linear.gather [hbm4b:s7+s4], $0x1480, $0x38;
	[tilespmem:$0x1ED00] =	vst v63  }
0x1f: {  	_ =	swait.ge [sflag:s15], $0x1480  }
0x20: {  	[sflag:s15] =	ssyncset.done $0x0  }
0x21: {  	[sflag:s15] =	ssyncadd.s32 $0xFFFFEB80  }
0x22: {  	[tilespmem:s16], [sflag:$0x3] =	stream.linear.gather [hbm4b:s8+s4], $0x1480, $0x38;
	[tilespmem:$0x1ED00] =	vst v63  }
0x23: {  	_ =	swait.ge [sflag:s15], $0x1480  }
0x24: {  	[sflag:s15] =	ssyncset.done $0x0  }
0x25: {  	[sflag:s15] =	ssyncadd.s32 $0xFFFFEB80  }
0x26: {  	[bflag:$0x0] =	sbarrier.arrive $0xFFFF  }
0x27: {  	[tilespmem:s18], [sflag:$0x1] =	stream.indirect.gather [hbm4b:s0+s17], $0x80, s4, s17, $0xb8;
	[tilespmem:$0x1ED00] =	vst v63  }
0x28: {  	s28 =	simm.s32 $0x80  }
0x29: {  	[tilespmem:s19], [sflag:$0x2] =	stream.indirect.gather [hbm4b:s0+s17], $0x80, s28, s17, $0xb8;
	[tilespmem:$0x1ED00] =	vst v63  }
0x2a: {  	_ =	swait.ge [sflag:s20], $0x4000  }
0x2b: {  	[sflag:s20] =	ssyncset.done $0x0  }
0x2c: {  	s29 =	simm.s32 $0x1480;
	[sflag:s20] =	ssyncadd.s32 $0xFFFFC000  }
0x2d: {  	[spmem:s3] =	stream.indirect.scatter.add.f32 [tilespmem:s18], [sflag:$0x3], $0x80, s29, s17, $0xb8;
	[tilespmem:$0x1ED00] =	vst v63  }
0x2e: {  	_ =	swait.ge [sflag:s15], $0x4000  }
0x2f: {  	[sflag:s15] =	ssyncset.done $0x0  }
0x30: {  	s30 =	simm.s32 $0x100;
	[sflag:s15] =	ssyncadd.s32 $0xFFFFC000  }
0x31: {  	[tilespmem:s18], [sflag:$0x1] =	stream.indirect.gather [hbm4b:s0+s17], $0x80, s30, s17, $0xb8;
	[tilespmem:$0x1ED00] =	vst v63  }
0x32: {  	_ =	swait.ge [sflag:s21], $0x4000  }
0x33: {  	[sflag:s21] =	ssyncset.done $0x0  }
0x34: {  	s31 =	simm.s32 $0x1500;
	[sflag:s21] =	ssyncadd.s32 $0xFFFFC000  }
0x35: {  	[spmem:s3] =	stream.indirect.scatter.add.f32 [tilespmem:s19], [sflag:$0x3], $0x80, s31, s17, $0xb8;
	[tilespmem:$0x1ED00] =	vst v63  }
0x36: {  	_ =	swait.ge [sflag:s15], $0x4000  }
0x37: {  	s25 =	simm.s32 $0x800;
	s24 =	simm.s32 $0x100;
	[sflag:s15] =	ssyncset.done $0x0  }
.LBB2_2:
0x38: {  	s26 =	sadd.s32 $0x80, s24  }
0x39: {  	[sflag:s15] =	ssyncadd.s32 $0xFFFFC000;
	s28 =	smov.u32 s25;
	s29 =	sadd.s32 $0x400, s25  }
0x3a: {  	[tilespmem:s19], [sflag:$0x2] =	stream.indirect.gather [hbm4b:s0+s17], $0x80, s26, s17, $0xb8;
	[tilespmem:$0x1ED00] =	vst v63  }
0x3b: {  	p1 =	sne.s32 s25, $0x4C00;
	_ =	swait.ge [sflag:s20], $0x4000  }
0x3c: {  	[sflag:s20] =	ssyncset.done $0x0  }
0x3d: {  	s25 =	sadd.s32 $0x1480, s24;
	[sflag:s20] =	ssyncadd.s32 $0xFFFFC000  }
0x3e: {  	[spmem:s3] =	stream.indirect.scatter.add.f32 [tilespmem:s18], [sflag:$0x3], $0x80, s25, s17, $0xb8;
	[tilespmem:$0x1ED00] =	vst v63  }
0x3f: {  	_ =	swait.ge [sflag:s15], $0x4000  }
0x40: {  	[sflag:s15] =	ssyncset.done $0x0  }
0x41: {  	s25 =	sadd.s32 $0x100, s24;
	[sflag:s15] =	ssyncadd.s32 $0xFFFFC000  }
0x42: {  	[tilespmem:s18], [sflag:$0x1] =	stream.indirect.gather [hbm4b:s0+s17], $0x80, s25, s17, $0xb8;
	[tilespmem:$0x1ED00] =	vst v63  }
0x43: {  	_ =	swait.ge [sflag:s21], $0x4000  }
.Ltmp0:
0x44: {  	[sflag:s21] =	ssyncset.done $0x0;
	(pc) =	sbr.rel @p1 .LBB2_2-.Ltmp0, $4  }
0x45: {  	s24 =	sadd.s32 $0x1500, s24;
	[sflag:s21] =	ssyncadd.s32 $0xFFFFC000  }
0x46: {  	[spmem:s3] =	stream.indirect.scatter.add.f32 [tilespmem:s19], [sflag:$0x3], $0x80, s24, s17, $0xb8;
	[tilespmem:$0x1ED00] =	vst v63  }
0x47: {  	_ =	swait.ge [sflag:s15], $0x4000  }
0x48: {  	s25 =	smov.u32 s29;
	s24 =	sshra.s32 s28, $0x2;
	[sflag:s15] =	ssyncset.done $0x0  }
0x49: {  	s25 =	sadd.s32 $0x80, s24;
	[sflag:s15] =	ssyncadd.s32 $0xFFFFC000  }
0x4a: {  	[tilespmem:s19], [sflag:$0x2] =	stream.indirect.gather [hbm4b:s0+s17], $0x80, s25, s17, $0xb8;
	[tilespmem:$0x1ED00] =	vst v63  }
0x4b: {  	_ =	swait.ge [sflag:s20], $0x4000  }
0x4c: {  	[sflag:s20] =	ssyncset.done $0x0  }
0x4d: {  	s29 =	sadd.s32 $0x1480, s24;
	[sflag:s20] =	ssyncadd.s32 $0xFFFFC000  }
0x4e: {  	[spmem:s3] =	stream.indirect.scatter.add.f32 [tilespmem:s18], [sflag:$0x3], $0x80, s29, s17, $0xb8;
	[tilespmem:$0x1ED00] =	vst v63  }
0x4f: {  	_ =	swait.ge [sflag:s15], $0x4000  }
0x50: {  	[sflag:s15] =	ssyncset.done $0x0  }
0x51: {  	s30 =	sadd.s32 $0x100, s24;
	[sflag:s15] =	ssyncadd.s32 $0xFFFFC000  }
0x52: {  	[tilespmem:s18], [sflag:$0x1] =	stream.indirect.gather [hbm4b:s0+s17], $0x80, s30, s17, $0xb8;
	[tilespmem:$0x1ED00] =	vst v63  }
0x53: {  	_ =	swait.ge [sflag:s21], $0x4000  }
0x54: {  	[sflag:s21] =	ssyncset.done $0x0  }
0x55: {  	s31 =	sadd.s32 $0x1500, s24;
	[sflag:s21] =	ssyncadd.s32 $0xFFFFC000  }
0x56: {  	[spmem:s3] =	stream.indirect.scatter.add.f32 [tilespmem:s19], [sflag:$0x3], $0x80, s31, s17, $0xb8;
	[tilespmem:$0x1ED00] =	vst v63  }
0x57: {  	_ =	swait.ge [sflag:s15], $0x4000  }
0x58: {  	[sflag:s15] =	ssyncset.done $0x0  }
0x59: {  	[sflag:s15] =	ssyncadd.s32 $0xFFFFC000  }
0x5a: {  	_ =	swait.ge [sflag:s20], $0x4000  }
0x5b: {  	[sflag:s20] =	ssyncset.done $0x0  }
0x5c: {  	[sflag:s20] =	ssyncadd.s32 $0xFFFFC000  }
0x5d: {  	[spmem:s3] =	stream.indirect.scatter.add.f32 [tilespmem:s18], [sflag:$0x3], $0x80, s22, s17, $0xb8;
	[tilespmem:$0x1ED00] =	vst v63  }
0x5e: {  	_ =	swait.ge [sflag:s15], $0x4000  }
0x5f: {  	[sflag:s15] =	ssyncset.done $0x0  }
0x60: {  	[sflag:s15] =	ssyncadd.s32 $0xFFFFC000  }
0x61: {  	s24 =	simm.s32 @p0 $0x1FC3;
	[bflag:$0x0] =	sbarrier.arrive $0xFFFF  }
0x62: {  	[hbm:s10], [sflag:s24] =	dma.local @p0 [spmem:s12], $0x2800  }
0x63: {  	s24 =	simm.s32 @p0 $0x3  }
0x64: {  	s23 =	sadd.s32 $0x1, s23;
	_ =	swait.ge @p0 [sflag:s24], $0x2800  }
0x65: {  	p1 =	sne.s32 s23, s11;
	[sflag:s24] =	ssyncset.done @p0 $0x0  }
.Ltmp1:
0x66: {  	[sflag:s24] =	ssyncadd.s32 @p0 $0xFFFFD800;
	s24 =	simm.s32 @!p0 $0x3;
	(pc) =	sbr.rel @p1 .LBB2_1-.Ltmp1, $4  }
0x67: {  	[hbm:s9], [sflag:s13] =	dma.local @!p0 [spmem:s14], $0x2700  }
0x68: {  	_ =	swait.ge @!p0 [sflag:s24], $0x2700  }
0x69: {  	[sflag:s24] =	ssyncset.done @!p0 $0x0  }
0x6a: {  	[sflag:s24] =	ssyncadd.s32 @!p0 $0xFFFFD900  }
0x6b: {  	_ =	sfence.sel $0x180000  }
0x6c: {  	[bflag:$0x0] =	sbarrier.arrive $0xFFFF  }
0x6d: {  	p0 =	sne.s32 s1, $0x0;
	_ =	strace $0x9000004A  }
0x6e: {  	s0 =	sadd.s32 @!p0 $0x100000, s2;
	[bflag:$0x2] =	sbarrier.arrive $0xFFFF  }
0x6f: {  	[sflag:s0] =	ssyncadd.tile.s32 @!p0 $0x1;
	_ =	shalt  }
.Lfunc_end2:
_tile_overlayer_lowered:
.L_overlay_start_2:
0x70: {  	(tag) =	ssettag $0x2  }
0x71: {  	s0 =	rddreg [dreg:$0x0];
	s2 =	stileid.u32  }
0x72: {  	s1 =	rddreg [dreg:$0x1];
	p0 =	sne.s32 s2, $0x0  }
0x73: {  	s3 =	rddreg [dreg:$0x2];
	[bflag:$0x3] =	sbarrier.arrive $0xFFFF;
	s2 =	simm.s32 @!p0 $0x1C03  }
0x74: {  	[timem:s3], [sflag:s2] =	dma.local @!p0 [hbm:s0], s1  }
0x75: {  	s0 =	simm.s32 @!p0 $0x3  }
0x76: {  	_ =	swait.ge @!p0 [sflag:s0], s1  }
0x77: {  	s1 =	ssub.s32 @!p0 $0x0, s1;
	[sflag:s0] =	ssyncset.done @!p0 $0x0  }
0x78: {  	[sflag:s0] =	ssyncadd.s32 @!p0 s1  }
0x79: {  	[bflag:$0x3] =	sbarrier.arrive $0xFFFF  }
0x7a: {  	_ =	shalt  }

// kernel: kernel.40.cloned.1.call-start
scs
__scs_entry_jumppad:
0x0: {  	(pc) =	sbr.rel $0x88, $3  }
0x1: {  	(tag) =	ssettag $0x0;
	lr =	simm.s32 $0x1  }
0x2: {  	[smem:$0x3F4F] =	sst lr;
	_ =	strace $0xD0000000  }
0x3: {  	_ = 	snop  }
0x4: {  	_ = 	snop  }
0x5: {  	_ = 	snop  }
0x6: {  	_ = 	snop  }
0x7: {  	_ = 	snop  }
__scs_overlays_trampoline_lowered:
0x8: {  	[smem:$0x3F5E] =	sst s0  }
0x9: {  	[smem:$0x3F5F] =	sst s1  }
0xa: {  	[smem:$0x3F60] =	sst s2  }
0xb: {  	[smem:$0x3F61] =	sst s3  }
0xc: {  	[smem:$0x3F62] =	sst s4  }
0xd: {  	[smem:$0x3F63] =	sst s5  }
0xe: {  	[smem:$0x3F64] =	sst s6  }
0xf: {  	[smem:$0x3F65] =	sst s7  }
0x10: {  	[smem:$0x3F66] =	sst s8  }
0x11: {  	[smem:$0x3F67] =	sst s9;
	s0 =	simm.s32 @!p0 $0x0  }
0x12: {  	s1 =	sld [smem:$0x3F4D];
	s0 =	simm.s32 @p0 $0x1  }
0x13: {  	[smem:$0x3F68] =	sst s0;
	s0 =	simm.s32 @!p1 $0x0  }
0x14: {  	s2 =	sld [smem:$0x3F4C];
	s0 =	simm.s32 @p1 $0x1  }
0x15: {  	[smem:$0x3F69] =	sst s0;
	s0 =	simm.s32 @!p2 $0x0  }
0x16: {  	s3 =	sld [smem:$0x3FDB];
	s0 =	simm.s32 @p2 $0x1  }
0x17: {  	s4 =	simm.s32 $0x1BF5;
	[smem:$0x3F6B] =	sst s0  }
0x18: {  	s0 =	sld [smem:$0x3F4E];
	_ =	swait.ge [sflag:s4], $0x0  }
0x19: {  	s7 =	sld [smem:$0x3F4F]  }
0x1a: {  	s8 =	sadd.s32 $0xFFFFE003, lr  }
0x1b: {  	s9 =	sadd.s32 $0xFFFFFEF7, lr;
	s5 =	simm.s32 $0xFFFFFFFF;
	p2 =	slt.u32 s8, $0xFFFFF086  }
0x1c: {  	p1 =	slt.u32 s9, $0xF7A;
	s5 =	simm.s32 @!p2 $0x0  }
0x1d: {  	s5 =	simm.s32 @p1 $0x1;
	p0 =	seq.s32 s7, s2  }
0x1e: {  	s7 =	smul.u32 @!p0 $0xF7A, s2;
	p2 =	seq.s32 @!p0 s5, $0x0  }
0x1f: {  	s9 =	smul.u32 $0xF7A, s1;
	s8 =	simm.s32 @!p0 $0x1BF5;
	p2 =	por !p2, p0  }
0x20: {  	[sflag:s8] =	ssyncset.s32 @!p0 $0xFFFFF086;
	s6 =	sadd.s32 @!p0 s3, s7;
	s7 =	simm.s32 @!p0 $0x108  }
0x21: {  	s3 =	sadd.s32 s3, s9;
	s6 =	sadd.s32 @!p0 $0x88, s6;
	s7 =	simm.s32 @p2 $0x1082  }
0x22: {  	[simem:s7], [sflag:s8] =	dma.local @!p0 [hbm:s6], $0xF7A  }
0x23: {  	s9 =	sor.u32 $0xD0000000, s2;
	s6 =	simm.s32 $0x108;
	_ =	swait.ge @!p0 [sflag:s8], $0x0  }
0x24: {  	s3 =	sadd.s32 $0x88, s3;
	s6 =	simm.s32 @!p1 $0x1082;
	[sflag:s4] =	ssyncset.s32 $0xFFFFF086  }
0x25: {  	[simem:s6], [sflag:s4] =	dma.local [hbm:s3], $0xF7A  }
0x26: {  	[smem:$0x3F4F] =	sst s1;
	(tag) =	ssettag s2;
	_ =	strace s9  }
0x27: {  	s1 =	sld [smem:$0x3F5F]  }
0x28: {  	s2 =	sld [smem:$0x3F60]  }
0x29: {  	s4 =	sld [smem:$0x3F62]  }
0x2a: {  	p0 =	seq.s32 s5, $0x0;
	s5 =	sld [smem:$0x3F63]  }
0x2b: {  	s6 =	sld [smem:$0x3F64]  }
0x2c: {  	s7 =	sld [smem:$0x3F65]  }
0x2d: {  	s3 =	simm.s32 $0x108;
	s8 =	sld [smem:$0x3F66]  }
0x2e: {  	s3 =	simm.s32 @!p0 $0x1082;
	s9 =	sld [smem:$0x3F67]  }
0x2f: {  	lr =	sadd.s32 s0, s3;
	s0 =	sld [smem:$0x3F5E]  }
0x30: {  	s3 =	sld [smem:$0x3F61]  }
0x31: {  	[smem:$0x3F6A] =	sst s10  }
0x32: {  	s10 =	sld [smem:$0x3F68];
	_ =	sdelay $0x3  }
0x33: {  	p0 =	seq.s32 s10, $0x1;
	s10 =	sld [smem:$0x3F6A];
	_ =	sdelay $0x3  }
0x34: {  	[smem:$0x3F6A] =	sst s10  }
0x35: {  	s10 =	sld [smem:$0x3F69];
	_ =	sdelay $0x3  }
0x36: {  	p1 =	seq.s32 s10, $0x1;
	s10 =	sld [smem:$0x3F6A];
	_ =	sdelay $0x3  }
0x37: {  	[smem:$0x3F6A] =	sst s10  }
0x38: {  	s10 =	sld [smem:$0x3F6B]  }
0x39: {  	_ = 	snop;
	(pc) =	sbr.ind lr, $3  }
0x3a: {  	_ = 	snop  }
0x3b: {  	_ = 	snop  }
0x3c: {  	p2 =	seq.s32 s10, $0x1;
	s10 =	sld [smem:$0x3F6A]  }
0x3d: {  	_ =	shalt  }
0x3e: {  	_ =	shalt  }
0x3f: {  	_ =	shalt  }
0x40: {  	_ =	shalt  }
0x41: {  	_ =	shalt  }
0x42: {  	_ =	shalt  }
0x43: {  	_ =	shalt  }
0x44: {  	_ =	shalt  }
0x45: {  	_ =	shalt  }
0x46: {  	_ =	shalt  }
0x47: {  	_ =	shalt  }
0x48: {  	_ =	shalt  }
0x49: {  	_ =	shalt  }
0x4a: {  	_ =	shalt  }
0x4b: {  	_ =	shalt  }
0x4c: {  	_ =	shalt  }
0x4d: {  	_ =	shalt  }
0x4e: {  	_ =	shalt  }
0x4f: {  	_ =	shalt  }
0x50: {  	_ =	shalt  }
0x51: {  	_ =	shalt  }
0x52: {  	_ =	shalt  }
0x53: {  	_ =	shalt  }
0x54: {  	_ =	shalt  }
0x55: {  	_ =	shalt  }
0x56: {  	_ =	shalt  }
0x57: {  	_ =	shalt  }
0x58: {  	_ =	shalt  }
0x59: {  	_ =	shalt  }
0x5a: {  	_ =	shalt  }
0x5b: {  	_ =	shalt  }
0x5c: {  	_ =	shalt  }
0x5d: {  	_ =	shalt  }
0x5e: {  	_ =	shalt  }
0x5f: {  	_ =	shalt  }
0x60: {  	_ =	shalt  }
0x61: {  	_ =	shalt  }
0x62: {  	_ =	shalt  }
0x63: {  	_ =	shalt  }
0x64: {  	_ =	shalt  }
0x65: {  	_ =	shalt  }
0x66: {  	_ =	shalt  }
0x67: {  	_ =	shalt  }
0x68: {  	_ =	shalt  }
0x69: {  	_ =	shalt  }
0x6a: {  	_ =	shalt  }
0x6b: {  	_ =	shalt  }
0x6c: {  	_ =	shalt  }
0x6d: {  	_ =	shalt  }
0x6e: {  	_ =	shalt  }
0x6f: {  	_ =	shalt  }
0x70: {  	_ =	shalt  }
0x71: {  	_ =	shalt  }
0x72: {  	_ =	shalt  }
0x73: {  	_ =	shalt  }
0x74: {  	_ =	shalt  }
0x75: {  	_ =	shalt  }
0x76: {  	_ =	shalt  }
0x77: {  	_ =	shalt  }
0x78: {  	_ =	shalt  }
0x79: {  	_ =	shalt  }
0x7a: {  	_ =	shalt  }
0x7b: {  	_ =	shalt  }
0x7c: {  	_ =	shalt  }
0x7d: {  	_ =	shalt  }
0x7e: {  	_ =	shalt  }
0x7f: {  	_ =	shalt  }
0x80: {  	_ =	shalt  }
0x81: {  	_ =	shalt  }
0x82: {  	_ =	shalt  }
0x83: {  	_ =	shalt  }
0x84: {  	_ =	shalt  }
0x85: {  	_ =	shalt  }
0x86: {  	_ =	shalt  }
0x87: {  	_ =	shalt  }
.Lfunc_end0:
.L_simem_size_0:
called_computation.3_lowered:
.L_overlay_start_0:
0x88: {  	s2 =	sld [smem:$0x3FD9]  }
0x89: {  	s3 =	sld [smem:$0x3FFE];
	_ =	sdelay $0x1  }
0x8a: {  	s1 =	srdreg.scid  }
0x8b: {  	s0 =	sand.u32 $0x1, s1  }
0x8c: {  	s15 =	sshll.u32 s0, $0xA;
	s2 =	sadd.s32 s3, s2  }
0x8d: {  	s2 =	sadd.s32 s2, s15  }
0x8e: {  	[smem:$0x3F76] =	sst s2  }
0x8f: {  	_ = 	snop  }
0x90: {  	s2 =	sld [smem:$0x3FD0];
	_ =	sdelay $0x2  }
0x91: {  	s4 =	simm.s32 $0xC;
	s16 =	simm.s32 $0x10  }
0x92: {  	[smem:s16], [sflag:s4] =	dma.local [hbm:s2], $0x1  }
0x93: {  	_ =	swait.eq [sflag:s4], $0x1  }
0x94: {  	[sflag:s4] =	ssyncset.done $0x0  }
0x95: {  	s17 =	sld [smem:$0x13];
	[sflag:s4] =	ssyncadd.s32 $0xFFFFFFFF  }
0x96: {  	s18 =	sld [smem:$0x14];
	(tm) =	ssettm $0x1  }
0x97: {  	s19 =	sld [smem:$0x3FFB];
	_ =	sdelay $0x3  }
0x98: {  	_ =	strace s19  }
0x99: {  	s2 =	sld [smem:$0x3FFC];
	_ =	sdelay $0x3  }
0x9a: {  	_ =	strace s2  }
0x9b: {  	s2 =	sld [smem:$0x3FFD];
	_ =	sdelay $0x3  }
0x9c: {  	_ =	strace s2  }
0x9d: {  	_ =	strace $0x8FFFFFFF  }
0x9e: {  	s20 =	sld [smem:$0x3FDB];
	_ =	sdelay $0x1  }
0x9f: {  	s5 =	simm.s32 $_scs_section_size  }
0xa0: {  	s6 =	simm.s32 $_size__tile_overlayer_lowered;
	s7 =	simm.s32 $_tile_overlayer_lowered  }
0xa1: {  	s8 =	simm.s32 $0x1BFF;
	s21 =	sshll.u32 s7, $0x1;
	s5 =	sadd.s32 s5, s20  }
0xa2: {  	s22 =	simm.s32 $0x0;
	s6 =	sshll.u32 s6, $0x1;
	s7 =	sadd.s32 s21, s5  }
0xa3: {  	[timem:s22], [sflag:s8] =	dma.local [hbm:s7], s6  }
0xa4: {  	_ =	swait.ge [sflag:s8], s6  }
0xa5: {  	s6 =	ssub.s32 $0x0, s6;
	[sflag:s8] =	ssyncset.done $0x0  }
0xa6: {  	[sflag:s8] =	ssyncadd.s32 s6;
	_ =	sdelay $0x1  }
0xa7: {  	s23 =	simm.s32 $0x1B8B  }
0xa8: {  	_ =	swait.ge [sflag:s23], $0x1  }
0xa9: {  	[sflag:s23] =	ssyncset.done $0x0  }
0xaa: {  	[sflag:s23] =	ssyncadd.s32 $0xFFFFFFFF  }
0xab: {  	s6 =	sld [smem:$0x0]  }
0xac: {  	s7 =	sand.u32 $0xFFFFFFFE, s1  }
0xad: {  	p0 =	sne.s32 s1, s7  }
0xae: {  	s7 =	sshll.u32 @p0 s7, $0xE  }
0xaf: {  	s7 =	sadd.s32 @p0 $0x11B8D, s7;
	s8 =	sshll.u32 @p0 s6, $0x11  }
0xb0: {  	s7 =	sor.u32 @p0 s8, s7  }
0xb1: {  	[sflag:s7] =	ssyncadd.remote.s32 @p0 $0x1;
	_ =	sdelay $0x1  }
0xb2: {  	s7 =	simm.s32 @p0 $0x1B8D  }
0xb3: {  	_ =	swait.eq @p0 [sflag:s7], $0x1  }
0xb4: {  	[sflag:s7] =	ssyncadd.s32 @p0 $0xFFFFFFFF  }
0xb5: {  	s8 =	sshll.u32 @!p0 s1, $0xE  }
0xb6: {  	s8 =	sor.u32 @!p0 $0x4000, s8;
	s7 =	simm.s32 @!p0 $0x1B8D  }
0xb7: {  	s6 =	sshll.u32 @!p0 s6, $0x11;
	s8 =	sadd.s32 @!p0 $0x11B8D, s8;
	_ =	swait.eq @!p0 [sflag:s7], $0x1  }
0xb8: {  	s6 =	sor.u32 @!p0 s6, s8;
	[sflag:s7] =	ssyncadd.s32 @!p0 $0xFFFFFFFF  }
0xb9: {  	s25 =	simm.s32 $0x1B8E;
	s24 =	sld [smem:$0x3FFE];
	[sflag:s6] =	ssyncadd.remote.s32 @!p0 $0x1  }
0xba: {  	s26 =	simm.s32 $execute0_lowered;
	[smem:$0x3FD2] =	sst s25  }
0xbb: {  	s7 =	sshll.u32 s26, $0x1;
	_ =	strace $0x8000004C;
	[dreg:$0x1] =	wrdreg $0xFFFFFFFF  }
0xbc: {  	s28 =	simm.s32 $_size_execute0_lowered;
	s5 =	sadd.s32 s5, s7;
	[dreg:$0x0] =	wrdreg $0x0  }
0xbd: {  	s7 =	sshll.u32 s28, $0x1;
	[dreg:$0x2] =	wrdreg s5  }
0xbe: {  	[dreg:$0x3] =	wrdreg s7  }
0xbf: {  	[dreg:$0x4] =	wrdreg $0xC0  }
0xc0: {  	_ =	task [dreg:s22], $0x5FFFF  }
0xc1: {  	[dreg:$0x1] =	wrdreg $0xFFFFFFFF  }
0xc2: {  	[dreg:$0x0] =	wrdreg $0x60  }
0xc3: {  	[dreg:$0x2] =	wrdreg s18  }
0xc4: {  	[dreg:$0x3] =	wrdreg s24  }
0xc5: {  	[dreg:$0x4] =	wrdreg s17  }
0xc6: {  	[dreg:$0x5] =	wrdreg $0xBF800  }
0xc7: {  	[dreg:$0x6] =	wrdreg $0xA  }
0xc8: {  	_ =	task.clear_ibuf [dreg:s22], $0x7FFFF;
	_ =	strace $0x9000004C  }
0xc9: {  	s29 =	simm.s32 $0xA;
	_ =	strace $0x8000004E  }
0xca: {  	_ =	swait.ge [sflag:s29], $0x1  }
0xcb: {  	[sflag:s29] =	ssyncadd.s32 $0xFFFFFFFF  }
0xcc: {  	_ =	strace $0x9000004E  }
0xcd: {  	_ =	sfence  }
0xce: {  	s30 =	sld [smem:$0x0];
	_ =	sdelay $0x2  }
0xcf: {  	s31 =	sshll.u32 s1, $0xD;
	s1 =	sshrl.u32 s1, $0x2  }
0xd0: {  	s4 =	sand.u32 $0x4000, s31;
	s1 =	sadd.s32 s1, s30  }
0xd1: {  	s0 =	sor.u32 s4, s0;
	s1 =	sshll.u32 s1, $0x11  }
0xd2: {  	s0 =	sor.u32 s1, s0  }
0xd3: {  	s0 =	sadd.s32 $0x8F2B, s0  }
0xd4: {  	[sflag:s0] =	ssyncadd.remote.s32 $0x1  }
0xd5: {  	_ =	sfence.sel $0xFFFF  }
0xd6: {  	[dreg:$0x0] =	wrdreg $0xFFFFFFFF;
	(pc) =	sbr.abs _section_cstart, $3  }
0xd7: {  	[dreg:$0x1] =	wrdreg $0xFFFFFFFF  }
0xd8: {  	_ =	task.clear_ibuf [dreg:s22], $0x2FFFF;
	_ =	strace $0x9FFFFFFF  }
0xd9: {  	(tm) =	ssettm $0x7FFFFFFF  }
tec
execute0_lowered:
.L_overlay_start_1:
0x0: {  	(tag) =	ssettag $0x1  }
0x1: {  	s0 =	rddreg [dreg:$0x0]  }
0x2: {  	s5 =	rddreg [dreg:$0x1]  }
0x3: {  	s1 =	srdreg.scid;
	s7 =	rddreg [dreg:$0x2]  }
0x4: {  	s3 =	rddreg [dreg:$0x3];
	s4 =	simm.s32 $0x0;
	s17 =	simm.s32 $0x60  }
0x5: {  	s18 =	simm.s32 $0x5F80;
	s19 =	simm.s32 $0x8F80;
	s20 =	simm.s32 $0x1  }
0x6: {  	s21 =	simm.s32 $0x2;
	s6 =	sand.u32 $0x1, s1;
	s1 =	stileid.u32  }
0x7: {  	s22 =	simm.s32 $0x5B80;
	s23 =	simm.s32 $0x0;
	s11 =	smul.u32 $0x4E000, s1  }
0x8: {  	[smem:$0x7FF] =	sst s4;
	s12 =	sadd.s32 $0x2A800, s5;
	s13 =	smul.u32 $0x2700, s1  }
0x9: {  	s16 =	sadd.s32 $0x124800, s3;
	s2 =	sshll.u32 s6, $0x4;
	s28 =	smul.u32 $0x27100, s6  }
0xa: {  	s10 =	ssub.s32 $0x2, s6;
	s29 =	smul.u32 $0x138800, s6;
	s6 =	sadd.s32 $0x24900, s7  }
0xb: {  	p0 =	seq.s32 s1, $0xF;
	s8 =	sor.u32 s1, s2;
	s2 =	rddreg [dreg:$0x4]  }
0xc: {  	_ =	strace $0x8000004D;
	s25 =	sshrl.u32 s10, $0x1;
	s9 =	smul.u32 $0x4EC, s8  }
0xd: {  	s8 =	smul.u32 $0x700, s8;
	s14 =	ssub.s32 s10, s25;
	s26 =	sshrl.u32 s11, $0x2  }
0xe: {  	s30 =	sadd.s32 s13, s28;
	s31 =	sshrl.u32 s29, $0x3;
	s15 =	sadd.s32 s26, s3  }
0xf: {  	s10 =	sadd.s32 s12, s31;
	s11 =	smax.u32 s14, $0x1;
	s9 =	sadd.s32 s9, s5  }
0x10: {  	s8 =	sadd.s32 s8, s5;
	s5 =	sadd.s32 s7, s13;
	s10 =	sadd.s32 $0x24900, s10  }
0x11: {  	s13 =	sshll.u32 @!p0 s1, $0x6;
	s14 =	sshrl.u32 @!p0 s15, $0x3;
	s15 =	simm.s32 $0x3  }
0x12: {  	s7 =	sadd.s32 $0x12A00, s9;
	s8 =	sadd.s32 $0x1C800, s8;
	s9 =	sadd.s32 s12, s30  }
0x13: {  	s12 =	sshrl.u32 @p0 s16, $0x3;
	s13 =	sor.u32 @!p0 $0x1C03, s13;
	s16 =	simm.s32 $0x2780  }
.LBB2_1:
0x14: {  	s24 =	simm.s32 @p0 $0x1FC3  }
0x15: {  	[spmem:s12], [sflag:s24] =	dma.local @p0 [hbm:s6], $0x2800  }
0x16: {  	s24 =	simm.s32 @p0 $0x3  }
0x17: {  	_ =	swait.ge @p0 [sflag:s24], $0x2800  }
0x18: {  	[sflag:s24] =	ssyncset.done @p0 $0x0  }
0x19: {  	[sflag:s24] =	ssyncadd.s32 @p0 $0xFFFFD800;
	s24 =	simm.s32 @!p0 $0x3  }
0x1a: {  	[spmem:s14], [sflag:s13] =	dma.local @!p0 [hbm:s5], $0x2700  }
0x1b: {  	_ =	swait.ge @!p0 [sflag:s24], $0x2700  }
0x1c: {  	[sflag:s24] =	ssyncset.done @!p0 $0x0  }
0x1d: {  	[sflag:s24] =	ssyncadd.s32 @!p0 $0xFFFFD900  }
0x1e: {  	[tilespmem:s4], [sflag:$0x3] =	stream.linear.gather [hbm4b:s7+s4], $0x2760, $0x38;
	[tilespmem:$0x1FC00] =	vst v63  }
0x1f: {  	_ =	swait.ge [sflag:s15], $0x2760  }
0x20: {  	[sflag:s15] =	ssyncset.done $0x0  }
0x21: {  	[sflag:s15] =	ssyncadd.s32 $0xFFFFD8A0  }
0x22: {  	[tilespmem:s16], [sflag:$0x3] =	stream.linear.gather [hbm4b:s8+s4], $0x3480, $0x38;
	[tilespmem:$0x1FC00] =	vst v63  }
0x23: {  	_ =	swait.ge [sflag:s15], $0x3480  }
0x24: {  	[sflag:s15] =	ssyncset.done $0x0  }
0x25: {  	[sflag:s15] =	ssyncadd.s32 $0xFFFFCB80  }
0x26: {  	[bflag:$0x0] =	sbarrier.arrive $0xFFFF  }
0x27: {  	[tilespmem:s18], [sflag:$0x1] =	stream.indirect.gather [hbm4b:s0+s17], $0x80, s4, s17, $0xb8;
	[tilespmem:$0x1FC00] =	vst v63  }
0x28: {  	s28 =	simm.s32 $0x60  }
0x29: {  	[tilespmem:s19], [sflag:$0x2] =	stream.indirect.gather [hbm4b:s0+s17], $0x80, s28, s17, $0xb8;
	[tilespmem:$0x1FC00] =	vst v63  }
0x2a: {  	_ =	swait.ge [sflag:s20], $0x3000  }
0x2b: {  	[sflag:s20] =	ssyncset.done $0x0  }
0x2c: {  	s29 =	simm.s32 $0x2780;
	[sflag:s20] =	ssyncadd.s32 $0xFFFFD000  }
0x2d: {  	[spmem:s3] =	stream.indirect.scatter.add.f32 [tilespmem:s18], [sflag:$0x3], $0x80, s29, s17, $0xb8;
	[tilespmem:$0x1FC00] =	vst v63  }
0x2e: {  	_ =	swait.ge [sflag:s15], $0x3000  }
0x2f: {  	[sflag:s15] =	ssyncset.done $0x0  }
0x30: {  	s30 =	simm.s32 $0xC0;
	[sflag:s15] =	ssyncadd.s32 $0xFFFFD000  }
0x31: {  	[tilespmem:s18], [sflag:$0x1] =	stream.indirect.gather [hbm4b:s0+s17], $0x80, s30, s17, $0xb8;
	[tilespmem:$0x1FC00] =	vst v63  }
0x32: {  	_ =	swait.ge [sflag:s21], $0x3000  }
0x33: {  	[sflag:s21] =	ssyncset.done $0x0  }
0x34: {  	s31 =	simm.s32 $0x2800;
	[sflag:s21] =	ssyncadd.s32 $0xFFFFD000  }
0x35: {  	[spmem:s3] =	stream.indirect.scatter.add.f32 [tilespmem:s19], [sflag:$0x3], $0x80, s31, s17, $0xb8;
	[tilespmem:$0x1FC00] =	vst v63  }
0x36: {  	s25 =	simm.s32 $0x400;
	_ =	swait.ge [sflag:s15], $0x3000  }
0x37: {  	s26 =	simm.s32 $0x800;
	s24 =	simm.s32 $0x180;
	[sflag:s15] =	ssyncset.done $0x0  }
.LBB2_2:
0x38: {  	p1 =	sne.s32 s26, $0xCC00;
	s28 =	sadd.s32 $0xFFFFFFA0, s24;
	[sflag:s15] =	ssyncadd.s32 $0xFFFFD000  }
0x39: {  	[tilespmem:s19], [sflag:$0x2] =	stream.indirect.gather [hbm4b:s0+s17], $0x80, s28, s17, $0xb8;
	[tilespmem:$0x1FC00] =	vst v63  }
0x3a: {  	s28 =	smov.u32 s26;
	s26 =	sadd.s32 $0x400, s26;
	_ =	swait.ge [sflag:s20], $0x3000  }
0x3b: {  	s29 =	sshra.s32 s25, $0x2;
	s25 =	smov.u32 s28;
	[sflag:s20] =	ssyncset.done $0x0  }
0x3c: {  	s28 =	sadd.s32 $0x2780, s29;
	[sflag:s20] =	ssyncadd.s32 $0xFFFFD000  }
0x3d: {  	[spmem:s3] =	stream.indirect.scatter.add.f32 [tilespmem:s18], [sflag:$0x3], $0x80, s28, s17, $0xb8;
	[tilespmem:$0x1FC00] =	vst v63  }
0x3e: {  	_ =	swait.ge [sflag:s15], $0x3000  }
0x3f: {  	[sflag:s15] =	ssyncset.done $0x0  }
0x40: {  	[sflag:s15] =	ssyncadd.s32 $0xFFFFD000  }
0x41: {  	[tilespmem:s18], [sflag:$0x1] =	stream.indirect.gather [hbm4b:s0+s17], $0x80, s24, s17, $0xb8;
	[tilespmem:$0x1FC00] =	vst v63  }
0x42: {  	_ =	swait.ge [sflag:s21], $0x3000  }
.Ltmp0:
0x43: {  	[sflag:s21] =	ssyncset.done $0x0;
	(pc) =	sbr.rel @p1 .LBB2_2-.Ltmp0, $4  }
0x44: {  	s28 =	sadd.s32 $0x2800, s29;
	[sflag:s21] =	ssyncadd.s32 $0xFFFFD000  }
0x45: {  	[spmem:s3] =	stream.indirect.scatter.add.f32 [tilespmem:s19], [sflag:$0x3], $0x80, s28, s17, $0xb8;
	[tilespmem:$0x1FC00] =	vst v63  }
0x46: {  	_ =	swait.ge [sflag:s15], $0x3000  }
0x47: {  	s24 =	sadd.s32 $0xC0, s24;
	[sflag:s15] =	ssyncset.done $0x0  }
0x48: {  	s26 =	sadd.s32 $0xFFFFFFA0, s24;
	[sflag:s15] =	ssyncadd.s32 $0xFFFFD000  }
0x49: {  	[tilespmem:s19], [sflag:$0x2] =	stream.indirect.gather [hbm4b:s0+s17], $0x80, s26, s17, $0xb8;
	[tilespmem:$0x1FC00] =	vst v63  }
0x4a: {  	_ =	swait.ge [sflag:s20], $0x3000  }
0x4b: {  	s25 =	sshra.s32 s25, $0x2;
	[sflag:s20] =	ssyncset.done $0x0  }
0x4c: {  	s30 =	sadd.s32 $0x2780, s25;
	[sflag:s20] =	ssyncadd.s32 $0xFFFFD000  }
0x4d: {  	[spmem:s3] =	stream.indirect.scatter.add.f32 [tilespmem:s18], [sflag:$0x3], $0x80, s30, s17, $0xb8;
	[tilespmem:$0x1FC00] =	vst v63  }
0x4e: {  	_ =	swait.ge [sflag:s15], $0x3000  }
0x4f: {  	[sflag:s15] =	ssyncset.done $0x0  }
0x50: {  	[sflag:s15] =	ssyncadd.s32 $0xFFFFD000  }
0x51: {  	[tilespmem:s18], [sflag:$0x1] =	stream.indirect.gather [hbm4b:s0+s17], $0x80, s24, s17, $0xb8;
	[tilespmem:$0x1FC00] =	vst v63  }
0x52: {  	_ =	swait.ge [sflag:s21], $0x3000  }
0x53: {  	[sflag:s21] =	ssyncset.done $0x0  }
0x54: {  	s31 =	sadd.s32 $0x2800, s25;
	[sflag:s21] =	ssyncadd.s32 $0xFFFFD000  }
0x55: {  	[spmem:s3] =	stream.indirect.scatter.add.f32 [tilespmem:s19], [sflag:$0x3], $0x80, s31, s17, $0xb8;
	[tilespmem:$0x1FC00] =	vst v63  }
0x56: {  	_ =	swait.ge [sflag:s15], $0x3000  }
0x57: {  	[sflag:s15] =	ssyncset.done $0x0  }
0x58: {  	[sflag:s15] =	ssyncadd.s32 $0xFFFFD000  }
0x59: {  	_ =	swait.ge [sflag:s20], $0x3000  }
0x5a: {  	[sflag:s20] =	ssyncset.done $0x0  }
0x5b: {  	[sflag:s20] =	ssyncadd.s32 $0xFFFFD000  }
0x5c: {  	[spmem:s3] =	stream.indirect.scatter.add.f32 [tilespmem:s18], [sflag:$0x3], $0x80, s22, s17, $0xb8;
	[tilespmem:$0x1FC00] =	vst v63  }
0x5d: {  	_ =	swait.ge [sflag:s15], $0x3000  }
0x5e: {  	[sflag:s15] =	ssyncset.done $0x0  }
0x5f: {  	[sflag:s15] =	ssyncadd.s32 $0xFFFFD000  }
0x60: {  	s24 =	simm.s32 @p0 $0x1FC3;
	[bflag:$0x0] =	sbarrier.arrive $0xFFFF  }
0x61: {  	[hbm:s10], [sflag:s24] =	dma.local @p0 [spmem:s12], $0x2800  }
0x62: {  	s24 =	simm.s32 @p0 $0x3  }
0x63: {  	s23 =	sadd.s32 $0x1, s23;
	_ =	swait.ge @p0 [sflag:s24], $0x2800  }
0x64: {  	p1 =	sne.s32 s23, s11;
	[sflag:s24] =	ssyncset.done @p0 $0x0  }
.Ltmp1:
0x65: {  	[sflag:s24] =	ssyncadd.s32 @p0 $0xFFFFD800;
	s24 =	simm.s32 @!p0 $0x3;
	(pc) =	sbr.rel @p1 .LBB2_1-.Ltmp1, $4  }
0x66: {  	[hbm:s9], [sflag:s13] =	dma.local @!p0 [spmem:s14], $0x2700  }
0x67: {  	_ =	swait.ge @!p0 [sflag:s24], $0x2700  }
0x68: {  	[sflag:s24] =	ssyncset.done @!p0 $0x0  }
0x69: {  	[sflag:s24] =	ssyncadd.s32 @!p0 $0xFFFFD900  }
0x6a: {  	_ =	sfence.sel $0x180000  }
0x6b: {  	[bflag:$0x0] =	sbarrier.arrive $0xFFFF  }
0x6c: {  	p0 =	sne.s32 s1, $0x0;
	_ =	strace $0x9000004D  }
0x6d: {  	s0 =	sadd.s32 @!p0 $0x100000, s2;
	[bflag:$0x2] =	sbarrier.arrive $0xFFFF  }
0x6e: {  	[sflag:s0] =	ssyncadd.tile.s32 @!p0 $0x1;
	_ =	shalt  }
.Lfunc_end2:
_tile_overlayer_lowered:
.L_overlay_start_2:
0x6f: {  	(tag) =	ssettag $0x2  }
0x70: {  	s0 =	rddreg [dreg:$0x0];
	s2 =	stileid.u32  }
0x71: {  	s1 =	rddreg [dreg:$0x1];
	p0 =	sne.s32 s2, $0x0  }
0x72: {  	s3 =	rddreg [dreg:$0x2];
	[bflag:$0x3] =	sbarrier.arrive $0xFFFF;
	s2 =	simm.s32 @!p0 $0x1C03  }
0x73: {  	[timem:s3], [sflag:s2] =	dma.local @!p0 [hbm:s0], s1  }
0x74: {  	s0 =	simm.s32 @!p0 $0x3  }
0x75: {  	_ =	swait.ge @!p0 [sflag:s0], s1  }
0x76: {  	s1 =	ssub.s32 @!p0 $0x0, s1;
	[sflag:s0] =	ssyncset.done @!p0 $0x0  }
0x77: {  	[sflag:s0] =	ssyncadd.s32 @!p0 s1  }
0x78: {  	[bflag:$0x3] =	sbarrier.arrive $0xFFFF  }
0x79: {  	_ =	shalt  }

// kernel: kernel.43.cloned.1.call-start
scs
__scs_entry_jumppad:
0x0: {  	(pc) =	sbr.rel $0x88, $3  }
0x1: {  	(tag) =	ssettag $0x0;
	lr =	simm.s32 $0x1  }
0x2: {  	[smem:$0x3F4F] =	sst lr;
	_ =	strace $0xD0000000  }
0x3: {  	_ = 	snop  }
0x4: {  	_ = 	snop  }
0x5: {  	_ = 	snop  }
0x6: {  	_ = 	snop  }
0x7: {  	_ = 	snop  }
__scs_overlays_trampoline_lowered:
0x8: {  	[smem:$0x3F5E] =	sst s0  }
0x9: {  	[smem:$0x3F5F] =	sst s1  }
0xa: {  	[smem:$0x3F60] =	sst s2  }
0xb: {  	[smem:$0x3F61] =	sst s3  }
0xc: {  	[smem:$0x3F62] =	sst s4  }
0xd: {  	[smem:$0x3F63] =	sst s5  }
0xe: {  	[smem:$0x3F64] =	sst s6  }
0xf: {  	[smem:$0x3F65] =	sst s7  }
0x10: {  	[smem:$0x3F66] =	sst s8  }
0x11: {  	[smem:$0x3F67] =	sst s9;
	s0 =	simm.s32 @!p0 $0x0  }
0x12: {  	s1 =	sld [smem:$0x3F4D];
	s0 =	simm.s32 @p0 $0x1  }
0x13: {  	[smem:$0x3F68] =	sst s0;
	s0 =	simm.s32 @!p1 $0x0  }
0x14: {  	s2 =	sld [smem:$0x3F4C];
	s0 =	simm.s32 @p1 $0x1  }
0x15: {  	[smem:$0x3F69] =	sst s0;
	s0 =	simm.s32 @!p2 $0x0  }
0x16: {  	s3 =	sld [smem:$0x3FDB];
	s0 =	simm.s32 @p2 $0x1  }
0x17: {  	s4 =	simm.s32 $0x1BF5;
	[smem:$0x3F6B] =	sst s0  }
0x18: {  	s0 =	sld [smem:$0x3F4E];
	_ =	swait.ge [sflag:s4], $0x0  }
0x19: {  	s7 =	sld [smem:$0x3F4F]  }
0x1a: {  	s8 =	sadd.s32 $0xFFFFE003, lr  }
0x1b: {  	s9 =	sadd.s32 $0xFFFFFEF7, lr;
	s5 =	simm.s32 $0xFFFFFFFF;
	p2 =	slt.u32 s8, $0xFFFFF086  }
0x1c: {  	p1 =	slt.u32 s9, $0xF7A;
	s5 =	simm.s32 @!p2 $0x0  }
0x1d: {  	s5 =	simm.s32 @p1 $0x1;
	p0 =	seq.s32 s7, s2  }
0x1e: {  	s7 =	smul.u32 @!p0 $0xF7A, s2;
	p2 =	seq.s32 @!p0 s5, $0x0  }
0x1f: {  	s9 =	smul.u32 $0xF7A, s1;
	s8 =	simm.s32 @!p0 $0x1BF5;
	p2 =	por !p2, p0  }
0x20: {  	[sflag:s8] =	ssyncset.s32 @!p0 $0xFFFFF086;
	s6 =	sadd.s32 @!p0 s3, s7;
	s7 =	simm.s32 @!p0 $0x108  }
0x21: {  	s3 =	sadd.s32 s3, s9;
	s6 =	sadd.s32 @!p0 $0x88, s6;
	s7 =	simm.s32 @p2 $0x1082  }
0x22: {  	[simem:s7], [sflag:s8] =	dma.local @!p0 [hbm:s6], $0xF7A  }
0x23: {  	s9 =	sor.u32 $0xD0000000, s2;
	s6 =	simm.s32 $0x108;
	_ =	swait.ge @!p0 [sflag:s8], $0x0  }
0x24: {  	s3 =	sadd.s32 $0x88, s3;
	s6 =	simm.s32 @!p1 $0x1082;
	[sflag:s4] =	ssyncset.s32 $0xFFFFF086  }
0x25: {  	[simem:s6], [sflag:s4] =	dma.local [hbm:s3], $0xF7A  }
0x26: {  	[smem:$0x3F4F] =	sst s1;
	(tag) =	ssettag s2;
	_ =	strace s9  }
0x27: {  	s1 =	sld [smem:$0x3F5F]  }
0x28: {  	s2 =	sld [smem:$0x3F60]  }
0x29: {  	s4 =	sld [smem:$0x3F62]  }
0x2a: {  	p0 =	seq.s32 s5, $0x0;
	s5 =	sld [smem:$0x3F63]  }
0x2b: {  	s6 =	sld [smem:$0x3F64]  }
0x2c: {  	s7 =	sld [smem:$0x3F65]  }
0x2d: {  	s3 =	simm.s32 $0x108;
	s8 =	sld [smem:$0x3F66]  }
0x2e: {  	s3 =	simm.s32 @!p0 $0x1082;
	s9 =	sld [smem:$0x3F67]  }
0x2f: {  	lr =	sadd.s32 s0, s3;
	s0 =	sld [smem:$0x3F5E]  }
0x30: {  	s3 =	sld [smem:$0x3F61]  }
0x31: {  	[smem:$0x3F6A] =	sst s10  }
0x32: {  	s10 =	sld [smem:$0x3F68];
	_ =	sdelay $0x3  }
0x33: {  	p0 =	seq.s32 s10, $0x1;
	s10 =	sld [smem:$0x3F6A];
	_ =	sdelay $0x3  }
0x34: {  	[smem:$0x3F6A] =	sst s10  }
0x35: {  	s10 =	sld [smem:$0x3F69];
	_ =	sdelay $0x3  }
0x36: {  	p1 =	seq.s32 s10, $0x1;
	s10 =	sld [smem:$0x3F6A];
	_ =	sdelay $0x3  }
0x37: {  	[smem:$0x3F6A] =	sst s10  }
0x38: {  	s10 =	sld [smem:$0x3F6B]  }
0x39: {  	_ = 	snop;
	(pc) =	sbr.ind lr, $3  }
0x3a: {  	_ = 	snop  }
0x3b: {  	_ = 	snop  }
0x3c: {  	p2 =	seq.s32 s10, $0x1;
	s10 =	sld [smem:$0x3F6A]  }
0x3d: {  	_ =	shalt  }
0x3e: {  	_ =	shalt  }
0x3f: {  	_ =	shalt  }
0x40: {  	_ =	shalt  }
0x41: {  	_ =	shalt  }
0x42: {  	_ =	shalt  }
0x43: {  	_ =	shalt  }
0x44: {  	_ =	shalt  }
0x45: {  	_ =	shalt  }
0x46: {  	_ =	shalt  }
0x47: {  	_ =	shalt  }
0x48: {  	_ =	shalt  }
0x49: {  	_ =	shalt  }
0x4a: {  	_ =	shalt  }
0x4b: {  	_ =	shalt  }
0x4c: {  	_ =	shalt  }
0x4d: {  	_ =	shalt  }
0x4e: {  	_ =	shalt  }
0x4f: {  	_ =	shalt  }
0x50: {  	_ =	shalt  }
0x51: {  	_ =	shalt  }
0x52: {  	_ =	shalt  }
0x53: {  	_ =	shalt  }
0x54: {  	_ =	shalt  }
0x55: {  	_ =	shalt  }
0x56: {  	_ =	shalt  }
0x57: {  	_ =	shalt  }
0x58: {  	_ =	shalt  }
0x59: {  	_ =	shalt  }
0x5a: {  	_ =	shalt  }
0x5b: {  	_ =	shalt  }
0x5c: {  	_ =	shalt  }
0x5d: {  	_ =	shalt  }
0x5e: {  	_ =	shalt  }
0x5f: {  	_ =	shalt  }
0x60: {  	_ =	shalt  }
0x61: {  	_ =	shalt  }
0x62: {  	_ =	shalt  }
0x63: {  	_ =	shalt  }
0x64: {  	_ =	shalt  }
0x65: {  	_ =	shalt  }
0x66: {  	_ =	shalt  }
0x67: {  	_ =	shalt  }
0x68: {  	_ =	shalt  }
0x69: {  	_ =	shalt  }
0x6a: {  	_ =	shalt  }
0x6b: {  	_ =	shalt  }
0x6c: {  	_ =	shalt  }
0x6d: {  	_ =	shalt  }
0x6e: {  	_ =	shalt  }
0x6f: {  	_ =	shalt  }
0x70: {  	_ =	shalt  }
0x71: {  	_ =	shalt  }
0x72: {  	_ =	shalt  }
0x73: {  	_ =	shalt  }
0x74: {  	_ =	shalt  }
0x75: {  	_ =	shalt  }
0x76: {  	_ =	shalt  }
0x77: {  	_ =	shalt  }
0x78: {  	_ =	shalt  }
0x79: {  	_ =	shalt  }
0x7a: {  	_ =	shalt  }
0x7b: {  	_ =	shalt  }
0x7c: {  	_ =	shalt  }
0x7d: {  	_ =	shalt  }
0x7e: {  	_ =	shalt  }
0x7f: {  	_ =	shalt  }
0x80: {  	_ =	shalt  }
0x81: {  	_ =	shalt  }
0x82: {  	_ =	shalt  }
0x83: {  	_ =	shalt  }
0x84: {  	_ =	shalt  }
0x85: {  	_ =	shalt  }
0x86: {  	_ =	shalt  }
0x87: {  	_ =	shalt  }
.Lfunc_end0:
.L_simem_size_0:
called_computation.4_lowered:
.L_overlay_start_0:
0x88: {  	s2 =	sld [smem:$0x3FD9]  }
0x89: {  	s3 =	sld [smem:$0x3FFE];
	_ =	sdelay $0x1  }
0x8a: {  	s1 =	srdreg.scid  }
0x8b: {  	s0 =	sand.u32 $0x1, s1  }
0x8c: {  	s15 =	sshll.u32 s0, $0xA;
	s2 =	sadd.s32 s3, s2  }
0x8d: {  	s2 =	sadd.s32 s2, s15  }
0x8e: {  	[smem:$0x3F76] =	sst s2  }
0x8f: {  	_ = 	snop  }
0x90: {  	s2 =	sld [smem:$0x3FD0];
	_ =	sdelay $0x2  }
0x91: {  	s4 =	simm.s32 $0xC;
	s16 =	simm.s32 $0x10  }
0x92: {  	[smem:s16], [sflag:s4] =	dma.local [hbm:s2], $0x1  }
0x93: {  	_ =	swait.eq [sflag:s4], $0x1  }
0x94: {  	[sflag:s4] =	ssyncset.done $0x0  }
0x95: {  	s17 =	sld [smem:$0x13];
	[sflag:s4] =	ssyncadd.s32 $0xFFFFFFFF  }
0x96: {  	s18 =	sld [smem:$0x15];
	(tm) =	ssettm $0x1  }
0x97: {  	s19 =	sld [smem:$0x3FFB];
	_ =	sdelay $0x3  }
0x98: {  	_ =	strace s19  }
0x99: {  	s2 =	sld [smem:$0x3FFC];
	_ =	sdelay $0x3  }
0x9a: {  	_ =	strace s2  }
0x9b: {  	s2 =	sld [smem:$0x3FFD];
	_ =	sdelay $0x3  }
0x9c: {  	_ =	strace s2  }
0x9d: {  	_ =	strace $0x8FFFFFFF  }
0x9e: {  	s20 =	sld [smem:$0x3FDB];
	_ =	sdelay $0x1  }
0x9f: {  	s5 =	simm.s32 $_scs_section_size  }
0xa0: {  	s6 =	simm.s32 $_size__tile_overlayer_lowered;
	s7 =	simm.s32 $_tile_overlayer_lowered  }
0xa1: {  	s8 =	simm.s32 $0x1BFF;
	s21 =	sshll.u32 s7, $0x1;
	s5 =	sadd.s32 s5, s20  }
0xa2: {  	s22 =	simm.s32 $0x0;
	s6 =	sshll.u32 s6, $0x1;
	s7 =	sadd.s32 s21, s5  }
0xa3: {  	[timem:s22], [sflag:s8] =	dma.local [hbm:s7], s6  }
0xa4: {  	_ =	swait.ge [sflag:s8], s6  }
0xa5: {  	s6 =	ssub.s32 $0x0, s6;
	[sflag:s8] =	ssyncset.done $0x0  }
0xa6: {  	[sflag:s8] =	ssyncadd.s32 s6;
	_ =	sdelay $0x1  }
0xa7: {  	s23 =	simm.s32 $0x1B8B  }
0xa8: {  	_ =	swait.ge [sflag:s23], $0x1  }
0xa9: {  	[sflag:s23] =	ssyncset.done $0x0  }
0xaa: {  	[sflag:s23] =	ssyncadd.s32 $0xFFFFFFFF  }
0xab: {  	s6 =	sld [smem:$0x0]  }
0xac: {  	s7 =	sand.u32 $0xFFFFFFFE, s1  }
0xad: {  	p0 =	sne.s32 s1, s7  }
0xae: {  	s7 =	sshll.u32 @p0 s7, $0xE  }
0xaf: {  	s7 =	sadd.s32 @p0 $0x11B8D, s7;
	s8 =	sshll.u32 @p0 s6, $0x11  }
0xb0: {  	s7 =	sor.u32 @p0 s8, s7  }
0xb1: {  	[sflag:s7] =	ssyncadd.remote.s32 @p0 $0x1;
	_ =	sdelay $0x1  }
0xb2: {  	s7 =	simm.s32 @p0 $0x1B8D  }
0xb3: {  	_ =	swait.eq @p0 [sflag:s7], $0x1  }
0xb4: {  	[sflag:s7] =	ssyncadd.s32 @p0 $0xFFFFFFFF  }
0xb5: {  	s8 =	sshll.u32 @!p0 s1, $0xE  }
0xb6: {  	s8 =	sor.u32 @!p0 $0x4000, s8;
	s7 =	simm.s32 @!p0 $0x1B8D  }
0xb7: {  	s6 =	sshll.u32 @!p0 s6, $0x11;
	s8 =	sadd.s32 @!p0 $0x11B8D, s8;
	_ =	swait.eq @!p0 [sflag:s7], $0x1  }
0xb8: {  	s6 =	sor.u32 @!p0 s6, s8;
	[sflag:s7] =	ssyncadd.s32 @!p0 $0xFFFFFFFF  }
0xb9: {  	s25 =	simm.s32 $0x1B8E;
	s24 =	sld [smem:$0x3FFE];
	[sflag:s6] =	ssyncadd.remote.s32 @!p0 $0x1  }
0xba: {  	s26 =	simm.s32 $execute0_lowered;
	[smem:$0x3FD2] =	sst s25  }
0xbb: {  	s7 =	sshll.u32 s26, $0x1;
	_ =	strace $0x8000004F;
	[dreg:$0x1] =	wrdreg $0xFFFFFFFF  }
0xbc: {  	s28 =	simm.s32 $_size_execute0_lowered;
	s5 =	sadd.s32 s5, s7;
	[dreg:$0x0] =	wrdreg $0x0  }
0xbd: {  	s7 =	sshll.u32 s28, $0x1;
	[dreg:$0x2] =	wrdreg s5  }
0xbe: {  	[dreg:$0x3] =	wrdreg s7  }
0xbf: {  	[dreg:$0x4] =	wrdreg $0xC0  }
0xc0: {  	_ =	task [dreg:s22], $0x5FFFF  }
0xc1: {  	[dreg:$0x1] =	wrdreg $0xFFFFFFFF  }
0xc2: {  	[dreg:$0x0] =	wrdreg $0x60  }
0xc3: {  	[dreg:$0x2] =	wrdreg s18  }
0xc4: {  	[dreg:$0x3] =	wrdreg s24  }
0xc5: {  	[dreg:$0x4] =	wrdreg s17  }
0xc6: {  	[dreg:$0x5] =	wrdreg $0xAC800  }
0xc7: {  	[dreg:$0x6] =	wrdreg $0xB  }
0xc8: {  	_ =	task.clear_ibuf [dreg:s22], $0x7FFFF;
	_ =	strace $0x9000004F  }
0xc9: {  	s29 =	simm.s32 $0xB;
	_ =	strace $0x80000051  }
0xca: {  	_ =	swait.ge [sflag:s29], $0x1  }
0xcb: {  	[sflag:s29] =	ssyncadd.s32 $0xFFFFFFFF  }
0xcc: {  	_ =	strace $0x90000051  }
0xcd: {  	_ =	sfence  }
0xce: {  	s30 =	sld [smem:$0x0];
	_ =	sdelay $0x2  }
0xcf: {  	s31 =	sshll.u32 s1, $0xD;
	s1 =	sshrl.u32 s1, $0x2  }
0xd0: {  	s4 =	sand.u32 $0x4000, s31;
	s1 =	sadd.s32 s1, s30  }
0xd1: {  	s0 =	sor.u32 s4, s0;
	s1 =	sshll.u32 s1, $0x11  }
0xd2: {  	s0 =	sor.u32 s1, s0  }
0xd3: {  	s0 =	sadd.s32 $0x8F2B, s0  }
0xd4: {  	[sflag:s0] =	ssyncadd.remote.s32 $0x1  }
0xd5: {  	_ =	sfence.sel $0xFFFF  }
0xd6: {  	[dreg:$0x0] =	wrdreg $0xFFFFFFFF;
	(pc) =	sbr.abs _section_cstart, $3  }
0xd7: {  	[dreg:$0x1] =	wrdreg $0xFFFFFFFF  }
0xd8: {  	_ =	task.clear_ibuf [dreg:s22], $0x2FFFF;
	_ =	strace $0x9FFFFFFF  }
0xd9: {  	(tm) =	ssettm $0x7FFFFFFF  }
tec
execute0_lowered:
.L_overlay_start_1:
0x0: {  	(tag) =	ssettag $0x1  }
0x1: {  	s0 =	rddreg [dreg:$0x0]  }
0x2: {  	s5 =	rddreg [dreg:$0x1]  }
0x3: {  	s1 =	srdreg.scid;
	s7 =	rddreg [dreg:$0x2]  }
0x4: {  	s3 =	rddreg [dreg:$0x3];
	s4 =	simm.s32 $0x0;
	s17 =	simm.s32 $0x80  }
0x5: {  	s18 =	simm.s32 $0x2C80;
	s19 =	simm.s32 $0x6C80;
	s20 =	simm.s32 $0x1  }
0x6: {  	s21 =	simm.s32 $0x2;
	s6 =	sand.u32 $0x1, s1;
	s1 =	stileid.u32  }
0x7: {  	s22 =	simm.s32 $0x2880;
	s23 =	simm.s32 $0x0;
	s11 =	smul.u32 $0x4E000, s1  }
0x8: {  	[smem:$0x7FF] =	sst s4;
	s12 =	sadd.s32 $0x83C00, s5;
	s13 =	smul.u32 $0x2700, s1  }
0x9: {  	s16 =	sadd.s32 $0x124800, s3;
	s2 =	sshll.u32 s6, $0x4;
	s28 =	smul.u32 $0x27100, s6  }
0xa: {  	s10 =	ssub.s32 $0x2, s6;
	s29 =	smul.u32 $0x138800, s6;
	s6 =	sadd.s32 $0x24900, s7  }
0xb: {  	p0 =	seq.s32 s1, $0xF;
	s8 =	sor.u32 s1, s2;
	s2 =	rddreg [dreg:$0x4]  }
0xc: {  	_ =	strace $0x80000050;
	s25 =	sshrl.u32 s10, $0x1;
	s9 =	smul.u32 $0x290, s8  }
0xd: {  	s8 =	smul.u32 $0x300, s8;
	s14 =	ssub.s32 s10, s25;
	s26 =	sshrl.u32 s11, $0x2  }
0xe: {  	s30 =	sadd.s32 s13, s28;
	s31 =	sshrl.u32 s29, $0x3;
	s15 =	sadd.s32 s26, s3  }
0xf: {  	s10 =	sadd.s32 s12, s31;
	s11 =	smax.u32 s14, $0x1;
	s9 =	sadd.s32 s9, s5  }
0x10: {  	s8 =	sadd.s32 s8, s5;
	s5 =	sadd.s32 s7, s13;
	s10 =	sadd.s32 $0x24900, s10  }
0x11: {  	s13 =	sshll.u32 @!p0 s1, $0x6;
	s14 =	sshrl.u32 @!p0 s15, $0x3;
	s15 =	simm.s32 $0x3  }
0x12: {  	s7 =	sadd.s32 $0x78A00, s9;
	s8 =	sadd.s32 $0x7DC00, s8;
	s9 =	sadd.s32 s12, s30  }
0x13: {  	s12 =	sshrl.u32 @p0 s16, $0x3;
	s13 =	sor.u32 @!p0 $0x1C03, s13;
	s16 =	simm.s32 $0x1480  }
.LBB2_1:
0x14: {  	s24 =	simm.s32 @p0 $0x1FC3  }
0x15: {  	[spmem:s12], [sflag:s24] =	dma.local @p0 [hbm:s6], $0x2800  }
0x16: {  	s24 =	simm.s32 @p0 $0x3  }
0x17: {  	_ =	swait.ge @p0 [sflag:s24], $0x2800  }
0x18: {  	[sflag:s24] =	ssyncset.done @p0 $0x0  }
0x19: {  	[sflag:s24] =	ssyncadd.s32 @p0 $0xFFFFD800;
	s24 =	simm.s32 @!p0 $0x3  }
0x1a: {  	[spmem:s14], [sflag:s13] =	dma.local @!p0 [hbm:s5], $0x2700  }
0x1b: {  	_ =	swait.ge @!p0 [sflag:s24], $0x2700  }
0x1c: {  	[sflag:s24] =	ssyncset.done @!p0 $0x0  }
0x1d: {  	[sflag:s24] =	ssyncadd.s32 @!p0 $0xFFFFD900  }
0x1e: {  	[tilespmem:s4], [sflag:$0x3] =	stream.linear.gather [hbm4b:s7+s4], $0x1480, $0x38;
	[tilespmem:$0x1ED00] =	vst v63  }
0x1f: {  	_ =	swait.ge [sflag:s15], $0x1480  }
0x20: {  	[sflag:s15] =	ssyncset.done $0x0  }
0x21: {  	[sflag:s15] =	ssyncadd.s32 $0xFFFFEB80  }
0x22: {  	[tilespmem:s16], [sflag:$0x3] =	stream.linear.gather [hbm4b:s8+s4], $0x1480, $0x38;
	[tilespmem:$0x1ED00] =	vst v63  }
0x23: {  	_ =	swait.ge [sflag:s15], $0x1480  }
0x24: {  	[sflag:s15] =	ssyncset.done $0x0  }
0x25: {  	[sflag:s15] =	ssyncadd.s32 $0xFFFFEB80  }
0x26: {  	[bflag:$0x0] =	sbarrier.arrive $0xFFFF  }
0x27: {  	[tilespmem:s18], [sflag:$0x1] =	stream.indirect.gather [hbm4b:s0+s17], $0x80, s4, s17, $0xb8;
	[tilespmem:$0x1ED00] =	vst v63  }
0x28: {  	s28 =	simm.s32 $0x80  }
0x29: {  	[tilespmem:s19], [sflag:$0x2] =	stream.indirect.gather [hbm4b:s0+s17], $0x80, s28, s17, $0xb8;
	[tilespmem:$0x1ED00] =	vst v63  }
0x2a: {  	_ =	swait.ge [sflag:s20], $0x4000  }
0x2b: {  	[sflag:s20] =	ssyncset.done $0x0  }
0x2c: {  	s29 =	simm.s32 $0x1480;
	[sflag:s20] =	ssyncadd.s32 $0xFFFFC000  }
0x2d: {  	[spmem:s3] =	stream.indirect.scatter.add.f32 [tilespmem:s18], [sflag:$0x3], $0x80, s29, s17, $0xb8;
	[tilespmem:$0x1ED00] =	vst v63  }
0x2e: {  	_ =	swait.ge [sflag:s15], $0x4000  }
0x2f: {  	[sflag:s15] =	ssyncset.done $0x0  }
0x30: {  	s30 =	simm.s32 $0x100;
	[sflag:s15] =	ssyncadd.s32 $0xFFFFC000  }
0x31: {  	[tilespmem:s18], [sflag:$0x1] =	stream.indirect.gather [hbm4b:s0+s17], $0x80, s30, s17, $0xb8;
	[tilespmem:$0x1ED00] =	vst v63  }
0x32: {  	_ =	swait.ge [sflag:s21], $0x4000  }
0x33: {  	[sflag:s21] =	ssyncset.done $0x0  }
0x34: {  	s31 =	simm.s32 $0x1500;
	[sflag:s21] =	ssyncadd.s32 $0xFFFFC000  }
0x35: {  	[spmem:s3] =	stream.indirect.scatter.add.f32 [tilespmem:s19], [sflag:$0x3], $0x80, s31, s17, $0xb8;
	[tilespmem:$0x1ED00] =	vst v63  }
0x36: {  	_ =	swait.ge [sflag:s15], $0x4000  }
0x37: {  	s25 =	simm.s32 $0x800;
	s24 =	simm.s32 $0x100;
	[sflag:s15] =	ssyncset.done $0x0  }
.LBB2_2:
0x38: {  	s26 =	sadd.s32 $0x80, s24  }
0x39: {  	[sflag:s15] =	ssyncadd.s32 $0xFFFFC000;
	s28 =	smov.u32 s25;
	s29 =	sadd.s32 $0x400, s25  }
0x3a: {  	[tilespmem:s19], [sflag:$0x2] =	stream.indirect.gather [hbm4b:s0+s17], $0x80, s26, s17, $0xb8;
	[tilespmem:$0x1ED00] =	vst v63  }
0x3b: {  	p1 =	sne.s32 s25, $0x4C00;
	_ =	swait.ge [sflag:s20], $0x4000  }
0x3c: {  	[sflag:s20] =	ssyncset.done $0x0  }
0x3d: {  	s25 =	sadd.s32 $0x1480, s24;
	[sflag:s20] =	ssyncadd.s32 $0xFFFFC000  }
0x3e: {  	[spmem:s3] =	stream.indirect.scatter.add.f32 [tilespmem:s18], [sflag:$0x3], $0x80, s25, s17, $0xb8;
	[tilespmem:$0x1ED00] =	vst v63  }
0x3f: {  	_ =	swait.ge [sflag:s15], $0x4000  }
0x40: {  	[sflag:s15] =	ssyncset.done $0x0  }
0x41: {  	s25 =	sadd.s32 $0x100, s24;
	[sflag:s15] =	ssyncadd.s32 $0xFFFFC000  }
0x42: {  	[tilespmem:s18], [sflag:$0x1] =	stream.indirect.gather [hbm4b:s0+s17], $0x80, s25, s17, $0xb8;
	[tilespmem:$0x1ED00] =	vst v63  }
0x43: {  	_ =	swait.ge [sflag:s21], $0x4000  }
.Ltmp0:
0x44: {  	[sflag:s21] =	ssyncset.done $0x0;
	(pc) =	sbr.rel @p1 .LBB2_2-.Ltmp0, $4  }
0x45: {  	s24 =	sadd.s32 $0x1500, s24;
	[sflag:s21] =	ssyncadd.s32 $0xFFFFC000  }
0x46: {  	[spmem:s3] =	stream.indirect.scatter.add.f32 [tilespmem:s19], [sflag:$0x3], $0x80, s24, s17, $0xb8;
	[tilespmem:$0x1ED00] =	vst v63  }
0x47: {  	_ =	swait.ge [sflag:s15], $0x4000  }
0x48: {  	s25 =	smov.u32 s29;
	s24 =	sshra.s32 s28, $0x2;
	[sflag:s15] =	ssyncset.done $0x0  }
0x49: {  	s25 =	sadd.s32 $0x80, s24;
	[sflag:s15] =	ssyncadd.s32 $0xFFFFC000  }
0x4a: {  	[tilespmem:s19], [sflag:$0x2] =	stream.indirect.gather [hbm4b:s0+s17], $0x80, s25, s17, $0xb8;
	[tilespmem:$0x1ED00] =	vst v63  }
0x4b: {  	_ =	swait.ge [sflag:s20], $0x4000  }
0x4c: {  	[sflag:s20] =	ssyncset.done $0x0  }
0x4d: {  	s29 =	sadd.s32 $0x1480, s24;
	[sflag:s20] =	ssyncadd.s32 $0xFFFFC000  }
0x4e: {  	[spmem:s3] =	stream.indirect.scatter.add.f32 [tilespmem:s18], [sflag:$0x3], $0x80, s29, s17, $0xb8;
	[tilespmem:$0x1ED00] =	vst v63  }
0x4f: {  	_ =	swait.ge [sflag:s15], $0x4000  }
0x50: {  	[sflag:s15] =	ssyncset.done $0x0  }
0x51: {  	s30 =	sadd.s32 $0x100, s24;
	[sflag:s15] =	ssyncadd.s32 $0xFFFFC000  }
0x52: {  	[tilespmem:s18], [sflag:$0x1] =	stream.indirect.gather [hbm4b:s0+s17], $0x80, s30, s17, $0xb8;
	[tilespmem:$0x1ED00] =	vst v63  }
0x53: {  	_ =	swait.ge [sflag:s21], $0x4000  }
0x54: {  	[sflag:s21] =	ssyncset.done $0x0  }
0x55: {  	s31 =	sadd.s32 $0x1500, s24;
	[sflag:s21] =	ssyncadd.s32 $0xFFFFC000  }
0x56: {  	[spmem:s3] =	stream.indirect.scatter.add.f32 [tilespmem:s19], [sflag:$0x3], $0x80, s31, s17, $0xb8;
	[tilespmem:$0x1ED00] =	vst v63  }
0x57: {  	_ =	swait.ge [sflag:s15], $0x4000  }
0x58: {  	[sflag:s15] =	ssyncset.done $0x0  }
0x59: {  	[sflag:s15] =	ssyncadd.s32 $0xFFFFC000  }
0x5a: {  	_ =	swait.ge [sflag:s20], $0x4000  }
0x5b: {  	[sflag:s20] =	ssyncset.done $0x0  }
0x5c: {  	[sflag:s20] =	ssyncadd.s32 $0xFFFFC000  }
0x5d: {  	[spmem:s3] =	stream.indirect.scatter.add.f32 [tilespmem:s18], [sflag:$0x3], $0x80, s22, s17, $0xb8;
	[tilespmem:$0x1ED00] =	vst v63  }
0x5e: {  	_ =	swait.ge [sflag:s15], $0x4000  }
0x5f: {  	[sflag:s15] =	ssyncset.done $0x0  }
0x60: {  	[sflag:s15] =	ssyncadd.s32 $0xFFFFC000  }
0x61: {  	s24 =	simm.s32 @p0 $0x1FC3;
	[bflag:$0x0] =	sbarrier.arrive $0xFFFF  }
0x62: {  	[hbm:s10], [sflag:s24] =	dma.local @p0 [spmem:s12], $0x2800  }
0x63: {  	s24 =	simm.s32 @p0 $0x3  }
0x64: {  	s23 =	sadd.s32 $0x1, s23;
	_ =	swait.ge @p0 [sflag:s24], $0x2800  }
0x65: {  	p1 =	sne.s32 s23, s11;
	[sflag:s24] =	ssyncset.done @p0 $0x0  }
.Ltmp1:
0x66: {  	[sflag:s24] =	ssyncadd.s32 @p0 $0xFFFFD800;
	s24 =	simm.s32 @!p0 $0x3;
	(pc) =	sbr.rel @p1 .LBB2_1-.Ltmp1, $4  }
0x67: {  	[hbm:s9], [sflag:s13] =	dma.local @!p0 [spmem:s14], $0x2700  }
0x68: {  	_ =	swait.ge @!p0 [sflag:s24], $0x2700  }
0x69: {  	[sflag:s24] =	ssyncset.done @!p0 $0x0  }
0x6a: {  	[sflag:s24] =	ssyncadd.s32 @!p0 $0xFFFFD900  }
0x6b: {  	_ =	sfence.sel $0x180000  }
0x6c: {  	[bflag:$0x0] =	sbarrier.arrive $0xFFFF  }
0x6d: {  	p0 =	sne.s32 s1, $0x0;
	_ =	strace $0x90000050  }
0x6e: {  	s0 =	sadd.s32 @!p0 $0x100000, s2;
	[bflag:$0x2] =	sbarrier.arrive $0xFFFF  }
0x6f: {  	[sflag:s0] =	ssyncadd.tile.s32 @!p0 $0x1;
	_ =	shalt  }
.Lfunc_end2:
_tile_overlayer_lowered:
.L_overlay_start_2:
0x70: {  	(tag) =	ssettag $0x2  }
0x71: {  	s0 =	rddreg [dreg:$0x0];
	s2 =	stileid.u32  }
0x72: {  	s1 =	rddreg [dreg:$0x1];
	p0 =	sne.s32 s2, $0x0  }
0x73: {  	s3 =	rddreg [dreg:$0x2];
	[bflag:$0x3] =	sbarrier.arrive $0xFFFF;
	s2 =	simm.s32 @!p0 $0x1C03  }
0x74: {  	[timem:s3], [sflag:s2] =	dma.local @!p0 [hbm:s0], s1  }
0x75: {  	s0 =	simm.s32 @!p0 $0x3  }
0x76: {  	_ =	swait.ge @!p0 [sflag:s0], s1  }
0x77: {  	s1 =	ssub.s32 @!p0 $0x0, s1;
	[sflag:s0] =	ssyncset.done @!p0 $0x0  }
0x78: {  	[sflag:s0] =	ssyncadd.s32 @!p0 s1  }
0x79: {  	[bflag:$0x3] =	sbarrier.arrive $0xFFFF  }
0x7a: {  	_ =	shalt  }

// kernel: kernel.46.cloned.1.call-start
scs
__scs_entry_jumppad:
0x0: {  	(pc) =	sbr.rel $0x88, $3  }
0x1: {  	(tag) =	ssettag $0x0;
	lr =	simm.s32 $0x1  }
0x2: {  	[smem:$0x3F4F] =	sst lr;
	_ =	strace $0xD0000000  }
0x3: {  	_ = 	snop  }
0x4: {  	_ = 	snop  }
0x5: {  	_ = 	snop  }
0x6: {  	_ = 	snop  }
0x7: {  	_ = 	snop  }
__scs_overlays_trampoline_lowered:
0x8: {  	[smem:$0x3F5E] =	sst s0  }
0x9: {  	[smem:$0x3F5F] =	sst s1  }
0xa: {  	[smem:$0x3F60] =	sst s2  }
0xb: {  	[smem:$0x3F61] =	sst s3  }
0xc: {  	[smem:$0x3F62] =	sst s4  }
0xd: {  	[smem:$0x3F63] =	sst s5  }
0xe: {  	[smem:$0x3F64] =	sst s6  }
0xf: {  	[smem:$0x3F65] =	sst s7  }
0x10: {  	[smem:$0x3F66] =	sst s8  }
0x11: {  	[smem:$0x3F67] =	sst s9;
	s0 =	simm.s32 @!p0 $0x0  }
0x12: {  	s1 =	sld [smem:$0x3F4D];
	s0 =	simm.s32 @p0 $0x1  }
0x13: {  	[smem:$0x3F68] =	sst s0;
	s0 =	simm.s32 @!p1 $0x0  }
0x14: {  	s2 =	sld [smem:$0x3F4C];
	s0 =	simm.s32 @p1 $0x1  }
0x15: {  	[smem:$0x3F69] =	sst s0;
	s0 =	simm.s32 @!p2 $0x0  }
0x16: {  	s3 =	sld [smem:$0x3FDB];
	s0 =	simm.s32 @p2 $0x1  }
0x17: {  	s4 =	simm.s32 $0x1BF5;
	[smem:$0x3F6B] =	sst s0  }
0x18: {  	s0 =	sld [smem:$0x3F4E];
	_ =	swait.ge [sflag:s4], $0x0  }
0x19: {  	s7 =	sld [smem:$0x3F4F]  }
0x1a: {  	s8 =	sadd.s32 $0xFFFFE003, lr  }
0x1b: {  	s9 =	sadd.s32 $0xFFFFFEF7, lr;
	s5 =	simm.s32 $0xFFFFFFFF;
	p2 =	slt.u32 s8, $0xFFFFF086  }
0x1c: {  	p1 =	slt.u32 s9, $0xF7A;
	s5 =	simm.s32 @!p2 $0x0  }
0x1d: {  	s5 =	simm.s32 @p1 $0x1;
	p0 =	seq.s32 s7, s2  }
0x1e: {  	s7 =	smul.u32 @!p0 $0xF7A, s2;
	p2 =	seq.s32 @!p0 s5, $0x0  }
0x1f: {  	s9 =	smul.u32 $0xF7A, s1;
	s8 =	simm.s32 @!p0 $0x1BF5;
	p2 =	por !p2, p0  }
0x20: {  	[sflag:s8] =	ssyncset.s32 @!p0 $0xFFFFF086;
	s6 =	sadd.s32 @!p0 s3, s7;
	s7 =	simm.s32 @!p0 $0x108  }
0x21: {  	s3 =	sadd.s32 s3, s9;
	s6 =	sadd.s32 @!p0 $0x88, s6;
	s7 =	simm.s32 @p2 $0x1082  }
0x22: {  	[simem:s7], [sflag:s8] =	dma.local @!p0 [hbm:s6], $0xF7A  }
0x23: {  	s9 =	sor.u32 $0xD0000000, s2;
	s6 =	simm.s32 $0x108;
	_ =	swait.ge @!p0 [sflag:s8], $0x0  }
0x24: {  	s3 =	sadd.s32 $0x88, s3;
	s6 =	simm.s32 @!p1 $0x1082;
	[sflag:s4] =	ssyncset.s32 $0xFFFFF086  }
0x25: {  	[simem:s6], [sflag:s4] =	dma.local [hbm:s3], $0xF7A  }
0x26: {  	[smem:$0x3F4F] =	sst s1;
	(tag) =	ssettag s2;
	_ =	strace s9  }
0x27: {  	s1 =	sld [smem:$0x3F5F]  }
0x28: {  	s2 =	sld [smem:$0x3F60]  }
0x29: {  	s4 =	sld [smem:$0x3F62]  }
0x2a: {  	p0 =	seq.s32 s5, $0x0;
	s5 =	sld [smem:$0x3F63]  }
0x2b: {  	s6 =	sld [smem:$0x3F64]  }
0x2c: {  	s7 =	sld [smem:$0x3F65]  }
0x2d: {  	s3 =	simm.s32 $0x108;
	s8 =	sld [smem:$0x3F66]  }
0x2e: {  	s3 =	simm.s32 @!p0 $0x1082;
	s9 =	sld [smem:$0x3F67]  }
0x2f: {  	lr =	sadd.s32 s0, s3;
	s0 =	sld [smem:$0x3F5E]  }
0x30: {  	s3 =	sld [smem:$0x3F61]  }
0x31: {  	[smem:$0x3F6A] =	sst s10  }
0x32: {  	s10 =	sld [smem:$0x3F68];
	_ =	sdelay $0x3  }
0x33: {  	p0 =	seq.s32 s10, $0x1;
	s10 =	sld [smem:$0x3F6A];
	_ =	sdelay $0x3  }
0x34: {  	[smem:$0x3F6A] =	sst s10  }
0x35: {  	s10 =	sld [smem:$0x3F69];
	_ =	sdelay $0x3  }
0x36: {  	p1 =	seq.s32 s10, $0x1;
	s10 =	sld [smem:$0x3F6A];
	_ =	sdelay $0x3  }
0x37: {  	[smem:$0x3F6A] =	sst s10  }
0x38: {  	s10 =	sld [smem:$0x3F6B]  }
0x39: {  	_ = 	snop;
	(pc) =	sbr.ind lr, $3  }
0x3a: {  	_ = 	snop  }
0x3b: {  	_ = 	snop  }
0x3c: {  	p2 =	seq.s32 s10, $0x1;
	s10 =	sld [smem:$0x3F6A]  }
0x3d: {  	_ =	shalt  }
0x3e: {  	_ =	shalt  }
0x3f: {  	_ =	shalt  }
0x40: {  	_ =	shalt  }
0x41: {  	_ =	shalt  }
0x42: {  	_ =	shalt  }
0x43: {  	_ =	shalt  }
0x44: {  	_ =	shalt  }
0x45: {  	_ =	shalt  }
0x46: {  	_ =	shalt  }
0x47: {  	_ =	shalt  }
0x48: {  	_ =	shalt  }
0x49: {  	_ =	shalt  }
0x4a: {  	_ =	shalt  }
0x4b: {  	_ =	shalt  }
0x4c: {  	_ =	shalt  }
0x4d: {  	_ =	shalt  }
0x4e: {  	_ =	shalt  }
0x4f: {  	_ =	shalt  }
0x50: {  	_ =	shalt  }
0x51: {  	_ =	shalt  }
0x52: {  	_ =	shalt  }
0x53: {  	_ =	shalt  }
0x54: {  	_ =	shalt  }
0x55: {  	_ =	shalt  }
0x56: {  	_ =	shalt  }
0x57: {  	_ =	shalt  }
0x58: {  	_ =	shalt  }
0x59: {  	_ =	shalt  }
0x5a: {  	_ =	shalt  }
0x5b: {  	_ =	shalt  }
0x5c: {  	_ =	shalt  }
0x5d: {  	_ =	shalt  }
0x5e: {  	_ =	shalt  }
0x5f: {  	_ =	shalt  }
0x60: {  	_ =	shalt  }
0x61: {  	_ =	shalt  }
0x62: {  	_ =	shalt  }
0x63: {  	_ =	shalt  }
0x64: {  	_ =	shalt  }
0x65: {  	_ =	shalt  }
0x66: {  	_ =	shalt  }
0x67: {  	_ =	shalt  }
0x68: {  	_ =	shalt  }
0x69: {  	_ =	shalt  }
0x6a: {  	_ =	shalt  }
0x6b: {  	_ =	shalt  }
0x6c: {  	_ =	shalt  }
0x6d: {  	_ =	shalt  }
0x6e: {  	_ =	shalt  }
0x6f: {  	_ =	shalt  }
0x70: {  	_ =	shalt  }
0x71: {  	_ =	shalt  }
0x72: {  	_ =	shalt  }
0x73: {  	_ =	shalt  }
0x74: {  	_ =	shalt  }
0x75: {  	_ =	shalt  }
0x76: {  	_ =	shalt  }
0x77: {  	_ =	shalt  }
0x78: {  	_ =	shalt  }
0x79: {  	_ =	shalt  }
0x7a: {  	_ =	shalt  }
0x7b: {  	_ =	shalt  }
0x7c: {  	_ =	shalt  }
0x7d: {  	_ =	shalt  }
0x7e: {  	_ =	shalt  }
0x7f: {  	_ =	shalt  }
0x80: {  	_ =	shalt  }
0x81: {  	_ =	shalt  }
0x82: {  	_ =	shalt  }
0x83: {  	_ =	shalt  }
0x84: {  	_ =	shalt  }
0x85: {  	_ =	shalt  }
0x86: {  	_ =	shalt  }
0x87: {  	_ =	shalt  }
.Lfunc_end0:
.L_simem_size_0:
called_computation.5_lowered:
.L_overlay_start_0:
0x88: {  	s2 =	sld [smem:$0x3FD9]  }
0x89: {  	s3 =	sld [smem:$0x3FFE];
	_ =	sdelay $0x1  }
0x8a: {  	s1 =	srdreg.scid  }
0x8b: {  	s0 =	sand.u32 $0x1, s1  }
0x8c: {  	s15 =	sshll.u32 s0, $0xA;
	s2 =	sadd.s32 s3, s2  }
0x8d: {  	s2 =	sadd.s32 s2, s15  }
0x8e: {  	[smem:$0x3F76] =	sst s2  }
0x8f: {  	_ = 	snop  }
0x90: {  	s2 =	sld [smem:$0x3FD0];
	_ =	sdelay $0x2  }
0x91: {  	s4 =	simm.s32 $0xC;
	s16 =	simm.s32 $0x10  }
0x92: {  	[smem:s16], [sflag:s4] =	dma.local [hbm:s2], $0x1  }
0x93: {  	_ =	swait.eq [sflag:s4], $0x1  }
0x94: {  	[sflag:s4] =	ssyncset.done $0x0  }
0x95: {  	s17 =	sld [smem:$0x11];
	[sflag:s4] =	ssyncadd.s32 $0xFFFFFFFF  }
0x96: {  	s18 =	sld [smem:$0x13];
	(tm) =	ssettm $0x1  }
0x97: {  	s19 =	sld [smem:$0x3FFB];
	_ =	sdelay $0x3  }
0x98: {  	_ =	strace s19  }
0x99: {  	s2 =	sld [smem:$0x3FFC];
	_ =	sdelay $0x3  }
0x9a: {  	_ =	strace s2  }
0x9b: {  	s2 =	sld [smem:$0x3FFD];
	_ =	sdelay $0x3  }
0x9c: {  	_ =	strace s2  }
0x9d: {  	_ =	strace $0x8FFFFFFF  }
0x9e: {  	s20 =	sld [smem:$0x3FDB];
	_ =	sdelay $0x1  }
0x9f: {  	s5 =	simm.s32 $_scs_section_size  }
0xa0: {  	s6 =	simm.s32 $_size__tile_overlayer_lowered;
	s7 =	simm.s32 $_tile_overlayer_lowered  }
0xa1: {  	s8 =	simm.s32 $0x1BFF;
	s21 =	sshll.u32 s7, $0x1;
	s5 =	sadd.s32 s5, s20  }
0xa2: {  	s22 =	simm.s32 $0x0;
	s6 =	sshll.u32 s6, $0x1;
	s7 =	sadd.s32 s21, s5  }
0xa3: {  	[timem:s22], [sflag:s8] =	dma.local [hbm:s7], s6  }
0xa4: {  	_ =	swait.ge [sflag:s8], s6  }
0xa5: {  	s6 =	ssub.s32 $0x0, s6;
	[sflag:s8] =	ssyncset.done $0x0  }
0xa6: {  	[sflag:s8] =	ssyncadd.s32 s6;
	_ =	sdelay $0x1  }
0xa7: {  	s23 =	simm.s32 $0x1B8B  }
0xa8: {  	_ =	swait.ge [sflag:s23], $0x1  }
0xa9: {  	[sflag:s23] =	ssyncset.done $0x0  }
0xaa: {  	[sflag:s23] =	ssyncadd.s32 $0xFFFFFFFF  }
0xab: {  	s6 =	sld [smem:$0x0]  }
0xac: {  	s7 =	sand.u32 $0xFFFFFFFE, s1  }
0xad: {  	p0 =	sne.s32 s1, s7  }
0xae: {  	s7 =	sshll.u32 @p0 s7, $0xE  }
0xaf: {  	s7 =	sadd.s32 @p0 $0x11B8D, s7;
	s8 =	sshll.u32 @p0 s6, $0x11  }
0xb0: {  	s7 =	sor.u32 @p0 s8, s7  }
0xb1: {  	[sflag:s7] =	ssyncadd.remote.s32 @p0 $0x1;
	_ =	sdelay $0x1  }
0xb2: {  	s7 =	simm.s32 @p0 $0x1B8D  }
0xb3: {  	_ =	swait.eq @p0 [sflag:s7], $0x1  }
0xb4: {  	[sflag:s7] =	ssyncadd.s32 @p0 $0xFFFFFFFF  }
0xb5: {  	s8 =	sshll.u32 @!p0 s1, $0xE  }
0xb6: {  	s8 =	sor.u32 @!p0 $0x4000, s8;
	s7 =	simm.s32 @!p0 $0x1B8D  }
0xb7: {  	s6 =	sshll.u32 @!p0 s6, $0x11;
	s8 =	sadd.s32 @!p0 $0x11B8D, s8;
	_ =	swait.eq @!p0 [sflag:s7], $0x1  }
0xb8: {  	s6 =	sor.u32 @!p0 s6, s8;
	[sflag:s7] =	ssyncadd.s32 @!p0 $0xFFFFFFFF  }
0xb9: {  	s25 =	simm.s32 $0x1B8E;
	s24 =	sld [smem:$0x3FFE];
	[sflag:s6] =	ssyncadd.remote.s32 @!p0 $0x1  }
0xba: {  	s26 =	simm.s32 $execute0_lowered;
	[smem:$0x3FD2] =	sst s25  }
0xbb: {  	s7 =	sshll.u32 s26, $0x1;
	_ =	strace $0x80000055;
	[dreg:$0x1] =	wrdreg $0xFFFFFFFF  }
0xbc: {  	s28 =	simm.s32 $_size_execute0_lowered;
	s5 =	sadd.s32 s5, s7;
	[dreg:$0x0] =	wrdreg $0x0  }
0xbd: {  	s7 =	sshll.u32 s28, $0x1;
	[dreg:$0x2] =	wrdreg s5  }
0xbe: {  	[dreg:$0x3] =	wrdreg s7  }
0xbf: {  	[dreg:$0x4] =	wrdreg $0xC0  }
0xc0: {  	_ =	task [dreg:s22], $0x5FFFF  }
0xc1: {  	[dreg:$0x1] =	wrdreg $0xFFFFFFFF  }
0xc2: {  	[dreg:$0x0] =	wrdreg $0x60  }
0xc3: {  	[dreg:$0x2] =	wrdreg s17  }
0xc4: {  	[dreg:$0x3] =	wrdreg s24  }
0xc5: {  	[dreg:$0x4] =	wrdreg s18  }
0xc6: {  	[dreg:$0x5] =	wrdreg $0xBF800  }
0xc7: {  	[dreg:$0x6] =	wrdreg $0xA  }
0xc8: {  	_ =	task.clear_ibuf [dreg:s22], $0x7FFFF;
	_ =	strace $0x90000055  }
0xc9: {  	s29 =	simm.s32 $0xA;
	_ =	strace $0x80000057  }
0xca: {  	_ =	swait.ge [sflag:s29], $0x1  }
0xcb: {  	[sflag:s29] =	ssyncadd.s32 $0xFFFFFFFF  }
0xcc: {  	_ =	strace $0x90000057  }
0xcd: {  	_ =	sfence  }
0xce: {  	s30 =	sld [smem:$0x0];
	_ =	sdelay $0x2  }
0xcf: {  	s31 =	sshll.u32 s1, $0xD;
	s1 =	sshrl.u32 s1, $0x2  }
0xd0: {  	s4 =	sand.u32 $0x4000, s31;
	s1 =	sadd.s32 s1, s30  }
0xd1: {  	s0 =	sor.u32 s4, s0;
	s1 =	sshll.u32 s1, $0x11  }
0xd2: {  	s0 =	sor.u32 s1, s0  }
0xd3: {  	s0 =	sadd.s32 $0x8F2B, s0  }
0xd4: {  	[sflag:s0] =	ssyncadd.remote.s32 $0x1  }
0xd5: {  	_ =	sfence.sel $0xFFFF  }
0xd6: {  	[dreg:$0x0] =	wrdreg $0xFFFFFFFF;
	(pc) =	sbr.abs _section_cstart, $3  }
0xd7: {  	[dreg:$0x1] =	wrdreg $0xFFFFFFFF  }
0xd8: {  	_ =	task.clear_ibuf [dreg:s22], $0x2FFFF;
	_ =	strace $0x9FFFFFFF  }
0xd9: {  	(tm) =	ssettm $0x7FFFFFFF  }
tec
execute0_lowered:
.L_overlay_start_1:
0x0: {  	(tag) =	ssettag $0x1  }
0x1: {  	s0 =	rddreg [dreg:$0x0]  }
0x2: {  	s5 =	rddreg [dreg:$0x1]  }
0x3: {  	s1 =	srdreg.scid;
	s7 =	rddreg [dreg:$0x2]  }
0x4: {  	s3 =	rddreg [dreg:$0x3];
	s4 =	simm.s32 $0x0;
	s17 =	simm.s32 $0x60  }
0x5: {  	s18 =	simm.s32 $0x5F80;
	s19 =	simm.s32 $0x8F80;
	s20 =	simm.s32 $0x1  }
0x6: {  	s21 =	simm.s32 $0x2;
	s6 =	sand.u32 $0x1, s1;
	s1 =	stileid.u32  }
0x7: {  	s22 =	simm.s32 $0x5B80;
	s23 =	simm.s32 $0x0;
	s11 =	smul.u32 $0x4E000, s1  }
0x8: {  	[smem:$0x7FF] =	sst s4;
	s12 =	sadd.s32 $0x2A800, s5;
	s13 =	smul.u32 $0x2700, s1  }
0x9: {  	s16 =	sadd.s32 $0x124800, s3;
	s2 =	sshll.u32 s6, $0x4;
	s28 =	smul.u32 $0x27100, s6  }
0xa: {  	s10 =	ssub.s32 $0x2, s6;
	s29 =	smul.u32 $0x138800, s6;
	s6 =	sadd.s32 $0x24900, s7  }
0xb: {  	p0 =	seq.s32 s1, $0xF;
	s8 =	sor.u32 s1, s2;
	s2 =	rddreg [dreg:$0x4]  }
0xc: {  	_ =	strace $0x80000056;
	s25 =	sshrl.u32 s10, $0x1;
	s9 =	smul.u32 $0x4EC, s8  }
0xd: {  	s8 =	smul.u32 $0x700, s8;
	s14 =	ssub.s32 s10, s25;
	s26 =	sshrl.u32 s11, $0x2  }
0xe: {  	s30 =	sadd.s32 s13, s28;
	s31 =	sshrl.u32 s29, $0x3;
	s15 =	sadd.s32 s26, s3  }
0xf: {  	s10 =	sadd.s32 s12, s31;
	s11 =	smax.u32 s14, $0x1;
	s9 =	sadd.s32 s9, s5  }
0x10: {  	s8 =	sadd.s32 s8, s5;
	s5 =	sadd.s32 s7, s13;
	s10 =	sadd.s32 $0x24900, s10  }
0x11: {  	s13 =	sshll.u32 @!p0 s1, $0x6;
	s14 =	sshrl.u32 @!p0 s15, $0x3;
	s15 =	simm.s32 $0x3  }
0x12: {  	s7 =	sadd.s32 $0x12A00, s9;
	s8 =	sadd.s32 $0x1C800, s8;
	s9 =	sadd.s32 s12, s30  }
0x13: {  	s12 =	sshrl.u32 @p0 s16, $0x3;
	s13 =	sor.u32 @!p0 $0x1C03, s13;
	s16 =	simm.s32 $0x2780  }
.LBB2_1:
0x14: {  	s24 =	simm.s32 @p0 $0x1FC3  }
0x15: {  	[spmem:s12], [sflag:s24] =	dma.local @p0 [hbm:s6], $0x2800  }
0x16: {  	s24 =	simm.s32 @p0 $0x3  }
0x17: {  	_ =	swait.ge @p0 [sflag:s24], $0x2800  }
0x18: {  	[sflag:s24] =	ssyncset.done @p0 $0x0  }
0x19: {  	[sflag:s24] =	ssyncadd.s32 @p0 $0xFFFFD800;
	s24 =	simm.s32 @!p0 $0x3  }
0x1a: {  	[spmem:s14], [sflag:s13] =	dma.local @!p0 [hbm:s5], $0x2700  }
0x1b: {  	_ =	swait.ge @!p0 [sflag:s24], $0x2700  }
0x1c: {  	[sflag:s24] =	ssyncset.done @!p0 $0x0  }
0x1d: {  	[sflag:s24] =	ssyncadd.s32 @!p0 $0xFFFFD900  }
0x1e: {  	[tilespmem:s4], [sflag:$0x3] =	stream.linear.gather [hbm4b:s7+s4], $0x2760, $0x38;
	[tilespmem:$0x1FC00] =	vst v63  }
0x1f: {  	_ =	swait.ge [sflag:s15], $0x2760  }
0x20: {  	[sflag:s15] =	ssyncset.done $0x0  }
0x21: {  	[sflag:s15] =	ssyncadd.s32 $0xFFFFD8A0  }
0x22: {  	[tilespmem:s16], [sflag:$0x3] =	stream.linear.gather [hbm4b:s8+s4], $0x3480, $0x38;
	[tilespmem:$0x1FC00] =	vst v63  }
0x23: {  	_ =	swait.ge [sflag:s15], $0x3480  }
0x24: {  	[sflag:s15] =	ssyncset.done $0x0  }
0x25: {  	[sflag:s15] =	ssyncadd.s32 $0xFFFFCB80  }
0x26: {  	[bflag:$0x0] =	sbarrier.arrive $0xFFFF  }
0x27: {  	[tilespmem:s18], [sflag:$0x1] =	stream.indirect.gather [hbm4b:s0+s17], $0x80, s4, s17, $0xb8;
	[tilespmem:$0x1FC00] =	vst v63  }
0x28: {  	s28 =	simm.s32 $0x60  }
0x29: {  	[tilespmem:s19], [sflag:$0x2] =	stream.indirect.gather [hbm4b:s0+s17], $0x80, s28, s17, $0xb8;
	[tilespmem:$0x1FC00] =	vst v63  }
0x2a: {  	_ =	swait.ge [sflag:s20], $0x3000  }
0x2b: {  	[sflag:s20] =	ssyncset.done $0x0  }
0x2c: {  	s29 =	simm.s32 $0x2780;
	[sflag:s20] =	ssyncadd.s32 $0xFFFFD000  }
0x2d: {  	[spmem:s3] =	stream.indirect.scatter.add.f32 [tilespmem:s18], [sflag:$0x3], $0x80, s29, s17, $0xb8;
	[tilespmem:$0x1FC00] =	vst v63  }
0x2e: {  	_ =	swait.ge [sflag:s15], $0x3000  }
0x2f: {  	[sflag:s15] =	ssyncset.done $0x0  }
0x30: {  	s30 =	simm.s32 $0xC0;
	[sflag:s15] =	ssyncadd.s32 $0xFFFFD000  }
0x31: {  	[tilespmem:s18], [sflag:$0x1] =	stream.indirect.gather [hbm4b:s0+s17], $0x80, s30, s17, $0xb8;
	[tilespmem:$0x1FC00] =	vst v63  }
0x32: {  	_ =	swait.ge [sflag:s21], $0x3000  }
0x33: {  	[sflag:s21] =	ssyncset.done $0x0  }
0x34: {  	s31 =	simm.s32 $0x2800;
	[sflag:s21] =	ssyncadd.s32 $0xFFFFD000  }
0x35: {  	[spmem:s3] =	stream.indirect.scatter.add.f32 [tilespmem:s19], [sflag:$0x3], $0x80, s31, s17, $0xb8;
	[tilespmem:$0x1FC00] =	vst v63  }
0x36: {  	s25 =	simm.s32 $0x400;
	_ =	swait.ge [sflag:s15], $0x3000  }
0x37: {  	s26 =	simm.s32 $0x800;
	s24 =	simm.s32 $0x180;
	[sflag:s15] =	ssyncset.done $0x0  }
.LBB2_2:
0x38: {  	p1 =	sne.s32 s26, $0xCC00;
	s28 =	sadd.s32 $0xFFFFFFA0, s24;
	[sflag:s15] =	ssyncadd.s32 $0xFFFFD000  }
0x39: {  	[tilespmem:s19], [sflag:$0x2] =	stream.indirect.gather [hbm4b:s0+s17], $0x80, s28, s17, $0xb8;
	[tilespmem:$0x1FC00] =	vst v63  }
0x3a: {  	s28 =	smov.u32 s26;
	s26 =	sadd.s32 $0x400, s26;
	_ =	swait.ge [sflag:s20], $0x3000  }
0x3b: {  	s29 =	sshra.s32 s25, $0x2;
	s25 =	smov.u32 s28;
	[sflag:s20] =	ssyncset.done $0x0  }
0x3c: {  	s28 =	sadd.s32 $0x2780, s29;
	[sflag:s20] =	ssyncadd.s32 $0xFFFFD000  }
0x3d: {  	[spmem:s3] =	stream.indirect.scatter.add.f32 [tilespmem:s18], [sflag:$0x3], $0x80, s28, s17, $0xb8;
	[tilespmem:$0x1FC00] =	vst v63  }
0x3e: {  	_ =	swait.ge [sflag:s15], $0x3000  }
0x3f: {  	[sflag:s15] =	ssyncset.done $0x0  }
0x40: {  	[sflag:s15] =	ssyncadd.s32 $0xFFFFD000  }
0x41: {  	[tilespmem:s18], [sflag:$0x1] =	stream.indirect.gather [hbm4b:s0+s17], $0x80, s24, s17, $0xb8;
	[tilespmem:$0x1FC00] =	vst v63  }
0x42: {  	_ =	swait.ge [sflag:s21], $0x3000  }
.Ltmp0:
0x43: {  	[sflag:s21] =	ssyncset.done $0x0;
	(pc) =	sbr.rel @p1 .LBB2_2-.Ltmp0, $4  }
0x44: {  	s28 =	sadd.s32 $0x2800, s29;
	[sflag:s21] =	ssyncadd.s32 $0xFFFFD000  }
0x45: {  	[spmem:s3] =	stream.indirect.scatter.add.f32 [tilespmem:s19], [sflag:$0x3], $0x80, s28, s17, $0xb8;
	[tilespmem:$0x1FC00] =	vst v63  }
0x46: {  	_ =	swait.ge [sflag:s15], $0x3000  }
0x47: {  	s24 =	sadd.s32 $0xC0, s24;
	[sflag:s15] =	ssyncset.done $0x0  }
0x48: {  	s26 =	sadd.s32 $0xFFFFFFA0, s24;
	[sflag:s15] =	ssyncadd.s32 $0xFFFFD000  }
0x49: {  	[tilespmem:s19], [sflag:$0x2] =	stream.indirect.gather [hbm4b:s0+s17], $0x80, s26, s17, $0xb8;
	[tilespmem:$0x1FC00] =	vst v63  }
0x4a: {  	_ =	swait.ge [sflag:s20], $0x3000  }
0x4b: {  	s25 =	sshra.s32 s25, $0x2;
	[sflag:s20] =	ssyncset.done $0x0  }
0x4c: {  	s30 =	sadd.s32 $0x2780, s25;
	[sflag:s20] =	ssyncadd.s32 $0xFFFFD000  }
0x4d: {  	[spmem:s3] =	stream.indirect.scatter.add.f32 [tilespmem:s18], [sflag:$0x3], $0x80, s30, s17, $0xb8;
	[tilespmem:$0x1FC00] =	vst v63  }
0x4e: {  	_ =	swait.ge [sflag:s15], $0x3000  }
0x4f: {  	[sflag:s15] =	ssyncset.done $0x0  }
0x50: {  	[sflag:s15] =	ssyncadd.s32 $0xFFFFD000  }
0x51: {  	[tilespmem:s18], [sflag:$0x1] =	stream.indirect.gather [hbm4b:s0+s17], $0x80, s24, s17, $0xb8;
	[tilespmem:$0x1FC00] =	vst v63  }
0x52: {  	_ =	swait.ge [sflag:s21], $0x3000  }
0x53: {  	[sflag:s21] =	ssyncset.done $0x0  }
0x54: {  	s31 =	sadd.s32 $0x2800, s25;
	[sflag:s21] =	ssyncadd.s32 $0xFFFFD000  }
0x55: {  	[spmem:s3] =	stream.indirect.scatter.add.f32 [tilespmem:s19], [sflag:$0x3], $0x80, s31, s17, $0xb8;
	[tilespmem:$0x1FC00] =	vst v63  }
0x56: {  	_ =	swait.ge [sflag:s15], $0x3000  }
0x57: {  	[sflag:s15] =	ssyncset.done $0x0  }
0x58: {  	[sflag:s15] =	ssyncadd.s32 $0xFFFFD000  }
0x59: {  	_ =	swait.ge [sflag:s20], $0x3000  }
0x5a: {  	[sflag:s20] =	ssyncset.done $0x0  }
0x5b: {  	[sflag:s20] =	ssyncadd.s32 $0xFFFFD000  }
0x5c: {  	[spmem:s3] =	stream.indirect.scatter.add.f32 [tilespmem:s18], [sflag:$0x3], $0x80, s22, s17, $0xb8;
	[tilespmem:$0x1FC00] =	vst v63  }
0x5d: {  	_ =	swait.ge [sflag:s15], $0x3000  }
0x5e: {  	[sflag:s15] =	ssyncset.done $0x0  }
0x5f: {  	[sflag:s15] =	ssyncadd.s32 $0xFFFFD000  }
0x60: {  	s24 =	simm.s32 @p0 $0x1FC3;
	[bflag:$0x0] =	sbarrier.arrive $0xFFFF  }
0x61: {  	[hbm:s10], [sflag:s24] =	dma.local @p0 [spmem:s12], $0x2800  }
0x62: {  	s24 =	simm.s32 @p0 $0x3  }
0x63: {  	s23 =	sadd.s32 $0x1, s23;
	_ =	swait.ge @p0 [sflag:s24], $0x2800  }
0x64: {  	p1 =	sne.s32 s23, s11;
	[sflag:s24] =	ssyncset.done @p0 $0x0  }
.Ltmp1:
0x65: {  	[sflag:s24] =	ssyncadd.s32 @p0 $0xFFFFD800;
	s24 =	simm.s32 @!p0 $0x3;
	(pc) =	sbr.rel @p1 .LBB2_1-.Ltmp1, $4  }
0x66: {  	[hbm:s9], [sflag:s13] =	dma.local @!p0 [spmem:s14], $0x2700  }
0x67: {  	_ =	swait.ge @!p0 [sflag:s24], $0x2700  }
0x68: {  	[sflag:s24] =	ssyncset.done @!p0 $0x0  }
0x69: {  	[sflag:s24] =	ssyncadd.s32 @!p0 $0xFFFFD900  }
0x6a: {  	_ =	sfence.sel $0x180000  }
0x6b: {  	[bflag:$0x0] =	sbarrier.arrive $0xFFFF  }
0x6c: {  	p0 =	sne.s32 s1, $0x0;
	_ =	strace $0x90000056  }
0x6d: {  	s0 =	sadd.s32 @!p0 $0x100000, s2;
	[bflag:$0x2] =	sbarrier.arrive $0xFFFF  }
0x6e: {  	[sflag:s0] =	ssyncadd.tile.s32 @!p0 $0x1;
	_ =	shalt  }
.Lfunc_end2:
_tile_overlayer_lowered:
.L_overlay_start_2:
0x6f: {  	(tag) =	ssettag $0x2  }
0x70: {  	s0 =	rddreg [dreg:$0x0];
	s2 =	stileid.u32  }
0x71: {  	s1 =	rddreg [dreg:$0x1];
	p0 =	sne.s32 s2, $0x0  }
0x72: {  	s3 =	rddreg [dreg:$0x2];
	[bflag:$0x3] =	sbarrier.arrive $0xFFFF;
	s2 =	simm.s32 @!p0 $0x1C03  }
0x73: {  	[timem:s3], [sflag:s2] =	dma.local @!p0 [hbm:s0], s1  }
0x74: {  	s0 =	simm.s32 @!p0 $0x3  }
0x75: {  	_ =	swait.ge @!p0 [sflag:s0], s1  }
0x76: {  	s1 =	ssub.s32 @!p0 $0x0, s1;
	[sflag:s0] =	ssyncset.done @!p0 $0x0  }
0x77: {  	[sflag:s0] =	ssyncadd.s32 @!p0 s1  }
0x78: {  	[bflag:$0x3] =	sbarrier.arrive $0xFFFF  }
0x79: {  	_ =	shalt  }

// kernel: kernel.49.cloned.1.call-start
scs
__scs_entry_jumppad:
0x0: {  	(pc) =	sbr.rel $0x88, $3  }
0x1: {  	(tag) =	ssettag $0x0;
	lr =	simm.s32 $0x1  }
0x2: {  	[smem:$0x3F4F] =	sst lr;
	_ =	strace $0xD0000000  }
0x3: {  	_ = 	snop  }
0x4: {  	_ = 	snop  }
0x5: {  	_ = 	snop  }
0x6: {  	_ = 	snop  }
0x7: {  	_ = 	snop  }
__scs_overlays_trampoline_lowered:
0x8: {  	[smem:$0x3F5E] =	sst s0  }
0x9: {  	[smem:$0x3F5F] =	sst s1  }
0xa: {  	[smem:$0x3F60] =	sst s2  }
0xb: {  	[smem:$0x3F61] =	sst s3  }
0xc: {  	[smem:$0x3F62] =	sst s4  }
0xd: {  	[smem:$0x3F63] =	sst s5  }
0xe: {  	[smem:$0x3F64] =	sst s6  }
0xf: {  	[smem:$0x3F65] =	sst s7  }
0x10: {  	[smem:$0x3F66] =	sst s8  }
0x11: {  	[smem:$0x3F67] =	sst s9;
	s0 =	simm.s32 @!p0 $0x0  }
0x12: {  	s1 =	sld [smem:$0x3F4D];
	s0 =	simm.s32 @p0 $0x1  }
0x13: {  	[smem:$0x3F68] =	sst s0;
	s0 =	simm.s32 @!p1 $0x0  }
0x14: {  	s2 =	sld [smem:$0x3F4C];
	s0 =	simm.s32 @p1 $0x1  }
0x15: {  	[smem:$0x3F69] =	sst s0;
	s0 =	simm.s32 @!p2 $0x0  }
0x16: {  	s3 =	sld [smem:$0x3FDB];
	s0 =	simm.s32 @p2 $0x1  }
0x17: {  	s4 =	simm.s32 $0x1BF5;
	[smem:$0x3F6B] =	sst s0  }
0x18: {  	s0 =	sld [smem:$0x3F4E];
	_ =	swait.ge [sflag:s4], $0x0  }
0x19: {  	s7 =	sld [smem:$0x3F4F]  }
0x1a: {  	s8 =	sadd.s32 $0xFFFFE003, lr  }
0x1b: {  	s9 =	sadd.s32 $0xFFFFFEF7, lr;
	s5 =	simm.s32 $0xFFFFFFFF;
	p2 =	slt.u32 s8, $0xFFFFF086  }
0x1c: {  	p1 =	slt.u32 s9, $0xF7A;
	s5 =	simm.s32 @!p2 $0x0  }
0x1d: {  	s5 =	simm.s32 @p1 $0x1;
	p0 =	seq.s32 s7, s2  }
0x1e: {  	s7 =	smul.u32 @!p0 $0xF7A, s2;
	p2 =	seq.s32 @!p0 s5, $0x0  }
0x1f: {  	s9 =	smul.u32 $0xF7A, s1;
	s8 =	simm.s32 @!p0 $0x1BF5;
	p2 =	por !p2, p0  }
0x20: {  	[sflag:s8] =	ssyncset.s32 @!p0 $0xFFFFF086;
	s6 =	sadd.s32 @!p0 s3, s7;
	s7 =	simm.s32 @!p0 $0x108  }
0x21: {  	s3 =	sadd.s32 s3, s9;
	s6 =	sadd.s32 @!p0 $0x88, s6;
	s7 =	simm.s32 @p2 $0x1082  }
0x22: {  	[simem:s7], [sflag:s8] =	dma.local @!p0 [hbm:s6], $0xF7A  }
0x23: {  	s9 =	sor.u32 $0xD0000000, s2;
	s6 =	simm.s32 $0x108;
	_ =	swait.ge @!p0 [sflag:s8], $0x0  }
0x24: {  	s3 =	sadd.s32 $0x88, s3;
	s6 =	simm.s32 @!p1 $0x1082;
	[sflag:s4] =	ssyncset.s32 $0xFFFFF086  }
0x25: {  	[simem:s6], [sflag:s4] =	dma.local [hbm:s3], $0xF7A  }
0x26: {  	[smem:$0x3F4F] =	sst s1;
	(tag) =	ssettag s2;
	_ =	strace s9  }
0x27: {  	s1 =	sld [smem:$0x3F5F]  }
0x28: {  	s2 =	sld [smem:$0x3F60]  }
0x29: {  	s4 =	sld [smem:$0x3F62]  }
0x2a: {  	p0 =	seq.s32 s5, $0x0;
	s5 =	sld [smem:$0x3F63]  }
0x2b: {  	s6 =	sld [smem:$0x3F64]  }
0x2c: {  	s7 =	sld [smem:$0x3F65]  }
0x2d: {  	s3 =	simm.s32 $0x108;
	s8 =	sld [smem:$0x3F66]  }
0x2e: {  	s3 =	simm.s32 @!p0 $0x1082;
	s9 =	sld [smem:$0x3F67]  }
0x2f: {  	lr =	sadd.s32 s0, s3;
	s0 =	sld [smem:$0x3F5E]  }
0x30: {  	s3 =	sld [smem:$0x3F61]  }
0x31: {  	[smem:$0x3F6A] =	sst s10  }
0x32: {  	s10 =	sld [smem:$0x3F68];
	_ =	sdelay $0x3  }
0x33: {  	p0 =	seq.s32 s10, $0x1;
	s10 =	sld [smem:$0x3F6A];
	_ =	sdelay $0x3  }
0x34: {  	[smem:$0x3F6A] =	sst s10  }
0x35: {  	s10 =	sld [smem:$0x3F69];
	_ =	sdelay $0x3  }
0x36: {  	p1 =	seq.s32 s10, $0x1;
	s10 =	sld [smem:$0x3F6A];
	_ =	sdelay $0x3  }
0x37: {  	[smem:$0x3F6A] =	sst s10  }
0x38: {  	s10 =	sld [smem:$0x3F6B]  }
0x39: {  	_ = 	snop;
	(pc) =	sbr.ind lr, $3  }
0x3a: {  	_ = 	snop  }
0x3b: {  	_ = 	snop  }
0x3c: {  	p2 =	seq.s32 s10, $0x1;
	s10 =	sld [smem:$0x3F6A]  }
0x3d: {  	_ =	shalt  }
0x3e: {  	_ =	shalt  }
0x3f: {  	_ =	shalt  }
0x40: {  	_ =	shalt  }
0x41: {  	_ =	shalt  }
0x42: {  	_ =	shalt  }
0x43: {  	_ =	shalt  }
0x44: {  	_ =	shalt  }
0x45: {  	_ =	shalt  }
0x46: {  	_ =	shalt  }
0x47: {  	_ =	shalt  }
0x48: {  	_ =	shalt  }
0x49: {  	_ =	shalt  }
0x4a: {  	_ =	shalt  }
0x4b: {  	_ =	shalt  }
0x4c: {  	_ =	shalt  }
0x4d: {  	_ =	shalt  }
0x4e: {  	_ =	shalt  }
0x4f: {  	_ =	shalt  }
0x50: {  	_ =	shalt  }
0x51: {  	_ =	shalt  }
0x52: {  	_ =	shalt  }
0x53: {  	_ =	shalt  }
0x54: {  	_ =	shalt  }
0x55: {  	_ =	shalt  }
0x56: {  	_ =	shalt  }
0x57: {  	_ =	shalt  }
0x58: {  	_ =	shalt  }
0x59: {  	_ =	shalt  }
0x5a: {  	_ =	shalt  }
0x5b: {  	_ =	shalt  }
0x5c: {  	_ =	shalt  }
0x5d: {  	_ =	shalt  }
0x5e: {  	_ =	shalt  }
0x5f: {  	_ =	shalt  }
0x60: {  	_ =	shalt  }
0x61: {  	_ =	shalt  }
0x62: {  	_ =	shalt  }
0x63: {  	_ =	shalt  }
0x64: {  	_ =	shalt  }
0x65: {  	_ =	shalt  }
0x66: {  	_ =	shalt  }
0x67: {  	_ =	shalt  }
0x68: {  	_ =	shalt  }
0x69: {  	_ =	shalt  }
0x6a: {  	_ =	shalt  }
0x6b: {  	_ =	shalt  }
0x6c: {  	_ =	shalt  }
0x6d: {  	_ =	shalt  }
0x6e: {  	_ =	shalt  }
0x6f: {  	_ =	shalt  }
0x70: {  	_ =	shalt  }
0x71: {  	_ =	shalt  }
0x72: {  	_ =	shalt  }
0x73: {  	_ =	shalt  }
0x74: {  	_ =	shalt  }
0x75: {  	_ =	shalt  }
0x76: {  	_ =	shalt  }
0x77: {  	_ =	shalt  }
0x78: {  	_ =	shalt  }
0x79: {  	_ =	shalt  }
0x7a: {  	_ =	shalt  }
0x7b: {  	_ =	shalt  }
0x7c: {  	_ =	shalt  }
0x7d: {  	_ =	shalt  }
0x7e: {  	_ =	shalt  }
0x7f: {  	_ =	shalt  }
0x80: {  	_ =	shalt  }
0x81: {  	_ =	shalt  }
0x82: {  	_ =	shalt  }
0x83: {  	_ =	shalt  }
0x84: {  	_ =	shalt  }
0x85: {  	_ =	shalt  }
0x86: {  	_ =	shalt  }
0x87: {  	_ =	shalt  }
.Lfunc_end0:
.L_simem_size_0:
called_computation.6_lowered:
.L_overlay_start_0:
0x88: {  	s2 =	sld [smem:$0x3FD9]  }
0x89: {  	s3 =	sld [smem:$0x3FFE];
	_ =	sdelay $0x1  }
0x8a: {  	s1 =	srdreg.scid  }
0x8b: {  	s0 =	sand.u32 $0x1, s1  }
0x8c: {  	s15 =	sshll.u32 s0, $0xA;
	s2 =	sadd.s32 s3, s2  }
0x8d: {  	s2 =	sadd.s32 s2, s15  }
0x8e: {  	[smem:$0x3F76] =	sst s2  }
0x8f: {  	_ = 	snop  }
0x90: {  	s2 =	sld [smem:$0x3FD0];
	_ =	sdelay $0x2  }
0x91: {  	s16 =	simm.s32 $0xC;
	s4 =	simm.s32 $0x10  }
0x92: {  	[smem:s4], [sflag:s16] =	dma.local [hbm:s2], $0x1  }
0x93: {  	_ =	swait.eq [sflag:s16], $0x1  }
0x94: {  	[sflag:s16] =	ssyncset.done $0x0  }
0x95: {  	[sflag:s16] =	ssyncadd.s32 $0xFFFFFFFF  }
0x96: {  	s17 =	sld [smem:$0x13];
	(tm) =	ssettm $0x1  }
0x97: {  	s18 =	sld [smem:$0x3FFB];
	_ =	sdelay $0x3  }
0x98: {  	_ =	strace s18  }
0x99: {  	s2 =	sld [smem:$0x3FFC];
	_ =	sdelay $0x3  }
0x9a: {  	_ =	strace s2  }
0x9b: {  	s2 =	sld [smem:$0x3FFD];
	_ =	sdelay $0x3  }
0x9c: {  	_ =	strace s2  }
0x9d: {  	_ =	strace $0x8FFFFFFF  }
0x9e: {  	s19 =	sld [smem:$0x3FDB];
	_ =	sdelay $0x1  }
0x9f: {  	s20 =	simm.s32 $_scs_section_size  }
0xa0: {  	s5 =	simm.s32 $_size__tile_overlayer_lowered;
	s6 =	simm.s32 $_tile_overlayer_lowered  }
0xa1: {  	s7 =	simm.s32 $0x1BFF;
	s21 =	sshll.u32 s6, $0x1;
	s4 =	sadd.s32 s20, s19  }
0xa2: {  	s22 =	simm.s32 $0x0;
	s5 =	sshll.u32 s5, $0x1;
	s6 =	sadd.s32 s21, s4  }
0xa3: {  	[timem:s22], [sflag:s7] =	dma.local [hbm:s6], s5  }
0xa4: {  	_ =	swait.ge [sflag:s7], s5  }
0xa5: {  	s5 =	ssub.s32 $0x0, s5;
	[sflag:s7] =	ssyncset.done $0x0  }
0xa6: {  	[sflag:s7] =	ssyncadd.s32 s5;
	_ =	sdelay $0x1  }
0xa7: {  	s23 =	simm.s32 $0x1B8B  }
0xa8: {  	_ =	swait.ge [sflag:s23], $0x1  }
0xa9: {  	[sflag:s23] =	ssyncset.done $0x0  }
0xaa: {  	[sflag:s23] =	ssyncadd.s32 $0xFFFFFFFF  }
0xab: {  	s5 =	sld [smem:$0x0]  }
0xac: {  	s6 =	sand.u32 $0xFFFFFFFE, s1  }
0xad: {  	p0 =	sne.s32 s1, s6  }
0xae: {  	s6 =	sshll.u32 @p0 s6, $0xE  }
0xaf: {  	s6 =	sadd.s32 @p0 $0x11B8D, s6;
	s7 =	sshll.u32 @p0 s5, $0x11  }
0xb0: {  	s6 =	sor.u32 @p0 s7, s6  }
0xb1: {  	[sflag:s6] =	ssyncadd.remote.s32 @p0 $0x1;
	_ =	sdelay $0x1  }
0xb2: {  	s6 =	simm.s32 @p0 $0x1B8D  }
0xb3: {  	_ =	swait.eq @p0 [sflag:s6], $0x1  }
0xb4: {  	[sflag:s6] =	ssyncadd.s32 @p0 $0xFFFFFFFF  }
0xb5: {  	s7 =	sshll.u32 @!p0 s1, $0xE  }
0xb6: {  	s7 =	sor.u32 @!p0 $0x4000, s7;
	s6 =	simm.s32 @!p0 $0x1B8D  }
0xb7: {  	s5 =	sshll.u32 @!p0 s5, $0x11;
	s7 =	sadd.s32 @!p0 $0x11B8D, s7;
	_ =	swait.eq @!p0 [sflag:s6], $0x1  }
0xb8: {  	s5 =	sor.u32 @!p0 s5, s7;
	[sflag:s6] =	ssyncadd.s32 @!p0 $0xFFFFFFFF  }
0xb9: {  	s25 =	simm.s32 $0x1B8E;
	s24 =	sld [smem:$0x3FFE];
	[sflag:s5] =	ssyncadd.remote.s32 @!p0 $0x1  }
0xba: {  	s26 =	simm.s32 $execute0_lowered;
	[smem:$0x3FD2] =	sst s25  }
0xbb: {  	s6 =	sshll.u32 s26, $0x1;
	_ =	strace $0x80000058;
	[dreg:$0x1] =	wrdreg $0xFFFFFFFF  }
0xbc: {  	s28 =	simm.s32 $_size_execute0_lowered;
	s4 =	sadd.s32 s4, s6;
	[dreg:$0x0] =	wrdreg $0x0  }
0xbd: {  	s6 =	sshll.u32 s28, $0x1;
	[dreg:$0x2] =	wrdreg s4  }
0xbe: {  	[dreg:$0x3] =	wrdreg s6  }
0xbf: {  	[dreg:$0x4] =	wrdreg $0xC0  }
0xc0: {  	_ =	task [dreg:s22], $0x5FFFF  }
0xc1: {  	[dreg:$0x1] =	wrdreg $0xFFFFFFFF  }
0xc2: {  	[dreg:$0x0] =	wrdreg $0x60  }
0xc3: {  	[dreg:$0x2] =	wrdreg s24  }
0xc4: {  	[dreg:$0x3] =	wrdreg s17  }
0xc5: {  	[dreg:$0x4] =	wrdreg $0xAC800  }
0xc6: {  	[dreg:$0x5] =	wrdreg $0xB  }
0xc7: {  	_ =	task.clear_ibuf [dreg:s22], $0x6FFFF;
	_ =	strace $0x90000058  }
0xc8: {  	s29 =	simm.s32 $0xB;
	_ =	strace $0x8000005A  }
0xc9: {  	_ =	swait.ge [sflag:s29], $0x1  }
0xca: {  	[sflag:s29] =	ssyncadd.s32 $0xFFFFFFFF  }
0xcb: {  	_ =	strace $0x9000005A  }
0xcc: {  	_ =	sfence  }
0xcd: {  	s30 =	sld [smem:$0x0];
	_ =	sdelay $0x2  }
0xce: {  	s31 =	sshll.u32 s1, $0xD;
	s1 =	sshrl.u32 s1, $0x2  }
0xcf: {  	s4 =	sand.u32 $0x4000, s31;
	s1 =	sadd.s32 s1, s30  }
0xd0: {  	s0 =	sor.u32 s4, s0;
	s1 =	sshll.u32 s1, $0x11  }
0xd1: {  	s0 =	sor.u32 s1, s0  }
0xd2: {  	s0 =	sadd.s32 $0x8F2B, s0  }
0xd3: {  	[sflag:s0] =	ssyncadd.remote.s32 $0x1  }
0xd4: {  	_ =	sfence.sel $0xFFFF  }
0xd5: {  	[dreg:$0x0] =	wrdreg $0xFFFFFFFF;
	(pc) =	sbr.abs _section_cstart, $3  }
0xd6: {  	[dreg:$0x1] =	wrdreg $0xFFFFFFFF  }
0xd7: {  	_ =	task.clear_ibuf [dreg:s22], $0x2FFFF;
	_ =	strace $0x9FFFFFFF  }
0xd8: {  	(tm) =	ssettm $0x7FFFFFFF  }
0xd9: {  	_ =	shalt  }
tec
execute0_lowered:
.L_overlay_start_1:
0x0: {  	(tag) =	ssettag $0x1  }
0x1: {  	s5 =	rddreg [dreg:$0x0]  }
0x2: {  	s7 =	rddreg [dreg:$0x1]  }
0x3: {  	s0 =	srdreg.scid;
	s2 =	rddreg [dreg:$0x2]  }
0x4: {  	s3 =	simm.s32 $0x0;
	s17 =	simm.s32 $0x80;
	s18 =	simm.s32 $0x2C80  }
0x5: {  	s19 =	simm.s32 $0x6C80;
	s20 =	simm.s32 $0x1;
	s21 =	simm.s32 $0x2  }
0x6: {  	s22 =	simm.s32 $0x2880;
	s6 =	sand.u32 $0x1, s0;
	s0 =	stileid.u32  }
0x7: {  	s23 =	simm.s32 $0x0;
	s12 =	sadd.s32 $0x122A00, s5;
	s11 =	smul.u32 $0x4E000, s0  }
0x8: {  	[smem:$0x7FF] =	sst s3;
	s16 =	sadd.s32 $0x124800, s2;
	s13 =	smul.u32 $0x2700, s0  }
0x9: {  	s1 =	sshll.u32 s6, $0x4;
	s10 =	ssub.s32 $0x2, s6;
	s28 =	smul.u32 $0x27100, s6  }
0xa: {  	s29 =	smul.u32 $0x138800, s6;
	s6 =	sadd.s32 $0x24900, s7;
	s4 =	sor.u32 s0, s1  }
0xb: {  	p0 =	seq.s32 s0, $0xF;
	s1 =	rddreg [dreg:$0x3];
	s8 =	smul.u32 $0x290, s4  }
0xc: {  	_ =	strace $0x80000059;
	s25 =	sshrl.u32 s10, $0x1;
	s9 =	smul.u32 $0x300, s4  }
0xd: {  	s4 =	sadd.s32 $0x83C00, s5;
	s14 =	ssub.s32 s10, s25;
	s26 =	sshrl.u32 s11, $0x2  }
0xe: {  	s30 =	sadd.s32 s13, s28;
	s31 =	sshrl.u32 s29, $0x3;
	s15 =	sadd.s32 s26, s2  }
0xf: {  	s10 =	sadd.s32 s12, s31;
	s11 =	smax.u32 s14, $0x1;
	s8 =	sadd.s32 s8, s5  }
0x10: {  	s9 =	sadd.s32 s9, s5;
	s5 =	sadd.s32 s7, s13;
	s10 =	sadd.s32 $0x24900, s10  }
0x11: {  	s13 =	sshll.u32 @!p0 s0, $0x6;
	s14 =	sshrl.u32 @!p0 s15, $0x3;
	s15 =	simm.s32 $0x3  }
0x12: {  	s7 =	sadd.s32 $0x78A00, s8;
	s8 =	sadd.s32 $0x7DC00, s9;
	s9 =	sadd.s32 s12, s30  }
0x13: {  	s12 =	sshrl.u32 @p0 s16, $0x3;
	s13 =	sor.u32 @!p0 $0x1C03, s13;
	s16 =	simm.s32 $0x1480  }
.LBB2_1:
0x14: {  	s24 =	simm.s32 @p0 $0x1FC3  }
0x15: {  	[spmem:s12], [sflag:s24] =	dma.local @p0 [hbm:s6], $0x2800  }
0x16: {  	s24 =	simm.s32 @p0 $0x3  }
0x17: {  	_ =	swait.ge @p0 [sflag:s24], $0x2800  }
0x18: {  	[sflag:s24] =	ssyncset.done @p0 $0x0  }
0x19: {  	[sflag:s24] =	ssyncadd.s32 @p0 $0xFFFFD800;
	s24 =	simm.s32 @!p0 $0x3  }
0x1a: {  	[spmem:s14], [sflag:s13] =	dma.local @!p0 [hbm:s5], $0x2700  }
0x1b: {  	_ =	swait.ge @!p0 [sflag:s24], $0x2700  }
0x1c: {  	[sflag:s24] =	ssyncset.done @!p0 $0x0  }
0x1d: {  	[sflag:s24] =	ssyncadd.s32 @!p0 $0xFFFFD900  }
0x1e: {  	[tilespmem:s3], [sflag:$0x3] =	stream.linear.gather [hbm4b:s7+s3], $0x1480, $0x38;
	[tilespmem:$0x1ED00] =	vst v63  }
0x1f: {  	_ =	swait.ge [sflag:s15], $0x1480  }
0x20: {  	[sflag:s15] =	ssyncset.done $0x0  }
0x21: {  	[sflag:s15] =	ssyncadd.s32 $0xFFFFEB80  }
0x22: {  	[tilespmem:s16], [sflag:$0x3] =	stream.linear.gather [hbm4b:s8+s3], $0x1480, $0x38;
	[tilespmem:$0x1ED00] =	vst v63  }
0x23: {  	_ =	swait.ge [sflag:s15], $0x1480  }
0x24: {  	[sflag:s15] =	ssyncset.done $0x0  }
0x25: {  	[sflag:s15] =	ssyncadd.s32 $0xFFFFEB80  }
0x26: {  	[bflag:$0x0] =	sbarrier.arrive $0xFFFF  }
0x27: {  	[tilespmem:s18], [sflag:$0x1] =	stream.indirect.gather [hbm4b:s4+s17], $0x80, s3, s17, $0xb8;
	[tilespmem:$0x1ED00] =	vst v63  }
0x28: {  	s28 =	simm.s32 $0x80  }
0x29: {  	[tilespmem:s19], [sflag:$0x2] =	stream.indirect.gather [hbm4b:s4+s17], $0x80, s28, s17, $0xb8;
	[tilespmem:$0x1ED00] =	vst v63  }
0x2a: {  	_ =	swait.ge [sflag:s20], $0x4000  }
0x2b: {  	[sflag:s20] =	ssyncset.done $0x0  }
0x2c: {  	s29 =	simm.s32 $0x1480;
	[sflag:s20] =	ssyncadd.s32 $0xFFFFC000  }
0x2d: {  	[spmem:s2] =	stream.indirect.scatter.add.f32 [tilespmem:s18], [sflag:$0x3], $0x80, s29, s17, $0xb8;
	[tilespmem:$0x1ED00] =	vst v63  }
0x2e: {  	_ =	swait.ge [sflag:s15], $0x4000  }
0x2f: {  	[sflag:s15] =	ssyncset.done $0x0  }
0x30: {  	s30 =	simm.s32 $0x100;
	[sflag:s15] =	ssyncadd.s32 $0xFFFFC000  }
0x31: {  	[tilespmem:s18], [sflag:$0x1] =	stream.indirect.gather [hbm4b:s4+s17], $0x80, s30, s17, $0xb8;
	[tilespmem:$0x1ED00] =	vst v63  }
0x32: {  	_ =	swait.ge [sflag:s21], $0x4000  }
0x33: {  	[sflag:s21] =	ssyncset.done $0x0  }
0x34: {  	s31 =	simm.s32 $0x1500;
	[sflag:s21] =	ssyncadd.s32 $0xFFFFC000  }
0x35: {  	[spmem:s2] =	stream.indirect.scatter.add.f32 [tilespmem:s19], [sflag:$0x3], $0x80, s31, s17, $0xb8;
	[tilespmem:$0x1ED00] =	vst v63  }
0x36: {  	_ =	swait.ge [sflag:s15], $0x4000  }
0x37: {  	s25 =	simm.s32 $0x800;
	s24 =	simm.s32 $0x100;
	[sflag:s15] =	ssyncset.done $0x0  }
.LBB2_2:
0x38: {  	s26 =	sadd.s32 $0x80, s24  }
0x39: {  	[sflag:s15] =	ssyncadd.s32 $0xFFFFC000;
	s28 =	smov.u32 s25;
	s29 =	sadd.s32 $0x400, s25  }
0x3a: {  	[tilespmem:s19], [sflag:$0x2] =	stream.indirect.gather [hbm4b:s4+s17], $0x80, s26, s17, $0xb8;
	[tilespmem:$0x1ED00] =	vst v63  }
0x3b: {  	p1 =	sne.s32 s25, $0x4C00;
	_ =	swait.ge [sflag:s20], $0x4000  }
0x3c: {  	[sflag:s20] =	ssyncset.done $0x0  }
0x3d: {  	s25 =	sadd.s32 $0x1480, s24;
	[sflag:s20] =	ssyncadd.s32 $0xFFFFC000  }
0x3e: {  	[spmem:s2] =	stream.indirect.scatter.add.f32 [tilespmem:s18], [sflag:$0x3], $0x80, s25, s17, $0xb8;
	[tilespmem:$0x1ED00] =	vst v63  }
0x3f: {  	_ =	swait.ge [sflag:s15], $0x4000  }
0x40: {  	[sflag:s15] =	ssyncset.done $0x0  }
0x41: {  	s25 =	sadd.s32 $0x100, s24;
	[sflag:s15] =	ssyncadd.s32 $0xFFFFC000  }
0x42: {  	[tilespmem:s18], [sflag:$0x1] =	stream.indirect.gather [hbm4b:s4+s17], $0x80, s25, s17, $0xb8;
	[tilespmem:$0x1ED00] =	vst v63  }
0x43: {  	_ =	swait.ge [sflag:s21], $0x4000  }
.Ltmp0:
0x44: {  	[sflag:s21] =	ssyncset.done $0x0;
	(pc) =	sbr.rel @p1 .LBB2_2-.Ltmp0, $4  }
0x45: {  	s24 =	sadd.s32 $0x1500, s24;
	[sflag:s21] =	ssyncadd.s32 $0xFFFFC000  }
0x46: {  	[spmem:s2] =	stream.indirect.scatter.add.f32 [tilespmem:s19], [sflag:$0x3], $0x80, s24, s17, $0xb8;
	[tilespmem:$0x1ED00] =	vst v63  }
0x47: {  	_ =	swait.ge [sflag:s15], $0x4000  }
0x48: {  	s25 =	smov.u32 s29;
	s24 =	sshra.s32 s28, $0x2;
	[sflag:s15] =	ssyncset.done $0x0  }
0x49: {  	s25 =	sadd.s32 $0x80, s24;
	[sflag:s15] =	ssyncadd.s32 $0xFFFFC000  }
0x4a: {  	[tilespmem:s19], [sflag:$0x2] =	stream.indirect.gather [hbm4b:s4+s17], $0x80, s25, s17, $0xb8;
	[tilespmem:$0x1ED00] =	vst v63  }
0x4b: {  	_ =	swait.ge [sflag:s20], $0x4000  }
0x4c: {  	[sflag:s20] =	ssyncset.done $0x0  }
0x4d: {  	s29 =	sadd.s32 $0x1480, s24;
	[sflag:s20] =	ssyncadd.s32 $0xFFFFC000  }
0x4e: {  	[spmem:s2] =	stream.indirect.scatter.add.f32 [tilespmem:s18], [sflag:$0x3], $0x80, s29, s17, $0xb8;
	[tilespmem:$0x1ED00] =	vst v63  }
0x4f: {  	_ =	swait.ge [sflag:s15], $0x4000  }
0x50: {  	[sflag:s15] =	ssyncset.done $0x0  }
0x51: {  	s30 =	sadd.s32 $0x100, s24;
	[sflag:s15] =	ssyncadd.s32 $0xFFFFC000  }
0x52: {  	[tilespmem:s18], [sflag:$0x1] =	stream.indirect.gather [hbm4b:s4+s17], $0x80, s30, s17, $0xb8;
	[tilespmem:$0x1ED00] =	vst v63  }
0x53: {  	_ =	swait.ge [sflag:s21], $0x4000  }
0x54: {  	[sflag:s21] =	ssyncset.done $0x0  }
0x55: {  	s31 =	sadd.s32 $0x1500, s24;
	[sflag:s21] =	ssyncadd.s32 $0xFFFFC000  }
0x56: {  	[spmem:s2] =	stream.indirect.scatter.add.f32 [tilespmem:s19], [sflag:$0x3], $0x80, s31, s17, $0xb8;
	[tilespmem:$0x1ED00] =	vst v63  }
0x57: {  	_ =	swait.ge [sflag:s15], $0x4000  }
0x58: {  	[sflag:s15] =	ssyncset.done $0x0  }
0x59: {  	[sflag:s15] =	ssyncadd.s32 $0xFFFFC000  }
0x5a: {  	_ =	swait.ge [sflag:s20], $0x4000  }
0x5b: {  	[sflag:s20] =	ssyncset.done $0x0  }
0x5c: {  	[sflag:s20] =	ssyncadd.s32 $0xFFFFC000  }
0x5d: {  	[spmem:s2] =	stream.indirect.scatter.add.f32 [tilespmem:s18], [sflag:$0x3], $0x80, s22, s17, $0xb8;
	[tilespmem:$0x1ED00] =	vst v63  }
0x5e: {  	_ =	swait.ge [sflag:s15], $0x4000  }
0x5f: {  	[sflag:s15] =	ssyncset.done $0x0  }
0x60: {  	[sflag:s15] =	ssyncadd.s32 $0xFFFFC000  }
0x61: {  	s24 =	simm.s32 @p0 $0x1FC3;
	[bflag:$0x0] =	sbarrier.arrive $0xFFFF  }
0x62: {  	[hbm:s10], [sflag:s24] =	dma.local @p0 [spmem:s12], $0x2800  }
0x63: {  	s24 =	simm.s32 @p0 $0x3  }
0x64: {  	s23 =	sadd.s32 $0x1, s23;
	_ =	swait.ge @p0 [sflag:s24], $0x2800  }
0x65: {  	p1 =	sne.s32 s23, s11;
	[sflag:s24] =	ssyncset.done @p0 $0x0  }
.Ltmp1:
0x66: {  	[sflag:s24] =	ssyncadd.s32 @p0 $0xFFFFD800;
	s24 =	simm.s32 @!p0 $0x3;
	(pc) =	sbr.rel @p1 .LBB2_1-.Ltmp1, $4  }
0x67: {  	[hbm:s9], [sflag:s13] =	dma.local @!p0 [spmem:s14], $0x2700  }
0x68: {  	_ =	swait.ge @!p0 [sflag:s24], $0x2700  }
0x69: {  	[sflag:s24] =	ssyncset.done @!p0 $0x0  }
0x6a: {  	[sflag:s24] =	ssyncadd.s32 @!p0 $0xFFFFD900  }
0x6b: {  	_ =	sfence.sel $0x180000  }
0x6c: {  	[bflag:$0x0] =	sbarrier.arrive $0xFFFF  }
0x6d: {  	p0 =	sne.s32 s0, $0x0;
	_ =	strace $0x90000059  }
0x6e: {  	s0 =	sadd.s32 @!p0 $0x100000, s1;
	[bflag:$0x2] =	sbarrier.arrive $0xFFFF  }
0x6f: {  	[sflag:s0] =	ssyncadd.tile.s32 @!p0 $0x1;
	_ =	shalt  }
.Lfunc_end2:
_tile_overlayer_lowered:
.L_overlay_start_2:
0x70: {  	(tag) =	ssettag $0x2  }
0x71: {  	s0 =	rddreg [dreg:$0x0];
	s2 =	stileid.u32  }
0x72: {  	s1 =	rddreg [dreg:$0x1];
	p0 =	sne.s32 s2, $0x0  }
0x73: {  	s3 =	rddreg [dreg:$0x2];
	[bflag:$0x3] =	sbarrier.arrive $0xFFFF;
	s2 =	simm.s32 @!p0 $0x1C03  }
0x74: {  	[timem:s3], [sflag:s2] =	dma.local @!p0 [hbm:s0], s1  }
0x75: {  	s0 =	simm.s32 @!p0 $0x3  }
0x76: {  	_ =	swait.ge @!p0 [sflag:s0], s1  }
0x77: {  	s1 =	ssub.s32 @!p0 $0x0, s1;
	[sflag:s0] =	ssyncset.done @!p0 $0x0  }
0x78: {  	[sflag:s0] =	ssyncadd.s32 @!p0 s1  }
0x79: {  	[bflag:$0x3] =	sbarrier.arrive $0xFFFF  }
0x7a: {  	_ =	shalt  }

</sc_bundles>
